<compile_context>
chip_gen: v7x
topology: tpu7x:2x2x1
jax: 0.10.2.dev20260603
libtpu: 0.0.44.dev20260713+nightly
codegen_flags: <defaults>
</compile_context>

<pallas_src>
import functools

import jax
import jax.numpy as jnp
import numpy as np
from jax import lax
from jax.experimental import pallas as pl
from jax.experimental.pallas import tpu as pltpu
from jax.experimental.pallas import tpu_sc as plsc

VOCAB = 1000000
D = 64
BATCH = 4096
SEQ = 200

NC = 2
NS = 16
NW = NC * NS

BPW = BATCH // NW
NBUF = 4


def _pe_table(max_len, d_emb):
    pos = np.arange(max_len, dtype=np.float64)[:, None]
    i = np.arange(d_emb, dtype=np.float64)[None, :]
    pe = pos / (10000.0 ** (2.0 * i / d_emb))
    pe[0, :] = 0.0
    pe[:, 0::2] = np.sin(pe[:, 0::2])
    pe[:, 1::2] = np.cos(pe[:, 1::2])
    return pe.astype(np.float32)


_TCHUNK = 8192


def _tc_transpose_pad(tt):
    def body(in_ref, out_ref):
        t = in_ref[...]
        out_ref[...] = jnp.concatenate(
            [t.T, jnp.zeros((_TCHUNK, D), jnp.float32)], axis=1)

    return pl.pallas_call(
        body,
        grid=(pl.cdiv(VOCAB, _TCHUNK),),
        in_specs=[pl.BlockSpec((D, _TCHUNK), lambda j: (0, j))],
        out_specs=pl.BlockSpec((_TCHUNK, 2 * D), lambda j: (j, 0)),
        out_shape=jax.ShapeDtypeStruct((VOCAB, 2 * D), jnp.float32),
    )(tt)


def _sc_embed(tpad2, idxt, pe):
    mesh = plsc.VectorSubcoreMesh(core_axis_name="c", subcore_axis_name="s")

    @functools.partial(
        pl.kernel,
        out_type=jax.ShapeDtypeStruct((SEQ, 8, NW, 8 * BPW), jnp.float32),
        mesh=mesh,
        compiler_params=pltpu.CompilerParams(use_tc_tiling_on_sc=False, needs_layout_passes=False),
        scratch_types=[
            pltpu.VMEM((SEQ, BPW), jnp.int32),
            pltpu.VMEM((SEQ * D,), jnp.float32),
            [pltpu.VMEM((BPW, D), jnp.float32) for _ in range(NBUF)],
            pltpu.VMEM((BPW * (D + 1),), jnp.float32),
            [pltpu.VMEM((8, 8 * BPW), jnp.float32) for _ in range(NBUF)],
            [pltpu.SemaphoreType.DMA for _ in range(NBUF)],
            [pltpu.SemaphoreType.DMA for _ in range(NBUF)],
        ],
    )
    def k(tab_hbm, idx_hbm, pe_hbm, out_hbm, idx_v, pe_v, gb, gp, tb,
          gsem, ssem):
        wid = lax.axis_index("s") * NC + lax.axis_index("c")

        pltpu.sync_copy(idx_hbm.at[:, pl.ds(wid * BPW, BPW)], idx_v)
        pltpu.sync_copy(pe_hbm, pe_v)

        def start_gather(l, b):
            pltpu.async_copy(tab_hbm.at[idx_v.at[l]], gb[b], gsem[b])

        def wait_gather(l, b):
            pltpu.make_async_copy(
                tab_hbm.at[idx_v.at[l]], gb[b], gsem[b]).wait()

        def start_scatter(l, b):
            pltpu.async_copy(tb[b], out_hbm.at[l, :, wid], ssem[b])

        def wait_scatter(l, b):
            pltpu.make_async_copy(
                tb[b], out_hbm.at[l, :, wid], ssem[b]).wait()

        iota16 = lax.iota(jnp.int32, 16)
        zeros16 = iota16 * 0
        row_ids = [iota16 + g * 16 for g in range(BPW // 16)]

        row65 = [(iota16 + g * 16) * (D + 1) for g in range(BPW // 16)]

        def transpose_add(l, b):
            src, dst = gb[b], tb[b]
            lD = l * D
            pes4 = [pe_v[pl.ds(lD + q * 16, 16)] for q in range(4)]

            @plsc.parallel_loop(0, BPW, unroll=2)
            def _(r):
                for q in range(4):
                    gp[pl.ds(r * (D + 1) + q * 16, 16)] = (
                        src[r, pl.ds(q * 16, 16)] + pes4[q])

            @plsc.parallel_loop(0, D, unroll=2)
            def _(d):
                d8 = d >> 3
                off = (d & 7) * BPW
                cols = [plsc.load_gather(gp, [row65[g] + d])
                        for g in range(BPW // 16)]
                for g in range(BPW // 16):
                    dst[d8, pl.ds(off + g * 16, 16)] = cols[g]

        for b in range(NBUF):
            start_gather(b, b)

        for b in range(NBUF):
            wait_gather(b, b)
            transpose_add(b, b)
            start_gather(b + NBUF, b)
            start_scatter(b, b)

        @pl.loop(NBUF, SEQ - NBUF, step=NBUF)
        def _(ll):
            for b in range(NBUF):
                l = ll + b
                wait_gather(l, b)
                wait_scatter(l - NBUF, b)
                transpose_add(l, b)
                start_gather(l + NBUF, b)
                start_scatter(l, b)

        for b in range(NBUF):
            l = SEQ - NBUF + b
            wait_gather(l, b)
            wait_scatter(l - NBUF, b)
            transpose_add(l, b)
            start_scatter(l, b)

        for b in range(NBUF):
            wait_scatter(SEQ - NBUF + b, b)

    return k(tpad2, idxt, pe)


_PE = _pe_table(SEQ, D)


def kernel(inputs, table):
    tpad2 = _tc_transpose_pad(table.T).reshape(2 * VOCAB, D)
    idxt = inputs.astype(jnp.int32).T * 2
    pe = jnp.asarray(_PE).reshape(SEQ * D)
    out = _sc_embed(tpad2, idxt, pe)
    out = out.reshape(SEQ, 8, NW, 8, BPW)
    return out.transpose(2, 4, 0, 1, 3).reshape(BATCH, SEQ, D)

# --- scband reference (transcript-rebuilt; emitter-appended) ---
"""Pipeline reference for scband-embedding-layer-45011257262739 (READ-ONLY COPY).

The authoritative reference and input builder live on the scoring server;
editing this copy changes nothing except your own understanding.
"""

import jax, jax.numpy as jnp
import numpy as np

VOCAB = 1000000
D_MODEL = 64
BATCH = 4096
SEQ = 200

def positional_encoding(max_len, d_emb):
    # Faithful translation of the original numpy positional encoding:
    # pe[pos, i] = pos / 10000**(2*i/d_emb) for pos != 0, else 0 row;
    # then sin applied to even columns, cos applied to odd columns (all rows).
    pos = np.arange(max_len, dtype=np.float64)[:, None]
    i = np.arange(d_emb, dtype=np.float64)[None, :]
    pe = pos / (10000.0 ** (2.0 * i / d_emb))
    pe[0, :] = 0.0
    pe[:, 0::2] = np.sin(pe[:, 0::2])
    pe[:, 1::2] = np.cos(pe[:, 1::2])
    pe = pe[None, :, :]  # [1, max_len, d_emb]
    return jnp.asarray(pe, dtype=jnp.float32)

def setup_inputs(seed: int = 0) -> dict:
    key = jax.random.key(seed)
    k_idx, k_tab = jax.random.split(key)
    inputs = jax.random.randint(k_idx, (BATCH, SEQ), 0, VOCAB, dtype=jnp.int64)
    # Keras Embedding default initializer is uniform(-0.05, 0.05)
    table = jax.random.uniform(k_tab, (VOCAB, D_MODEL), minval=-0.05, maxval=0.05, dtype=jnp.float32)
    return {"inputs": inputs, "table": table}

def reference(inputs, table):
    max_length = inputs.shape[1]
    emb = jnp.take(table, inputs, axis=0)  # [B, L, D] gather (embedding lookup)
    emb = emb + positional_encoding(max_length, D_MODEL)
    return emb

if __name__ == "__main__":
    import jax
    _d = setup_inputs()
    print(jax.jit(kernel)(*tuple(_d.values())))

</pallas_src>

<mosaic_0001>
#map = affine_map<(d0, d1) -> (0, 0)>
#map1 = affine_map<(d0, d1) -> (0)>
#map2 = affine_map<(d0, d1) -> (0, 0, 0, 0)>
module attributes {stable_mosaic.version = 14 : i64} {
  func.func @k(%arg0: i32, %arg1: i32, %arg2: memref<2000000x64xf32, #tpu.memory_space<hbm>>, %arg3: memref<200x4096xi32, #tpu.memory_space<hbm>>, %arg4: memref<12800xf32, #tpu.memory_space<hbm>>, %arg5: memref<200x8x32x1024xf32, #tpu.memory_space<hbm>>, %arg6: memref<200x128xi32, #tpu.memory_space<vmem>>, %arg7: memref<12800xf32, #tpu.memory_space<vmem>>, %arg8: memref<128x64xf32, #tpu.memory_space<vmem>>, %arg9: memref<128x64xf32, #tpu.memory_space<vmem>>, %arg10: memref<128x64xf32, #tpu.memory_space<vmem>>, %arg11: memref<128x64xf32, #tpu.memory_space<vmem>>, %arg12: memref<8320xf32, #tpu.memory_space<vmem>>, %arg13: memref<8x1024xf32, #tpu.memory_space<vmem>>, %arg14: memref<8x1024xf32, #tpu.memory_space<vmem>>, %arg15: memref<8x1024xf32, #tpu.memory_space<vmem>>, %arg16: memref<8x1024xf32, #tpu.memory_space<vmem>>, %arg17: memref<!tpu.dma_semaphore, #tpu.memory_space<semaphore_mem>>, %arg18: memref<!tpu.dma_semaphore, #tpu.memory_space<semaphore_mem>>, %arg19: memref<!tpu.dma_semaphore, #tpu.memory_space<semaphore_mem>>, %arg20: memref<!tpu.dma_semaphore, #tpu.memory_space<semaphore_mem>>, %arg21: memref<!tpu.dma_semaphore, #tpu.memory_space<semaphore_mem>>, %arg22: memref<!tpu.dma_semaphore, #tpu.memory_space<semaphore_mem>>, %arg23: memref<!tpu.dma_semaphore, #tpu.memory_space<semaphore_mem>>, %arg24: memref<!tpu.dma_semaphore, #tpu.memory_space<semaphore_mem>>) attributes {dimension_semantics = [#tpu.dimension_semantics<core_parallel>, #tpu.dimension_semantics<subcore_parallel>], iteration_bounds = array<i64: 2, 16>, scalar_prefetch = 0 : i64, scratch_operands = 19 : i64, tpu.core_type = #tpu.core_type<sc_vector_subcore>, window_params = [{transform_indices = #map}, {transform_indices = #map}, {transform_indices = #map1}, {transform_indices = #map2}]} {
    %mul3A = arith.constant 2 : i32
    %mul3A_0 = arith.muli %arg1, %mul3A : i32
    %add3A = arith.addi %mul3A_0, %arg0 : i32
    %mul3A_1 = arith.constant 128 : i32
    %mul3A_2 = arith.muli %add3A, %mul3A_1 : i32
    "tpu.region"() ({
      %run_scoped3A = tpu.sem_alloc : memref<!tpu.dma_semaphore, #tpu.memory_space<semaphore_mem>>
      %dma_start3A_446 = arith.constant 0 : i32
      %dma_start3A_447 = tpu.memref_slice %arg3[%dma_start3A_446, %mul3A_2] : memref<200x4096xi32, #tpu.memory_space<hbm>> -> memref<200x128xi32, #tpu.memory_space<hbm>>
      %dma_start3A_448 = arith.constant 0 : i32
      %dma_start3A_449 = tpu.memref_slice %arg3[%dma_start3A_448, %mul3A_2] : memref<200x4096xi32, #tpu.memory_space<hbm>> -> memref<200x128xi32, #tpu.memory_space<hbm>>
      tpu.enqueue_dma source(%dma_start3A_449 : memref<200x128xi32, #tpu.memory_space<hbm>>) target(%arg6 : memref<200x128xi32, #tpu.memory_space<vmem>>) target_semaphore(%run_scoped3A : memref<!tpu.dma_semaphore, #tpu.memory_space<semaphore_mem>>)
      %dma_wait3A_450 = arith.constant 0 : i32
      %dma_wait3A_451 = tpu.memref_slice %arg3[%dma_wait3A_450, %mul3A_2] : memref<200x4096xi32, #tpu.memory_space<hbm>> -> memref<200x128xi32, #tpu.memory_space<hbm>>
      %dma_wait3A_452 = arith.constant 0 : i32
      %dma_wait3A_453 = tpu.memref_slice %arg3[%dma_wait3A_452, %mul3A_2] : memref<200x4096xi32, #tpu.memory_space<hbm>> -> memref<200x128xi32, #tpu.memory_space<hbm>>
      tpu.wait_dma2 semaphore(%run_scoped3A : memref<!tpu.dma_semaphore, #tpu.memory_space<semaphore_mem>>) src(%dma_wait3A_453 : memref<200x128xi32, #tpu.memory_space<hbm>>) dst(%arg6 : memref<200x128xi32, #tpu.memory_space<vmem>>)
      tpu.yield
    }) : () -> ()
    "tpu.region"() ({
      %run_scoped3A = tpu.sem_alloc : memref<!tpu.dma_semaphore, #tpu.memory_space<semaphore_mem>>
      tpu.enqueue_dma source(%arg4 : memref<12800xf32, #tpu.memory_space<hbm>>) target(%arg7 : memref<12800xf32, #tpu.memory_space<vmem>>) target_semaphore(%run_scoped3A : memref<!tpu.dma_semaphore, #tpu.memory_space<semaphore_mem>>)
      tpu.wait_dma2 semaphore(%run_scoped3A : memref<!tpu.dma_semaphore, #tpu.memory_space<semaphore_mem>>) src(%arg4 : memref<12800xf32, #tpu.memory_space<hbm>>) dst(%arg7 : memref<12800xf32, #tpu.memory_space<vmem>>)
      tpu.yield
    }) : () -> ()
    %iota3A = tpu.iota {dimensions = array<i32: 0>} : vector<16xi32>
    %mul3A_3 = arith.constant 0 : i32
    %mul3A_4 = vector.broadcast %mul3A_3 : i32 to vector<16xi32>
    %mul3A_5 = arith.muli %iota3A, %mul3A_4 : vector<16xi32>
    %add3A_6 = arith.constant 0 : i32
    %add3A_7 = vector.broadcast %add3A_6 : i32 to vector<16xi32>
    %add3A_8 = arith.addi %iota3A, %add3A_7 : vector<16xi32>
    %add3A_9 = arith.constant 16 : i32
    %add3A_10 = vector.broadcast %add3A_9 : i32 to vector<16xi32>
    %add3A_11 = arith.addi %iota3A, %add3A_10 : vector<16xi32>
    %add3A_12 = arith.constant 32 : i32
    %add3A_13 = vector.broadcast %add3A_12 : i32 to vector<16xi32>
    %add3A_14 = arith.addi %iota3A, %add3A_13 : vector<16xi32>
    %add3A_15 = arith.constant 48 : i32
    %add3A_16 = vector.broadcast %add3A_15 : i32 to vector<16xi32>
    %add3A_17 = arith.addi %iota3A, %add3A_16 : vector<16xi32>
    %add3A_18 = arith.constant 64 : i32
    %add3A_19 = vector.broadcast %add3A_18 : i32 to vector<16xi32>
    %add3A_20 = arith.addi %iota3A, %add3A_19 : vector<16xi32>
    %add3A_21 = arith.constant 80 : i32
    %add3A_22 = vector.broadcast %add3A_21 : i32 to vector<16xi32>
    %add3A_23 = arith.addi %iota3A, %add3A_22 : vector<16xi32>
    %add3A_24 = arith.constant 96 : i32
    %add3A_25 = vector.broadcast %add3A_24 : i32 to vector<16xi32>
    %add3A_26 = arith.addi %iota3A, %add3A_25 : vector<16xi32>
    %add3A_27 = arith.constant 112 : i32
    %add3A_28 = vector.broadcast %add3A_27 : i32 to vector<16xi32>
    %add3A_29 = arith.addi %iota3A, %add3A_28 : vector<16xi32>
    %add3A_30 = arith.constant 0 : i32
    %add3A_31 = vector.broadcast %add3A_30 : i32 to vector<16xi32>
    %add3A_32 = arith.addi %iota3A, %add3A_31 : vector<16xi32>
    %mul3A_33 = arith.constant 65 : i32
    %mul3A_34 = vector.broadcast %mul3A_33 : i32 to vector<16xi32>
    %mul3A_35 = arith.muli %add3A_32, %mul3A_34 : vector<16xi32>
    %add3A_36 = arith.constant 16 : i32
    %add3A_37 = vector.broadcast %add3A_36 : i32 to vector<16xi32>
    %add3A_38 = arith.addi %iota3A, %add3A_37 : vector<16xi32>
    %mul3A_39 = arith.constant 65 : i32
    %mul3A_40 = vector.broadcast %mul3A_39 : i32 to vector<16xi32>
    %mul3A_41 = arith.muli %add3A_38, %mul3A_40 : vector<16xi32>
    %add3A_42 = arith.constant 32 : i32
    %add3A_43 = vector.broadcast %add3A_42 : i32 to vector<16xi32>
    %add3A_44 = arith.addi %iota3A, %add3A_43 : vector<16xi32>
    %mul3A_45 = arith.constant 65 : i32
    %mul3A_46 = vector.broadcast %mul3A_45 : i32 to vector<16xi32>
    %mul3A_47 = arith.muli %add3A_44, %mul3A_46 : vector<16xi32>
    %add3A_48 = arith.constant 48 : i32
    %add3A_49 = vector.broadcast %add3A_48 : i32 to vector<16xi32>
    %add3A_50 = arith.addi %iota3A, %add3A_49 : vector<16xi32>
    %mul3A_51 = arith.constant 65 : i32
    %mul3A_52 = vector.broadcast %mul3A_51 : i32 to vector<16xi32>
    %mul3A_53 = arith.muli %add3A_50, %mul3A_52 : vector<16xi32>
    %add3A_54 = arith.constant 64 : i32
    %add3A_55 = vector.broadcast %add3A_54 : i32 to vector<16xi32>
    %add3A_56 = arith.addi %iota3A, %add3A_55 : vector<16xi32>
    %mul3A_57 = arith.constant 65 : i32
    %mul3A_58 = vector.broadcast %mul3A_57 : i32 to vector<16xi32>
    %mul3A_59 = arith.muli %add3A_56, %mul3A_58 : vector<16xi32>
    %add3A_60 = arith.constant 80 : i32
    %add3A_61 = vector.broadcast %add3A_60 : i32 to vector<16xi32>
    %add3A_62 = arith.addi %iota3A, %add3A_61 : vector<16xi32>
    %mul3A_63 = arith.constant 65 : i32
    %mul3A_64 = vector.broadcast %mul3A_63 : i32 to vector<16xi32>
    %mul3A_65 = arith.muli %add3A_62, %mul3A_64 : vector<16xi32>
    %add3A_66 = arith.constant 96 : i32
    %add3A_67 = vector.broadcast %add3A_66 : i32 to vector<16xi32>
    %add3A_68 = arith.addi %iota3A, %add3A_67 : vector<16xi32>
    %mul3A_69 = arith.constant 65 : i32
    %mul3A_70 = vector.broadcast %mul3A_69 : i32 to vector<16xi32>
    %mul3A_71 = arith.muli %add3A_68, %mul3A_70 : vector<16xi32>
    %add3A_72 = arith.constant 112 : i32
    %add3A_73 = vector.broadcast %add3A_72 : i32 to vector<16xi32>
    %add3A_74 = arith.addi %iota3A, %add3A_73 : vector<16xi32>
    %mul3A_75 = arith.constant 65 : i32
    %mul3A_76 = vector.broadcast %mul3A_75 : i32 to vector<16xi32>
    %mul3A_77 = arith.muli %add3A_74, %mul3A_76 : vector<16xi32>
    %dma_start3A = arith.constant 0 : i32
    %dma_start3A_78 = arith.constant 0 : i32
    %dma_start3A_79 = tpu.memref_slice %arg6[%dma_start3A, %dma_start3A_78] : memref<200x128xi32, #tpu.memory_space<vmem>> -> memref<1x128xi32, #tpu.memory_space<vmem>>
    %dma_start3A_80 = tpu.memref_squeeze %dma_start3A_79 : memref<1x128xi32, #tpu.memory_space<vmem>> -> memref<128xi32, #tpu.memory_space<vmem>>
    %dma_start3A_81 = arith.constant 0 : i32
    %dma_start3A_82 = arith.constant 0 : i32
    %dma_start3A_83 = tpu.memref_slice %arg2[%dma_start3A_81, %dma_start3A_82] : memref<2000000x64xf32, #tpu.memory_space<hbm>> -> memref<2000000x64xf32, #tpu.memory_space<hbm>>
    tpu.enqueue_indirect_dma source(%dma_start3A_83 : memref<2000000x64xf32, #tpu.memory_space<hbm>>) target(%arg8 : memref<128x64xf32, #tpu.memory_space<vmem>>) offsets(%dma_start3A_80 : memref<128xi32, #tpu.memory_space<vmem>>) semaphore(%arg17 : memref<!tpu.dma_semaphore, #tpu.memory_space<semaphore_mem>>)
    %dma_start3A_84 = arith.constant 1 : i32
    %dma_start3A_85 = arith.constant 0 : i32
    %dma_start3A_86 = tpu.memref_slice %arg6[%dma_start3A_84, %dma_start3A_85] : memref<200x128xi32, #tpu.memory_space<vmem>> -> memref<1x128xi32, #tpu.memory_space<vmem>>
    %dma_start3A_87 = tpu.memref_squeeze %dma_start3A_86 : memref<1x128xi32, #tpu.memory_space<vmem>> -> memref<128xi32, #tpu.memory_space<vmem>>
    %dma_start3A_88 = arith.constant 0 : i32
    %dma_start3A_89 = arith.constant 0 : i32
    %dma_start3A_90 = tpu.memref_slice %arg2[%dma_start3A_88, %dma_start3A_89] : memref<2000000x64xf32, #tpu.memory_space<hbm>> -> memref<2000000x64xf32, #tpu.memory_space<hbm>>
    tpu.enqueue_indirect_dma source(%dma_start3A_90 : memref<2000000x64xf32, #tpu.memory_space<hbm>>) target(%arg9 : memref<128x64xf32, #tpu.memory_space<vmem>>) offsets(%dma_start3A_87 : memref<128xi32, #tpu.memory_space<vmem>>) semaphore(%arg18 : memref<!tpu.dma_semaphore, #tpu.memory_space<semaphore_mem>>)
    %dma_start3A_91 = arith.constant 2 : i32
    %dma_start3A_92 = arith.constant 0 : i32
    %dma_start3A_93 = tpu.memref_slice %arg6[%dma_start3A_91, %dma_start3A_92] : memref<200x128xi32, #tpu.memory_space<vmem>> -> memref<1x128xi32, #tpu.memory_space<vmem>>
    %dma_start3A_94 = tpu.memref_squeeze %dma_start3A_93 : memref<1x128xi32, #tpu.memory_space<vmem>> -> memref<128xi32, #tpu.memory_space<vmem>>
    %dma_start3A_95 = arith.constant 0 : i32
    %dma_start3A_96 = arith.constant 0 : i32
    %dma_start3A_97 = tpu.memref_slice %arg2[%dma_start3A_95, %dma_start3A_96] : memref<2000000x64xf32, #tpu.memory_space<hbm>> -> memref<2000000x64xf32, #tpu.memory_space<hbm>>
    tpu.enqueue_indirect_dma source(%dma_start3A_97 : memref<2000000x64xf32, #tpu.memory_space<hbm>>) target(%arg10 : memref<128x64xf32, #tpu.memory_space<vmem>>) offsets(%dma_start3A_94 : memref<128xi32, #tpu.memory_space<vmem>>) semaphore(%arg19 : memref<!tpu.dma_semaphore, #tpu.memory_space<semaphore_mem>>)
    %dma_start3A_98 = arith.constant 3 : i32
    %dma_start3A_99 = arith.constant 0 : i32
    %dma_start3A_100 = tpu.memref_slice %arg6[%dma_start3A_98, %dma_start3A_99] : memref<200x128xi32, #tpu.memory_space<vmem>> -> memref<1x128xi32, #tpu.memory_space<vmem>>
    %dma_start3A_101 = tpu.memref_squeeze %dma_start3A_100 : memref<1x128xi32, #tpu.memory_space<vmem>> -> memref<128xi32, #tpu.memory_space<vmem>>
    %dma_start3A_102 = arith.constant 0 : i32
    %dma_start3A_103 = arith.constant 0 : i32
    %dma_start3A_104 = tpu.memref_slice %arg2[%dma_start3A_102, %dma_start3A_103] : memref<2000000x64xf32, #tpu.memory_space<hbm>> -> memref<2000000x64xf32, #tpu.memory_space<hbm>>
    tpu.enqueue_indirect_dma source(%dma_start3A_104 : memref<2000000x64xf32, #tpu.memory_space<hbm>>) target(%arg11 : memref<128x64xf32, #tpu.memory_space<vmem>>) offsets(%dma_start3A_101 : memref<128xi32, #tpu.memory_space<vmem>>) semaphore(%arg20 : memref<!tpu.dma_semaphore, #tpu.memory_space<semaphore_mem>>)
    %dma_wait3A = arith.constant 0 : i32
    %dma_wait3A_105 = arith.constant 0 : i32
    %dma_wait3A_106 = tpu.memref_slice %arg6[%dma_wait3A, %dma_wait3A_105] : memref<200x128xi32, #tpu.memory_space<vmem>> -> memref<1x128xi32, #tpu.memory_space<vmem>>
    %dma_wait3A_107 = tpu.memref_squeeze %dma_wait3A_106 : memref<1x128xi32, #tpu.memory_space<vmem>> -> memref<128xi32, #tpu.memory_space<vmem>>
    %dma_wait3A_108 = arith.constant 0 : i32
    %dma_wait3A_109 = arith.constant 0 : i32
    %dma_wait3A_110 = tpu.memref_slice %arg2[%dma_wait3A_108, %dma_wait3A_109] : memref<2000000x64xf32, #tpu.memory_space<hbm>> -> memref<2000000x64xf32, #tpu.memory_space<hbm>>
    tpu.wait_indirect_dma semaphore(%arg17 : memref<!tpu.dma_semaphore, #tpu.memory_space<semaphore_mem>>) src(%dma_wait3A_110 : memref<2000000x64xf32, #tpu.memory_space<hbm>>) dst(%arg8 : memref<128x64xf32, #tpu.memory_space<vmem>>)
    %get3A = arith.constant 0 : index
    %get3A_111 = tpu.vector_load %arg7[%get3A] {strides = array<i32>} : memref<12800xf32, #tpu.memory_space<vmem>>, vector<16xf32>,
    %get3A_112 = arith.constant 16 : index
    %get3A_113 = tpu.vector_load %arg7[%get3A_112] {strides = array<i32>} : memref<12800xf32, #tpu.memory_space<vmem>>, vector<16xf32>,
    %get3A_114 = arith.constant 32 : index
    %get3A_115 = tpu.vector_load %arg7[%get3A_114] {strides = array<i32>} : memref<12800xf32, #tpu.memory_space<vmem>>, vector<16xf32>,
    %get3A_116 = arith.constant 48 : index
    %get3A_117 = tpu.vector_load %arg7[%get3A_116] {strides = array<i32>} : memref<12800xf32, #tpu.memory_space<vmem>>, vector<16xf32>,
    %parallel_loop3A = arith.constant 0 : i32
    %parallel_loop3A_118 = arith.constant 128 : i32
    %parallel_loop3A_119 = arith.constant 1 : i32
    scf.for %parallel_loop3A_446 = %parallel_loop3A to %parallel_loop3A_118 step %parallel_loop3A_119  : i32 {
      %parallel_loop3A_447 = arith.index_cast %parallel_loop3A_446 : i32 to index
      %parallel_loop3A_448 = arith.constant 0 : index
      %parallel_loop3A_449 = tpu.vector_load %arg8[%parallel_loop3A_447, %parallel_loop3A_448] {strides = array<i32>} : memref<128x64xf32, #tpu.memory_space<vmem>>, vector<16xf32>,
      %parallel_loop3A_450 = arith.addf %parallel_loop3A_449, %get3A_111 : vector<16xf32>
      %parallel_loop3A_451 = arith.constant 65 : i32
      %parallel_loop3A_452 = arith.muli %parallel_loop3A_446, %parallel_loop3A_451 : i32
      %parallel_loop3A_453 = arith.constant 0 : i32
      %parallel_loop3A_454 = arith.addi %parallel_loop3A_452, %parallel_loop3A_453 : i32
      %parallel_loop3A_455 = arith.index_cast %parallel_loop3A_454 : i32 to index
      %parallel_loop3A_456 = tpu.vector_load %arg12[%parallel_loop3A_455] {strides = array<i32>} : memref<8320xf32, #tpu.memory_space<vmem>>, vector<16xf32>,
      tpu.vector_store %arg12[%parallel_loop3A_455], %parallel_loop3A_450 {strides = array<i32>} : memref<8320xf32, #tpu.memory_space<vmem>>, vector<16xf32>,
      %parallel_loop3A_457 = arith.index_cast %parallel_loop3A_446 : i32 to index
      %parallel_loop3A_458 = arith.constant 16 : index
      %parallel_loop3A_459 = tpu.vector_load %arg8[%parallel_loop3A_457, %parallel_loop3A_458] {strides = array<i32>} : memref<128x64xf32, #tpu.memory_space<vmem>>, vector<16xf32>,
      %parallel_loop3A_460 = arith.addf %parallel_loop3A_459, %get3A_113 : vector<16xf32>
      %parallel_loop3A_461 = arith.constant 65 : i32
      %parallel_loop3A_462 = arith.muli %parallel_loop3A_446, %parallel_loop3A_461 : i32
      %parallel_loop3A_463 = arith.constant 16 : i32
      %parallel_loop3A_464 = arith.addi %parallel_loop3A_462, %parallel_loop3A_463 : i32
      %parallel_loop3A_465 = arith.index_cast %parallel_loop3A_464 : i32 to index
      %parallel_loop3A_466 = tpu.vector_load %arg12[%parallel_loop3A_465] {strides = array<i32>} : memref<8320xf32, #tpu.memory_space<vmem>>, vector<16xf32>,
      tpu.vector_store %arg12[%parallel_loop3A_465], %parallel_loop3A_460 {strides = array<i32>} : memref<8320xf32, #tpu.memory_space<vmem>>, vector<16xf32>,
      %parallel_loop3A_467 = arith.index_cast %parallel_loop3A_446 : i32 to index
      %parallel_loop3A_468 = arith.constant 32 : index
      %parallel_loop3A_469 = tpu.vector_load %arg8[%parallel_loop3A_467, %parallel_loop3A_468] {strides = array<i32>} : memref<128x64xf32, #tpu.memory_space<vmem>>, vector<16xf32>,
      %parallel_loop3A_470 = arith.addf %parallel_loop3A_469, %get3A_115 : vector<16xf32>
      %parallel_loop3A_471 = arith.constant 65 : i32
      %parallel_loop3A_472 = arith.muli %parallel_loop3A_446, %parallel_loop3A_471 : i32
      %parallel_loop3A_473 = arith.constant 32 : i32
      %parallel_loop3A_474 = arith.addi %parallel_loop3A_472, %parallel_loop3A_473 : i32
      %parallel_loop3A_475 = arith.index_cast %parallel_loop3A_474 : i32 to index
      %parallel_loop3A_476 = tpu.vector_load %arg12[%parallel_loop3A_475] {strides = array<i32>} : memref<8320xf32, #tpu.memory_space<vmem>>, vector<16xf32>,
      tpu.vector_store %arg12[%parallel_loop3A_475], %parallel_loop3A_470 {strides = array<i32>} : memref<8320xf32, #tpu.memory_space<vmem>>, vector<16xf32>,
      %parallel_loop3A_477 = arith.index_cast %parallel_loop3A_446 : i32 to index
      %parallel_loop3A_478 = arith.constant 48 : index
      %parallel_loop3A_479 = tpu.vector_load %arg8[%parallel_loop3A_477, %parallel_loop3A_478] {strides = array<i32>} : memref<128x64xf32, #tpu.memory_space<vmem>>, vector<16xf32>,
      %parallel_loop3A_480 = arith.addf %parallel_loop3A_479, %get3A_117 : vector<16xf32>
      %parallel_loop3A_481 = arith.constant 65 : i32
      %parallel_loop3A_482 = arith.muli %parallel_loop3A_446, %parallel_loop3A_481 : i32
      %parallel_loop3A_483 = arith.constant 48 : i32
      %parallel_loop3A_484 = arith.addi %parallel_loop3A_482, %parallel_loop3A_483 : i32
      %parallel_loop3A_485 = arith.index_cast %parallel_loop3A_484 : i32 to index
      %parallel_loop3A_486 = tpu.vector_load %arg12[%parallel_loop3A_485] {strides = array<i32>} : memref<8320xf32, #tpu.memory_space<vmem>>, vector<16xf32>,
      tpu.vector_store %arg12[%parallel_loop3A_485], %parallel_loop3A_480 {strides = array<i32>} : memref<8320xf32, #tpu.memory_space<vmem>>, vector<16xf32>,
    } {sc.loop_unroll_factor = 2 : i64, sc.parallel_access}
    %parallel_loop3A_120 = arith.constant 0 : i32
    %parallel_loop3A_121 = arith.constant 64 : i32
    %parallel_loop3A_122 = arith.constant 1 : i32
    scf.for %parallel_loop3A_446 = %parallel_loop3A_120 to %parallel_loop3A_121 step %parallel_loop3A_122  : i32 {
      %parallel_loop3A_447 = arith.constant 3 : i32
      %parallel_loop3A_448 = arith.shrsi %parallel_loop3A_446, %parallel_loop3A_447 : i32
      %parallel_loop3A_449 = arith.constant 7 : i32
      %parallel_loop3A_450 = arith.andi %parallel_loop3A_446, %parallel_loop3A_449 : i32
      %parallel_loop3A_451 = arith.constant 128 : i32
      %parallel_loop3A_452 = arith.muli %parallel_loop3A_450, %parallel_loop3A_451 : i32
      %parallel_loop3A_453 = vector.broadcast %parallel_loop3A_446 : i32 to vector<16xi32>
      %parallel_loop3A_454 = arith.addi %mul3A_35, %parallel_loop3A_453 : vector<16xi32>
      %parallel_loop3A_455 = tpu.vector_load_idx %arg12[%parallel_loop3A_454] : memref<8320xf32, #tpu.memory_space<vmem>>[vector<16xi32>], vector<16xf32>,
      %parallel_loop3A_456 = vector.broadcast %parallel_loop3A_446 : i32 to vector<16xi32>
      %parallel_loop3A_457 = arith.addi %mul3A_41, %parallel_loop3A_456 : vector<16xi32>
      %parallel_loop3A_458 = tpu.vector_load_idx %arg12[%parallel_loop3A_457] : memref<8320xf32, #tpu.memory_space<vmem>>[vector<16xi32>], vector<16xf32>,
      %parallel_loop3A_459 = vector.broadcast %parallel_loop3A_446 : i32 to vector<16xi32>
      %parallel_loop3A_460 = arith.addi %mul3A_47, %parallel_loop3A_459 : vector<16xi32>
      %parallel_loop3A_461 = tpu.vector_load_idx %arg12[%parallel_loop3A_460] : memref<8320xf32, #tpu.memory_space<vmem>>[vector<16xi32>], vector<16xf32>,
      %parallel_loop3A_462 = vector.broadcast %parallel_loop3A_446 : i32 to vector<16xi32>
      %parallel_loop3A_463 = arith.addi %mul3A_53, %parallel_loop3A_462 : vector<16xi32>
      %parallel_loop3A_464 = tpu.vector_load_idx %arg12[%parallel_loop3A_463] : memref<8320xf32, #tpu.memory_space<vmem>>[vector<16xi32>], vector<16xf32>,
      %parallel_loop3A_465 = vector.broadcast %parallel_loop3A_446 : i32 to vector<16xi32>
      %parallel_loop3A_466 = arith.addi %mul3A_59, %parallel_loop3A_465 : vector<16xi32>
      %parallel_loop3A_467 = tpu.vector_load_idx %arg12[%parallel_loop3A_466] : memref<8320xf32, #tpu.memory_space<vmem>>[vector<16xi32>], vector<16xf32>,
      %parallel_loop3A_468 = vector.broadcast %parallel_loop3A_446 : i32 to vector<16xi32>
      %parallel_loop3A_469 = arith.addi %mul3A_65, %parallel_loop3A_468 : vector<16xi32>
      %parallel_loop3A_470 = tpu.vector_load_idx %arg12[%parallel_loop3A_469] : memref<8320xf32, #tpu.memory_space<vmem>>[vector<16xi32>], vector<16xf32>,
      %parallel_loop3A_471 = vector.broadcast %parallel_loop3A_446 : i32 to vector<16xi32>
      %parallel_loop3A_472 = arith.addi %mul3A_71, %parallel_loop3A_471 : vector<16xi32>
      %parallel_loop3A_473 = tpu.vector_load_idx %arg12[%parallel_loop3A_472] : memref<8320xf32, #tpu.memory_space<vmem>>[vector<16xi32>], vector<16xf32>,
      %parallel_loop3A_474 = vector.broadcast %parallel_loop3A_446 : i32 to vector<16xi32>
      %parallel_loop3A_475 = arith.addi %mul3A_77, %parallel_loop3A_474 : vector<16xi32>
      %parallel_loop3A_476 = tpu.vector_load_idx %arg12[%parallel_loop3A_475] : memref<8320xf32, #tpu.memory_space<vmem>>[vector<16xi32>], vector<16xf32>,
      %parallel_loop3A_477 = arith.constant 0 : i32
      %parallel_loop3A_478 = arith.addi %parallel_loop3A_452, %parallel_loop3A_477 : i32
      %parallel_loop3A_479 = arith.index_cast %parallel_loop3A_448 : i32 to index
      %parallel_loop3A_480 = arith.index_cast %parallel_loop3A_478 : i32 to index
      %parallel_loop3A_481 = tpu.vector_load %arg13[%parallel_loop3A_479, %parallel_loop3A_480] {strides = array<i32>} : memref<8x1024xf32, #tpu.memory_space<vmem>>, vector<16xf32>,
      tpu.vector_store %arg13[%parallel_loop3A_479, %parallel_loop3A_480], %parallel_loop3A_455 {strides = array<i32>} : memref<8x1024xf32, #tpu.memory_space<vmem>>, vector<16xf32>,
      %parallel_loop3A_482 = arith.constant 16 : i32
      %parallel_loop3A_483 = arith.addi %parallel_loop3A_452, %parallel_loop3A_482 : i32
      %parallel_loop3A_484 = arith.index_cast %parallel_loop3A_448 : i32 to index
      %parallel_loop3A_485 = arith.index_cast %parallel_loop3A_483 : i32 to index
      %parallel_loop3A_486 = tpu.vector_load %arg13[%parallel_loop3A_484, %parallel_loop3A_485] {strides = array<i32>} : memref<8x1024xf32, #tpu.memory_space<vmem>>, vector<16xf32>,
      tpu.vector_store %arg13[%parallel_loop3A_484, %parallel_loop3A_485], %parallel_loop3A_458 {strides = array<i32>} : memref<8x1024xf32, #tpu.memory_space<vmem>>, vector<16xf32>,
      %parallel_loop3A_487 = arith.constant 32 : i32
      %parallel_loop3A_488 = arith.addi %parallel_loop3A_452, %parallel_loop3A_487 : i32
      %parallel_loop3A_489 = arith.index_cast %parallel_loop3A_448 : i32 to index
      %parallel_loop3A_490 = arith.index_cast %parallel_loop3A_488 : i32 to index
      %parallel_loop3A_491 = tpu.vector_load %arg13[%parallel_loop3A_489, %parallel_loop3A_490] {strides = array<i32>} : memref<8x1024xf32, #tpu.memory_space<vmem>>, vector<16xf32>,
      tpu.vector_store %arg13[%parallel_loop3A_489, %parallel_loop3A_490], %parallel_loop3A_461 {strides = array<i32>} : memref<8x1024xf32, #tpu.memory_space<vmem>>, vector<16xf32>,
      %parallel_loop3A_492 = arith.constant 48 : i32
      %parallel_loop3A_493 = arith.addi %parallel_loop3A_452, %parallel_loop3A_492 : i32
      %parallel_loop3A_494 = arith.index_cast %parallel_loop3A_448 : i32 to index
      %parallel_loop3A_495 = arith.index_cast %parallel_loop3A_493 : i32 to index
      %parallel_loop3A_496 = tpu.vector_load %arg13[%parallel_loop3A_494, %parallel_loop3A_495] {strides = array<i32>} : memref<8x1024xf32, #tpu.memory_space<vmem>>, vector<16xf32>,
      tpu.vector_store %arg13[%parallel_loop3A_494, %parallel_loop3A_495], %parallel_loop3A_464 {strides = array<i32>} : memref<8x1024xf32, #tpu.memory_space<vmem>>, vector<16xf32>,
      %parallel_loop3A_497 = arith.constant 64 : i32
      %parallel_loop3A_498 = arith.addi %parallel_loop3A_452, %parallel_loop3A_497 : i32
      %parallel_loop3A_499 = arith.index_cast %parallel_loop3A_448 : i32 to index
      %parallel_loop3A_500 = arith.index_cast %parallel_loop3A_498 : i32 to index
      %parallel_loop3A_501 = tpu.vector_load %arg13[%parallel_loop3A_499, %parallel_loop3A_500] {strides = array<i32>} : memref<8x1024xf32, #tpu.memory_space<vmem>>, vector<16xf32>,
      tpu.vector_store %arg13[%parallel_loop3A_499, %parallel_loop3A_500], %parallel_loop3A_467 {strides = array<i32>} : memref<8x1024xf32, #tpu.memory_space<vmem>>, vector<16xf32>,
      %parallel_loop3A_502 = arith.constant 80 : i32
      %parallel_loop3A_503 = arith.addi %parallel_loop3A_452, %parallel_loop3A_502 : i32
      %parallel_loop3A_504 = arith.index_cast %parallel_loop3A_448 : i32 to index
      %parallel_loop3A_505 = arith.index_cast %parallel_loop3A_503 : i32 to index
      %parallel_loop3A_506 = tpu.vector_load %arg13[%parallel_loop3A_504, %parallel_loop3A_505] {strides = array<i32>} : memref<8x1024xf32, #tpu.memory_space<vmem>>, vector<16xf32>,
      tpu.vector_store %arg13[%parallel_loop3A_504, %parallel_loop3A_505], %parallel_loop3A_470 {strides = array<i32>} : memref<8x1024xf32, #tpu.memory_space<vmem>>, vector<16xf32>,
      %parallel_loop3A_507 = arith.constant 96 : i32
      %parallel_loop3A_508 = arith.addi %parallel_loop3A_452, %parallel_loop3A_507 : i32
      %parallel_loop3A_509 = arith.index_cast %parallel_loop3A_448 : i32 to index
      %parallel_loop3A_510 = arith.index_cast %parallel_loop3A_508 : i32 to index
      %parallel_loop3A_511 = tpu.vector_load %arg13[%parallel_loop3A_509, %parallel_loop3A_510] {strides = array<i32>} : memref<8x1024xf32, #tpu.memory_space<vmem>>, vector<16xf32>,
      tpu.vector_store %arg13[%parallel_loop3A_509, %parallel_loop3A_510], %parallel_loop3A_473 {strides = array<i32>} : memref<8x1024xf32, #tpu.memory_space<vmem>>, vector<16xf32>,
      %parallel_loop3A_512 = arith.constant 112 : i32
      %parallel_loop3A_513 = arith.addi %parallel_loop3A_452, %parallel_loop3A_512 : i32
      %parallel_loop3A_514 = arith.index_cast %parallel_loop3A_448 : i32 to index
      %parallel_loop3A_515 = arith.index_cast %parallel_loop3A_513 : i32 to index
      %parallel_loop3A_516 = tpu.vector_load %arg13[%parallel_loop3A_514, %parallel_loop3A_515] {strides = array<i32>} : memref<8x1024xf32, #tpu.memory_space<vmem>>, vector<16xf32>,
      tpu.vector_store %arg13[%parallel_loop3A_514, %parallel_loop3A_515], %parallel_loop3A_476 {strides = array<i32>} : memref<8x1024xf32, #tpu.memory_space<vmem>>, vector<16xf32>,
    } {sc.loop_unroll_factor = 2 : i64, sc.parallel_access}
    %dma_start3A_123 = arith.constant 4 : i32
    %dma_start3A_124 = arith.constant 0 : i32
    %dma_start3A_125 = tpu.memref_slice %arg6[%dma_start3A_123, %dma_start3A_124] : memref<200x128xi32, #tpu.memory_space<vmem>> -> memref<1x128xi32, #tpu.memory_space<vmem>>
    %dma_start3A_126 = tpu.memref_squeeze %dma_start3A_125 : memref<1x128xi32, #tpu.memory_space<vmem>> -> memref<128xi32, #tpu.memory_space<vmem>>
    %dma_start3A_127 = arith.constant 0 : i32
    %dma_start3A_128 = arith.constant 0 : i32
    %dma_start3A_129 = tpu.memref_slice %arg2[%dma_start3A_127, %dma_start3A_128] : memref<2000000x64xf32, #tpu.memory_space<hbm>> -> memref<2000000x64xf32, #tpu.memory_space<hbm>>
    tpu.enqueue_indirect_dma source(%dma_start3A_129 : memref<2000000x64xf32, #tpu.memory_space<hbm>>) target(%arg8 : memref<128x64xf32, #tpu.memory_space<vmem>>) offsets(%dma_start3A_126 : memref<128xi32, #tpu.memory_space<vmem>>) semaphore(%arg17 : memref<!tpu.dma_semaphore, #tpu.memory_space<semaphore_mem>>)
    %dma_start3A_130 = arith.constant 0 : i32
    %dma_start3A_131 = arith.constant 0 : i32
    %dma_start3A_132 = arith.constant 0 : i32
    %dma_start3A_133 = tpu.memref_slice %arg5[%dma_start3A_130, %dma_start3A_131, %add3A, %dma_start3A_132] : memref<200x8x32x1024xf32, #tpu.memory_space<hbm>> -> memref<1x8x1x1024xf32, #tpu.memory_space<hbm>>
    %dma_start3A_134 = tpu.memref_squeeze %dma_start3A_133 : memref<1x8x1x1024xf32, #tpu.memory_space<hbm>> -> memref<8x1024xf32, #tpu.memory_space<hbm>>
    %dma_start3A_135 = arith.constant 0 : i32
    %dma_start3A_136 = arith.constant 0 : i32
    %dma_start3A_137 = tpu.memref_slice %arg5[%dma_start3A_130, %dma_start3A_135, %add3A, %dma_start3A_136] : memref<200x8x32x1024xf32, #tpu.memory_space<hbm>> -> memref<1x8x1x1024xf32, #tpu.memory_space<hbm>>
    %dma_start3A_138 = tpu.memref_squeeze %dma_start3A_137 : memref<1x8x1x1024xf32, #tpu.memory_space<hbm>> -> memref<8x1024xf32, #tpu.memory_space<hbm>>
    tpu.enqueue_dma source(%arg13 : memref<8x1024xf32, #tpu.memory_space<vmem>>) target(%dma_start3A_138 : memref<8x1024xf32, #tpu.memory_space<hbm>>) target_semaphore(%arg21 : memref<!tpu.dma_semaphore, #tpu.memory_space<semaphore_mem>>)
    %dma_wait3A_139 = arith.constant 1 : i32
    %dma_wait3A_140 = arith.constant 0 : i32
    %dma_wait3A_141 = tpu.memref_slice %arg6[%dma_wait3A_139, %dma_wait3A_140] : memref<200x128xi32, #tpu.memory_space<vmem>> -> memref<1x128xi32, #tpu.memory_space<vmem>>
    %dma_wait3A_142 = tpu.memref_squeeze %dma_wait3A_141 : memref<1x128xi32, #tpu.memory_space<vmem>> -> memref<128xi32, #tpu.memory_space<vmem>>
    %dma_wait3A_143 = arith.constant 0 : i32
    %dma_wait3A_144 = arith.constant 0 : i32
    %dma_wait3A_145 = tpu.memref_slice %arg2[%dma_wait3A_143, %dma_wait3A_144] : memref<2000000x64xf32, #tpu.memory_space<hbm>> -> memref<2000000x64xf32, #tpu.memory_space<hbm>>
    tpu.wait_indirect_dma semaphore(%arg18 : memref<!tpu.dma_semaphore, #tpu.memory_space<semaphore_mem>>) src(%dma_wait3A_145 : memref<2000000x64xf32, #tpu.memory_space<hbm>>) dst(%arg9 : memref<128x64xf32, #tpu.memory_space<vmem>>)
    %get3A_146 = arith.constant 64 : index
    %get3A_147 = tpu.vector_load %arg7[%get3A_146] {strides = array<i32>} : memref<12800xf32, #tpu.memory_space<vmem>>, vector<16xf32>,
    %get3A_148 = arith.constant 80 : index
    %get3A_149 = tpu.vector_load %arg7[%get3A_148] {strides = array<i32>} : memref<12800xf32, #tpu.memory_space<vmem>>, vector<16xf32>,
    %get3A_150 = arith.constant 96 : index
    %get3A_151 = tpu.vector_load %arg7[%get3A_150] {strides = array<i32>} : memref<12800xf32, #tpu.memory_space<vmem>>, vector<16xf32>,
    %get3A_152 = arith.constant 112 : index
    %get3A_153 = tpu.vector_load %arg7[%get3A_152] {strides = array<i32>} : memref<12800xf32, #tpu.memory_space<vmem>>, vector<16xf32>,
    %parallel_loop3A_154 = arith.constant 0 : i32
    %parallel_loop3A_155 = arith.constant 128 : i32
    %parallel_loop3A_156 = arith.constant 1 : i32
    scf.for %parallel_loop3A_446 = %parallel_loop3A_154 to %parallel_loop3A_155 step %parallel_loop3A_156  : i32 {
      %parallel_loop3A_447 = arith.index_cast %parallel_loop3A_446 : i32 to index
      %parallel_loop3A_448 = arith.constant 0 : index
      %parallel_loop3A_449 = tpu.vector_load %arg9[%parallel_loop3A_447, %parallel_loop3A_448] {strides = array<i32>} : memref<128x64xf32, #tpu.memory_space<vmem>>, vector<16xf32>,
      %parallel_loop3A_450 = arith.addf %parallel_loop3A_449, %get3A_147 : vector<16xf32>
      %parallel_loop3A_451 = arith.constant 65 : i32
      %parallel_loop3A_452 = arith.muli %parallel_loop3A_446, %parallel_loop3A_451 : i32
      %parallel_loop3A_453 = arith.constant 0 : i32
      %parallel_loop3A_454 = arith.addi %parallel_loop3A_452, %parallel_loop3A_453 : i32
      %parallel_loop3A_455 = arith.index_cast %parallel_loop3A_454 : i32 to index
      %parallel_loop3A_456 = tpu.vector_load %arg12[%parallel_loop3A_455] {strides = array<i32>} : memref<8320xf32, #tpu.memory_space<vmem>>, vector<16xf32>,
      tpu.vector_store %arg12[%parallel_loop3A_455], %parallel_loop3A_450 {strides = array<i32>} : memref<8320xf32, #tpu.memory_space<vmem>>, vector<16xf32>,
      %parallel_loop3A_457 = arith.index_cast %parallel_loop3A_446 : i32 to index
      %parallel_loop3A_458 = arith.constant 16 : index
      %parallel_loop3A_459 = tpu.vector_load %arg9[%parallel_loop3A_457, %parallel_loop3A_458] {strides = array<i32>} : memref<128x64xf32, #tpu.memory_space<vmem>>, vector<16xf32>,
      %parallel_loop3A_460 = arith.addf %parallel_loop3A_459, %get3A_149 : vector<16xf32>
      %parallel_loop3A_461 = arith.constant 65 : i32
      %parallel_loop3A_462 = arith.muli %parallel_loop3A_446, %parallel_loop3A_461 : i32
      %parallel_loop3A_463 = arith.constant 16 : i32
      %parallel_loop3A_464 = arith.addi %parallel_loop3A_462, %parallel_loop3A_463 : i32
      %parallel_loop3A_465 = arith.index_cast %parallel_loop3A_464 : i32 to index
      %parallel_loop3A_466 = tpu.vector_load %arg12[%parallel_loop3A_465] {strides = array<i32>} : memref<8320xf32, #tpu.memory_space<vmem>>, vector<16xf32>,
      tpu.vector_store %arg12[%parallel_loop3A_465], %parallel_loop3A_460 {strides = array<i32>} : memref<8320xf32, #tpu.memory_space<vmem>>, vector<16xf32>,
      %parallel_loop3A_467 = arith.index_cast %parallel_loop3A_446 : i32 to index
      %parallel_loop3A_468 = arith.constant 32 : index
      %parallel_loop3A_469 = tpu.vector_load %arg9[%parallel_loop3A_467, %parallel_loop3A_468] {strides = array<i32>} : memref<128x64xf32, #tpu.memory_space<vmem>>, vector<16xf32>,
      %parallel_loop3A_470 = arith.addf %parallel_loop3A_469, %get3A_151 : vector<16xf32>
      %parallel_loop3A_471 = arith.constant 65 : i32
      %parallel_loop3A_472 = arith.muli %parallel_loop3A_446, %parallel_loop3A_471 : i32
      %parallel_loop3A_473 = arith.constant 32 : i32
      %parallel_loop3A_474 = arith.addi %parallel_loop3A_472, %parallel_loop3A_473 : i32
      %parallel_loop3A_475 = arith.index_cast %parallel_loop3A_474 : i32 to index
      %parallel_loop3A_476 = tpu.vector_load %arg12[%parallel_loop3A_475] {strides = array<i32>} : memref<8320xf32, #tpu.memory_space<vmem>>, vector<16xf32>,
      tpu.vector_store %arg12[%parallel_loop3A_475], %parallel_loop3A_470 {strides = array<i32>} : memref<8320xf32, #tpu.memory_space<vmem>>, vector<16xf32>,
      %parallel_loop3A_477 = arith.index_cast %parallel_loop3A_446 : i32 to index
      %parallel_loop3A_478 = arith.constant 48 : index
      %parallel_loop3A_479 = tpu.vector_load %arg9[%parallel_loop3A_477, %parallel_loop3A_478] {strides = array<i32>} : memref<128x64xf32, #tpu.memory_space<vmem>>, vector<16xf32>,
      %parallel_loop3A_480 = arith.addf %parallel_loop3A_479, %get3A_153 : vector<16xf32>
      %parallel_loop3A_481 = arith.constant 65 : i32
      %parallel_loop3A_482 = arith.muli %parallel_loop3A_446, %parallel_loop3A_481 : i32
      %parallel_loop3A_483 = arith.constant 48 : i32
      %parallel_loop3A_484 = arith.addi %parallel_loop3A_482, %parallel_loop3A_483 : i32
      %parallel_loop3A_485 = arith.index_cast %parallel_loop3A_484 : i32 to index
      %parallel_loop3A_486 = tpu.vector_load %arg12[%parallel_loop3A_485] {strides = array<i32>} : memref<8320xf32, #tpu.memory_space<vmem>>, vector<16xf32>,
      tpu.vector_store %arg12[%parallel_loop3A_485], %parallel_loop3A_480 {strides = array<i32>} : memref<8320xf32, #tpu.memory_space<vmem>>, vector<16xf32>,
    } {sc.loop_unroll_factor = 2 : i64, sc.parallel_access}
    %parallel_loop3A_157 = arith.constant 0 : i32
    %parallel_loop3A_158 = arith.constant 64 : i32
    %parallel_loop3A_159 = arith.constant 1 : i32
    scf.for %parallel_loop3A_446 = %parallel_loop3A_157 to %parallel_loop3A_158 step %parallel_loop3A_159  : i32 {
      %parallel_loop3A_447 = arith.constant 3 : i32
      %parallel_loop3A_448 = arith.shrsi %parallel_loop3A_446, %parallel_loop3A_447 : i32
      %parallel_loop3A_449 = arith.constant 7 : i32
      %parallel_loop3A_450 = arith.andi %parallel_loop3A_446, %parallel_loop3A_449 : i32
      %parallel_loop3A_451 = arith.constant 128 : i32
      %parallel_loop3A_452 = arith.muli %parallel_loop3A_450, %parallel_loop3A_451 : i32
      %parallel_loop3A_453 = vector.broadcast %parallel_loop3A_446 : i32 to vector<16xi32>
      %parallel_loop3A_454 = arith.addi %mul3A_35, %parallel_loop3A_453 : vector<16xi32>
      %parallel_loop3A_455 = tpu.vector_load_idx %arg12[%parallel_loop3A_454] : memref<8320xf32, #tpu.memory_space<vmem>>[vector<16xi32>], vector<16xf32>,
      %parallel_loop3A_456 = vector.broadcast %parallel_loop3A_446 : i32 to vector<16xi32>
      %parallel_loop3A_457 = arith.addi %mul3A_41, %parallel_loop3A_456 : vector<16xi32>
      %parallel_loop3A_458 = tpu.vector_load_idx %arg12[%parallel_loop3A_457] : memref<8320xf32, #tpu.memory_space<vmem>>[vector<16xi32>], vector<16xf32>,
      %parallel_loop3A_459 = vector.broadcast %parallel_loop3A_446 : i32 to vector<16xi32>
      %parallel_loop3A_460 = arith.addi %mul3A_47, %parallel_loop3A_459 : vector<16xi32>
      %parallel_loop3A_461 = tpu.vector_load_idx %arg12[%parallel_loop3A_460] : memref<8320xf32, #tpu.memory_space<vmem>>[vector<16xi32>], vector<16xf32>,
      %parallel_loop3A_462 = vector.broadcast %parallel_loop3A_446 : i32 to vector<16xi32>
      %parallel_loop3A_463 = arith.addi %mul3A_53, %parallel_loop3A_462 : vector<16xi32>
      %parallel_loop3A_464 = tpu.vector_load_idx %arg12[%parallel_loop3A_463] : memref<8320xf32, #tpu.memory_space<vmem>>[vector<16xi32>], vector<16xf32>,
      %parallel_loop3A_465 = vector.broadcast %parallel_loop3A_446 : i32 to vector<16xi32>
      %parallel_loop3A_466 = arith.addi %mul3A_59, %parallel_loop3A_465 : vector<16xi32>
      %parallel_loop3A_467 = tpu.vector_load_idx %arg12[%parallel_loop3A_466] : memref<8320xf32, #tpu.memory_space<vmem>>[vector<16xi32>], vector<16xf32>,
      %parallel_loop3A_468 = vector.broadcast %parallel_loop3A_446 : i32 to vector<16xi32>
      %parallel_loop3A_469 = arith.addi %mul3A_65, %parallel_loop3A_468 : vector<16xi32>
      %parallel_loop3A_470 = tpu.vector_load_idx %arg12[%parallel_loop3A_469] : memref<8320xf32, #tpu.memory_space<vmem>>[vector<16xi32>], vector<16xf32>,
      %parallel_loop3A_471 = vector.broadcast %parallel_loop3A_446 : i32 to vector<16xi32>
      %parallel_loop3A_472 = arith.addi %mul3A_71, %parallel_loop3A_471 : vector<16xi32>
      %parallel_loop3A_473 = tpu.vector_load_idx %arg12[%parallel_loop3A_472] : memref<8320xf32, #tpu.memory_space<vmem>>[vector<16xi32>], vector<16xf32>,
      %parallel_loop3A_474 = vector.broadcast %parallel_loop3A_446 : i32 to vector<16xi32>
      %parallel_loop3A_475 = arith.addi %mul3A_77, %parallel_loop3A_474 : vector<16xi32>
      %parallel_loop3A_476 = tpu.vector_load_idx %arg12[%parallel_loop3A_475] : memref<8320xf32, #tpu.memory_space<vmem>>[vector<16xi32>], vector<16xf32>,
      %parallel_loop3A_477 = arith.constant 0 : i32
      %parallel_loop3A_478 = arith.addi %parallel_loop3A_452, %parallel_loop3A_477 : i32
      %parallel_loop3A_479 = arith.index_cast %parallel_loop3A_448 : i32 to index
      %parallel_loop3A_480 = arith.index_cast %parallel_loop3A_478 : i32 to index
      %parallel_loop3A_481 = tpu.vector_load %arg14[%parallel_loop3A_479, %parallel_loop3A_480] {strides = array<i32>} : memref<8x1024xf32, #tpu.memory_space<vmem>>, vector<16xf32>,
      tpu.vector_store %arg14[%parallel_loop3A_479, %parallel_loop3A_480], %parallel_loop3A_455 {strides = array<i32>} : memref<8x1024xf32, #tpu.memory_space<vmem>>, vector<16xf32>,
      %parallel_loop3A_482 = arith.constant 16 : i32
      %parallel_loop3A_483 = arith.addi %parallel_loop3A_452, %parallel_loop3A_482 : i32
      %parallel_loop3A_484 = arith.index_cast %parallel_loop3A_448 : i32 to index
      %parallel_loop3A_485 = arith.index_cast %parallel_loop3A_483 : i32 to index
      %parallel_loop3A_486 = tpu.vector_load %arg14[%parallel_loop3A_484, %parallel_loop3A_485] {strides = array<i32>} : memref<8x1024xf32, #tpu.memory_space<vmem>>, vector<16xf32>,
      tpu.vector_store %arg14[%parallel_loop3A_484, %parallel_loop3A_485], %parallel_loop3A_458 {strides = array<i32>} : memref<8x1024xf32, #tpu.memory_space<vmem>>, vector<16xf32>,
      %parallel_loop3A_487 = arith.constant 32 : i32
      %parallel_loop3A_488 = arith.addi %parallel_loop3A_452, %parallel_loop3A_487 : i32
      %parallel_loop3A_489 = arith.index_cast %parallel_loop3A_448 : i32 to index
      %parallel_loop3A_490 = arith.index_cast %parallel_loop3A_488 : i32 to index
      %parallel_loop3A_491 = tpu.vector_load %arg14[%parallel_loop3A_489, %parallel_loop3A_490] {strides = array<i32>} : memref<8x1024xf32, #tpu.memory_space<vmem>>, vector<16xf32>,
      tpu.vector_store %arg14[%parallel_loop3A_489, %parallel_loop3A_490], %parallel_loop3A_461 {strides = array<i32>} : memref<8x1024xf32, #tpu.memory_space<vmem>>, vector<16xf32>,
      %parallel_loop3A_492 = arith.constant 48 : i32
      %parallel_loop3A_493 = arith.addi %parallel_loop3A_452, %parallel_loop3A_492 : i32
      %parallel_loop3A_494 = arith.index_cast %parallel_loop3A_448 : i32 to index
      %parallel_loop3A_495 = arith.index_cast %parallel_loop3A_493 : i32 to index
      %parallel_loop3A_496 = tpu.vector_load %arg14[%parallel_loop3A_494, %parallel_loop3A_495] {strides = array<i32>} : memref<8x1024xf32, #tpu.memory_space<vmem>>, vector<16xf32>,
      tpu.vector_store %arg14[%parallel_loop3A_494, %parallel_loop3A_495], %parallel_loop3A_464 {strides = array<i32>} : memref<8x1024xf32, #tpu.memory_space<vmem>>, vector<16xf32>,
      %parallel_loop3A_497 = arith.constant 64 : i32
      %parallel_loop3A_498 = arith.addi %parallel_loop3A_452, %parallel_loop3A_497 : i32
      %parallel_loop3A_499 = arith.index_cast %parallel_loop3A_448 : i32 to index
      %parallel_loop3A_500 = arith.index_cast %parallel_loop3A_498 : i32 to index
      %parallel_loop3A_501 = tpu.vector_load %arg14[%parallel_loop3A_499, %parallel_loop3A_500] {strides = array<i32>} : memref<8x1024xf32, #tpu.memory_space<vmem>>, vector<16xf32>,
      tpu.vector_store %arg14[%parallel_loop3A_499, %parallel_loop3A_500], %parallel_loop3A_467 {strides = array<i32>} : memref<8x1024xf32, #tpu.memory_space<vmem>>, vector<16xf32>,
      %parallel_loop3A_502 = arith.constant 80 : i32
      %parallel_loop3A_503 = arith.addi %parallel_loop3A_452, %parallel_loop3A_502 : i32
      %parallel_loop3A_504 = arith.index_cast %parallel_loop3A_448 : i32 to index
      %parallel_loop3A_505 = arith.index_cast %parallel_loop3A_503 : i32 to index
      %parallel_loop3A_506 = tpu.vector_load %arg14[%parallel_loop3A_504, %parallel_loop3A_505] {strides = array<i32>} : memref<8x1024xf32, #tpu.memory_space<vmem>>, vector<16xf32>,
      tpu.vector_store %arg14[%parallel_loop3A_504, %parallel_loop3A_505], %parallel_loop3A_470 {strides = array<i32>} : memref<8x1024xf32, #tpu.memory_space<vmem>>, vector<16xf32>,
      %parallel_loop3A_507 = arith.constant 96 : i32
      %parallel_loop3A_508 = arith.addi %parallel_loop3A_452, %parallel_loop3A_507 : i32
      %parallel_loop3A_509 = arith.index_cast %parallel_loop3A_448 : i32 to index
      %parallel_loop3A_510 = arith.index_cast %parallel_loop3A_508 : i32 to index
      %parallel_loop3A_511 = tpu.vector_load %arg14[%parallel_loop3A_509, %parallel_loop3A_510] {strides = array<i32>} : memref<8x1024xf32, #tpu.memory_space<vmem>>, vector<16xf32>,
      tpu.vector_store %arg14[%parallel_loop3A_509, %parallel_loop3A_510], %parallel_loop3A_473 {strides = array<i32>} : memref<8x1024xf32, #tpu.memory_space<vmem>>, vector<16xf32>,
      %parallel_loop3A_512 = arith.constant 112 : i32
      %parallel_loop3A_513 = arith.addi %parallel_loop3A_452, %parallel_loop3A_512 : i32
      %parallel_loop3A_514 = arith.index_cast %parallel_loop3A_448 : i32 to index
      %parallel_loop3A_515 = arith.index_cast %parallel_loop3A_513 : i32 to index
      %parallel_loop3A_516 = tpu.vector_load %arg14[%parallel_loop3A_514, %parallel_loop3A_515] {strides = array<i32>} : memref<8x1024xf32, #tpu.memory_space<vmem>>, vector<16xf32>,
      tpu.vector_store %arg14[%parallel_loop3A_514, %parallel_loop3A_515], %parallel_loop3A_476 {strides = array<i32>} : memref<8x1024xf32, #tpu.memory_space<vmem>>, vector<16xf32>,
    } {sc.loop_unroll_factor = 2 : i64, sc.parallel_access}
    %dma_start3A_160 = arith.constant 5 : i32
    %dma_start3A_161 = arith.constant 0 : i32
    %dma_start3A_162 = tpu.memref_slice %arg6[%dma_start3A_160, %dma_start3A_161] : memref<200x128xi32, #tpu.memory_space<vmem>> -> memref<1x128xi32, #tpu.memory_space<vmem>>
    %dma_start3A_163 = tpu.memref_squeeze %dma_start3A_162 : memref<1x128xi32, #tpu.memory_space<vmem>> -> memref<128xi32, #tpu.memory_space<vmem>>
    %dma_start3A_164 = arith.constant 0 : i32
    %dma_start3A_165 = arith.constant 0 : i32
    %dma_start3A_166 = tpu.memref_slice %arg2[%dma_start3A_164, %dma_start3A_165] : memref<2000000x64xf32, #tpu.memory_space<hbm>> -> memref<2000000x64xf32, #tpu.memory_space<hbm>>
    tpu.enqueue_indirect_dma source(%dma_start3A_166 : memref<2000000x64xf32, #tpu.memory_space<hbm>>) target(%arg9 : memref<128x64xf32, #tpu.memory_space<vmem>>) offsets(%dma_start3A_163 : memref<128xi32, #tpu.memory_space<vmem>>) semaphore(%arg18 : memref<!tpu.dma_semaphore, #tpu.memory_space<semaphore_mem>>)
    %dma_start3A_167 = arith.constant 1 : i32
    %dma_start3A_168 = arith.constant 0 : i32
    %dma_start3A_169 = arith.constant 0 : i32
    %dma_start3A_170 = tpu.memref_slice %arg5[%dma_start3A_167, %dma_start3A_168, %add3A, %dma_start3A_169] : memref<200x8x32x1024xf32, #tpu.memory_space<hbm>> -> memref<1x8x1x1024xf32, #tpu.memory_space<hbm>>
    %dma_start3A_171 = tpu.memref_squeeze %dma_start3A_170 : memref<1x8x1x1024xf32, #tpu.memory_space<hbm>> -> memref<8x1024xf32, #tpu.memory_space<hbm>>
    %dma_start3A_172 = arith.constant 0 : i32
    %dma_start3A_173 = arith.constant 0 : i32
    %dma_start3A_174 = tpu.memref_slice %arg5[%dma_start3A_167, %dma_start3A_172, %add3A, %dma_start3A_173] : memref<200x8x32x1024xf32, #tpu.memory_space<hbm>> -> memref<1x8x1x1024xf32, #tpu.memory_space<hbm>>
    %dma_start3A_175 = tpu.memref_squeeze %dma_start3A_174 : memref<1x8x1x1024xf32, #tpu.memory_space<hbm>> -> memref<8x1024xf32, #tpu.memory_space<hbm>>
    tpu.enqueue_dma source(%arg14 : memref<8x1024xf32, #tpu.memory_space<vmem>>) target(%dma_start3A_175 : memref<8x1024xf32, #tpu.memory_space<hbm>>) target_semaphore(%arg22 : memref<!tpu.dma_semaphore, #tpu.memory_space<semaphore_mem>>)
    %dma_wait3A_176 = arith.constant 2 : i32
    %dma_wait3A_177 = arith.constant 0 : i32
    %dma_wait3A_178 = tpu.memref_slice %arg6[%dma_wait3A_176, %dma_wait3A_177] : memref<200x128xi32, #tpu.memory_space<vmem>> -> memref<1x128xi32, #tpu.memory_space<vmem>>
    %dma_wait3A_179 = tpu.memref_squeeze %dma_wait3A_178 : memref<1x128xi32, #tpu.memory_space<vmem>> -> memref<128xi32, #tpu.memory_space<vmem>>
    %dma_wait3A_180 = arith.constant 0 : i32
    %dma_wait3A_181 = arith.constant 0 : i32
    %dma_wait3A_182 = tpu.memref_slice %arg2[%dma_wait3A_180, %dma_wait3A_181] : memref<2000000x64xf32, #tpu.memory_space<hbm>> -> memref<2000000x64xf32, #tpu.memory_space<hbm>>
    tpu.wait_indirect_dma semaphore(%arg19 : memref<!tpu.dma_semaphore, #tpu.memory_space<semaphore_mem>>) src(%dma_wait3A_182 : memref<2000000x64xf32, #tpu.memory_space<hbm>>) dst(%arg10 : memref<128x64xf32, #tpu.memory_space<vmem>>)
    %get3A_183 = arith.constant 128 : index
    %get3A_184 = tpu.vector_load %arg7[%get3A_183] {strides = array<i32>} : memref<12800xf32, #tpu.memory_space<vmem>>, vector<16xf32>,
    %get3A_185 = arith.constant 144 : index
    %get3A_186 = tpu.vector_load %arg7[%get3A_185] {strides = array<i32>} : memref<12800xf32, #tpu.memory_space<vmem>>, vector<16xf32>,
    %get3A_187 = arith.constant 160 : index
    %get3A_188 = tpu.vector_load %arg7[%get3A_187] {strides = array<i32>} : memref<12800xf32, #tpu.memory_space<vmem>>, vector<16xf32>,
    %get3A_189 = arith.constant 176 : index
    %get3A_190 = tpu.vector_load %arg7[%get3A_189] {strides = array<i32>} : memref<12800xf32, #tpu.memory_space<vmem>>, vector<16xf32>,
    %parallel_loop3A_191 = arith.constant 0 : i32
    %parallel_loop3A_192 = arith.constant 128 : i32
    %parallel_loop3A_193 = arith.constant 1 : i32
    scf.for %parallel_loop3A_446 = %parallel_loop3A_191 to %parallel_loop3A_192 step %parallel_loop3A_193  : i32 {
      %parallel_loop3A_447 = arith.index_cast %parallel_loop3A_446 : i32 to index
      %parallel_loop3A_448 = arith.constant 0 : index
      %parallel_loop3A_449 = tpu.vector_load %arg10[%parallel_loop3A_447, %parallel_loop3A_448] {strides = array<i32>} : memref<128x64xf32, #tpu.memory_space<vmem>>, vector<16xf32>,
      %parallel_loop3A_450 = arith.addf %parallel_loop3A_449, %get3A_184 : vector<16xf32>
      %parallel_loop3A_451 = arith.constant 65 : i32
      %parallel_loop3A_452 = arith.muli %parallel_loop3A_446, %parallel_loop3A_451 : i32
      %parallel_loop3A_453 = arith.constant 0 : i32
      %parallel_loop3A_454 = arith.addi %parallel_loop3A_452, %parallel_loop3A_453 : i32
      %parallel_loop3A_455 = arith.index_cast %parallel_loop3A_454 : i32 to index
      %parallel_loop3A_456 = tpu.vector_load %arg12[%parallel_loop3A_455] {strides = array<i32>} : memref<8320xf32, #tpu.memory_space<vmem>>, vector<16xf32>,
      tpu.vector_store %arg12[%parallel_loop3A_455], %parallel_loop3A_450 {strides = array<i32>} : memref<8320xf32, #tpu.memory_space<vmem>>, vector<16xf32>,
      %parallel_loop3A_457 = arith.index_cast %parallel_loop3A_446 : i32 to index
      %parallel_loop3A_458 = arith.constant 16 : index
      %parallel_loop3A_459 = tpu.vector_load %arg10[%parallel_loop3A_457, %parallel_loop3A_458] {strides = array<i32>} : memref<128x64xf32, #tpu.memory_space<vmem>>, vector<16xf32>,
      %parallel_loop3A_460 = arith.addf %parallel_loop3A_459, %get3A_186 : vector<16xf32>
      %parallel_loop3A_461 = arith.constant 65 : i32
      %parallel_loop3A_462 = arith.muli %parallel_loop3A_446, %parallel_loop3A_461 : i32
      %parallel_loop3A_463 = arith.constant 16 : i32
      %parallel_loop3A_464 = arith.addi %parallel_loop3A_462, %parallel_loop3A_463 : i32
      %parallel_loop3A_465 = arith.index_cast %parallel_loop3A_464 : i32 to index
      %parallel_loop3A_466 = tpu.vector_load %arg12[%parallel_loop3A_465] {strides = array<i32>} : memref<8320xf32, #tpu.memory_space<vmem>>, vector<16xf32>,
      tpu.vector_store %arg12[%parallel_loop3A_465], %parallel_loop3A_460 {strides = array<i32>} : memref<8320xf32, #tpu.memory_space<vmem>>, vector<16xf32>,
      %parallel_loop3A_467 = arith.index_cast %parallel_loop3A_446 : i32 to index
      %parallel_loop3A_468 = arith.constant 32 : index
      %parallel_loop3A_469 = tpu.vector_load %arg10[%parallel_loop3A_467, %parallel_loop3A_468] {strides = array<i32>} : memref<128x64xf32, #tpu.memory_space<vmem>>, vector<16xf32>,
      %parallel_loop3A_470 = arith.addf %parallel_loop3A_469, %get3A_188 : vector<16xf32>
      %parallel_loop3A_471 = arith.constant 65 : i32
      %parallel_loop3A_472 = arith.muli %parallel_loop3A_446, %parallel_loop3A_471 : i32
      %parallel_loop3A_473 = arith.constant 32 : i32
      %parallel_loop3A_474 = arith.addi %parallel_loop3A_472, %parallel_loop3A_473 : i32
      %parallel_loop3A_475 = arith.index_cast %parallel_loop3A_474 : i32 to index
      %parallel_loop3A_476 = tpu.vector_load %arg12[%parallel_loop3A_475] {strides = array<i32>} : memref<8320xf32, #tpu.memory_space<vmem>>, vector<16xf32>,
      tpu.vector_store %arg12[%parallel_loop3A_475], %parallel_loop3A_470 {strides = array<i32>} : memref<8320xf32, #tpu.memory_space<vmem>>, vector<16xf32>,
      %parallel_loop3A_477 = arith.index_cast %parallel_loop3A_446 : i32 to index
      %parallel_loop3A_478 = arith.constant 48 : index
      %parallel_loop3A_479 = tpu.vector_load %arg10[%parallel_loop3A_477, %parallel_loop3A_478] {strides = array<i32>} : memref<128x64xf32, #tpu.memory_space<vmem>>, vector<16xf32>,
      %parallel_loop3A_480 = arith.addf %parallel_loop3A_479, %get3A_190 : vector<16xf32>
      %parallel_loop3A_481 = arith.constant 65 : i32
      %parallel_loop3A_482 = arith.muli %parallel_loop3A_446, %parallel_loop3A_481 : i32
      %parallel_loop3A_483 = arith.constant 48 : i32
      %parallel_loop3A_484 = arith.addi %parallel_loop3A_482, %parallel_loop3A_483 : i32
      %parallel_loop3A_485 = arith.index_cast %parallel_loop3A_484 : i32 to index
      %parallel_loop3A_486 = tpu.vector_load %arg12[%parallel_loop3A_485] {strides = array<i32>} : memref<8320xf32, #tpu.memory_space<vmem>>, vector<16xf32>,
      tpu.vector_store %arg12[%parallel_loop3A_485], %parallel_loop3A_480 {strides = array<i32>} : memref<8320xf32, #tpu.memory_space<vmem>>, vector<16xf32>,
    } {sc.loop_unroll_factor = 2 : i64, sc.parallel_access}
    %parallel_loop3A_194 = arith.constant 0 : i32
    %parallel_loop3A_195 = arith.constant 64 : i32
    %parallel_loop3A_196 = arith.constant 1 : i32
    scf.for %parallel_loop3A_446 = %parallel_loop3A_194 to %parallel_loop3A_195 step %parallel_loop3A_196  : i32 {
      %parallel_loop3A_447 = arith.constant 3 : i32
      %parallel_loop3A_448 = arith.shrsi %parallel_loop3A_446, %parallel_loop3A_447 : i32
      %parallel_loop3A_449 = arith.constant 7 : i32
      %parallel_loop3A_450 = arith.andi %parallel_loop3A_446, %parallel_loop3A_449 : i32
      %parallel_loop3A_451 = arith.constant 128 : i32
      %parallel_loop3A_452 = arith.muli %parallel_loop3A_450, %parallel_loop3A_451 : i32
      %parallel_loop3A_453 = vector.broadcast %parallel_loop3A_446 : i32 to vector<16xi32>
      %parallel_loop3A_454 = arith.addi %mul3A_35, %parallel_loop3A_453 : vector<16xi32>
      %parallel_loop3A_455 = tpu.vector_load_idx %arg12[%parallel_loop3A_454] : memref<8320xf32, #tpu.memory_space<vmem>>[vector<16xi32>], vector<16xf32>,
      %parallel_loop3A_456 = vector.broadcast %parallel_loop3A_446 : i32 to vector<16xi32>
      %parallel_loop3A_457 = arith.addi %mul3A_41, %parallel_loop3A_456 : vector<16xi32>
      %parallel_loop3A_458 = tpu.vector_load_idx %arg12[%parallel_loop3A_457] : memref<8320xf32, #tpu.memory_space<vmem>>[vector<16xi32>], vector<16xf32>,
      %parallel_loop3A_459 = vector.broadcast %parallel_loop3A_446 : i32 to vector<16xi32>
      %parallel_loop3A_460 = arith.addi %mul3A_47, %parallel_loop3A_459 : vector<16xi32>
      %parallel_loop3A_461 = tpu.vector_load_idx %arg12[%parallel_loop3A_460] : memref<8320xf32, #tpu.memory_space<vmem>>[vector<16xi32>], vector<16xf32>,
      %parallel_loop3A_462 = vector.broadcast %parallel_loop3A_446 : i32 to vector<16xi32>
      %parallel_loop3A_463 = arith.addi %mul3A_53, %parallel_loop3A_462 : vector<16xi32>
      %parallel_loop3A_464 = tpu.vector_load_idx %arg12[%parallel_loop3A_463] : memref<8320xf32, #tpu.memory_space<vmem>>[vector<16xi32>], vector<16xf32>,
      %parallel_loop3A_465 = vector.broadcast %parallel_loop3A_446 : i32 to vector<16xi32>
      %parallel_loop3A_466 = arith.addi %mul3A_59, %parallel_loop3A_465 : vector<16xi32>
      %parallel_loop3A_467 = tpu.vector_load_idx %arg12[%parallel_loop3A_466] : memref<8320xf32, #tpu.memory_space<vmem>>[vector<16xi32>], vector<16xf32>,
      %parallel_loop3A_468 = vector.broadcast %parallel_loop3A_446 : i32 to vector<16xi32>
      %parallel_loop3A_469 = arith.addi %mul3A_65, %parallel_loop3A_468 : vector<16xi32>
      %parallel_loop3A_470 = tpu.vector_load_idx %arg12[%parallel_loop3A_469] : memref<8320xf32, #tpu.memory_space<vmem>>[vector<16xi32>], vector<16xf32>,
      %parallel_loop3A_471 = vector.broadcast %parallel_loop3A_446 : i32 to vector<16xi32>
      %parallel_loop3A_472 = arith.addi %mul3A_71, %parallel_loop3A_471 : vector<16xi32>
      %parallel_loop3A_473 = tpu.vector_load_idx %arg12[%parallel_loop3A_472] : memref<8320xf32, #tpu.memory_space<vmem>>[vector<16xi32>], vector<16xf32>,
      %parallel_loop3A_474 = vector.broadcast %parallel_loop3A_446 : i32 to vector<16xi32>
      %parallel_loop3A_475 = arith.addi %mul3A_77, %parallel_loop3A_474 : vector<16xi32>
      %parallel_loop3A_476 = tpu.vector_load_idx %arg12[%parallel_loop3A_475] : memref<8320xf32, #tpu.memory_space<vmem>>[vector<16xi32>], vector<16xf32>,
      %parallel_loop3A_477 = arith.constant 0 : i32
      %parallel_loop3A_478 = arith.addi %parallel_loop3A_452, %parallel_loop3A_477 : i32
      %parallel_loop3A_479 = arith.index_cast %parallel_loop3A_448 : i32 to index
      %parallel_loop3A_480 = arith.index_cast %parallel_loop3A_478 : i32 to index
      %parallel_loop3A_481 = tpu.vector_load %arg15[%parallel_loop3A_479, %parallel_loop3A_480] {strides = array<i32>} : memref<8x1024xf32, #tpu.memory_space<vmem>>, vector<16xf32>,
      tpu.vector_store %arg15[%parallel_loop3A_479, %parallel_loop3A_480], %parallel_loop3A_455 {strides = array<i32>} : memref<8x1024xf32, #tpu.memory_space<vmem>>, vector<16xf32>,
      %parallel_loop3A_482 = arith.constant 16 : i32
      %parallel_loop3A_483 = arith.addi %parallel_loop3A_452, %parallel_loop3A_482 : i32
      %parallel_loop3A_484 = arith.index_cast %parallel_loop3A_448 : i32 to index
      %parallel_loop3A_485 = arith.index_cast %parallel_loop3A_483 : i32 to index
      %parallel_loop3A_486 = tpu.vector_load %arg15[%parallel_loop3A_484, %parallel_loop3A_485] {strides = array<i32>} : memref<8x1024xf32, #tpu.memory_space<vmem>>, vector<16xf32>,
      tpu.vector_store %arg15[%parallel_loop3A_484, %parallel_loop3A_485], %parallel_loop3A_458 {strides = array<i32>} : memref<8x1024xf32, #tpu.memory_space<vmem>>, vector<16xf32>,
      %parallel_loop3A_487 = arith.constant 32 : i32
      %parallel_loop3A_488 = arith.addi %parallel_loop3A_452, %parallel_loop3A_487 : i32
      %parallel_loop3A_489 = arith.index_cast %parallel_loop3A_448 : i32 to index
      %parallel_loop3A_490 = arith.index_cast %parallel_loop3A_488 : i32 to index
      %parallel_loop3A_491 = tpu.vector_load %arg15[%parallel_loop3A_489, %parallel_loop3A_490] {strides = array<i32>} : memref<8x1024xf32, #tpu.memory_space<vmem>>, vector<16xf32>,
      tpu.vector_store %arg15[%parallel_loop3A_489, %parallel_loop3A_490], %parallel_loop3A_461 {strides = array<i32>} : memref<8x1024xf32, #tpu.memory_space<vmem>>, vector<16xf32>,
      %parallel_loop3A_492 = arith.constant 48 : i32
      %parallel_loop3A_493 = arith.addi %parallel_loop3A_452, %parallel_loop3A_492 : i32
      %parallel_loop3A_494 = arith.index_cast %parallel_loop3A_448 : i32 to index
      %parallel_loop3A_495 = arith.index_cast %parallel_loop3A_493 : i32 to index
      %parallel_loop3A_496 = tpu.vector_load %arg15[%parallel_loop3A_494, %parallel_loop3A_495] {strides = array<i32>} : memref<8x1024xf32, #tpu.memory_space<vmem>>, vector<16xf32>,
      tpu.vector_store %arg15[%parallel_loop3A_494, %parallel_loop3A_495], %parallel_loop3A_464 {strides = array<i32>} : memref<8x1024xf32, #tpu.memory_space<vmem>>, vector<16xf32>,
      %parallel_loop3A_497 = arith.constant 64 : i32
      %parallel_loop3A_498 = arith.addi %parallel_loop3A_452, %parallel_loop3A_497 : i32
      %parallel_loop3A_499 = arith.index_cast %parallel_loop3A_448 : i32 to index
      %parallel_loop3A_500 = arith.index_cast %parallel_loop3A_498 : i32 to index
      %parallel_loop3A_501 = tpu.vector_load %arg15[%parallel_loop3A_499, %parallel_loop3A_500] {strides = array<i32>} : memref<8x1024xf32, #tpu.memory_space<vmem>>, vector<16xf32>,
      tpu.vector_store %arg15[%parallel_loop3A_499, %parallel_loop3A_500], %parallel_loop3A_467 {strides = array<i32>} : memref<8x1024xf32, #tpu.memory_space<vmem>>, vector<16xf32>,
      %parallel_loop3A_502 = arith.constant 80 : i32
      %parallel_loop3A_503 = arith.addi %parallel_loop3A_452, %parallel_loop3A_502 : i32
      %parallel_loop3A_504 = arith.index_cast %parallel_loop3A_448 : i32 to index
      %parallel_loop3A_505 = arith.index_cast %parallel_loop3A_503 : i32 to index
      %parallel_loop3A_506 = tpu.vector_load %arg15[%parallel_loop3A_504, %parallel_loop3A_505] {strides = array<i32>} : memref<8x1024xf32, #tpu.memory_space<vmem>>, vector<16xf32>,
      tpu.vector_store %arg15[%parallel_loop3A_504, %parallel_loop3A_505], %parallel_loop3A_470 {strides = array<i32>} : memref<8x1024xf32, #tpu.memory_space<vmem>>, vector<16xf32>,
      %parallel_loop3A_507 = arith.constant 96 : i32
      %parallel_loop3A_508 = arith.addi %parallel_loop3A_452, %parallel_loop3A_507 : i32
      %parallel_loop3A_509 = arith.index_cast %parallel_loop3A_448 : i32 to index
      %parallel_loop3A_510 = arith.index_cast %parallel_loop3A_508 : i32 to index
      %parallel_loop3A_511 = tpu.vector_load %arg15[%parallel_loop3A_509, %parallel_loop3A_510] {strides = array<i32>} : memref<8x1024xf32, #tpu.memory_space<vmem>>, vector<16xf32>,
      tpu.vector_store %arg15[%parallel_loop3A_509, %parallel_loop3A_510], %parallel_loop3A_473 {strides = array<i32>} : memref<8x1024xf32, #tpu.memory_space<vmem>>, vector<16xf32>,
      %parallel_loop3A_512 = arith.constant 112 : i32
      %parallel_loop3A_513 = arith.addi %parallel_loop3A_452, %parallel_loop3A_512 : i32
      %parallel_loop3A_514 = arith.index_cast %parallel_loop3A_448 : i32 to index
      %parallel_loop3A_515 = arith.index_cast %parallel_loop3A_513 : i32 to index
      %parallel_loop3A_516 = tpu.vector_load %arg15[%parallel_loop3A_514, %parallel_loop3A_515] {strides = array<i32>} : memref<8x1024xf32, #tpu.memory_space<vmem>>, vector<16xf32>,
      tpu.vector_store %arg15[%parallel_loop3A_514, %parallel_loop3A_515], %parallel_loop3A_476 {strides = array<i32>} : memref<8x1024xf32, #tpu.memory_space<vmem>>, vector<16xf32>,
    } {sc.loop_unroll_factor = 2 : i64, sc.parallel_access}
    %dma_start3A_197 = arith.constant 6 : i32
    %dma_start3A_198 = arith.constant 0 : i32
    %dma_start3A_199 = tpu.memref_slice %arg6[%dma_start3A_197, %dma_start3A_198] : memref<200x128xi32, #tpu.memory_space<vmem>> -> memref<1x128xi32, #tpu.memory_space<vmem>>
    %dma_start3A_200 = tpu.memref_squeeze %dma_start3A_199 : memref<1x128xi32, #tpu.memory_space<vmem>> -> memref<128xi32, #tpu.memory_space<vmem>>
    %dma_start3A_201 = arith.constant 0 : i32
    %dma_start3A_202 = arith.constant 0 : i32
    %dma_start3A_203 = tpu.memref_slice %arg2[%dma_start3A_201, %dma_start3A_202] : memref<2000000x64xf32, #tpu.memory_space<hbm>> -> memref<2000000x64xf32, #tpu.memory_space<hbm>>
    tpu.enqueue_indirect_dma source(%dma_start3A_203 : memref<2000000x64xf32, #tpu.memory_space<hbm>>) target(%arg10 : memref<128x64xf32, #tpu.memory_space<vmem>>) offsets(%dma_start3A_200 : memref<128xi32, #tpu.memory_space<vmem>>) semaphore(%arg19 : memref<!tpu.dma_semaphore, #tpu.memory_space<semaphore_mem>>)
    %dma_start3A_204 = arith.constant 2 : i32
    %dma_start3A_205 = arith.constant 0 : i32
    %dma_start3A_206 = arith.constant 0 : i32
    %dma_start3A_207 = tpu.memref_slice %arg5[%dma_start3A_204, %dma_start3A_205, %add3A, %dma_start3A_206] : memref<200x8x32x1024xf32, #tpu.memory_space<hbm>> -> memref<1x8x1x1024xf32, #tpu.memory_space<hbm>>
    %dma_start3A_208 = tpu.memref_squeeze %dma_start3A_207 : memref<1x8x1x1024xf32, #tpu.memory_space<hbm>> -> memref<8x1024xf32, #tpu.memory_space<hbm>>
    %dma_start3A_209 = arith.constant 0 : i32
    %dma_start3A_210 = arith.constant 0 : i32
    %dma_start3A_211 = tpu.memref_slice %arg5[%dma_start3A_204, %dma_start3A_209, %add3A, %dma_start3A_210] : memref<200x8x32x1024xf32, #tpu.memory_space<hbm>> -> memref<1x8x1x1024xf32, #tpu.memory_space<hbm>>
    %dma_start3A_212 = tpu.memref_squeeze %dma_start3A_211 : memref<1x8x1x1024xf32, #tpu.memory_space<hbm>> -> memref<8x1024xf32, #tpu.memory_space<hbm>>
    tpu.enqueue_dma source(%arg15 : memref<8x1024xf32, #tpu.memory_space<vmem>>) target(%dma_start3A_212 : memref<8x1024xf32, #tpu.memory_space<hbm>>) target_semaphore(%arg23 : memref<!tpu.dma_semaphore, #tpu.memory_space<semaphore_mem>>)
    %dma_wait3A_213 = arith.constant 3 : i32
    %dma_wait3A_214 = arith.constant 0 : i32
    %dma_wait3A_215 = tpu.memref_slice %arg6[%dma_wait3A_213, %dma_wait3A_214] : memref<200x128xi32, #tpu.memory_space<vmem>> -> memref<1x128xi32, #tpu.memory_space<vmem>>
    %dma_wait3A_216 = tpu.memref_squeeze %dma_wait3A_215 : memref<1x128xi32, #tpu.memory_space<vmem>> -> memref<128xi32, #tpu.memory_space<vmem>>
    %dma_wait3A_217 = arith.constant 0 : i32
    %dma_wait3A_218 = arith.constant 0 : i32
    %dma_wait3A_219 = tpu.memref_slice %arg2[%dma_wait3A_217, %dma_wait3A_218] : memref<2000000x64xf32, #tpu.memory_space<hbm>> -> memref<2000000x64xf32, #tpu.memory_space<hbm>>
    tpu.wait_indirect_dma semaphore(%arg20 : memref<!tpu.dma_semaphore, #tpu.memory_space<semaphore_mem>>) src(%dma_wait3A_219 : memref<2000000x64xf32, #tpu.memory_space<hbm>>) dst(%arg11 : memref<128x64xf32, #tpu.memory_space<vmem>>)
    %get3A_220 = arith.constant 192 : index
    %get3A_221 = tpu.vector_load %arg7[%get3A_220] {strides = array<i32>} : memref<12800xf32, #tpu.memory_space<vmem>>, vector<16xf32>,
    %get3A_222 = arith.constant 208 : index
    %get3A_223 = tpu.vector_load %arg7[%get3A_222] {strides = array<i32>} : memref<12800xf32, #tpu.memory_space<vmem>>, vector<16xf32>,
    %get3A_224 = arith.constant 224 : index
    %get3A_225 = tpu.vector_load %arg7[%get3A_224] {strides = array<i32>} : memref<12800xf32, #tpu.memory_space<vmem>>, vector<16xf32>,
    %get3A_226 = arith.constant 240 : index
    %get3A_227 = tpu.vector_load %arg7[%get3A_226] {strides = array<i32>} : memref<12800xf32, #tpu.memory_space<vmem>>, vector<16xf32>,
    %parallel_loop3A_228 = arith.constant 0 : i32
    %parallel_loop3A_229 = arith.constant 128 : i32
    %parallel_loop3A_230 = arith.constant 1 : i32
    scf.for %parallel_loop3A_446 = %parallel_loop3A_228 to %parallel_loop3A_229 step %parallel_loop3A_230  : i32 {
      %parallel_loop3A_447 = arith.index_cast %parallel_loop3A_446 : i32 to index
      %parallel_loop3A_448 = arith.constant 0 : index
      %parallel_loop3A_449 = tpu.vector_load %arg11[%parallel_loop3A_447, %parallel_loop3A_448] {strides = array<i32>} : memref<128x64xf32, #tpu.memory_space<vmem>>, vector<16xf32>,
      %parallel_loop3A_450 = arith.addf %parallel_loop3A_449, %get3A_221 : vector<16xf32>
      %parallel_loop3A_451 = arith.constant 65 : i32
      %parallel_loop3A_452 = arith.muli %parallel_loop3A_446, %parallel_loop3A_451 : i32
      %parallel_loop3A_453 = arith.constant 0 : i32
      %parallel_loop3A_454 = arith.addi %parallel_loop3A_452, %parallel_loop3A_453 : i32
      %parallel_loop3A_455 = arith.index_cast %parallel_loop3A_454 : i32 to index
      %parallel_loop3A_456 = tpu.vector_load %arg12[%parallel_loop3A_455] {strides = array<i32>} : memref<8320xf32, #tpu.memory_space<vmem>>, vector<16xf32>,
      tpu.vector_store %arg12[%parallel_loop3A_455], %parallel_loop3A_450 {strides = array<i32>} : memref<8320xf32, #tpu.memory_space<vmem>>, vector<16xf32>,
      %parallel_loop3A_457 = arith.index_cast %parallel_loop3A_446 : i32 to index
      %parallel_loop3A_458 = arith.constant 16 : index
      %parallel_loop3A_459 = tpu.vector_load %arg11[%parallel_loop3A_457, %parallel_loop3A_458] {strides = array<i32>} : memref<128x64xf32, #tpu.memory_space<vmem>>, vector<16xf32>,
      %parallel_loop3A_460 = arith.addf %parallel_loop3A_459, %get3A_223 : vector<16xf32>
      %parallel_loop3A_461 = arith.constant 65 : i32
      %parallel_loop3A_462 = arith.muli %parallel_loop3A_446, %parallel_loop3A_461 : i32
      %parallel_loop3A_463 = arith.constant 16 : i32
      %parallel_loop3A_464 = arith.addi %parallel_loop3A_462, %parallel_loop3A_463 : i32
      %parallel_loop3A_465 = arith.index_cast %parallel_loop3A_464 : i32 to index
      %parallel_loop3A_466 = tpu.vector_load %arg12[%parallel_loop3A_465] {strides = array<i32>} : memref<8320xf32, #tpu.memory_space<vmem>>, vector<16xf32>,
      tpu.vector_store %arg12[%parallel_loop3A_465], %parallel_loop3A_460 {strides = array<i32>} : memref<8320xf32, #tpu.memory_space<vmem>>, vector<16xf32>,
      %parallel_loop3A_467 = arith.index_cast %parallel_loop3A_446 : i32 to index
      %parallel_loop3A_468 = arith.constant 32 : index
      %parallel_loop3A_469 = tpu.vector_load %arg11[%parallel_loop3A_467, %parallel_loop3A_468] {strides = array<i32>} : memref<128x64xf32, #tpu.memory_space<vmem>>, vector<16xf32>,
      %parallel_loop3A_470 = arith.addf %parallel_loop3A_469, %get3A_225 : vector<16xf32>
      %parallel_loop3A_471 = arith.constant 65 : i32
      %parallel_loop3A_472 = arith.muli %parallel_loop3A_446, %parallel_loop3A_471 : i32
      %parallel_loop3A_473 = arith.constant 32 : i32
      %parallel_loop3A_474 = arith.addi %parallel_loop3A_472, %parallel_loop3A_473 : i32
      %parallel_loop3A_475 = arith.index_cast %parallel_loop3A_474 : i32 to index
      %parallel_loop3A_476 = tpu.vector_load %arg12[%parallel_loop3A_475] {strides = array<i32>} : memref<8320xf32, #tpu.memory_space<vmem>>, vector<16xf32>,
      tpu.vector_store %arg12[%parallel_loop3A_475], %parallel_loop3A_470 {strides = array<i32>} : memref<8320xf32, #tpu.memory_space<vmem>>, vector<16xf32>,
      %parallel_loop3A_477 = arith.index_cast %parallel_loop3A_446 : i32 to index
      %parallel_loop3A_478 = arith.constant 48 : index
      %parallel_loop3A_479 = tpu.vector_load %arg11[%parallel_loop3A_477, %parallel_loop3A_478] {strides = array<i32>} : memref<128x64xf32, #tpu.memory_space<vmem>>, vector<16xf32>,
      %parallel_loop3A_480 = arith.addf %parallel_loop3A_479, %get3A_227 : vector<16xf32>
      %parallel_loop3A_481 = arith.constant 65 : i32
      %parallel_loop3A_482 = arith.muli %parallel_loop3A_446, %parallel_loop3A_481 : i32
      %parallel_loop3A_483 = arith.constant 48 : i32
      %parallel_loop3A_484 = arith.addi %parallel_loop3A_482, %parallel_loop3A_483 : i32
      %parallel_loop3A_485 = arith.index_cast %parallel_loop3A_484 : i32 to index
      %parallel_loop3A_486 = tpu.vector_load %arg12[%parallel_loop3A_485] {strides = array<i32>} : memref<8320xf32, #tpu.memory_space<vmem>>, vector<16xf32>,
      tpu.vector_store %arg12[%parallel_loop3A_485], %parallel_loop3A_480 {strides = array<i32>} : memref<8320xf32, #tpu.memory_space<vmem>>, vector<16xf32>,
    } {sc.loop_unroll_factor = 2 : i64, sc.parallel_access}
    %parallel_loop3A_231 = arith.constant 0 : i32
    %parallel_loop3A_232 = arith.constant 64 : i32
    %parallel_loop3A_233 = arith.constant 1 : i32
    scf.for %parallel_loop3A_446 = %parallel_loop3A_231 to %parallel_loop3A_232 step %parallel_loop3A_233  : i32 {
      %parallel_loop3A_447 = arith.constant 3 : i32
      %parallel_loop3A_448 = arith.shrsi %parallel_loop3A_446, %parallel_loop3A_447 : i32
      %parallel_loop3A_449 = arith.constant 7 : i32
      %parallel_loop3A_450 = arith.andi %parallel_loop3A_446, %parallel_loop3A_449 : i32
      %parallel_loop3A_451 = arith.constant 128 : i32
      %parallel_loop3A_452 = arith.muli %parallel_loop3A_450, %parallel_loop3A_451 : i32
      %parallel_loop3A_453 = vector.broadcast %parallel_loop3A_446 : i32 to vector<16xi32>
      %parallel_loop3A_454 = arith.addi %mul3A_35, %parallel_loop3A_453 : vector<16xi32>
      %parallel_loop3A_455 = tpu.vector_load_idx %arg12[%parallel_loop3A_454] : memref<8320xf32, #tpu.memory_space<vmem>>[vector<16xi32>], vector<16xf32>,
      %parallel_loop3A_456 = vector.broadcast %parallel_loop3A_446 : i32 to vector<16xi32>
      %parallel_loop3A_457 = arith.addi %mul3A_41, %parallel_loop3A_456 : vector<16xi32>
      %parallel_loop3A_458 = tpu.vector_load_idx %arg12[%parallel_loop3A_457] : memref<8320xf32, #tpu.memory_space<vmem>>[vector<16xi32>], vector<16xf32>,
      %parallel_loop3A_459 = vector.broadcast %parallel_loop3A_446 : i32 to vector<16xi32>
      %parallel_loop3A_460 = arith.addi %mul3A_47, %parallel_loop3A_459 : vector<16xi32>
      %parallel_loop3A_461 = tpu.vector_load_idx %arg12[%parallel_loop3A_460] : memref<8320xf32, #tpu.memory_space<vmem>>[vector<16xi32>], vector<16xf32>,
      %parallel_loop3A_462 = vector.broadcast %parallel_loop3A_446 : i32 to vector<16xi32>
      %parallel_loop3A_463 = arith.addi %mul3A_53, %parallel_loop3A_462 : vector<16xi32>
      %parallel_loop3A_464 = tpu.vector_load_idx %arg12[%parallel_loop3A_463] : memref<8320xf32, #tpu.memory_space<vmem>>[vector<16xi32>], vector<16xf32>,
      %parallel_loop3A_465 = vector.broadcast %parallel_loop3A_446 : i32 to vector<16xi32>
      %parallel_loop3A_466 = arith.addi %mul3A_59, %parallel_loop3A_465 : vector<16xi32>
      %parallel_loop3A_467 = tpu.vector_load_idx %arg12[%parallel_loop3A_466] : memref<8320xf32, #tpu.memory_space<vmem>>[vector<16xi32>], vector<16xf32>,
      %parallel_loop3A_468 = vector.broadcast %parallel_loop3A_446 : i32 to vector<16xi32>
      %parallel_loop3A_469 = arith.addi %mul3A_65, %parallel_loop3A_468 : vector<16xi32>
      %parallel_loop3A_470 = tpu.vector_load_idx %arg12[%parallel_loop3A_469] : memref<8320xf32, #tpu.memory_space<vmem>>[vector<16xi32>], vector<16xf32>,
      %parallel_loop3A_471 = vector.broadcast %parallel_loop3A_446 : i32 to vector<16xi32>
      %parallel_loop3A_472 = arith.addi %mul3A_71, %parallel_loop3A_471 : vector<16xi32>
      %parallel_loop3A_473 = tpu.vector_load_idx %arg12[%parallel_loop3A_472] : memref<8320xf32, #tpu.memory_space<vmem>>[vector<16xi32>], vector<16xf32>,
      %parallel_loop3A_474 = vector.broadcast %parallel_loop3A_446 : i32 to vector<16xi32>
      %parallel_loop3A_475 = arith.addi %mul3A_77, %parallel_loop3A_474 : vector<16xi32>
      %parallel_loop3A_476 = tpu.vector_load_idx %arg12[%parallel_loop3A_475] : memref<8320xf32, #tpu.memory_space<vmem>>[vector<16xi32>], vector<16xf32>,
      %parallel_loop3A_477 = arith.constant 0 : i32
      %parallel_loop3A_478 = arith.addi %parallel_loop3A_452, %parallel_loop3A_477 : i32
      %parallel_loop3A_479 = arith.index_cast %parallel_loop3A_448 : i32 to index
      %parallel_loop3A_480 = arith.index_cast %parallel_loop3A_478 : i32 to index
      %parallel_loop3A_481 = tpu.vector_load %arg16[%parallel_loop3A_479, %parallel_loop3A_480] {strides = array<i32>} : memref<8x1024xf32, #tpu.memory_space<vmem>>, vector<16xf32>,
      tpu.vector_store %arg16[%parallel_loop3A_479, %parallel_loop3A_480], %parallel_loop3A_455 {strides = array<i32>} : memref<8x1024xf32, #tpu.memory_space<vmem>>, vector<16xf32>,
      %parallel_loop3A_482 = arith.constant 16 : i32
      %parallel_loop3A_483 = arith.addi %parallel_loop3A_452, %parallel_loop3A_482 : i32
      %parallel_loop3A_484 = arith.index_cast %parallel_loop3A_448 : i32 to index
      %parallel_loop3A_485 = arith.index_cast %parallel_loop3A_483 : i32 to index
      %parallel_loop3A_486 = tpu.vector_load %arg16[%parallel_loop3A_484, %parallel_loop3A_485] {strides = array<i32>} : memref<8x1024xf32, #tpu.memory_space<vmem>>, vector<16xf32>,
      tpu.vector_store %arg16[%parallel_loop3A_484, %parallel_loop3A_485], %parallel_loop3A_458 {strides = array<i32>} : memref<8x1024xf32, #tpu.memory_space<vmem>>, vector<16xf32>,
      %parallel_loop3A_487 = arith.constant 32 : i32
      %parallel_loop3A_488 = arith.addi %parallel_loop3A_452, %parallel_loop3A_487 : i32
      %parallel_loop3A_489 = arith.index_cast %parallel_loop3A_448 : i32 to index
      %parallel_loop3A_490 = arith.index_cast %parallel_loop3A_488 : i32 to index
      %parallel_loop3A_491 = tpu.vector_load %arg16[%parallel_loop3A_489, %parallel_loop3A_490] {strides = array<i32>} : memref<8x1024xf32, #tpu.memory_space<vmem>>, vector<16xf32>,
      tpu.vector_store %arg16[%parallel_loop3A_489, %parallel_loop3A_490], %parallel_loop3A_461 {strides = array<i32>} : memref<8x1024xf32, #tpu.memory_space<vmem>>, vector<16xf32>,
      %parallel_loop3A_492 = arith.constant 48 : i32
      %parallel_loop3A_493 = arith.addi %parallel_loop3A_452, %parallel_loop3A_492 : i32
      %parallel_loop3A_494 = arith.index_cast %parallel_loop3A_448 : i32 to index
      %parallel_loop3A_495 = arith.index_cast %parallel_loop3A_493 : i32 to index
      %parallel_loop3A_496 = tpu.vector_load %arg16[%parallel_loop3A_494, %parallel_loop3A_495] {strides = array<i32>} : memref<8x1024xf32, #tpu.memory_space<vmem>>, vector<16xf32>,
      tpu.vector_store %arg16[%parallel_loop3A_494, %parallel_loop3A_495], %parallel_loop3A_464 {strides = array<i32>} : memref<8x1024xf32, #tpu.memory_space<vmem>>, vector<16xf32>,
      %parallel_loop3A_497 = arith.constant 64 : i32
      %parallel_loop3A_498 = arith.addi %parallel_loop3A_452, %parallel_loop3A_497 : i32
      %parallel_loop3A_499 = arith.index_cast %parallel_loop3A_448 : i32 to index
      %parallel_loop3A_500 = arith.index_cast %parallel_loop3A_498 : i32 to index
      %parallel_loop3A_501 = tpu.vector_load %arg16[%parallel_loop3A_499, %parallel_loop3A_500] {strides = array<i32>} : memref<8x1024xf32, #tpu.memory_space<vmem>>, vector<16xf32>,
      tpu.vector_store %arg16[%parallel_loop3A_499, %parallel_loop3A_500], %parallel_loop3A_467 {strides = array<i32>} : memref<8x1024xf32, #tpu.memory_space<vmem>>, vector<16xf32>,
      %parallel_loop3A_502 = arith.constant 80 : i32
      %parallel_loop3A_503 = arith.addi %parallel_loop3A_452, %parallel_loop3A_502 : i32
      %parallel_loop3A_504 = arith.index_cast %parallel_loop3A_448 : i32 to index
      %parallel_loop3A_505 = arith.index_cast %parallel_loop3A_503 : i32 to index
      %parallel_loop3A_506 = tpu.vector_load %arg16[%parallel_loop3A_504, %parallel_loop3A_505] {strides = array<i32>} : memref<8x1024xf32, #tpu.memory_space<vmem>>, vector<16xf32>,
      tpu.vector_store %arg16[%parallel_loop3A_504, %parallel_loop3A_505], %parallel_loop3A_470 {strides = array<i32>} : memref<8x1024xf32, #tpu.memory_space<vmem>>, vector<16xf32>,
      %parallel_loop3A_507 = arith.constant 96 : i32
      %parallel_loop3A_508 = arith.addi %parallel_loop3A_452, %parallel_loop3A_507 : i32
      %parallel_loop3A_509 = arith.index_cast %parallel_loop3A_448 : i32 to index
      %parallel_loop3A_510 = arith.index_cast %parallel_loop3A_508 : i32 to index
      %parallel_loop3A_511 = tpu.vector_load %arg16[%parallel_loop3A_509, %parallel_loop3A_510] {strides = array<i32>} : memref<8x1024xf32, #tpu.memory_space<vmem>>, vector<16xf32>,
      tpu.vector_store %arg16[%parallel_loop3A_509, %parallel_loop3A_510], %parallel_loop3A_473 {strides = array<i32>} : memref<8x1024xf32, #tpu.memory_space<vmem>>, vector<16xf32>,
      %parallel_loop3A_512 = arith.constant 112 : i32
      %parallel_loop3A_513 = arith.addi %parallel_loop3A_452, %parallel_loop3A_512 : i32
      %parallel_loop3A_514 = arith.index_cast %parallel_loop3A_448 : i32 to index
      %parallel_loop3A_515 = arith.index_cast %parallel_loop3A_513 : i32 to index
      %parallel_loop3A_516 = tpu.vector_load %arg16[%parallel_loop3A_514, %parallel_loop3A_515] {strides = array<i32>} : memref<8x1024xf32, #tpu.memory_space<vmem>>, vector<16xf32>,
      tpu.vector_store %arg16[%parallel_loop3A_514, %parallel_loop3A_515], %parallel_loop3A_476 {strides = array<i32>} : memref<8x1024xf32, #tpu.memory_space<vmem>>, vector<16xf32>,
    } {sc.loop_unroll_factor = 2 : i64, sc.parallel_access}
    %dma_start3A_234 = arith.constant 7 : i32
    %dma_start3A_235 = arith.constant 0 : i32
    %dma_start3A_236 = tpu.memref_slice %arg6[%dma_start3A_234, %dma_start3A_235] : memref<200x128xi32, #tpu.memory_space<vmem>> -> memref<1x128xi32, #tpu.memory_space<vmem>>
    %dma_start3A_237 = tpu.memref_squeeze %dma_start3A_236 : memref<1x128xi32, #tpu.memory_space<vmem>> -> memref<128xi32, #tpu.memory_space<vmem>>
    %dma_start3A_238 = arith.constant 0 : i32
    %dma_start3A_239 = arith.constant 0 : i32
    %dma_start3A_240 = tpu.memref_slice %arg2[%dma_start3A_238, %dma_start3A_239] : memref<2000000x64xf32, #tpu.memory_space<hbm>> -> memref<2000000x64xf32, #tpu.memory_space<hbm>>
    tpu.enqueue_indirect_dma source(%dma_start3A_240 : memref<2000000x64xf32, #tpu.memory_space<hbm>>) target(%arg11 : memref<128x64xf32, #tpu.memory_space<vmem>>) offsets(%dma_start3A_237 : memref<128xi32, #tpu.memory_space<vmem>>) semaphore(%arg20 : memref<!tpu.dma_semaphore, #tpu.memory_space<semaphore_mem>>)
    %dma_start3A_241 = arith.constant 3 : i32
    %dma_start3A_242 = arith.constant 0 : i32
    %dma_start3A_243 = arith.constant 0 : i32
    %dma_start3A_244 = tpu.memref_slice %arg5[%dma_start3A_241, %dma_start3A_242, %add3A, %dma_start3A_243] : memref<200x8x32x1024xf32, #tpu.memory_space<hbm>> -> memref<1x8x1x1024xf32, #tpu.memory_space<hbm>>
    %dma_start3A_245 = tpu.memref_squeeze %dma_start3A_244 : memref<1x8x1x1024xf32, #tpu.memory_space<hbm>> -> memref<8x1024xf32, #tpu.memory_space<hbm>>
    %dma_start3A_246 = arith.constant 0 : i32
    %dma_start3A_247 = arith.constant 0 : i32
    %dma_start3A_248 = tpu.memref_slice %arg5[%dma_start3A_241, %dma_start3A_246, %add3A, %dma_start3A_247] : memref<200x8x32x1024xf32, #tpu.memory_space<hbm>> -> memref<1x8x1x1024xf32, #tpu.memory_space<hbm>>
    %dma_start3A_249 = tpu.memref_squeeze %dma_start3A_248 : memref<1x8x1x1024xf32, #tpu.memory_space<hbm>> -> memref<8x1024xf32, #tpu.memory_space<hbm>>
    tpu.enqueue_dma source(%arg16 : memref<8x1024xf32, #tpu.memory_space<vmem>>) target(%dma_start3A_249 : memref<8x1024xf32, #tpu.memory_space<hbm>>) target_semaphore(%arg24 : memref<!tpu.dma_semaphore, #tpu.memory_space<semaphore_mem>>)
    %scan3A = arith.constant 0 : i32
    %scan3A_250 = arith.constant 48 : i32
    %scan3A_251 = arith.addi %scan3A, %scan3A_250 : i32
    %scan3A_252 = arith.constant 1 : i32
    scf.for %scan3A_446 = %scan3A to %scan3A_251 step %scan3A_252  : i32 {
      %mul3A_447 = arith.constant 4 : i32
      %mul3A_448 = arith.muli %scan3A_446, %mul3A_447 : i32
      %add3A_449 = arith.constant 4 : i32
      %add3A_450 = arith.addi %add3A_449, %mul3A_448 : i32
      %add3A_451 = arith.constant 0 : i32
      %add3A_452 = arith.addi %add3A_450, %add3A_451 : i32
      %dma_wait3A_453 = arith.constant 0 : i32
      %dma_wait3A_454 = tpu.memref_slice %arg6[%add3A_452, %dma_wait3A_453] : memref<200x128xi32, #tpu.memory_space<vmem>> -> memref<1x128xi32, #tpu.memory_space<vmem>>
      %dma_wait3A_455 = tpu.memref_squeeze %dma_wait3A_454 : memref<1x128xi32, #tpu.memory_space<vmem>> -> memref<128xi32, #tpu.memory_space<vmem>>
      %dma_wait3A_456 = arith.constant 0 : i32
      %dma_wait3A_457 = arith.constant 0 : i32
      %dma_wait3A_458 = tpu.memref_slice %arg2[%dma_wait3A_456, %dma_wait3A_457] : memref<2000000x64xf32, #tpu.memory_space<hbm>> -> memref<2000000x64xf32, #tpu.memory_space<hbm>>
      tpu.wait_indirect_dma semaphore(%arg17 : memref<!tpu.dma_semaphore, #tpu.memory_space<semaphore_mem>>) src(%dma_wait3A_458 : memref<2000000x64xf32, #tpu.memory_space<hbm>>) dst(%arg8 : memref<128x64xf32, #tpu.memory_space<vmem>>)
      %sub3A = arith.constant 4 : i32
      %sub3A_459 = arith.subi %add3A_452, %sub3A : i32
      %dma_wait3A_460 = arith.constant 0 : i32
      %dma_wait3A_461 = arith.constant 0 : i32
      %dma_wait3A_462 = tpu.memref_slice %arg5[%sub3A_459, %dma_wait3A_460, %add3A, %dma_wait3A_461] : memref<200x8x32x1024xf32, #tpu.memory_space<hbm>> -> memref<1x8x1x1024xf32, #tpu.memory_space<hbm>>
      %dma_wait3A_463 = tpu.memref_squeeze %dma_wait3A_462 : memref<1x8x1x1024xf32, #tpu.memory_space<hbm>> -> memref<8x1024xf32, #tpu.memory_space<hbm>>
      %dma_wait3A_464 = arith.constant 0 : i32
      %dma_wait3A_465 = arith.constant 0 : i32
      %dma_wait3A_466 = tpu.memref_slice %arg5[%sub3A_459, %dma_wait3A_464, %add3A, %dma_wait3A_465] : memref<200x8x32x1024xf32, #tpu.memory_space<hbm>> -> memref<1x8x1x1024xf32, #tpu.memory_space<hbm>>
      %dma_wait3A_467 = tpu.memref_squeeze %dma_wait3A_466 : memref<1x8x1x1024xf32, #tpu.memory_space<hbm>> -> memref<8x1024xf32, #tpu.memory_space<hbm>>
      tpu.wait_dma2 semaphore(%arg21 : memref<!tpu.dma_semaphore, #tpu.memory_space<semaphore_mem>>) src(%arg13 : memref<8x1024xf32, #tpu.memory_space<vmem>>) dst(%dma_wait3A_467 : memref<8x1024xf32, #tpu.memory_space<hbm>>)
      %mul3A_468 = arith.constant 64 : i32
      %mul3A_469 = arith.muli %add3A_452, %mul3A_468 : i32
      %add3A_470 = arith.constant 0 : i32
      %add3A_471 = arith.addi %mul3A_469, %add3A_470 : i32
      %get3A_472 = arith.index_cast %add3A_471 : i32 to index
      %get3A_473 = tpu.vector_load %arg7[%get3A_472] {strides = array<i32>} : memref<12800xf32, #tpu.memory_space<vmem>>, vector<16xf32>,
      %add3A_474 = arith.constant 16 : i32
      %add3A_475 = arith.addi %mul3A_469, %add3A_474 : i32
      %get3A_476 = arith.index_cast %add3A_475 : i32 to index
      %get3A_477 = tpu.vector_load %arg7[%get3A_476] {strides = array<i32>} : memref<12800xf32, #tpu.memory_space<vmem>>, vector<16xf32>,
      %add3A_478 = arith.constant 32 : i32
      %add3A_479 = arith.addi %mul3A_469, %add3A_478 : i32
      %get3A_480 = arith.index_cast %add3A_479 : i32 to index
      %get3A_481 = tpu.vector_load %arg7[%get3A_480] {strides = array<i32>} : memref<12800xf32, #tpu.memory_space<vmem>>, vector<16xf32>,
      %add3A_482 = arith.constant 48 : i32
      %add3A_483 = arith.addi %mul3A_469, %add3A_482 : i32
      %get3A_484 = arith.index_cast %add3A_483 : i32 to index
      %get3A_485 = tpu.vector_load %arg7[%get3A_484] {strides = array<i32>} : memref<12800xf32, #tpu.memory_space<vmem>>, vector<16xf32>,
      %parallel_loop3A_486 = arith.constant 0 : i32
      %parallel_loop3A_487 = arith.constant 128 : i32
      %parallel_loop3A_488 = arith.constant 1 : i32
      scf.for %parallel_loop3A_682 = %parallel_loop3A_486 to %parallel_loop3A_487 step %parallel_loop3A_488  : i32 {
        %parallel_loop3A_683 = arith.index_cast %parallel_loop3A_682 : i32 to index
        %parallel_loop3A_684 = arith.constant 0 : index
        %parallel_loop3A_685 = tpu.vector_load %arg8[%parallel_loop3A_683, %parallel_loop3A_684] {strides = array<i32>} : memref<128x64xf32, #tpu.memory_space<vmem>>, vector<16xf32>,
        %parallel_loop3A_686 = arith.addf %parallel_loop3A_685, %get3A_473 : vector<16xf32>
        %parallel_loop3A_687 = arith.constant 65 : i32
        %parallel_loop3A_688 = arith.muli %parallel_loop3A_682, %parallel_loop3A_687 : i32
        %parallel_loop3A_689 = arith.constant 0 : i32
        %parallel_loop3A_690 = arith.addi %parallel_loop3A_688, %parallel_loop3A_689 : i32
        %parallel_loop3A_691 = arith.index_cast %parallel_loop3A_690 : i32 to index
        %parallel_loop3A_692 = tpu.vector_load %arg12[%parallel_loop3A_691] {strides = array<i32>} : memref<8320xf32, #tpu.memory_space<vmem>>, vector<16xf32>,
        tpu.vector_store %arg12[%parallel_loop3A_691], %parallel_loop3A_686 {strides = array<i32>} : memref<8320xf32, #tpu.memory_space<vmem>>, vector<16xf32>,
        %parallel_loop3A_693 = arith.index_cast %parallel_loop3A_682 : i32 to index
        %parallel_loop3A_694 = arith.constant 16 : index
        %parallel_loop3A_695 = tpu.vector_load %arg8[%parallel_loop3A_693, %parallel_loop3A_694] {strides = array<i32>} : memref<128x64xf32, #tpu.memory_space<vmem>>, vector<16xf32>,
        %parallel_loop3A_696 = arith.addf %parallel_loop3A_695, %get3A_477 : vector<16xf32>
        %parallel_loop3A_697 = arith.constant 65 : i32
        %parallel_loop3A_698 = arith.muli %parallel_loop3A_682, %parallel_loop3A_697 : i32
        %parallel_loop3A_699 = arith.constant 16 : i32
        %parallel_loop3A_700 = arith.addi %parallel_loop3A_698, %parallel_loop3A_699 : i32
        %parallel_loop3A_701 = arith.index_cast %parallel_loop3A_700 : i32 to index
        %parallel_loop3A_702 = tpu.vector_load %arg12[%parallel_loop3A_701] {strides = array<i32>} : memref<8320xf32, #tpu.memory_space<vmem>>, vector<16xf32>,
        tpu.vector_store %arg12[%parallel_loop3A_701], %parallel_loop3A_696 {strides = array<i32>} : memref<8320xf32, #tpu.memory_space<vmem>>, vector<16xf32>,
        %parallel_loop3A_703 = arith.index_cast %parallel_loop3A_682 : i32 to index
        %parallel_loop3A_704 = arith.constant 32 : index
        %parallel_loop3A_705 = tpu.vector_load %arg8[%parallel_loop3A_703, %parallel_loop3A_704] {strides = array<i32>} : memref<128x64xf32, #tpu.memory_space<vmem>>, vector<16xf32>,
        %parallel_loop3A_706 = arith.addf %parallel_loop3A_705, %get3A_481 : vector<16xf32>
        %parallel_loop3A_707 = arith.constant 65 : i32
        %parallel_loop3A_708 = arith.muli %parallel_loop3A_682, %parallel_loop3A_707 : i32
        %parallel_loop3A_709 = arith.constant 32 : i32
        %parallel_loop3A_710 = arith.addi %parallel_loop3A_708, %parallel_loop3A_709 : i32
        %parallel_loop3A_711 = arith.index_cast %parallel_loop3A_710 : i32 to index
        %parallel_loop3A_712 = tpu.vector_load %arg12[%parallel_loop3A_711] {strides = array<i32>} : memref<8320xf32, #tpu.memory_space<vmem>>, vector<16xf32>,
        tpu.vector_store %arg12[%parallel_loop3A_711], %parallel_loop3A_706 {strides = array<i32>} : memref<8320xf32, #tpu.memory_space<vmem>>, vector<16xf32>,
        %parallel_loop3A_713 = arith.index_cast %parallel_loop3A_682 : i32 to index
        %parallel_loop3A_714 = arith.constant 48 : index
        %parallel_loop3A_715 = tpu.vector_load %arg8[%parallel_loop3A_713, %parallel_loop3A_714] {strides = array<i32>} : memref<128x64xf32, #tpu.memory_space<vmem>>, vector<16xf32>,
        %parallel_loop3A_716 = arith.addf %parallel_loop3A_715, %get3A_485 : vector<16xf32>
        %parallel_loop3A_717 = arith.constant 65 : i32
        %parallel_loop3A_718 = arith.muli %parallel_loop3A_682, %parallel_loop3A_717 : i32
        %parallel_loop3A_719 = arith.constant 48 : i32
        %parallel_loop3A_720 = arith.addi %parallel_loop3A_718, %parallel_loop3A_719 : i32
        %parallel_loop3A_721 = arith.index_cast %parallel_loop3A_720 : i32 to index
        %parallel_loop3A_722 = tpu.vector_load %arg12[%parallel_loop3A_721] {strides = array<i32>} : memref<8320xf32, #tpu.memory_space<vmem>>, vector<16xf32>,
        tpu.vector_store %arg12[%parallel_loop3A_721], %parallel_loop3A_716 {strides = array<i32>} : memref<8320xf32, #tpu.memory_space<vmem>>, vector<16xf32>,
      } {sc.loop_unroll_factor = 2 : i64, sc.parallel_access}
      %parallel_loop3A_489 = arith.constant 0 : i32
      %parallel_loop3A_490 = arith.constant 64 : i32
      %parallel_loop3A_491 = arith.constant 1 : i32
      scf.for %parallel_loop3A_682 = %parallel_loop3A_489 to %parallel_loop3A_490 step %parallel_loop3A_491  : i32 {
        %parallel_loop3A_683 = arith.constant 3 : i32
        %parallel_loop3A_684 = arith.shrsi %parallel_loop3A_682, %parallel_loop3A_683 : i32
        %parallel_loop3A_685 = arith.constant 7 : i32
        %parallel_loop3A_686 = arith.andi %parallel_loop3A_682, %parallel_loop3A_685 : i32
        %parallel_loop3A_687 = arith.constant 128 : i32
        %parallel_loop3A_688 = arith.muli %parallel_loop3A_686, %parallel_loop3A_687 : i32
        %parallel_loop3A_689 = vector.broadcast %parallel_loop3A_682 : i32 to vector<16xi32>
        %parallel_loop3A_690 = arith.addi %mul3A_35, %parallel_loop3A_689 : vector<16xi32>
        %parallel_loop3A_691 = tpu.vector_load_idx %arg12[%parallel_loop3A_690] : memref<8320xf32, #tpu.memory_space<vmem>>[vector<16xi32>], vector<16xf32>,
        %parallel_loop3A_692 = vector.broadcast %parallel_loop3A_682 : i32 to vector<16xi32>
        %parallel_loop3A_693 = arith.addi %mul3A_41, %parallel_loop3A_692 : vector<16xi32>
        %parallel_loop3A_694 = tpu.vector_load_idx %arg12[%parallel_loop3A_693] : memref<8320xf32, #tpu.memory_space<vmem>>[vector<16xi32>], vector<16xf32>,
        %parallel_loop3A_695 = vector.broadcast %parallel_loop3A_682 : i32 to vector<16xi32>
        %parallel_loop3A_696 = arith.addi %mul3A_47, %parallel_loop3A_695 : vector<16xi32>
        %parallel_loop3A_697 = tpu.vector_load_idx %arg12[%parallel_loop3A_696] : memref<8320xf32, #tpu.memory_space<vmem>>[vector<16xi32>], vector<16xf32>,
        %parallel_loop3A_698 = vector.broadcast %parallel_loop3A_682 : i32 to vector<16xi32>
        %parallel_loop3A_699 = arith.addi %mul3A_53, %parallel_loop3A_698 : vector<16xi32>
        %parallel_loop3A_700 = tpu.vector_load_idx %arg12[%parallel_loop3A_699] : memref<8320xf32, #tpu.memory_space<vmem>>[vector<16xi32>], vector<16xf32>,
        %parallel_loop3A_701 = vector.broadcast %parallel_loop3A_682 : i32 to vector<16xi32>
        %parallel_loop3A_702 = arith.addi %mul3A_59, %parallel_loop3A_701 : vector<16xi32>
        %parallel_loop3A_703 = tpu.vector_load_idx %arg12[%parallel_loop3A_702] : memref<8320xf32, #tpu.memory_space<vmem>>[vector<16xi32>], vector<16xf32>,
        %parallel_loop3A_704 = vector.broadcast %parallel_loop3A_682 : i32 to vector<16xi32>
        %parallel_loop3A_705 = arith.addi %mul3A_65, %parallel_loop3A_704 : vector<16xi32>
        %parallel_loop3A_706 = tpu.vector_load_idx %arg12[%parallel_loop3A_705] : memref<8320xf32, #tpu.memory_space<vmem>>[vector<16xi32>], vector<16xf32>,
        %parallel_loop3A_707 = vector.broadcast %parallel_loop3A_682 : i32 to vector<16xi32>
        %parallel_loop3A_708 = arith.addi %mul3A_71, %parallel_loop3A_707 : vector<16xi32>
        %parallel_loop3A_709 = tpu.vector_load_idx %arg12[%parallel_loop3A_708] : memref<8320xf32, #tpu.memory_space<vmem>>[vector<16xi32>], vector<16xf32>,
        %parallel_loop3A_710 = vector.broadcast %parallel_loop3A_682 : i32 to vector<16xi32>
        %parallel_loop3A_711 = arith.addi %mul3A_77, %parallel_loop3A_710 : vector<16xi32>
        %parallel_loop3A_712 = tpu.vector_load_idx %arg12[%parallel_loop3A_711] : memref<8320xf32, #tpu.memory_space<vmem>>[vector<16xi32>], vector<16xf32>,
        %parallel_loop3A_713 = arith.constant 0 : i32
        %parallel_loop3A_714 = arith.addi %parallel_loop3A_688, %parallel_loop3A_713 : i32
        %parallel_loop3A_715 = arith.index_cast %parallel_loop3A_684 : i32 to index
        %parallel_loop3A_716 = arith.index_cast %parallel_loop3A_714 : i32 to index
        %parallel_loop3A_717 = tpu.vector_load %arg13[%parallel_loop3A_715, %parallel_loop3A_716] {strides = array<i32>} : memref<8x1024xf32, #tpu.memory_space<vmem>>, vector<16xf32>,
        tpu.vector_store %arg13[%parallel_loop3A_715, %parallel_loop3A_716], %parallel_loop3A_691 {strides = array<i32>} : memref<8x1024xf32, #tpu.memory_space<vmem>>, vector<16xf32>,
        %parallel_loop3A_718 = arith.constant 16 : i32
        %parallel_loop3A_719 = arith.addi %parallel_loop3A_688, %parallel_loop3A_718 : i32
        %parallel_loop3A_720 = arith.index_cast %parallel_loop3A_684 : i32 to index
        %parallel_loop3A_721 = arith.index_cast %parallel_loop3A_719 : i32 to index
        %parallel_loop3A_722 = tpu.vector_load %arg13[%parallel_loop3A_720, %parallel_loop3A_721] {strides = array<i32>} : memref<8x1024xf32, #tpu.memory_space<vmem>>, vector<16xf32>,
        tpu.vector_store %arg13[%parallel_loop3A_720, %parallel_loop3A_721], %parallel_loop3A_694 {strides = array<i32>} : memref<8x1024xf32, #tpu.memory_space<vmem>>, vector<16xf32>,
        %parallel_loop3A_723 = arith.constant 32 : i32
        %parallel_loop3A_724 = arith.addi %parallel_loop3A_688, %parallel_loop3A_723 : i32
        %parallel_loop3A_725 = arith.index_cast %parallel_loop3A_684 : i32 to index
        %parallel_loop3A_726 = arith.index_cast %parallel_loop3A_724 : i32 to index
        %parallel_loop3A_727 = tpu.vector_load %arg13[%parallel_loop3A_725, %parallel_loop3A_726] {strides = array<i32>} : memref<8x1024xf32, #tpu.memory_space<vmem>>, vector<16xf32>,
        tpu.vector_store %arg13[%parallel_loop3A_725, %parallel_loop3A_726], %parallel_loop3A_697 {strides = array<i32>} : memref<8x1024xf32, #tpu.memory_space<vmem>>, vector<16xf32>,
        %parallel_loop3A_728 = arith.constant 48 : i32
        %parallel_loop3A_729 = arith.addi %parallel_loop3A_688, %parallel_loop3A_728 : i32
        %parallel_loop3A_730 = arith.index_cast %parallel_loop3A_684 : i32 to index
        %parallel_loop3A_731 = arith.index_cast %parallel_loop3A_729 : i32 to index
        %parallel_loop3A_732 = tpu.vector_load %arg13[%parallel_loop3A_730, %parallel_loop3A_731] {strides = array<i32>} : memref<8x1024xf32, #tpu.memory_space<vmem>>, vector<16xf32>,
        tpu.vector_store %arg13[%parallel_loop3A_730, %parallel_loop3A_731], %parallel_loop3A_700 {strides = array<i32>} : memref<8x1024xf32, #tpu.memory_space<vmem>>, vector<16xf32>,
        %parallel_loop3A_733 = arith.constant 64 : i32
        %parallel_loop3A_734 = arith.addi %parallel_loop3A_688, %parallel_loop3A_733 : i32
        %parallel_loop3A_735 = arith.index_cast %parallel_loop3A_684 : i32 to index
        %parallel_loop3A_736 = arith.index_cast %parallel_loop3A_734 : i32 to index
        %parallel_loop3A_737 = tpu.vector_load %arg13[%parallel_loop3A_735, %parallel_loop3A_736] {strides = array<i32>} : memref<8x1024xf32, #tpu.memory_space<vmem>>, vector<16xf32>,
        tpu.vector_store %arg13[%parallel_loop3A_735, %parallel_loop3A_736], %parallel_loop3A_703 {strides = array<i32>} : memref<8x1024xf32, #tpu.memory_space<vmem>>, vector<16xf32>,
        %parallel_loop3A_738 = arith.constant 80 : i32
        %parallel_loop3A_739 = arith.addi %parallel_loop3A_688, %parallel_loop3A_738 : i32
        %parallel_loop3A_740 = arith.index_cast %parallel_loop3A_684 : i32 to index
        %parallel_loop3A_741 = arith.index_cast %parallel_loop3A_739 : i32 to index
        %parallel_loop3A_742 = tpu.vector_load %arg13[%parallel_loop3A_740, %parallel_loop3A_741] {strides = array<i32>} : memref<8x1024xf32, #tpu.memory_space<vmem>>, vector<16xf32>,
        tpu.vector_store %arg13[%parallel_loop3A_740, %parallel_loop3A_741], %parallel_loop3A_706 {strides = array<i32>} : memref<8x1024xf32, #tpu.memory_space<vmem>>, vector<16xf32>,
        %parallel_loop3A_743 = arith.constant 96 : i32
        %parallel_loop3A_744 = arith.addi %parallel_loop3A_688, %parallel_loop3A_743 : i32
        %parallel_loop3A_745 = arith.index_cast %parallel_loop3A_684 : i32 to index
        %parallel_loop3A_746 = arith.index_cast %parallel_loop3A_744 : i32 to index
        %parallel_loop3A_747 = tpu.vector_load %arg13[%parallel_loop3A_745, %parallel_loop3A_746] {strides = array<i32>} : memref<8x1024xf32, #tpu.memory_space<vmem>>, vector<16xf32>,
        tpu.vector_store %arg13[%parallel_loop3A_745, %parallel_loop3A_746], %parallel_loop3A_709 {strides = array<i32>} : memref<8x1024xf32, #tpu.memory_space<vmem>>, vector<16xf32>,
        %parallel_loop3A_748 = arith.constant 112 : i32
        %parallel_loop3A_749 = arith.addi %parallel_loop3A_688, %parallel_loop3A_748 : i32
        %parallel_loop3A_750 = arith.index_cast %parallel_loop3A_684 : i32 to index
        %parallel_loop3A_751 = arith.index_cast %parallel_loop3A_749 : i32 to index
        %parallel_loop3A_752 = tpu.vector_load %arg13[%parallel_loop3A_750, %parallel_loop3A_751] {strides = array<i32>} : memref<8x1024xf32, #tpu.memory_space<vmem>>, vector<16xf32>,
        tpu.vector_store %arg13[%parallel_loop3A_750, %parallel_loop3A_751], %parallel_loop3A_712 {strides = array<i32>} : memref<8x1024xf32, #tpu.memory_space<vmem>>, vector<16xf32>,
      } {sc.loop_unroll_factor = 2 : i64, sc.parallel_access}
      %add3A_492 = arith.constant 4 : i32
      %add3A_493 = arith.addi %add3A_452, %add3A_492 : i32
      %dma_start3A_494 = arith.constant 0 : i32
      %dma_start3A_495 = tpu.memref_slice %arg6[%add3A_493, %dma_start3A_494] : memref<200x128xi32, #tpu.memory_space<vmem>> -> memref<1x128xi32, #tpu.memory_space<vmem>>
      %dma_start3A_496 = tpu.memref_squeeze %dma_start3A_495 : memref<1x128xi32, #tpu.memory_space<vmem>> -> memref<128xi32, #tpu.memory_space<vmem>>
      %dma_start3A_497 = arith.constant 0 : i32
      %dma_start3A_498 = arith.constant 0 : i32
      %dma_start3A_499 = tpu.memref_slice %arg2[%dma_start3A_497, %dma_start3A_498] : memref<2000000x64xf32, #tpu.memory_space<hbm>> -> memref<2000000x64xf32, #tpu.memory_space<hbm>>
      tpu.enqueue_indirect_dma source(%dma_start3A_499 : memref<2000000x64xf32, #tpu.memory_space<hbm>>) target(%arg8 : memref<128x64xf32, #tpu.memory_space<vmem>>) offsets(%dma_start3A_496 : memref<128xi32, #tpu.memory_space<vmem>>) semaphore(%arg17 : memref<!tpu.dma_semaphore, #tpu.memory_space<semaphore_mem>>)
      %dma_start3A_500 = arith.constant 0 : i32
      %dma_start3A_501 = arith.constant 0 : i32
      %dma_start3A_502 = tpu.memref_slice %arg5[%add3A_452, %dma_start3A_500, %add3A, %dma_start3A_501] : memref<200x8x32x1024xf32, #tpu.memory_space<hbm>> -> memref<1x8x1x1024xf32, #tpu.memory_space<hbm>>
      %dma_start3A_503 = tpu.memref_squeeze %dma_start3A_502 : memref<1x8x1x1024xf32, #tpu.memory_space<hbm>> -> memref<8x1024xf32, #tpu.memory_space<hbm>>
      %dma_start3A_504 = arith.constant 0 : i32
      %dma_start3A_505 = arith.constant 0 : i32
      %dma_start3A_506 = tpu.memref_slice %arg5[%add3A_452, %dma_start3A_504, %add3A, %dma_start3A_505] : memref<200x8x32x1024xf32, #tpu.memory_space<hbm>> -> memref<1x8x1x1024xf32, #tpu.memory_space<hbm>>
      %dma_start3A_507 = tpu.memref_squeeze %dma_start3A_506 : memref<1x8x1x1024xf32, #tpu.memory_space<hbm>> -> memref<8x1024xf32, #tpu.memory_space<hbm>>
      tpu.enqueue_dma source(%arg13 : memref<8x1024xf32, #tpu.memory_space<vmem>>) target(%dma_start3A_507 : memref<8x1024xf32, #tpu.memory_space<hbm>>) target_semaphore(%arg21 : memref<!tpu.dma_semaphore, #tpu.memory_space<semaphore_mem>>)
      %add3A_508 = arith.constant 1 : i32
      %add3A_509 = arith.addi %add3A_450, %add3A_508 : i32
      %dma_wait3A_510 = arith.constant 0 : i32
      %dma_wait3A_511 = tpu.memref_slice %arg6[%add3A_509, %dma_wait3A_510] : memref<200x128xi32, #tpu.memory_space<vmem>> -> memref<1x128xi32, #tpu.memory_space<vmem>>
      %dma_wait3A_512 = tpu.memref_squeeze %dma_wait3A_511 : memref<1x128xi32, #tpu.memory_space<vmem>> -> memref<128xi32, #tpu.memory_space<vmem>>
      %dma_wait3A_513 = arith.constant 0 : i32
      %dma_wait3A_514 = arith.constant 0 : i32
      %dma_wait3A_515 = tpu.memref_slice %arg2[%dma_wait3A_513, %dma_wait3A_514] : memref<2000000x64xf32, #tpu.memory_space<hbm>> -> memref<2000000x64xf32, #tpu.memory_space<hbm>>
      tpu.wait_indirect_dma semaphore(%arg18 : memref<!tpu.dma_semaphore, #tpu.memory_space<semaphore_mem>>) src(%dma_wait3A_515 : memref<2000000x64xf32, #tpu.memory_space<hbm>>) dst(%arg9 : memref<128x64xf32, #tpu.memory_space<vmem>>)
      %sub3A_516 = arith.constant 4 : i32
      %sub3A_517 = arith.subi %add3A_509, %sub3A_516 : i32
      %dma_wait3A_518 = arith.constant 0 : i32
      %dma_wait3A_519 = arith.constant 0 : i32
      %dma_wait3A_520 = tpu.memref_slice %arg5[%sub3A_517, %dma_wait3A_518, %add3A, %dma_wait3A_519] : memref<200x8x32x1024xf32, #tpu.memory_space<hbm>> -> memref<1x8x1x1024xf32, #tpu.memory_space<hbm>>
      %dma_wait3A_521 = tpu.memref_squeeze %dma_wait3A_520 : memref<1x8x1x1024xf32, #tpu.memory_space<hbm>> -> memref<8x1024xf32, #tpu.memory_space<hbm>>
      %dma_wait3A_522 = arith.constant 0 : i32
      %dma_wait3A_523 = arith.constant 0 : i32
      %dma_wait3A_524 = tpu.memref_slice %arg5[%sub3A_517, %dma_wait3A_522, %add3A, %dma_wait3A_523] : memref<200x8x32x1024xf32, #tpu.memory_space<hbm>> -> memref<1x8x1x1024xf32, #tpu.memory_space<hbm>>
      %dma_wait3A_525 = tpu.memref_squeeze %dma_wait3A_524 : memref<1x8x1x1024xf32, #tpu.memory_space<hbm>> -> memref<8x1024xf32, #tpu.memory_space<hbm>>
      tpu.wait_dma2 semaphore(%arg22 : memref<!tpu.dma_semaphore, #tpu.memory_space<semaphore_mem>>) src(%arg14 : memref<8x1024xf32, #tpu.memory_space<vmem>>) dst(%dma_wait3A_525 : memref<8x1024xf32, #tpu.memory_space<hbm>>)
      %mul3A_526 = arith.constant 64 : i32
      %mul3A_527 = arith.muli %add3A_509, %mul3A_526 : i32
      %add3A_528 = arith.constant 0 : i32
      %add3A_529 = arith.addi %mul3A_527, %add3A_528 : i32
      %get3A_530 = arith.index_cast %add3A_529 : i32 to index
      %get3A_531 = tpu.vector_load %arg7[%get3A_530] {strides = array<i32>} : memref<12800xf32, #tpu.memory_space<vmem>>, vector<16xf32>,
      %add3A_532 = arith.constant 16 : i32
      %add3A_533 = arith.addi %mul3A_527, %add3A_532 : i32
      %get3A_534 = arith.index_cast %add3A_533 : i32 to index
      %get3A_535 = tpu.vector_load %arg7[%get3A_534] {strides = array<i32>} : memref<12800xf32, #tpu.memory_space<vmem>>, vector<16xf32>,
      %add3A_536 = arith.constant 32 : i32
      %add3A_537 = arith.addi %mul3A_527, %add3A_536 : i32
      %get3A_538 = arith.index_cast %add3A_537 : i32 to index
      %get3A_539 = tpu.vector_load %arg7[%get3A_538] {strides = array<i32>} : memref<12800xf32, #tpu.memory_space<vmem>>, vector<16xf32>,
      %add3A_540 = arith.constant 48 : i32
      %add3A_541 = arith.addi %mul3A_527, %add3A_540 : i32
      %get3A_542 = arith.index_cast %add3A_541 : i32 to index
      %get3A_543 = tpu.vector_load %arg7[%get3A_542] {strides = array<i32>} : memref<12800xf32, #tpu.memory_space<vmem>>, vector<16xf32>,
      %parallel_loop3A_544 = arith.constant 0 : i32
      %parallel_loop3A_545 = arith.constant 128 : i32
      %parallel_loop3A_546 = arith.constant 1 : i32
      scf.for %parallel_loop3A_682 = %parallel_loop3A_544 to %parallel_loop3A_545 step %parallel_loop3A_546  : i32 {
        %parallel_loop3A_683 = arith.index_cast %parallel_loop3A_682 : i32 to index
        %parallel_loop3A_684 = arith.constant 0 : index
        %parallel_loop3A_685 = tpu.vector_load %arg9[%parallel_loop3A_683, %parallel_loop3A_684] {strides = array<i32>} : memref<128x64xf32, #tpu.memory_space<vmem>>, vector<16xf32>,
        %parallel_loop3A_686 = arith.addf %parallel_loop3A_685, %get3A_531 : vector<16xf32>
        %parallel_loop3A_687 = arith.constant 65 : i32
        %parallel_loop3A_688 = arith.muli %parallel_loop3A_682, %parallel_loop3A_687 : i32
        %parallel_loop3A_689 = arith.constant 0 : i32
        %parallel_loop3A_690 = arith.addi %parallel_loop3A_688, %parallel_loop3A_689 : i32
        %parallel_loop3A_691 = arith.index_cast %parallel_loop3A_690 : i32 to index
        %parallel_loop3A_692 = tpu.vector_load %arg12[%parallel_loop3A_691] {strides = array<i32>} : memref<8320xf32, #tpu.memory_space<vmem>>, vector<16xf32>,
        tpu.vector_store %arg12[%parallel_loop3A_691], %parallel_loop3A_686 {strides = array<i32>} : memref<8320xf32, #tpu.memory_space<vmem>>, vector<16xf32>,
        %parallel_loop3A_693 = arith.index_cast %parallel_loop3A_682 : i32 to index
        %parallel_loop3A_694 = arith.constant 16 : index
        %parallel_loop3A_695 = tpu.vector_load %arg9[%parallel_loop3A_693, %parallel_loop3A_694] {strides = array<i32>} : memref<128x64xf32, #tpu.memory_space<vmem>>, vector<16xf32>,
        %parallel_loop3A_696 = arith.addf %parallel_loop3A_695, %get3A_535 : vector<16xf32>
        %parallel_loop3A_697 = arith.constant 65 : i32
        %parallel_loop3A_698 = arith.muli %parallel_loop3A_682, %parallel_loop3A_697 : i32
        %parallel_loop3A_699 = arith.constant 16 : i32
        %parallel_loop3A_700 = arith.addi %parallel_loop3A_698, %parallel_loop3A_699 : i32
        %parallel_loop3A_701 = arith.index_cast %parallel_loop3A_700 : i32 to index
        %parallel_loop3A_702 = tpu.vector_load %arg12[%parallel_loop3A_701] {strides = array<i32>} : memref<8320xf32, #tpu.memory_space<vmem>>, vector<16xf32>,
        tpu.vector_store %arg12[%parallel_loop3A_701], %parallel_loop3A_696 {strides = array<i32>} : memref<8320xf32, #tpu.memory_space<vmem>>, vector<16xf32>,
        %parallel_loop3A_703 = arith.index_cast %parallel_loop3A_682 : i32 to index
        %parallel_loop3A_704 = arith.constant 32 : index
        %parallel_loop3A_705 = tpu.vector_load %arg9[%parallel_loop3A_703, %parallel_loop3A_704] {strides = array<i32>} : memref<128x64xf32, #tpu.memory_space<vmem>>, vector<16xf32>,
        %parallel_loop3A_706 = arith.addf %parallel_loop3A_705, %get3A_539 : vector<16xf32>
        %parallel_loop3A_707 = arith.constant 65 : i32
        %parallel_loop3A_708 = arith.muli %parallel_loop3A_682, %parallel_loop3A_707 : i32
        %parallel_loop3A_709 = arith.constant 32 : i32
        %parallel_loop3A_710 = arith.addi %parallel_loop3A_708, %parallel_loop3A_709 : i32
        %parallel_loop3A_711 = arith.index_cast %parallel_loop3A_710 : i32 to index
        %parallel_loop3A_712 = tpu.vector_load %arg12[%parallel_loop3A_711] {strides = array<i32>} : memref<8320xf32, #tpu.memory_space<vmem>>, vector<16xf32>,
        tpu.vector_store %arg12[%parallel_loop3A_711], %parallel_loop3A_706 {strides = array<i32>} : memref<8320xf32, #tpu.memory_space<vmem>>, vector<16xf32>,
        %parallel_loop3A_713 = arith.index_cast %parallel_loop3A_682 : i32 to index
        %parallel_loop3A_714 = arith.constant 48 : index
        %parallel_loop3A_715 = tpu.vector_load %arg9[%parallel_loop3A_713, %parallel_loop3A_714] {strides = array<i32>} : memref<128x64xf32, #tpu.memory_space<vmem>>, vector<16xf32>,
        %parallel_loop3A_716 = arith.addf %parallel_loop3A_715, %get3A_543 : vector<16xf32>
        %parallel_loop3A_717 = arith.constant 65 : i32
        %parallel_loop3A_718 = arith.muli %parallel_loop3A_682, %parallel_loop3A_717 : i32
        %parallel_loop3A_719 = arith.constant 48 : i32
        %parallel_loop3A_720 = arith.addi %parallel_loop3A_718, %parallel_loop3A_719 : i32
        %parallel_loop3A_721 = arith.index_cast %parallel_loop3A_720 : i32 to index
        %parallel_loop3A_722 = tpu.vector_load %arg12[%parallel_loop3A_721] {strides = array<i32>} : memref<8320xf32, #tpu.memory_space<vmem>>, vector<16xf32>,
        tpu.vector_store %arg12[%parallel_loop3A_721], %parallel_loop3A_716 {strides = array<i32>} : memref<8320xf32, #tpu.memory_space<vmem>>, vector<16xf32>,
      } {sc.loop_unroll_factor = 2 : i64, sc.parallel_access}
      %parallel_loop3A_547 = arith.constant 0 : i32
      %parallel_loop3A_548 = arith.constant 64 : i32
      %parallel_loop3A_549 = arith.constant 1 : i32
      scf.for %parallel_loop3A_682 = %parallel_loop3A_547 to %parallel_loop3A_548 step %parallel_loop3A_549  : i32 {
        %parallel_loop3A_683 = arith.constant 3 : i32
        %parallel_loop3A_684 = arith.shrsi %parallel_loop3A_682, %parallel_loop3A_683 : i32
        %parallel_loop3A_685 = arith.constant 7 : i32
        %parallel_loop3A_686 = arith.andi %parallel_loop3A_682, %parallel_loop3A_685 : i32
        %parallel_loop3A_687 = arith.constant 128 : i32
        %parallel_loop3A_688 = arith.muli %parallel_loop3A_686, %parallel_loop3A_687 : i32
        %parallel_loop3A_689 = vector.broadcast %parallel_loop3A_682 : i32 to vector<16xi32>
        %parallel_loop3A_690 = arith.addi %mul3A_35, %parallel_loop3A_689 : vector<16xi32>
        %parallel_loop3A_691 = tpu.vector_load_idx %arg12[%parallel_loop3A_690] : memref<8320xf32, #tpu.memory_space<vmem>>[vector<16xi32>], vector<16xf32>,
        %parallel_loop3A_692 = vector.broadcast %parallel_loop3A_682 : i32 to vector<16xi32>
        %parallel_loop3A_693 = arith.addi %mul3A_41, %parallel_loop3A_692 : vector<16xi32>
        %parallel_loop3A_694 = tpu.vector_load_idx %arg12[%parallel_loop3A_693] : memref<8320xf32, #tpu.memory_space<vmem>>[vector<16xi32>], vector<16xf32>,
        %parallel_loop3A_695 = vector.broadcast %parallel_loop3A_682 : i32 to vector<16xi32>
        %parallel_loop3A_696 = arith.addi %mul3A_47, %parallel_loop3A_695 : vector<16xi32>
        %parallel_loop3A_697 = tpu.vector_load_idx %arg12[%parallel_loop3A_696] : memref<8320xf32, #tpu.memory_space<vmem>>[vector<16xi32>], vector<16xf32>,
        %parallel_loop3A_698 = vector.broadcast %parallel_loop3A_682 : i32 to vector<16xi32>
        %parallel_loop3A_699 = arith.addi %mul3A_53, %parallel_loop3A_698 : vector<16xi32>
        %parallel_loop3A_700 = tpu.vector_load_idx %arg12[%parallel_loop3A_699] : memref<8320xf32, #tpu.memory_space<vmem>>[vector<16xi32>], vector<16xf32>,
        %parallel_loop3A_701 = vector.broadcast %parallel_loop3A_682 : i32 to vector<16xi32>
        %parallel_loop3A_702 = arith.addi %mul3A_59, %parallel_loop3A_701 : vector<16xi32>
        %parallel_loop3A_703 = tpu.vector_load_idx %arg12[%parallel_loop3A_702] : memref<8320xf32, #tpu.memory_space<vmem>>[vector<16xi32>], vector<16xf32>,
        %parallel_loop3A_704 = vector.broadcast %parallel_loop3A_682 : i32 to vector<16xi32>
        %parallel_loop3A_705 = arith.addi %mul3A_65, %parallel_loop3A_704 : vector<16xi32>
        %parallel_loop3A_706 = tpu.vector_load_idx %arg12[%parallel_loop3A_705] : memref<8320xf32, #tpu.memory_space<vmem>>[vector<16xi32>], vector<16xf32>,
        %parallel_loop3A_707 = vector.broadcast %parallel_loop3A_682 : i32 to vector<16xi32>
        %parallel_loop3A_708 = arith.addi %mul3A_71, %parallel_loop3A_707 : vector<16xi32>
        %parallel_loop3A_709 = tpu.vector_load_idx %arg12[%parallel_loop3A_708] : memref<8320xf32, #tpu.memory_space<vmem>>[vector<16xi32>], vector<16xf32>,
        %parallel_loop3A_710 = vector.broadcast %parallel_loop3A_682 : i32 to vector<16xi32>
        %parallel_loop3A_711 = arith.addi %mul3A_77, %parallel_loop3A_710 : vector<16xi32>
        %parallel_loop3A_712 = tpu.vector_load_idx %arg12[%parallel_loop3A_711] : memref<8320xf32, #tpu.memory_space<vmem>>[vector<16xi32>], vector<16xf32>,
        %parallel_loop3A_713 = arith.constant 0 : i32
        %parallel_loop3A_714 = arith.addi %parallel_loop3A_688, %parallel_loop3A_713 : i32
        %parallel_loop3A_715 = arith.index_cast %parallel_loop3A_684 : i32 to index
        %parallel_loop3A_716 = arith.index_cast %parallel_loop3A_714 : i32 to index
        %parallel_loop3A_717 = tpu.vector_load %arg14[%parallel_loop3A_715, %parallel_loop3A_716] {strides = array<i32>} : memref<8x1024xf32, #tpu.memory_space<vmem>>, vector<16xf32>,
        tpu.vector_store %arg14[%parallel_loop3A_715, %parallel_loop3A_716], %parallel_loop3A_691 {strides = array<i32>} : memref<8x1024xf32, #tpu.memory_space<vmem>>, vector<16xf32>,
        %parallel_loop3A_718 = arith.constant 16 : i32
        %parallel_loop3A_719 = arith.addi %parallel_loop3A_688, %parallel_loop3A_718 : i32
        %parallel_loop3A_720 = arith.index_cast %parallel_loop3A_684 : i32 to index
        %parallel_loop3A_721 = arith.index_cast %parallel_loop3A_719 : i32 to index
        %parallel_loop3A_722 = tpu.vector_load %arg14[%parallel_loop3A_720, %parallel_loop3A_721] {strides = array<i32>} : memref<8x1024xf32, #tpu.memory_space<vmem>>, vector<16xf32>,
        tpu.vector_store %arg14[%parallel_loop3A_720, %parallel_loop3A_721], %parallel_loop3A_694 {strides = array<i32>} : memref<8x1024xf32, #tpu.memory_space<vmem>>, vector<16xf32>,
        %parallel_loop3A_723 = arith.constant 32 : i32
        %parallel_loop3A_724 = arith.addi %parallel_loop3A_688, %parallel_loop3A_723 : i32
        %parallel_loop3A_725 = arith.index_cast %parallel_loop3A_684 : i32 to index
        %parallel_loop3A_726 = arith.index_cast %parallel_loop3A_724 : i32 to index
        %parallel_loop3A_727 = tpu.vector_load %arg14[%parallel_loop3A_725, %parallel_loop3A_726] {strides = array<i32>} : memref<8x1024xf32, #tpu.memory_space<vmem>>, vector<16xf32>,
        tpu.vector_store %arg14[%parallel_loop3A_725, %parallel_loop3A_726], %parallel_loop3A_697 {strides = array<i32>} : memref<8x1024xf32, #tpu.memory_space<vmem>>, vector<16xf32>,
        %parallel_loop3A_728 = arith.constant 48 : i32
        %parallel_loop3A_729 = arith.addi %parallel_loop3A_688, %parallel_loop3A_728 : i32
        %parallel_loop3A_730 = arith.index_cast %parallel_loop3A_684 : i32 to index
        %parallel_loop3A_731 = arith.index_cast %parallel_loop3A_729 : i32 to index
        %parallel_loop3A_732 = tpu.vector_load %arg14[%parallel_loop3A_730, %parallel_loop3A_731] {strides = array<i32>} : memref<8x1024xf32, #tpu.memory_space<vmem>>, vector<16xf32>,
        tpu.vector_store %arg14[%parallel_loop3A_730, %parallel_loop3A_731], %parallel_loop3A_700 {strides = array<i32>} : memref<8x1024xf32, #tpu.memory_space<vmem>>, vector<16xf32>,
        %parallel_loop3A_733 = arith.constant 64 : i32
        %parallel_loop3A_734 = arith.addi %parallel_loop3A_688, %parallel_loop3A_733 : i32
        %parallel_loop3A_735 = arith.index_cast %parallel_loop3A_684 : i32 to index
        %parallel_loop3A_736 = arith.index_cast %parallel_loop3A_734 : i32 to index
        %parallel_loop3A_737 = tpu.vector_load %arg14[%parallel_loop3A_735, %parallel_loop3A_736] {strides = array<i32>} : memref<8x1024xf32, #tpu.memory_space<vmem>>, vector<16xf32>,
        tpu.vector_store %arg14[%parallel_loop3A_735, %parallel_loop3A_736], %parallel_loop3A_703 {strides = array<i32>} : memref<8x1024xf32, #tpu.memory_space<vmem>>, vector<16xf32>,
        %parallel_loop3A_738 = arith.constant 80 : i32
        %parallel_loop3A_739 = arith.addi %parallel_loop3A_688, %parallel_loop3A_738 : i32
        %parallel_loop3A_740 = arith.index_cast %parallel_loop3A_684 : i32 to index
        %parallel_loop3A_741 = arith.index_cast %parallel_loop3A_739 : i32 to index
        %parallel_loop3A_742 = tpu.vector_load %arg14[%parallel_loop3A_740, %parallel_loop3A_741] {strides = array<i32>} : memref<8x1024xf32, #tpu.memory_space<vmem>>, vector<16xf32>,
        tpu.vector_store %arg14[%parallel_loop3A_740, %parallel_loop3A_741], %parallel_loop3A_706 {strides = array<i32>} : memref<8x1024xf32, #tpu.memory_space<vmem>>, vector<16xf32>,
        %parallel_loop3A_743 = arith.constant 96 : i32
        %parallel_loop3A_744 = arith.addi %parallel_loop3A_688, %parallel_loop3A_743 : i32
        %parallel_loop3A_745 = arith.index_cast %parallel_loop3A_684 : i32 to index
        %parallel_loop3A_746 = arith.index_cast %parallel_loop3A_744 : i32 to index
        %parallel_loop3A_747 = tpu.vector_load %arg14[%parallel_loop3A_745, %parallel_loop3A_746] {strides = array<i32>} : memref<8x1024xf32, #tpu.memory_space<vmem>>, vector<16xf32>,
        tpu.vector_store %arg14[%parallel_loop3A_745, %parallel_loop3A_746], %parallel_loop3A_709 {strides = array<i32>} : memref<8x1024xf32, #tpu.memory_space<vmem>>, vector<16xf32>,
        %parallel_loop3A_748 = arith.constant 112 : i32
        %parallel_loop3A_749 = arith.addi %parallel_loop3A_688, %parallel_loop3A_748 : i32
        %parallel_loop3A_750 = arith.index_cast %parallel_loop3A_684 : i32 to index
        %parallel_loop3A_751 = arith.index_cast %parallel_loop3A_749 : i32 to index
        %parallel_loop3A_752 = tpu.vector_load %arg14[%parallel_loop3A_750, %parallel_loop3A_751] {strides = array<i32>} : memref<8x1024xf32, #tpu.memory_space<vmem>>, vector<16xf32>,
        tpu.vector_store %arg14[%parallel_loop3A_750, %parallel_loop3A_751], %parallel_loop3A_712 {strides = array<i32>} : memref<8x1024xf32, #tpu.memory_space<vmem>>, vector<16xf32>,
      } {sc.loop_unroll_factor = 2 : i64, sc.parallel_access}
      %add3A_550 = arith.constant 4 : i32
      %add3A_551 = arith.addi %add3A_509, %add3A_550 : i32
      %dma_start3A_552 = arith.constant 0 : i32
      %dma_start3A_553 = tpu.memref_slice %arg6[%add3A_551, %dma_start3A_552] : memref<200x128xi32, #tpu.memory_space<vmem>> -> memref<1x128xi32, #tpu.memory_space<vmem>>
      %dma_start3A_554 = tpu.memref_squeeze %dma_start3A_553 : memref<1x128xi32, #tpu.memory_space<vmem>> -> memref<128xi32, #tpu.memory_space<vmem>>
      %dma_start3A_555 = arith.constant 0 : i32
      %dma_start3A_556 = arith.constant 0 : i32
      %dma_start3A_557 = tpu.memref_slice %arg2[%dma_start3A_555, %dma_start3A_556] : memref<2000000x64xf32, #tpu.memory_space<hbm>> -> memref<2000000x64xf32, #tpu.memory_space<hbm>>
      tpu.enqueue_indirect_dma source(%dma_start3A_557 : memref<2000000x64xf32, #tpu.memory_space<hbm>>) target(%arg9 : memref<128x64xf32, #tpu.memory_space<vmem>>) offsets(%dma_start3A_554 : memref<128xi32, #tpu.memory_space<vmem>>) semaphore(%arg18 : memref<!tpu.dma_semaphore, #tpu.memory_space<semaphore_mem>>)
      %dma_start3A_558 = arith.constant 0 : i32
      %dma_start3A_559 = arith.constant 0 : i32
      %dma_start3A_560 = tpu.memref_slice %arg5[%add3A_509, %dma_start3A_558, %add3A, %dma_start3A_559] : memref<200x8x32x1024xf32, #tpu.memory_space<hbm>> -> memref<1x8x1x1024xf32, #tpu.memory_space<hbm>>
      %dma_start3A_561 = tpu.memref_squeeze %dma_start3A_560 : memref<1x8x1x1024xf32, #tpu.memory_space<hbm>> -> memref<8x1024xf32, #tpu.memory_space<hbm>>
      %dma_start3A_562 = arith.constant 0 : i32
      %dma_start3A_563 = arith.constant 0 : i32
      %dma_start3A_564 = tpu.memref_slice %arg5[%add3A_509, %dma_start3A_562, %add3A, %dma_start3A_563] : memref<200x8x32x1024xf32, #tpu.memory_space<hbm>> -> memref<1x8x1x1024xf32, #tpu.memory_space<hbm>>
      %dma_start3A_565 = tpu.memref_squeeze %dma_start3A_564 : memref<1x8x1x1024xf32, #tpu.memory_space<hbm>> -> memref<8x1024xf32, #tpu.memory_space<hbm>>
      tpu.enqueue_dma source(%arg14 : memref<8x1024xf32, #tpu.memory_space<vmem>>) target(%dma_start3A_565 : memref<8x1024xf32, #tpu.memory_space<hbm>>) target_semaphore(%arg22 : memref<!tpu.dma_semaphore, #tpu.memory_space<semaphore_mem>>)
      %add3A_566 = arith.constant 2 : i32
      %add3A_567 = arith.addi %add3A_450, %add3A_566 : i32
      %dma_wait3A_568 = arith.constant 0 : i32
      %dma_wait3A_569 = tpu.memref_slice %arg6[%add3A_567, %dma_wait3A_568] : memref<200x128xi32, #tpu.memory_space<vmem>> -> memref<1x128xi32, #tpu.memory_space<vmem>>
      %dma_wait3A_570 = tpu.memref_squeeze %dma_wait3A_569 : memref<1x128xi32, #tpu.memory_space<vmem>> -> memref<128xi32, #tpu.memory_space<vmem>>
      %dma_wait3A_571 = arith.constant 0 : i32
      %dma_wait3A_572 = arith.constant 0 : i32
      %dma_wait3A_573 = tpu.memref_slice %arg2[%dma_wait3A_571, %dma_wait3A_572] : memref<2000000x64xf32, #tpu.memory_space<hbm>> -> memref<2000000x64xf32, #tpu.memory_space<hbm>>
      tpu.wait_indirect_dma semaphore(%arg19 : memref<!tpu.dma_semaphore, #tpu.memory_space<semaphore_mem>>) src(%dma_wait3A_573 : memref<2000000x64xf32, #tpu.memory_space<hbm>>) dst(%arg10 : memref<128x64xf32, #tpu.memory_space<vmem>>)
      %sub3A_574 = arith.constant 4 : i32
      %sub3A_575 = arith.subi %add3A_567, %sub3A_574 : i32
      %dma_wait3A_576 = arith.constant 0 : i32
      %dma_wait3A_577 = arith.constant 0 : i32
      %dma_wait3A_578 = tpu.memref_slice %arg5[%sub3A_575, %dma_wait3A_576, %add3A, %dma_wait3A_577] : memref<200x8x32x1024xf32, #tpu.memory_space<hbm>> -> memref<1x8x1x1024xf32, #tpu.memory_space<hbm>>
      %dma_wait3A_579 = tpu.memref_squeeze %dma_wait3A_578 : memref<1x8x1x1024xf32, #tpu.memory_space<hbm>> -> memref<8x1024xf32, #tpu.memory_space<hbm>>
      %dma_wait3A_580 = arith.constant 0 : i32
      %dma_wait3A_581 = arith.constant 0 : i32
      %dma_wait3A_582 = tpu.memref_slice %arg5[%sub3A_575, %dma_wait3A_580, %add3A, %dma_wait3A_581] : memref<200x8x32x1024xf32, #tpu.memory_space<hbm>> -> memref<1x8x1x1024xf32, #tpu.memory_space<hbm>>
      %dma_wait3A_583 = tpu.memref_squeeze %dma_wait3A_582 : memref<1x8x1x1024xf32, #tpu.memory_space<hbm>> -> memref<8x1024xf32, #tpu.memory_space<hbm>>
      tpu.wait_dma2 semaphore(%arg23 : memref<!tpu.dma_semaphore, #tpu.memory_space<semaphore_mem>>) src(%arg15 : memref<8x1024xf32, #tpu.memory_space<vmem>>) dst(%dma_wait3A_583 : memref<8x1024xf32, #tpu.memory_space<hbm>>)
      %mul3A_584 = arith.constant 64 : i32
      %mul3A_585 = arith.muli %add3A_567, %mul3A_584 : i32
      %add3A_586 = arith.constant 0 : i32
      %add3A_587 = arith.addi %mul3A_585, %add3A_586 : i32
      %get3A_588 = arith.index_cast %add3A_587 : i32 to index
      %get3A_589 = tpu.vector_load %arg7[%get3A_588] {strides = array<i32>} : memref<12800xf32, #tpu.memory_space<vmem>>, vector<16xf32>,
      %add3A_590 = arith.constant 16 : i32
      %add3A_591 = arith.addi %mul3A_585, %add3A_590 : i32
      %get3A_592 = arith.index_cast %add3A_591 : i32 to index
      %get3A_593 = tpu.vector_load %arg7[%get3A_592] {strides = array<i32>} : memref<12800xf32, #tpu.memory_space<vmem>>, vector<16xf32>,
      %add3A_594 = arith.constant 32 : i32
      %add3A_595 = arith.addi %mul3A_585, %add3A_594 : i32
      %get3A_596 = arith.index_cast %add3A_595 : i32 to index
      %get3A_597 = tpu.vector_load %arg7[%get3A_596] {strides = array<i32>} : memref<12800xf32, #tpu.memory_space<vmem>>, vector<16xf32>,
      %add3A_598 = arith.constant 48 : i32
      %add3A_599 = arith.addi %mul3A_585, %add3A_598 : i32
      %get3A_600 = arith.index_cast %add3A_599 : i32 to index
      %get3A_601 = tpu.vector_load %arg7[%get3A_600] {strides = array<i32>} : memref<12800xf32, #tpu.memory_space<vmem>>, vector<16xf32>,
      %parallel_loop3A_602 = arith.constant 0 : i32
      %parallel_loop3A_603 = arith.constant 128 : i32
      %parallel_loop3A_604 = arith.constant 1 : i32
      scf.for %parallel_loop3A_682 = %parallel_loop3A_602 to %parallel_loop3A_603 step %parallel_loop3A_604  : i32 {
        %parallel_loop3A_683 = arith.index_cast %parallel_loop3A_682 : i32 to index
        %parallel_loop3A_684 = arith.constant 0 : index
        %parallel_loop3A_685 = tpu.vector_load %arg10[%parallel_loop3A_683, %parallel_loop3A_684] {strides = array<i32>} : memref<128x64xf32, #tpu.memory_space<vmem>>, vector<16xf32>,
        %parallel_loop3A_686 = arith.addf %parallel_loop3A_685, %get3A_589 : vector<16xf32>
        %parallel_loop3A_687 = arith.constant 65 : i32
        %parallel_loop3A_688 = arith.muli %parallel_loop3A_682, %parallel_loop3A_687 : i32
        %parallel_loop3A_689 = arith.constant 0 : i32
        %parallel_loop3A_690 = arith.addi %parallel_loop3A_688, %parallel_loop3A_689 : i32
        %parallel_loop3A_691 = arith.index_cast %parallel_loop3A_690 : i32 to index
        %parallel_loop3A_692 = tpu.vector_load %arg12[%parallel_loop3A_691] {strides = array<i32>} : memref<8320xf32, #tpu.memory_space<vmem>>, vector<16xf32>,
        tpu.vector_store %arg12[%parallel_loop3A_691], %parallel_loop3A_686 {strides = array<i32>} : memref<8320xf32, #tpu.memory_space<vmem>>, vector<16xf32>,
        %parallel_loop3A_693 = arith.index_cast %parallel_loop3A_682 : i32 to index
        %parallel_loop3A_694 = arith.constant 16 : index
        %parallel_loop3A_695 = tpu.vector_load %arg10[%parallel_loop3A_693, %parallel_loop3A_694] {strides = array<i32>} : memref<128x64xf32, #tpu.memory_space<vmem>>, vector<16xf32>,
        %parallel_loop3A_696 = arith.addf %parallel_loop3A_695, %get3A_593 : vector<16xf32>
        %parallel_loop3A_697 = arith.constant 65 : i32
        %parallel_loop3A_698 = arith.muli %parallel_loop3A_682, %parallel_loop3A_697 : i32
        %parallel_loop3A_699 = arith.constant 16 : i32
        %parallel_loop3A_700 = arith.addi %parallel_loop3A_698, %parallel_loop3A_699 : i32
        %parallel_loop3A_701 = arith.index_cast %parallel_loop3A_700 : i32 to index
        %parallel_loop3A_702 = tpu.vector_load %arg12[%parallel_loop3A_701] {strides = array<i32>} : memref<8320xf32, #tpu.memory_space<vmem>>, vector<16xf32>,
        tpu.vector_store %arg12[%parallel_loop3A_701], %parallel_loop3A_696 {strides = array<i32>} : memref<8320xf32, #tpu.memory_space<vmem>>, vector<16xf32>,
        %parallel_loop3A_703 = arith.index_cast %parallel_loop3A_682 : i32 to index
        %parallel_loop3A_704 = arith.constant 32 : index
        %parallel_loop3A_705 = tpu.vector_load %arg10[%parallel_loop3A_703, %parallel_loop3A_704] {strides = array<i32>} : memref<128x64xf32, #tpu.memory_space<vmem>>, vector<16xf32>,
        %parallel_loop3A_706 = arith.addf %parallel_loop3A_705, %get3A_597 : vector<16xf32>
        %parallel_loop3A_707 = arith.constant 65 : i32
        %parallel_loop3A_708 = arith.muli %parallel_loop3A_682, %parallel_loop3A_707 : i32
        %parallel_loop3A_709 = arith.constant 32 : i32
        %parallel_loop3A_710 = arith.addi %parallel_loop3A_708, %parallel_loop3A_709 : i32
        %parallel_loop3A_711 = arith.index_cast %parallel_loop3A_710 : i32 to index
        %parallel_loop3A_712 = tpu.vector_load %arg12[%parallel_loop3A_711] {strides = array<i32>} : memref<8320xf32, #tpu.memory_space<vmem>>, vector<16xf32>,
        tpu.vector_store %arg12[%parallel_loop3A_711], %parallel_loop3A_706 {strides = array<i32>} : memref<8320xf32, #tpu.memory_space<vmem>>, vector<16xf32>,
        %parallel_loop3A_713 = arith.index_cast %parallel_loop3A_682 : i32 to index
        %parallel_loop3A_714 = arith.constant 48 : index
        %parallel_loop3A_715 = tpu.vector_load %arg10[%parallel_loop3A_713, %parallel_loop3A_714] {strides = array<i32>} : memref<128x64xf32, #tpu.memory_space<vmem>>, vector<16xf32>,
        %parallel_loop3A_716 = arith.addf %parallel_loop3A_715, %get3A_601 : vector<16xf32>
        %parallel_loop3A_717 = arith.constant 65 : i32
        %parallel_loop3A_718 = arith.muli %parallel_loop3A_682, %parallel_loop3A_717 : i32
        %parallel_loop3A_719 = arith.constant 48 : i32
        %parallel_loop3A_720 = arith.addi %parallel_loop3A_718, %parallel_loop3A_719 : i32
        %parallel_loop3A_721 = arith.index_cast %parallel_loop3A_720 : i32 to index
        %parallel_loop3A_722 = tpu.vector_load %arg12[%parallel_loop3A_721] {strides = array<i32>} : memref<8320xf32, #tpu.memory_space<vmem>>, vector<16xf32>,
        tpu.vector_store %arg12[%parallel_loop3A_721], %parallel_loop3A_716 {strides = array<i32>} : memref<8320xf32, #tpu.memory_space<vmem>>, vector<16xf32>,
      } {sc.loop_unroll_factor = 2 : i64, sc.parallel_access}
      %parallel_loop3A_605 = arith.constant 0 : i32
      %parallel_loop3A_606 = arith.constant 64 : i32
      %parallel_loop3A_607 = arith.constant 1 : i32
      scf.for %parallel_loop3A_682 = %parallel_loop3A_605 to %parallel_loop3A_606 step %parallel_loop3A_607  : i32 {
        %parallel_loop3A_683 = arith.constant 3 : i32
        %parallel_loop3A_684 = arith.shrsi %parallel_loop3A_682, %parallel_loop3A_683 : i32
        %parallel_loop3A_685 = arith.constant 7 : i32
        %parallel_loop3A_686 = arith.andi %parallel_loop3A_682, %parallel_loop3A_685 : i32
        %parallel_loop3A_687 = arith.constant 128 : i32
        %parallel_loop3A_688 = arith.muli %parallel_loop3A_686, %parallel_loop3A_687 : i32
        %parallel_loop3A_689 = vector.broadcast %parallel_loop3A_682 : i32 to vector<16xi32>
        %parallel_loop3A_690 = arith.addi %mul3A_35, %parallel_loop3A_689 : vector<16xi32>
        %parallel_loop3A_691 = tpu.vector_load_idx %arg12[%parallel_loop3A_690] : memref<8320xf32, #tpu.memory_space<vmem>>[vector<16xi32>], vector<16xf32>,
        %parallel_loop3A_692 = vector.broadcast %parallel_loop3A_682 : i32 to vector<16xi32>
        %parallel_loop3A_693 = arith.addi %mul3A_41, %parallel_loop3A_692 : vector<16xi32>
        %parallel_loop3A_694 = tpu.vector_load_idx %arg12[%parallel_loop3A_693] : memref<8320xf32, #tpu.memory_space<vmem>>[vector<16xi32>], vector<16xf32>,
        %parallel_loop3A_695 = vector.broadcast %parallel_loop3A_682 : i32 to vector<16xi32>
        %parallel_loop3A_696 = arith.addi %mul3A_47, %parallel_loop3A_695 : vector<16xi32>
        %parallel_loop3A_697 = tpu.vector_load_idx %arg12[%parallel_loop3A_696] : memref<8320xf32, #tpu.memory_space<vmem>>[vector<16xi32>], vector<16xf32>,
        %parallel_loop3A_698 = vector.broadcast %parallel_loop3A_682 : i32 to vector<16xi32>
        %parallel_loop3A_699 = arith.addi %mul3A_53, %parallel_loop3A_698 : vector<16xi32>
        %parallel_loop3A_700 = tpu.vector_load_idx %arg12[%parallel_loop3A_699] : memref<8320xf32, #tpu.memory_space<vmem>>[vector<16xi32>], vector<16xf32>,
        %parallel_loop3A_701 = vector.broadcast %parallel_loop3A_682 : i32 to vector<16xi32>
        %parallel_loop3A_702 = arith.addi %mul3A_59, %parallel_loop3A_701 : vector<16xi32>
        %parallel_loop3A_703 = tpu.vector_load_idx %arg12[%parallel_loop3A_702] : memref<8320xf32, #tpu.memory_space<vmem>>[vector<16xi32>], vector<16xf32>,
        %parallel_loop3A_704 = vector.broadcast %parallel_loop3A_682 : i32 to vector<16xi32>
        %parallel_loop3A_705 = arith.addi %mul3A_65, %parallel_loop3A_704 : vector<16xi32>
        %parallel_loop3A_706 = tpu.vector_load_idx %arg12[%parallel_loop3A_705] : memref<8320xf32, #tpu.memory_space<vmem>>[vector<16xi32>], vector<16xf32>,
        %parallel_loop3A_707 = vector.broadcast %parallel_loop3A_682 : i32 to vector<16xi32>
        %parallel_loop3A_708 = arith.addi %mul3A_71, %parallel_loop3A_707 : vector<16xi32>
        %parallel_loop3A_709 = tpu.vector_load_idx %arg12[%parallel_loop3A_708] : memref<8320xf32, #tpu.memory_space<vmem>>[vector<16xi32>], vector<16xf32>,
        %parallel_loop3A_710 = vector.broadcast %parallel_loop3A_682 : i32 to vector<16xi32>
        %parallel_loop3A_711 = arith.addi %mul3A_77, %parallel_loop3A_710 : vector<16xi32>
        %parallel_loop3A_712 = tpu.vector_load_idx %arg12[%parallel_loop3A_711] : memref<8320xf32, #tpu.memory_space<vmem>>[vector<16xi32>], vector<16xf32>,
        %parallel_loop3A_713 = arith.constant 0 : i32
        %parallel_loop3A_714 = arith.addi %parallel_loop3A_688, %parallel_loop3A_713 : i32
        %parallel_loop3A_715 = arith.index_cast %parallel_loop3A_684 : i32 to index
        %parallel_loop3A_716 = arith.index_cast %parallel_loop3A_714 : i32 to index
        %parallel_loop3A_717 = tpu.vector_load %arg15[%parallel_loop3A_715, %parallel_loop3A_716] {strides = array<i32>} : memref<8x1024xf32, #tpu.memory_space<vmem>>, vector<16xf32>,
        tpu.vector_store %arg15[%parallel_loop3A_715, %parallel_loop3A_716], %parallel_loop3A_691 {strides = array<i32>} : memref<8x1024xf32, #tpu.memory_space<vmem>>, vector<16xf32>,
        %parallel_loop3A_718 = arith.constant 16 : i32
        %parallel_loop3A_719 = arith.addi %parallel_loop3A_688, %parallel_loop3A_718 : i32
        %parallel_loop3A_720 = arith.index_cast %parallel_loop3A_684 : i32 to index
        %parallel_loop3A_721 = arith.index_cast %parallel_loop3A_719 : i32 to index
        %parallel_loop3A_722 = tpu.vector_load %arg15[%parallel_loop3A_720, %parallel_loop3A_721] {strides = array<i32>} : memref<8x1024xf32, #tpu.memory_space<vmem>>, vector<16xf32>,
        tpu.vector_store %arg15[%parallel_loop3A_720, %parallel_loop3A_721], %parallel_loop3A_694 {strides = array<i32>} : memref<8x1024xf32, #tpu.memory_space<vmem>>, vector<16xf32>,
        %parallel_loop3A_723 = arith.constant 32 : i32
        %parallel_loop3A_724 = arith.addi %parallel_loop3A_688, %parallel_loop3A_723 : i32
        %parallel_loop3A_725 = arith.index_cast %parallel_loop3A_684 : i32 to index
        %parallel_loop3A_726 = arith.index_cast %parallel_loop3A_724 : i32 to index
        %parallel_loop3A_727 = tpu.vector_load %arg15[%parallel_loop3A_725, %parallel_loop3A_726] {strides = array<i32>} : memref<8x1024xf32, #tpu.memory_space<vmem>>, vector<16xf32>,
        tpu.vector_store %arg15[%parallel_loop3A_725, %parallel_loop3A_726], %parallel_loop3A_697 {strides = array<i32>} : memref<8x1024xf32, #tpu.memory_space<vmem>>, vector<16xf32>,
        %parallel_loop3A_728 = arith.constant 48 : i32
        %parallel_loop3A_729 = arith.addi %parallel_loop3A_688, %parallel_loop3A_728 : i32
        %parallel_loop3A_730 = arith.index_cast %parallel_loop3A_684 : i32 to index
        %parallel_loop3A_731 = arith.index_cast %parallel_loop3A_729 : i32 to index
        %parallel_loop3A_732 = tpu.vector_load %arg15[%parallel_loop3A_730, %parallel_loop3A_731] {strides = array<i32>} : memref<8x1024xf32, #tpu.memory_space<vmem>>, vector<16xf32>,
        tpu.vector_store %arg15[%parallel_loop3A_730, %parallel_loop3A_731], %parallel_loop3A_700 {strides = array<i32>} : memref<8x1024xf32, #tpu.memory_space<vmem>>, vector<16xf32>,
        %parallel_loop3A_733 = arith.constant 64 : i32
        %parallel_loop3A_734 = arith.addi %parallel_loop3A_688, %parallel_loop3A_733 : i32
        %parallel_loop3A_735 = arith.index_cast %parallel_loop3A_684 : i32 to index
        %parallel_loop3A_736 = arith.index_cast %parallel_loop3A_734 : i32 to index
        %parallel_loop3A_737 = tpu.vector_load %arg15[%parallel_loop3A_735, %parallel_loop3A_736] {strides = array<i32>} : memref<8x1024xf32, #tpu.memory_space<vmem>>, vector<16xf32>,
        tpu.vector_store %arg15[%parallel_loop3A_735, %parallel_loop3A_736], %parallel_loop3A_703 {strides = array<i32>} : memref<8x1024xf32, #tpu.memory_space<vmem>>, vector<16xf32>,
        %parallel_loop3A_738 = arith.constant 80 : i32
        %parallel_loop3A_739 = arith.addi %parallel_loop3A_688, %parallel_loop3A_738 : i32
        %parallel_loop3A_740 = arith.index_cast %parallel_loop3A_684 : i32 to index
        %parallel_loop3A_741 = arith.index_cast %parallel_loop3A_739 : i32 to index
        %parallel_loop3A_742 = tpu.vector_load %arg15[%parallel_loop3A_740, %parallel_loop3A_741] {strides = array<i32>} : memref<8x1024xf32, #tpu.memory_space<vmem>>, vector<16xf32>,
        tpu.vector_store %arg15[%parallel_loop3A_740, %parallel_loop3A_741], %parallel_loop3A_706 {strides = array<i32>} : memref<8x1024xf32, #tpu.memory_space<vmem>>, vector<16xf32>,
        %parallel_loop3A_743 = arith.constant 96 : i32
        %parallel_loop3A_744 = arith.addi %parallel_loop3A_688, %parallel_loop3A_743 : i32
        %parallel_loop3A_745 = arith.index_cast %parallel_loop3A_684 : i32 to index
        %parallel_loop3A_746 = arith.index_cast %parallel_loop3A_744 : i32 to index
        %parallel_loop3A_747 = tpu.vector_load %arg15[%parallel_loop3A_745, %parallel_loop3A_746] {strides = array<i32>} : memref<8x1024xf32, #tpu.memory_space<vmem>>, vector<16xf32>,
        tpu.vector_store %arg15[%parallel_loop3A_745, %parallel_loop3A_746], %parallel_loop3A_709 {strides = array<i32>} : memref<8x1024xf32, #tpu.memory_space<vmem>>, vector<16xf32>,
        %parallel_loop3A_748 = arith.constant 112 : i32
        %parallel_loop3A_749 = arith.addi %parallel_loop3A_688, %parallel_loop3A_748 : i32
        %parallel_loop3A_750 = arith.index_cast %parallel_loop3A_684 : i32 to index
        %parallel_loop3A_751 = arith.index_cast %parallel_loop3A_749 : i32 to index
        %parallel_loop3A_752 = tpu.vector_load %arg15[%parallel_loop3A_750, %parallel_loop3A_751] {strides = array<i32>} : memref<8x1024xf32, #tpu.memory_space<vmem>>, vector<16xf32>,
        tpu.vector_store %arg15[%parallel_loop3A_750, %parallel_loop3A_751], %parallel_loop3A_712 {strides = array<i32>} : memref<8x1024xf32, #tpu.memory_space<vmem>>, vector<16xf32>,
      } {sc.loop_unroll_factor = 2 : i64, sc.parallel_access}
      %add3A_608 = arith.constant 4 : i32
      %add3A_609 = arith.addi %add3A_567, %add3A_608 : i32
      %dma_start3A_610 = arith.constant 0 : i32
      %dma_start3A_611 = tpu.memref_slice %arg6[%add3A_609, %dma_start3A_610] : memref<200x128xi32, #tpu.memory_space<vmem>> -> memref<1x128xi32, #tpu.memory_space<vmem>>
      %dma_start3A_612 = tpu.memref_squeeze %dma_start3A_611 : memref<1x128xi32, #tpu.memory_space<vmem>> -> memref<128xi32, #tpu.memory_space<vmem>>
      %dma_start3A_613 = arith.constant 0 : i32
      %dma_start3A_614 = arith.constant 0 : i32
      %dma_start3A_615 = tpu.memref_slice %arg2[%dma_start3A_613, %dma_start3A_614] : memref<2000000x64xf32, #tpu.memory_space<hbm>> -> memref<2000000x64xf32, #tpu.memory_space<hbm>>
      tpu.enqueue_indirect_dma source(%dma_start3A_615 : memref<2000000x64xf32, #tpu.memory_space<hbm>>) target(%arg10 : memref<128x64xf32, #tpu.memory_space<vmem>>) offsets(%dma_start3A_612 : memref<128xi32, #tpu.memory_space<vmem>>) semaphore(%arg19 : memref<!tpu.dma_semaphore, #tpu.memory_space<semaphore_mem>>)
      %dma_start3A_616 = arith.constant 0 : i32
      %dma_start3A_617 = arith.constant 0 : i32
      %dma_start3A_618 = tpu.memref_slice %arg5[%add3A_567, %dma_start3A_616, %add3A, %dma_start3A_617] : memref<200x8x32x1024xf32, #tpu.memory_space<hbm>> -> memref<1x8x1x1024xf32, #tpu.memory_space<hbm>>
      %dma_start3A_619 = tpu.memref_squeeze %dma_start3A_618 : memref<1x8x1x1024xf32, #tpu.memory_space<hbm>> -> memref<8x1024xf32, #tpu.memory_space<hbm>>
      %dma_start3A_620 = arith.constant 0 : i32
      %dma_start3A_621 = arith.constant 0 : i32
      %dma_start3A_622 = tpu.memref_slice %arg5[%add3A_567, %dma_start3A_620, %add3A, %dma_start3A_621] : memref<200x8x32x1024xf32, #tpu.memory_space<hbm>> -> memref<1x8x1x1024xf32, #tpu.memory_space<hbm>>
      %dma_start3A_623 = tpu.memref_squeeze %dma_start3A_622 : memref<1x8x1x1024xf32, #tpu.memory_space<hbm>> -> memref<8x1024xf32, #tpu.memory_space<hbm>>
      tpu.enqueue_dma source(%arg15 : memref<8x1024xf32, #tpu.memory_space<vmem>>) target(%dma_start3A_623 : memref<8x1024xf32, #tpu.memory_space<hbm>>) target_semaphore(%arg23 : memref<!tpu.dma_semaphore, #tpu.memory_space<semaphore_mem>>)
      %add3A_624 = arith.constant 3 : i32
      %add3A_625 = arith.addi %add3A_450, %add3A_624 : i32
      %dma_wait3A_626 = arith.constant 0 : i32
      %dma_wait3A_627 = tpu.memref_slice %arg6[%add3A_625, %dma_wait3A_626] : memref<200x128xi32, #tpu.memory_space<vmem>> -> memref<1x128xi32, #tpu.memory_space<vmem>>
      %dma_wait3A_628 = tpu.memref_squeeze %dma_wait3A_627 : memref<1x128xi32, #tpu.memory_space<vmem>> -> memref<128xi32, #tpu.memory_space<vmem>>
      %dma_wait3A_629 = arith.constant 0 : i32
      %dma_wait3A_630 = arith.constant 0 : i32
      %dma_wait3A_631 = tpu.memref_slice %arg2[%dma_wait3A_629, %dma_wait3A_630] : memref<2000000x64xf32, #tpu.memory_space<hbm>> -> memref<2000000x64xf32, #tpu.memory_space<hbm>>
      tpu.wait_indirect_dma semaphore(%arg20 : memref<!tpu.dma_semaphore, #tpu.memory_space<semaphore_mem>>) src(%dma_wait3A_631 : memref<2000000x64xf32, #tpu.memory_space<hbm>>) dst(%arg11 : memref<128x64xf32, #tpu.memory_space<vmem>>)
      %sub3A_632 = arith.constant 4 : i32
      %sub3A_633 = arith.subi %add3A_625, %sub3A_632 : i32
      %dma_wait3A_634 = arith.constant 0 : i32
      %dma_wait3A_635 = arith.constant 0 : i32
      %dma_wait3A_636 = tpu.memref_slice %arg5[%sub3A_633, %dma_wait3A_634, %add3A, %dma_wait3A_635] : memref<200x8x32x1024xf32, #tpu.memory_space<hbm>> -> memref<1x8x1x1024xf32, #tpu.memory_space<hbm>>
      %dma_wait3A_637 = tpu.memref_squeeze %dma_wait3A_636 : memref<1x8x1x1024xf32, #tpu.memory_space<hbm>> -> memref<8x1024xf32, #tpu.memory_space<hbm>>
      %dma_wait3A_638 = arith.constant 0 : i32
      %dma_wait3A_639 = arith.constant 0 : i32
      %dma_wait3A_640 = tpu.memref_slice %arg5[%sub3A_633, %dma_wait3A_638, %add3A, %dma_wait3A_639] : memref<200x8x32x1024xf32, #tpu.memory_space<hbm>> -> memref<1x8x1x1024xf32, #tpu.memory_space<hbm>>
      %dma_wait3A_641 = tpu.memref_squeeze %dma_wait3A_640 : memref<1x8x1x1024xf32, #tpu.memory_space<hbm>> -> memref<8x1024xf32, #tpu.memory_space<hbm>>
      tpu.wait_dma2 semaphore(%arg24 : memref<!tpu.dma_semaphore, #tpu.memory_space<semaphore_mem>>) src(%arg16 : memref<8x1024xf32, #tpu.memory_space<vmem>>) dst(%dma_wait3A_641 : memref<8x1024xf32, #tpu.memory_space<hbm>>)
      %mul3A_642 = arith.constant 64 : i32
      %mul3A_643 = arith.muli %add3A_625, %mul3A_642 : i32
      %add3A_644 = arith.constant 0 : i32
      %add3A_645 = arith.addi %mul3A_643, %add3A_644 : i32
      %get3A_646 = arith.index_cast %add3A_645 : i32 to index
      %get3A_647 = tpu.vector_load %arg7[%get3A_646] {strides = array<i32>} : memref<12800xf32, #tpu.memory_space<vmem>>, vector<16xf32>,
      %add3A_648 = arith.constant 16 : i32
      %add3A_649 = arith.addi %mul3A_643, %add3A_648 : i32
      %get3A_650 = arith.index_cast %add3A_649 : i32 to index
      %get3A_651 = tpu.vector_load %arg7[%get3A_650] {strides = array<i32>} : memref<12800xf32, #tpu.memory_space<vmem>>, vector<16xf32>,
      %add3A_652 = arith.constant 32 : i32
      %add3A_653 = arith.addi %mul3A_643, %add3A_652 : i32
      %get3A_654 = arith.index_cast %add3A_653 : i32 to index
      %get3A_655 = tpu.vector_load %arg7[%get3A_654] {strides = array<i32>} : memref<12800xf32, #tpu.memory_space<vmem>>, vector<16xf32>,
      %add3A_656 = arith.constant 48 : i32
      %add3A_657 = arith.addi %mul3A_643, %add3A_656 : i32
      %get3A_658 = arith.index_cast %add3A_657 : i32 to index
      %get3A_659 = tpu.vector_load %arg7[%get3A_658] {strides = array<i32>} : memref<12800xf32, #tpu.memory_space<vmem>>, vector<16xf32>,
      %parallel_loop3A_660 = arith.constant 0 : i32
      %parallel_loop3A_661 = arith.constant 128 : i32
      %parallel_loop3A_662 = arith.constant 1 : i32
      scf.for %parallel_loop3A_682 = %parallel_loop3A_660 to %parallel_loop3A_661 step %parallel_loop3A_662  : i32 {
        %parallel_loop3A_683 = arith.index_cast %parallel_loop3A_682 : i32 to index
        %parallel_loop3A_684 = arith.constant 0 : index
        %parallel_loop3A_685 = tpu.vector_load %arg11[%parallel_loop3A_683, %parallel_loop3A_684] {strides = array<i32>} : memref<128x64xf32, #tpu.memory_space<vmem>>, vector<16xf32>,
        %parallel_loop3A_686 = arith.addf %parallel_loop3A_685, %get3A_647 : vector<16xf32>
        %parallel_loop3A_687 = arith.constant 65 : i32
        %parallel_loop3A_688 = arith.muli %parallel_loop3A_682, %parallel_loop3A_687 : i32
        %parallel_loop3A_689 = arith.constant 0 : i32
        %parallel_loop3A_690 = arith.addi %parallel_loop3A_688, %parallel_loop3A_689 : i32
        %parallel_loop3A_691 = arith.index_cast %parallel_loop3A_690 : i32 to index
        %parallel_loop3A_692 = tpu.vector_load %arg12[%parallel_loop3A_691] {strides = array<i32>} : memref<8320xf32, #tpu.memory_space<vmem>>, vector<16xf32>,
        tpu.vector_store %arg12[%parallel_loop3A_691], %parallel_loop3A_686 {strides = array<i32>} : memref<8320xf32, #tpu.memory_space<vmem>>, vector<16xf32>,
        %parallel_loop3A_693 = arith.index_cast %parallel_loop3A_682 : i32 to index
        %parallel_loop3A_694 = arith.constant 16 : index
        %parallel_loop3A_695 = tpu.vector_load %arg11[%parallel_loop3A_693, %parallel_loop3A_694] {strides = array<i32>} : memref<128x64xf32, #tpu.memory_space<vmem>>, vector<16xf32>,
        %parallel_loop3A_696 = arith.addf %parallel_loop3A_695, %get3A_651 : vector<16xf32>
        %parallel_loop3A_697 = arith.constant 65 : i32
        %parallel_loop3A_698 = arith.muli %parallel_loop3A_682, %parallel_loop3A_697 : i32
        %parallel_loop3A_699 = arith.constant 16 : i32
        %parallel_loop3A_700 = arith.addi %parallel_loop3A_698, %parallel_loop3A_699 : i32
        %parallel_loop3A_701 = arith.index_cast %parallel_loop3A_700 : i32 to index
        %parallel_loop3A_702 = tpu.vector_load %arg12[%parallel_loop3A_701] {strides = array<i32>} : memref<8320xf32, #tpu.memory_space<vmem>>, vector<16xf32>,
        tpu.vector_store %arg12[%parallel_loop3A_701], %parallel_loop3A_696 {strides = array<i32>} : memref<8320xf32, #tpu.memory_space<vmem>>, vector<16xf32>,
        %parallel_loop3A_703 = arith.index_cast %parallel_loop3A_682 : i32 to index
        %parallel_loop3A_704 = arith.constant 32 : index
        %parallel_loop3A_705 = tpu.vector_load %arg11[%parallel_loop3A_703, %parallel_loop3A_704] {strides = array<i32>} : memref<128x64xf32, #tpu.memory_space<vmem>>, vector<16xf32>,
        %parallel_loop3A_706 = arith.addf %parallel_loop3A_705, %get3A_655 : vector<16xf32>
        %parallel_loop3A_707 = arith.constant 65 : i32
        %parallel_loop3A_708 = arith.muli %parallel_loop3A_682, %parallel_loop3A_707 : i32
        %parallel_loop3A_709 = arith.constant 32 : i32
        %parallel_loop3A_710 = arith.addi %parallel_loop3A_708, %parallel_loop3A_709 : i32
        %parallel_loop3A_711 = arith.index_cast %parallel_loop3A_710 : i32 to index
        %parallel_loop3A_712 = tpu.vector_load %arg12[%parallel_loop3A_711] {strides = array<i32>} : memref<8320xf32, #tpu.memory_space<vmem>>, vector<16xf32>,
        tpu.vector_store %arg12[%parallel_loop3A_711], %parallel_loop3A_706 {strides = array<i32>} : memref<8320xf32, #tpu.memory_space<vmem>>, vector<16xf32>,
        %parallel_loop3A_713 = arith.index_cast %parallel_loop3A_682 : i32 to index
        %parallel_loop3A_714 = arith.constant 48 : index
        %parallel_loop3A_715 = tpu.vector_load %arg11[%parallel_loop3A_713, %parallel_loop3A_714] {strides = array<i32>} : memref<128x64xf32, #tpu.memory_space<vmem>>, vector<16xf32>,
        %parallel_loop3A_716 = arith.addf %parallel_loop3A_715, %get3A_659 : vector<16xf32>
        %parallel_loop3A_717 = arith.constant 65 : i32
        %parallel_loop3A_718 = arith.muli %parallel_loop3A_682, %parallel_loop3A_717 : i32
        %parallel_loop3A_719 = arith.constant 48 : i32
        %parallel_loop3A_720 = arith.addi %parallel_loop3A_718, %parallel_loop3A_719 : i32
        %parallel_loop3A_721 = arith.index_cast %parallel_loop3A_720 : i32 to index
        %parallel_loop3A_722 = tpu.vector_load %arg12[%parallel_loop3A_721] {strides = array<i32>} : memref<8320xf32, #tpu.memory_space<vmem>>, vector<16xf32>,
        tpu.vector_store %arg12[%parallel_loop3A_721], %parallel_loop3A_716 {strides = array<i32>} : memref<8320xf32, #tpu.memory_space<vmem>>, vector<16xf32>,
      } {sc.loop_unroll_factor = 2 : i64, sc.parallel_access}
      %parallel_loop3A_663 = arith.constant 0 : i32
      %parallel_loop3A_664 = arith.constant 64 : i32
      %parallel_loop3A_665 = arith.constant 1 : i32
      scf.for %parallel_loop3A_682 = %parallel_loop3A_663 to %parallel_loop3A_664 step %parallel_loop3A_665  : i32 {
        %parallel_loop3A_683 = arith.constant 3 : i32
        %parallel_loop3A_684 = arith.shrsi %parallel_loop3A_682, %parallel_loop3A_683 : i32
        %parallel_loop3A_685 = arith.constant 7 : i32
        %parallel_loop3A_686 = arith.andi %parallel_loop3A_682, %parallel_loop3A_685 : i32
        %parallel_loop3A_687 = arith.constant 128 : i32
        %parallel_loop3A_688 = arith.muli %parallel_loop3A_686, %parallel_loop3A_687 : i32
        %parallel_loop3A_689 = vector.broadcast %parallel_loop3A_682 : i32 to vector<16xi32>
        %parallel_loop3A_690 = arith.addi %mul3A_35, %parallel_loop3A_689 : vector<16xi32>
        %parallel_loop3A_691 = tpu.vector_load_idx %arg12[%parallel_loop3A_690] : memref<8320xf32, #tpu.memory_space<vmem>>[vector<16xi32>], vector<16xf32>,
        %parallel_loop3A_692 = vector.broadcast %parallel_loop3A_682 : i32 to vector<16xi32>
        %parallel_loop3A_693 = arith.addi %mul3A_41, %parallel_loop3A_692 : vector<16xi32>
        %parallel_loop3A_694 = tpu.vector_load_idx %arg12[%parallel_loop3A_693] : memref<8320xf32, #tpu.memory_space<vmem>>[vector<16xi32>], vector<16xf32>,
        %parallel_loop3A_695 = vector.broadcast %parallel_loop3A_682 : i32 to vector<16xi32>
        %parallel_loop3A_696 = arith.addi %mul3A_47, %parallel_loop3A_695 : vector<16xi32>
        %parallel_loop3A_697 = tpu.vector_load_idx %arg12[%parallel_loop3A_696] : memref<8320xf32, #tpu.memory_space<vmem>>[vector<16xi32>], vector<16xf32>,
        %parallel_loop3A_698 = vector.broadcast %parallel_loop3A_682 : i32 to vector<16xi32>
        %parallel_loop3A_699 = arith.addi %mul3A_53, %parallel_loop3A_698 : vector<16xi32>
        %parallel_loop3A_700 = tpu.vector_load_idx %arg12[%parallel_loop3A_699] : memref<8320xf32, #tpu.memory_space<vmem>>[vector<16xi32>], vector<16xf32>,
        %parallel_loop3A_701 = vector.broadcast %parallel_loop3A_682 : i32 to vector<16xi32>
        %parallel_loop3A_702 = arith.addi %mul3A_59, %parallel_loop3A_701 : vector<16xi32>
        %parallel_loop3A_703 = tpu.vector_load_idx %arg12[%parallel_loop3A_702] : memref<8320xf32, #tpu.memory_space<vmem>>[vector<16xi32>], vector<16xf32>,
        %parallel_loop3A_704 = vector.broadcast %parallel_loop3A_682 : i32 to vector<16xi32>
        %parallel_loop3A_705 = arith.addi %mul3A_65, %parallel_loop3A_704 : vector<16xi32>
        %parallel_loop3A_706 = tpu.vector_load_idx %arg12[%parallel_loop3A_705] : memref<8320xf32, #tpu.memory_space<vmem>>[vector<16xi32>], vector<16xf32>,
        %parallel_loop3A_707 = vector.broadcast %parallel_loop3A_682 : i32 to vector<16xi32>
        %parallel_loop3A_708 = arith.addi %mul3A_71, %parallel_loop3A_707 : vector<16xi32>
        %parallel_loop3A_709 = tpu.vector_load_idx %arg12[%parallel_loop3A_708] : memref<8320xf32, #tpu.memory_space<vmem>>[vector<16xi32>], vector<16xf32>,
        %parallel_loop3A_710 = vector.broadcast %parallel_loop3A_682 : i32 to vector<16xi32>
        %parallel_loop3A_711 = arith.addi %mul3A_77, %parallel_loop3A_710 : vector<16xi32>
        %parallel_loop3A_712 = tpu.vector_load_idx %arg12[%parallel_loop3A_711] : memref<8320xf32, #tpu.memory_space<vmem>>[vector<16xi32>], vector<16xf32>,
        %parallel_loop3A_713 = arith.constant 0 : i32
        %parallel_loop3A_714 = arith.addi %parallel_loop3A_688, %parallel_loop3A_713 : i32
        %parallel_loop3A_715 = arith.index_cast %parallel_loop3A_684 : i32 to index
        %parallel_loop3A_716 = arith.index_cast %parallel_loop3A_714 : i32 to index
        %parallel_loop3A_717 = tpu.vector_load %arg16[%parallel_loop3A_715, %parallel_loop3A_716] {strides = array<i32>} : memref<8x1024xf32, #tpu.memory_space<vmem>>, vector<16xf32>,
        tpu.vector_store %arg16[%parallel_loop3A_715, %parallel_loop3A_716], %parallel_loop3A_691 {strides = array<i32>} : memref<8x1024xf32, #tpu.memory_space<vmem>>, vector<16xf32>,
        %parallel_loop3A_718 = arith.constant 16 : i32
        %parallel_loop3A_719 = arith.addi %parallel_loop3A_688, %parallel_loop3A_718 : i32
        %parallel_loop3A_720 = arith.index_cast %parallel_loop3A_684 : i32 to index
        %parallel_loop3A_721 = arith.index_cast %parallel_loop3A_719 : i32 to index
        %parallel_loop3A_722 = tpu.vector_load %arg16[%parallel_loop3A_720, %parallel_loop3A_721] {strides = array<i32>} : memref<8x1024xf32, #tpu.memory_space<vmem>>, vector<16xf32>,
        tpu.vector_store %arg16[%parallel_loop3A_720, %parallel_loop3A_721], %parallel_loop3A_694 {strides = array<i32>} : memref<8x1024xf32, #tpu.memory_space<vmem>>, vector<16xf32>,
        %parallel_loop3A_723 = arith.constant 32 : i32
        %parallel_loop3A_724 = arith.addi %parallel_loop3A_688, %parallel_loop3A_723 : i32
        %parallel_loop3A_725 = arith.index_cast %parallel_loop3A_684 : i32 to index
        %parallel_loop3A_726 = arith.index_cast %parallel_loop3A_724 : i32 to index
        %parallel_loop3A_727 = tpu.vector_load %arg16[%parallel_loop3A_725, %parallel_loop3A_726] {strides = array<i32>} : memref<8x1024xf32, #tpu.memory_space<vmem>>, vector<16xf32>,
        tpu.vector_store %arg16[%parallel_loop3A_725, %parallel_loop3A_726], %parallel_loop3A_697 {strides = array<i32>} : memref<8x1024xf32, #tpu.memory_space<vmem>>, vector<16xf32>,
        %parallel_loop3A_728 = arith.constant 48 : i32
        %parallel_loop3A_729 = arith.addi %parallel_loop3A_688, %parallel_loop3A_728 : i32
        %parallel_loop3A_730 = arith.index_cast %parallel_loop3A_684 : i32 to index
        %parallel_loop3A_731 = arith.index_cast %parallel_loop3A_729 : i32 to index
        %parallel_loop3A_732 = tpu.vector_load %arg16[%parallel_loop3A_730, %parallel_loop3A_731] {strides = array<i32>} : memref<8x1024xf32, #tpu.memory_space<vmem>>, vector<16xf32>,
        tpu.vector_store %arg16[%parallel_loop3A_730, %parallel_loop3A_731], %parallel_loop3A_700 {strides = array<i32>} : memref<8x1024xf32, #tpu.memory_space<vmem>>, vector<16xf32>,
        %parallel_loop3A_733 = arith.constant 64 : i32
        %parallel_loop3A_734 = arith.addi %parallel_loop3A_688, %parallel_loop3A_733 : i32
        %parallel_loop3A_735 = arith.index_cast %parallel_loop3A_684 : i32 to index
        %parallel_loop3A_736 = arith.index_cast %parallel_loop3A_734 : i32 to index
        %parallel_loop3A_737 = tpu.vector_load %arg16[%parallel_loop3A_735, %parallel_loop3A_736] {strides = array<i32>} : memref<8x1024xf32, #tpu.memory_space<vmem>>, vector<16xf32>,
        tpu.vector_store %arg16[%parallel_loop3A_735, %parallel_loop3A_736], %parallel_loop3A_703 {strides = array<i32>} : memref<8x1024xf32, #tpu.memory_space<vmem>>, vector<16xf32>,
        %parallel_loop3A_738 = arith.constant 80 : i32
        %parallel_loop3A_739 = arith.addi %parallel_loop3A_688, %parallel_loop3A_738 : i32
        %parallel_loop3A_740 = arith.index_cast %parallel_loop3A_684 : i32 to index
        %parallel_loop3A_741 = arith.index_cast %parallel_loop3A_739 : i32 to index
        %parallel_loop3A_742 = tpu.vector_load %arg16[%parallel_loop3A_740, %parallel_loop3A_741] {strides = array<i32>} : memref<8x1024xf32, #tpu.memory_space<vmem>>, vector<16xf32>,
        tpu.vector_store %arg16[%parallel_loop3A_740, %parallel_loop3A_741], %parallel_loop3A_706 {strides = array<i32>} : memref<8x1024xf32, #tpu.memory_space<vmem>>, vector<16xf32>,
        %parallel_loop3A_743 = arith.constant 96 : i32
        %parallel_loop3A_744 = arith.addi %parallel_loop3A_688, %parallel_loop3A_743 : i32
        %parallel_loop3A_745 = arith.index_cast %parallel_loop3A_684 : i32 to index
        %parallel_loop3A_746 = arith.index_cast %parallel_loop3A_744 : i32 to index
        %parallel_loop3A_747 = tpu.vector_load %arg16[%parallel_loop3A_745, %parallel_loop3A_746] {strides = array<i32>} : memref<8x1024xf32, #tpu.memory_space<vmem>>, vector<16xf32>,
        tpu.vector_store %arg16[%parallel_loop3A_745, %parallel_loop3A_746], %parallel_loop3A_709 {strides = array<i32>} : memref<8x1024xf32, #tpu.memory_space<vmem>>, vector<16xf32>,
        %parallel_loop3A_748 = arith.constant 112 : i32
        %parallel_loop3A_749 = arith.addi %parallel_loop3A_688, %parallel_loop3A_748 : i32
        %parallel_loop3A_750 = arith.index_cast %parallel_loop3A_684 : i32 to index
        %parallel_loop3A_751 = arith.index_cast %parallel_loop3A_749 : i32 to index
        %parallel_loop3A_752 = tpu.vector_load %arg16[%parallel_loop3A_750, %parallel_loop3A_751] {strides = array<i32>} : memref<8x1024xf32, #tpu.memory_space<vmem>>, vector<16xf32>,
        tpu.vector_store %arg16[%parallel_loop3A_750, %parallel_loop3A_751], %parallel_loop3A_712 {strides = array<i32>} : memref<8x1024xf32, #tpu.memory_space<vmem>>, vector<16xf32>,
      } {sc.loop_unroll_factor = 2 : i64, sc.parallel_access}
      %add3A_666 = arith.constant 4 : i32
      %add3A_667 = arith.addi %add3A_625, %add3A_666 : i32
      %dma_start3A_668 = arith.constant 0 : i32
      %dma_start3A_669 = tpu.memref_slice %arg6[%add3A_667, %dma_start3A_668] : memref<200x128xi32, #tpu.memory_space<vmem>> -> memref<1x128xi32, #tpu.memory_space<vmem>>
      %dma_start3A_670 = tpu.memref_squeeze %dma_start3A_669 : memref<1x128xi32, #tpu.memory_space<vmem>> -> memref<128xi32, #tpu.memory_space<vmem>>
      %dma_start3A_671 = arith.constant 0 : i32
      %dma_start3A_672 = arith.constant 0 : i32
      %dma_start3A_673 = tpu.memref_slice %arg2[%dma_start3A_671, %dma_start3A_672] : memref<2000000x64xf32, #tpu.memory_space<hbm>> -> memref<2000000x64xf32, #tpu.memory_space<hbm>>
      tpu.enqueue_indirect_dma source(%dma_start3A_673 : memref<2000000x64xf32, #tpu.memory_space<hbm>>) target(%arg11 : memref<128x64xf32, #tpu.memory_space<vmem>>) offsets(%dma_start3A_670 : memref<128xi32, #tpu.memory_space<vmem>>) semaphore(%arg20 : memref<!tpu.dma_semaphore, #tpu.memory_space<semaphore_mem>>)
      %dma_start3A_674 = arith.constant 0 : i32
      %dma_start3A_675 = arith.constant 0 : i32
      %dma_start3A_676 = tpu.memref_slice %arg5[%add3A_625, %dma_start3A_674, %add3A, %dma_start3A_675] : memref<200x8x32x1024xf32, #tpu.memory_space<hbm>> -> memref<1x8x1x1024xf32, #tpu.memory_space<hbm>>
      %dma_start3A_677 = tpu.memref_squeeze %dma_start3A_676 : memref<1x8x1x1024xf32, #tpu.memory_space<hbm>> -> memref<8x1024xf32, #tpu.memory_space<hbm>>
      %dma_start3A_678 = arith.constant 0 : i32
      %dma_start3A_679 = arith.constant 0 : i32
      %dma_start3A_680 = tpu.memref_slice %arg5[%add3A_625, %dma_start3A_678, %add3A, %dma_start3A_679] : memref<200x8x32x1024xf32, #tpu.memory_space<hbm>> -> memref<1x8x1x1024xf32, #tpu.memory_space<hbm>>
      %dma_start3A_681 = tpu.memref_squeeze %dma_start3A_680 : memref<1x8x1x1024xf32, #tpu.memory_space<hbm>> -> memref<8x1024xf32, #tpu.memory_space<hbm>>
      tpu.enqueue_dma source(%arg16 : memref<8x1024xf32, #tpu.memory_space<vmem>>) target(%dma_start3A_681 : memref<8x1024xf32, #tpu.memory_space<hbm>>) target_semaphore(%arg24 : memref<!tpu.dma_semaphore, #tpu.memory_space<semaphore_mem>>)
    }
    %scan3A_253 = arith.constant 48 : i32
    %dma_wait3A_254 = arith.constant 196 : i32
    %dma_wait3A_255 = arith.constant 0 : i32
    %dma_wait3A_256 = tpu.memref_slice %arg6[%dma_wait3A_254, %dma_wait3A_255] : memref<200x128xi32, #tpu.memory_space<vmem>> -> memref<1x128xi32, #tpu.memory_space<vmem>>
    %dma_wait3A_257 = tpu.memref_squeeze %dma_wait3A_256 : memref<1x128xi32, #tpu.memory_space<vmem>> -> memref<128xi32, #tpu.memory_space<vmem>>
    %dma_wait3A_258 = arith.constant 0 : i32
    %dma_wait3A_259 = arith.constant 0 : i32
    %dma_wait3A_260 = tpu.memref_slice %arg2[%dma_wait3A_258, %dma_wait3A_259] : memref<2000000x64xf32, #tpu.memory_space<hbm>> -> memref<2000000x64xf32, #tpu.memory_space<hbm>>
    tpu.wait_indirect_dma semaphore(%arg17 : memref<!tpu.dma_semaphore, #tpu.memory_space<semaphore_mem>>) src(%dma_wait3A_260 : memref<2000000x64xf32, #tpu.memory_space<hbm>>) dst(%arg8 : memref<128x64xf32, #tpu.memory_space<vmem>>)
    %dma_wait3A_261 = arith.constant 192 : i32
    %dma_wait3A_262 = arith.constant 0 : i32
    %dma_wait3A_263 = arith.constant 0 : i32
    %dma_wait3A_264 = tpu.memref_slice %arg5[%dma_wait3A_261, %dma_wait3A_262, %add3A, %dma_wait3A_263] : memref<200x8x32x1024xf32, #tpu.memory_space<hbm>> -> memref<1x8x1x1024xf32, #tpu.memory_space<hbm>>
    %dma_wait3A_265 = tpu.memref_squeeze %dma_wait3A_264 : memref<1x8x1x1024xf32, #tpu.memory_space<hbm>> -> memref<8x1024xf32, #tpu.memory_space<hbm>>
    %dma_wait3A_266 = arith.constant 0 : i32
    %dma_wait3A_267 = arith.constant 0 : i32
    %dma_wait3A_268 = tpu.memref_slice %arg5[%dma_wait3A_261, %dma_wait3A_266, %add3A, %dma_wait3A_267] : memref<200x8x32x1024xf32, #tpu.memory_space<hbm>> -> memref<1x8x1x1024xf32, #tpu.memory_space<hbm>>
    %dma_wait3A_269 = tpu.memref_squeeze %dma_wait3A_268 : memref<1x8x1x1024xf32, #tpu.memory_space<hbm>> -> memref<8x1024xf32, #tpu.memory_space<hbm>>
    tpu.wait_dma2 semaphore(%arg21 : memref<!tpu.dma_semaphore, #tpu.memory_space<semaphore_mem>>) src(%arg13 : memref<8x1024xf32, #tpu.memory_space<vmem>>) dst(%dma_wait3A_269 : memref<8x1024xf32, #tpu.memory_space<hbm>>)
    %get3A_270 = arith.constant 12544 : index
    %get3A_271 = tpu.vector_load %arg7[%get3A_270] {strides = array<i32>} : memref<12800xf32, #tpu.memory_space<vmem>>, vector<16xf32>,
    %get3A_272 = arith.constant 12560 : index
    %get3A_273 = tpu.vector_load %arg7[%get3A_272] {strides = array<i32>} : memref<12800xf32, #tpu.memory_space<vmem>>, vector<16xf32>,
    %get3A_274 = arith.constant 12576 : index
    %get3A_275 = tpu.vector_load %arg7[%get3A_274] {strides = array<i32>} : memref<12800xf32, #tpu.memory_space<vmem>>, vector<16xf32>,
    %get3A_276 = arith.constant 12592 : index
    %get3A_277 = tpu.vector_load %arg7[%get3A_276] {strides = array<i32>} : memref<12800xf32, #tpu.memory_space<vmem>>, vector<16xf32>,
    %parallel_loop3A_278 = arith.constant 0 : i32
    %parallel_loop3A_279 = arith.constant 128 : i32
    %parallel_loop3A_280 = arith.constant 1 : i32
    scf.for %parallel_loop3A_446 = %parallel_loop3A_278 to %parallel_loop3A_279 step %parallel_loop3A_280  : i32 {
      %parallel_loop3A_447 = arith.index_cast %parallel_loop3A_446 : i32 to index
      %parallel_loop3A_448 = arith.constant 0 : index
      %parallel_loop3A_449 = tpu.vector_load %arg8[%parallel_loop3A_447, %parallel_loop3A_448] {strides = array<i32>} : memref<128x64xf32, #tpu.memory_space<vmem>>, vector<16xf32>,
      %parallel_loop3A_450 = arith.addf %parallel_loop3A_449, %get3A_271 : vector<16xf32>
      %parallel_loop3A_451 = arith.constant 65 : i32
      %parallel_loop3A_452 = arith.muli %parallel_loop3A_446, %parallel_loop3A_451 : i32
      %parallel_loop3A_453 = arith.constant 0 : i32
      %parallel_loop3A_454 = arith.addi %parallel_loop3A_452, %parallel_loop3A_453 : i32
      %parallel_loop3A_455 = arith.index_cast %parallel_loop3A_454 : i32 to index
      %parallel_loop3A_456 = tpu.vector_load %arg12[%parallel_loop3A_455] {strides = array<i32>} : memref<8320xf32, #tpu.memory_space<vmem>>, vector<16xf32>,
      tpu.vector_store %arg12[%parallel_loop3A_455], %parallel_loop3A_450 {strides = array<i32>} : memref<8320xf32, #tpu.memory_space<vmem>>, vector<16xf32>,
      %parallel_loop3A_457 = arith.index_cast %parallel_loop3A_446 : i32 to index
      %parallel_loop3A_458 = arith.constant 16 : index
      %parallel_loop3A_459 = tpu.vector_load %arg8[%parallel_loop3A_457, %parallel_loop3A_458] {strides = array<i32>} : memref<128x64xf32, #tpu.memory_space<vmem>>, vector<16xf32>,
      %parallel_loop3A_460 = arith.addf %parallel_loop3A_459, %get3A_273 : vector<16xf32>
      %parallel_loop3A_461 = arith.constant 65 : i32
      %parallel_loop3A_462 = arith.muli %parallel_loop3A_446, %parallel_loop3A_461 : i32
      %parallel_loop3A_463 = arith.constant 16 : i32
      %parallel_loop3A_464 = arith.addi %parallel_loop3A_462, %parallel_loop3A_463 : i32
      %parallel_loop3A_465 = arith.index_cast %parallel_loop3A_464 : i32 to index
      %parallel_loop3A_466 = tpu.vector_load %arg12[%parallel_loop3A_465] {strides = array<i32>} : memref<8320xf32, #tpu.memory_space<vmem>>, vector<16xf32>,
      tpu.vector_store %arg12[%parallel_loop3A_465], %parallel_loop3A_460 {strides = array<i32>} : memref<8320xf32, #tpu.memory_space<vmem>>, vector<16xf32>,
      %parallel_loop3A_467 = arith.index_cast %parallel_loop3A_446 : i32 to index
      %parallel_loop3A_468 = arith.constant 32 : index
      %parallel_loop3A_469 = tpu.vector_load %arg8[%parallel_loop3A_467, %parallel_loop3A_468] {strides = array<i32>} : memref<128x64xf32, #tpu.memory_space<vmem>>, vector<16xf32>,
      %parallel_loop3A_470 = arith.addf %parallel_loop3A_469, %get3A_275 : vector<16xf32>
      %parallel_loop3A_471 = arith.constant 65 : i32
      %parallel_loop3A_472 = arith.muli %parallel_loop3A_446, %parallel_loop3A_471 : i32
      %parallel_loop3A_473 = arith.constant 32 : i32
      %parallel_loop3A_474 = arith.addi %parallel_loop3A_472, %parallel_loop3A_473 : i32
      %parallel_loop3A_475 = arith.index_cast %parallel_loop3A_474 : i32 to index
      %parallel_loop3A_476 = tpu.vector_load %arg12[%parallel_loop3A_475] {strides = array<i32>} : memref<8320xf32, #tpu.memory_space<vmem>>, vector<16xf32>,
      tpu.vector_store %arg12[%parallel_loop3A_475], %parallel_loop3A_470 {strides = array<i32>} : memref<8320xf32, #tpu.memory_space<vmem>>, vector<16xf32>,
      %parallel_loop3A_477 = arith.index_cast %parallel_loop3A_446 : i32 to index
      %parallel_loop3A_478 = arith.constant 48 : index
      %parallel_loop3A_479 = tpu.vector_load %arg8[%parallel_loop3A_477, %parallel_loop3A_478] {strides = array<i32>} : memref<128x64xf32, #tpu.memory_space<vmem>>, vector<16xf32>,
      %parallel_loop3A_480 = arith.addf %parallel_loop3A_479, %get3A_277 : vector<16xf32>
      %parallel_loop3A_481 = arith.constant 65 : i32
      %parallel_loop3A_482 = arith.muli %parallel_loop3A_446, %parallel_loop3A_481 : i32
      %parallel_loop3A_483 = arith.constant 48 : i32
      %parallel_loop3A_484 = arith.addi %parallel_loop3A_482, %parallel_loop3A_483 : i32
      %parallel_loop3A_485 = arith.index_cast %parallel_loop3A_484 : i32 to index
      %parallel_loop3A_486 = tpu.vector_load %arg12[%parallel_loop3A_485] {strides = array<i32>} : memref<8320xf32, #tpu.memory_space<vmem>>, vector<16xf32>,
      tpu.vector_store %arg12[%parallel_loop3A_485], %parallel_loop3A_480 {strides = array<i32>} : memref<8320xf32, #tpu.memory_space<vmem>>, vector<16xf32>,
    } {sc.loop_unroll_factor = 2 : i64, sc.parallel_access}
    %parallel_loop3A_281 = arith.constant 0 : i32
    %parallel_loop3A_282 = arith.constant 64 : i32
    %parallel_loop3A_283 = arith.constant 1 : i32
    scf.for %parallel_loop3A_446 = %parallel_loop3A_281 to %parallel_loop3A_282 step %parallel_loop3A_283  : i32 {
      %parallel_loop3A_447 = arith.constant 3 : i32
      %parallel_loop3A_448 = arith.shrsi %parallel_loop3A_446, %parallel_loop3A_447 : i32
      %parallel_loop3A_449 = arith.constant 7 : i32
      %parallel_loop3A_450 = arith.andi %parallel_loop3A_446, %parallel_loop3A_449 : i32
      %parallel_loop3A_451 = arith.constant 128 : i32
      %parallel_loop3A_452 = arith.muli %parallel_loop3A_450, %parallel_loop3A_451 : i32
      %parallel_loop3A_453 = vector.broadcast %parallel_loop3A_446 : i32 to vector<16xi32>
      %parallel_loop3A_454 = arith.addi %mul3A_35, %parallel_loop3A_453 : vector<16xi32>
      %parallel_loop3A_455 = tpu.vector_load_idx %arg12[%parallel_loop3A_454] : memref<8320xf32, #tpu.memory_space<vmem>>[vector<16xi32>], vector<16xf32>,
      %parallel_loop3A_456 = vector.broadcast %parallel_loop3A_446 : i32 to vector<16xi32>
      %parallel_loop3A_457 = arith.addi %mul3A_41, %parallel_loop3A_456 : vector<16xi32>
      %parallel_loop3A_458 = tpu.vector_load_idx %arg12[%parallel_loop3A_457] : memref<8320xf32, #tpu.memory_space<vmem>>[vector<16xi32>], vector<16xf32>,
      %parallel_loop3A_459 = vector.broadcast %parallel_loop3A_446 : i32 to vector<16xi32>
      %parallel_loop3A_460 = arith.addi %mul3A_47, %parallel_loop3A_459 : vector<16xi32>
      %parallel_loop3A_461 = tpu.vector_load_idx %arg12[%parallel_loop3A_460] : memref<8320xf32, #tpu.memory_space<vmem>>[vector<16xi32>], vector<16xf32>,
      %parallel_loop3A_462 = vector.broadcast %parallel_loop3A_446 : i32 to vector<16xi32>
      %parallel_loop3A_463 = arith.addi %mul3A_53, %parallel_loop3A_462 : vector<16xi32>
      %parallel_loop3A_464 = tpu.vector_load_idx %arg12[%parallel_loop3A_463] : memref<8320xf32, #tpu.memory_space<vmem>>[vector<16xi32>], vector<16xf32>,
      %parallel_loop3A_465 = vector.broadcast %parallel_loop3A_446 : i32 to vector<16xi32>
      %parallel_loop3A_466 = arith.addi %mul3A_59, %parallel_loop3A_465 : vector<16xi32>
      %parallel_loop3A_467 = tpu.vector_load_idx %arg12[%parallel_loop3A_466] : memref<8320xf32, #tpu.memory_space<vmem>>[vector<16xi32>], vector<16xf32>,
      %parallel_loop3A_468 = vector.broadcast %parallel_loop3A_446 : i32 to vector<16xi32>
      %parallel_loop3A_469 = arith.addi %mul3A_65, %parallel_loop3A_468 : vector<16xi32>
      %parallel_loop3A_470 = tpu.vector_load_idx %arg12[%parallel_loop3A_469] : memref<8320xf32, #tpu.memory_space<vmem>>[vector<16xi32>], vector<16xf32>,
      %parallel_loop3A_471 = vector.broadcast %parallel_loop3A_446 : i32 to vector<16xi32>
      %parallel_loop3A_472 = arith.addi %mul3A_71, %parallel_loop3A_471 : vector<16xi32>
      %parallel_loop3A_473 = tpu.vector_load_idx %arg12[%parallel_loop3A_472] : memref<8320xf32, #tpu.memory_space<vmem>>[vector<16xi32>], vector<16xf32>,
      %parallel_loop3A_474 = vector.broadcast %parallel_loop3A_446 : i32 to vector<16xi32>
      %parallel_loop3A_475 = arith.addi %mul3A_77, %parallel_loop3A_474 : vector<16xi32>
      %parallel_loop3A_476 = tpu.vector_load_idx %arg12[%parallel_loop3A_475] : memref<8320xf32, #tpu.memory_space<vmem>>[vector<16xi32>], vector<16xf32>,
      %parallel_loop3A_477 = arith.constant 0 : i32
      %parallel_loop3A_478 = arith.addi %parallel_loop3A_452, %parallel_loop3A_477 : i32
      %parallel_loop3A_479 = arith.index_cast %parallel_loop3A_448 : i32 to index
      %parallel_loop3A_480 = arith.index_cast %parallel_loop3A_478 : i32 to index
      %parallel_loop3A_481 = tpu.vector_load %arg13[%parallel_loop3A_479, %parallel_loop3A_480] {strides = array<i32>} : memref<8x1024xf32, #tpu.memory_space<vmem>>, vector<16xf32>,
      tpu.vector_store %arg13[%parallel_loop3A_479, %parallel_loop3A_480], %parallel_loop3A_455 {strides = array<i32>} : memref<8x1024xf32, #tpu.memory_space<vmem>>, vector<16xf32>,
      %parallel_loop3A_482 = arith.constant 16 : i32
      %parallel_loop3A_483 = arith.addi %parallel_loop3A_452, %parallel_loop3A_482 : i32
      %parallel_loop3A_484 = arith.index_cast %parallel_loop3A_448 : i32 to index
      %parallel_loop3A_485 = arith.index_cast %parallel_loop3A_483 : i32 to index
      %parallel_loop3A_486 = tpu.vector_load %arg13[%parallel_loop3A_484, %parallel_loop3A_485] {strides = array<i32>} : memref<8x1024xf32, #tpu.memory_space<vmem>>, vector<16xf32>,
      tpu.vector_store %arg13[%parallel_loop3A_484, %parallel_loop3A_485], %parallel_loop3A_458 {strides = array<i32>} : memref<8x1024xf32, #tpu.memory_space<vmem>>, vector<16xf32>,
      %parallel_loop3A_487 = arith.constant 32 : i32
      %parallel_loop3A_488 = arith.addi %parallel_loop3A_452, %parallel_loop3A_487 : i32
      %parallel_loop3A_489 = arith.index_cast %parallel_loop3A_448 : i32 to index
      %parallel_loop3A_490 = arith.index_cast %parallel_loop3A_488 : i32 to index
      %parallel_loop3A_491 = tpu.vector_load %arg13[%parallel_loop3A_489, %parallel_loop3A_490] {strides = array<i32>} : memref<8x1024xf32, #tpu.memory_space<vmem>>, vector<16xf32>,
      tpu.vector_store %arg13[%parallel_loop3A_489, %parallel_loop3A_490], %parallel_loop3A_461 {strides = array<i32>} : memref<8x1024xf32, #tpu.memory_space<vmem>>, vector<16xf32>,
      %parallel_loop3A_492 = arith.constant 48 : i32
      %parallel_loop3A_493 = arith.addi %parallel_loop3A_452, %parallel_loop3A_492 : i32
      %parallel_loop3A_494 = arith.index_cast %parallel_loop3A_448 : i32 to index
      %parallel_loop3A_495 = arith.index_cast %parallel_loop3A_493 : i32 to index
      %parallel_loop3A_496 = tpu.vector_load %arg13[%parallel_loop3A_494, %parallel_loop3A_495] {strides = array<i32>} : memref<8x1024xf32, #tpu.memory_space<vmem>>, vector<16xf32>,
      tpu.vector_store %arg13[%parallel_loop3A_494, %parallel_loop3A_495], %parallel_loop3A_464 {strides = array<i32>} : memref<8x1024xf32, #tpu.memory_space<vmem>>, vector<16xf32>,
      %parallel_loop3A_497 = arith.constant 64 : i32
      %parallel_loop3A_498 = arith.addi %parallel_loop3A_452, %parallel_loop3A_497 : i32
      %parallel_loop3A_499 = arith.index_cast %parallel_loop3A_448 : i32 to index
      %parallel_loop3A_500 = arith.index_cast %parallel_loop3A_498 : i32 to index
      %parallel_loop3A_501 = tpu.vector_load %arg13[%parallel_loop3A_499, %parallel_loop3A_500] {strides = array<i32>} : memref<8x1024xf32, #tpu.memory_space<vmem>>, vector<16xf32>,
      tpu.vector_store %arg13[%parallel_loop3A_499, %parallel_loop3A_500], %parallel_loop3A_467 {strides = array<i32>} : memref<8x1024xf32, #tpu.memory_space<vmem>>, vector<16xf32>,
      %parallel_loop3A_502 = arith.constant 80 : i32
      %parallel_loop3A_503 = arith.addi %parallel_loop3A_452, %parallel_loop3A_502 : i32
      %parallel_loop3A_504 = arith.index_cast %parallel_loop3A_448 : i32 to index
      %parallel_loop3A_505 = arith.index_cast %parallel_loop3A_503 : i32 to index
      %parallel_loop3A_506 = tpu.vector_load %arg13[%parallel_loop3A_504, %parallel_loop3A_505] {strides = array<i32>} : memref<8x1024xf32, #tpu.memory_space<vmem>>, vector<16xf32>,
      tpu.vector_store %arg13[%parallel_loop3A_504, %parallel_loop3A_505], %parallel_loop3A_470 {strides = array<i32>} : memref<8x1024xf32, #tpu.memory_space<vmem>>, vector<16xf32>,
      %parallel_loop3A_507 = arith.constant 96 : i32
      %parallel_loop3A_508 = arith.addi %parallel_loop3A_452, %parallel_loop3A_507 : i32
      %parallel_loop3A_509 = arith.index_cast %parallel_loop3A_448 : i32 to index
      %parallel_loop3A_510 = arith.index_cast %parallel_loop3A_508 : i32 to index
      %parallel_loop3A_511 = tpu.vector_load %arg13[%parallel_loop3A_509, %parallel_loop3A_510] {strides = array<i32>} : memref<8x1024xf32, #tpu.memory_space<vmem>>, vector<16xf32>,
      tpu.vector_store %arg13[%parallel_loop3A_509, %parallel_loop3A_510], %parallel_loop3A_473 {strides = array<i32>} : memref<8x1024xf32, #tpu.memory_space<vmem>>, vector<16xf32>,
      %parallel_loop3A_512 = arith.constant 112 : i32
      %parallel_loop3A_513 = arith.addi %parallel_loop3A_452, %parallel_loop3A_512 : i32
      %parallel_loop3A_514 = arith.index_cast %parallel_loop3A_448 : i32 to index
      %parallel_loop3A_515 = arith.index_cast %parallel_loop3A_513 : i32 to index
      %parallel_loop3A_516 = tpu.vector_load %arg13[%parallel_loop3A_514, %parallel_loop3A_515] {strides = array<i32>} : memref<8x1024xf32, #tpu.memory_space<vmem>>, vector<16xf32>,
      tpu.vector_store %arg13[%parallel_loop3A_514, %parallel_loop3A_515], %parallel_loop3A_476 {strides = array<i32>} : memref<8x1024xf32, #tpu.memory_space<vmem>>, vector<16xf32>,
    } {sc.loop_unroll_factor = 2 : i64, sc.parallel_access}
    %dma_start3A_284 = arith.constant 196 : i32
    %dma_start3A_285 = arith.constant 0 : i32
    %dma_start3A_286 = arith.constant 0 : i32
    %dma_start3A_287 = tpu.memref_slice %arg5[%dma_start3A_284, %dma_start3A_285, %add3A, %dma_start3A_286] : memref<200x8x32x1024xf32, #tpu.memory_space<hbm>> -> memref<1x8x1x1024xf32, #tpu.memory_space<hbm>>
    %dma_start3A_288 = tpu.memref_squeeze %dma_start3A_287 : memref<1x8x1x1024xf32, #tpu.memory_space<hbm>> -> memref<8x1024xf32, #tpu.memory_space<hbm>>
    %dma_start3A_289 = arith.constant 0 : i32
    %dma_start3A_290 = arith.constant 0 : i32
    %dma_start3A_291 = tpu.memref_slice %arg5[%dma_start3A_284, %dma_start3A_289, %add3A, %dma_start3A_290] : memref<200x8x32x1024xf32, #tpu.memory_space<hbm>> -> memref<1x8x1x1024xf32, #tpu.memory_space<hbm>>
    %dma_start3A_292 = tpu.memref_squeeze %dma_start3A_291 : memref<1x8x1x1024xf32, #tpu.memory_space<hbm>> -> memref<8x1024xf32, #tpu.memory_space<hbm>>
    tpu.enqueue_dma source(%arg13 : memref<8x1024xf32, #tpu.memory_space<vmem>>) target(%dma_start3A_292 : memref<8x1024xf32, #tpu.memory_space<hbm>>) target_semaphore(%arg21 : memref<!tpu.dma_semaphore, #tpu.memory_space<semaphore_mem>>)
    %dma_wait3A_293 = arith.constant 197 : i32
    %dma_wait3A_294 = arith.constant 0 : i32
    %dma_wait3A_295 = tpu.memref_slice %arg6[%dma_wait3A_293, %dma_wait3A_294] : memref<200x128xi32, #tpu.memory_space<vmem>> -> memref<1x128xi32, #tpu.memory_space<vmem>>
    %dma_wait3A_296 = tpu.memref_squeeze %dma_wait3A_295 : memref<1x128xi32, #tpu.memory_space<vmem>> -> memref<128xi32, #tpu.memory_space<vmem>>
    %dma_wait3A_297 = arith.constant 0 : i32
    %dma_wait3A_298 = arith.constant 0 : i32
    %dma_wait3A_299 = tpu.memref_slice %arg2[%dma_wait3A_297, %dma_wait3A_298] : memref<2000000x64xf32, #tpu.memory_space<hbm>> -> memref<2000000x64xf32, #tpu.memory_space<hbm>>
    tpu.wait_indirect_dma semaphore(%arg18 : memref<!tpu.dma_semaphore, #tpu.memory_space<semaphore_mem>>) src(%dma_wait3A_299 : memref<2000000x64xf32, #tpu.memory_space<hbm>>) dst(%arg9 : memref<128x64xf32, #tpu.memory_space<vmem>>)
    %dma_wait3A_300 = arith.constant 193 : i32
    %dma_wait3A_301 = arith.constant 0 : i32
    %dma_wait3A_302 = arith.constant 0 : i32
    %dma_wait3A_303 = tpu.memref_slice %arg5[%dma_wait3A_300, %dma_wait3A_301, %add3A, %dma_wait3A_302] : memref<200x8x32x1024xf32, #tpu.memory_space<hbm>> -> memref<1x8x1x1024xf32, #tpu.memory_space<hbm>>
    %dma_wait3A_304 = tpu.memref_squeeze %dma_wait3A_303 : memref<1x8x1x1024xf32, #tpu.memory_space<hbm>> -> memref<8x1024xf32, #tpu.memory_space<hbm>>
    %dma_wait3A_305 = arith.constant 0 : i32
    %dma_wait3A_306 = arith.constant 0 : i32
    %dma_wait3A_307 = tpu.memref_slice %arg5[%dma_wait3A_300, %dma_wait3A_305, %add3A, %dma_wait3A_306] : memref<200x8x32x1024xf32, #tpu.memory_space<hbm>> -> memref<1x8x1x1024xf32, #tpu.memory_space<hbm>>
    %dma_wait3A_308 = tpu.memref_squeeze %dma_wait3A_307 : memref<1x8x1x1024xf32, #tpu.memory_space<hbm>> -> memref<8x1024xf32, #tpu.memory_space<hbm>>
    tpu.wait_dma2 semaphore(%arg22 : memref<!tpu.dma_semaphore, #tpu.memory_space<semaphore_mem>>) src(%arg14 : memref<8x1024xf32, #tpu.memory_space<vmem>>) dst(%dma_wait3A_308 : memref<8x1024xf32, #tpu.memory_space<hbm>>)
    %get3A_309 = arith.constant 12608 : index
    %get3A_310 = tpu.vector_load %arg7[%get3A_309] {strides = array<i32>} : memref<12800xf32, #tpu.memory_space<vmem>>, vector<16xf32>,
    %get3A_311 = arith.constant 12624 : index
    %get3A_312 = tpu.vector_load %arg7[%get3A_311] {strides = array<i32>} : memref<12800xf32, #tpu.memory_space<vmem>>, vector<16xf32>,
    %get3A_313 = arith.constant 12640 : index
    %get3A_314 = tpu.vector_load %arg7[%get3A_313] {strides = array<i32>} : memref<12800xf32, #tpu.memory_space<vmem>>, vector<16xf32>,
    %get3A_315 = arith.constant 12656 : index
    %get3A_316 = tpu.vector_load %arg7[%get3A_315] {strides = array<i32>} : memref<12800xf32, #tpu.memory_space<vmem>>, vector<16xf32>,
    %parallel_loop3A_317 = arith.constant 0 : i32
    %parallel_loop3A_318 = arith.constant 128 : i32
    %parallel_loop3A_319 = arith.constant 1 : i32
    scf.for %parallel_loop3A_446 = %parallel_loop3A_317 to %parallel_loop3A_318 step %parallel_loop3A_319  : i32 {
      %parallel_loop3A_447 = arith.index_cast %parallel_loop3A_446 : i32 to index
      %parallel_loop3A_448 = arith.constant 0 : index
      %parallel_loop3A_449 = tpu.vector_load %arg9[%parallel_loop3A_447, %parallel_loop3A_448] {strides = array<i32>} : memref<128x64xf32, #tpu.memory_space<vmem>>, vector<16xf32>,
      %parallel_loop3A_450 = arith.addf %parallel_loop3A_449, %get3A_310 : vector<16xf32>
      %parallel_loop3A_451 = arith.constant 65 : i32
      %parallel_loop3A_452 = arith.muli %parallel_loop3A_446, %parallel_loop3A_451 : i32
      %parallel_loop3A_453 = arith.constant 0 : i32
      %parallel_loop3A_454 = arith.addi %parallel_loop3A_452, %parallel_loop3A_453 : i32
      %parallel_loop3A_455 = arith.index_cast %parallel_loop3A_454 : i32 to index
      %parallel_loop3A_456 = tpu.vector_load %arg12[%parallel_loop3A_455] {strides = array<i32>} : memref<8320xf32, #tpu.memory_space<vmem>>, vector<16xf32>,
      tpu.vector_store %arg12[%parallel_loop3A_455], %parallel_loop3A_450 {strides = array<i32>} : memref<8320xf32, #tpu.memory_space<vmem>>, vector<16xf32>,
      %parallel_loop3A_457 = arith.index_cast %parallel_loop3A_446 : i32 to index
      %parallel_loop3A_458 = arith.constant 16 : index
      %parallel_loop3A_459 = tpu.vector_load %arg9[%parallel_loop3A_457, %parallel_loop3A_458] {strides = array<i32>} : memref<128x64xf32, #tpu.memory_space<vmem>>, vector<16xf32>,
      %parallel_loop3A_460 = arith.addf %parallel_loop3A_459, %get3A_312 : vector<16xf32>
      %parallel_loop3A_461 = arith.constant 65 : i32
      %parallel_loop3A_462 = arith.muli %parallel_loop3A_446, %parallel_loop3A_461 : i32
      %parallel_loop3A_463 = arith.constant 16 : i32
      %parallel_loop3A_464 = arith.addi %parallel_loop3A_462, %parallel_loop3A_463 : i32
      %parallel_loop3A_465 = arith.index_cast %parallel_loop3A_464 : i32 to index
      %parallel_loop3A_466 = tpu.vector_load %arg12[%parallel_loop3A_465] {strides = array<i32>} : memref<8320xf32, #tpu.memory_space<vmem>>, vector<16xf32>,
      tpu.vector_store %arg12[%parallel_loop3A_465], %parallel_loop3A_460 {strides = array<i32>} : memref<8320xf32, #tpu.memory_space<vmem>>, vector<16xf32>,
      %parallel_loop3A_467 = arith.index_cast %parallel_loop3A_446 : i32 to index
      %parallel_loop3A_468 = arith.constant 32 : index
      %parallel_loop3A_469 = tpu.vector_load %arg9[%parallel_loop3A_467, %parallel_loop3A_468] {strides = array<i32>} : memref<128x64xf32, #tpu.memory_space<vmem>>, vector<16xf32>,
      %parallel_loop3A_470 = arith.addf %parallel_loop3A_469, %get3A_314 : vector<16xf32>
      %parallel_loop3A_471 = arith.constant 65 : i32
      %parallel_loop3A_472 = arith.muli %parallel_loop3A_446, %parallel_loop3A_471 : i32
      %parallel_loop3A_473 = arith.constant 32 : i32
      %parallel_loop3A_474 = arith.addi %parallel_loop3A_472, %parallel_loop3A_473 : i32
      %parallel_loop3A_475 = arith.index_cast %parallel_loop3A_474 : i32 to index
      %parallel_loop3A_476 = tpu.vector_load %arg12[%parallel_loop3A_475] {strides = array<i32>} : memref<8320xf32, #tpu.memory_space<vmem>>, vector<16xf32>,
      tpu.vector_store %arg12[%parallel_loop3A_475], %parallel_loop3A_470 {strides = array<i32>} : memref<8320xf32, #tpu.memory_space<vmem>>, vector<16xf32>,
      %parallel_loop3A_477 = arith.index_cast %parallel_loop3A_446 : i32 to index
      %parallel_loop3A_478 = arith.constant 48 : index
      %parallel_loop3A_479 = tpu.vector_load %arg9[%parallel_loop3A_477, %parallel_loop3A_478] {strides = array<i32>} : memref<128x64xf32, #tpu.memory_space<vmem>>, vector<16xf32>,
      %parallel_loop3A_480 = arith.addf %parallel_loop3A_479, %get3A_316 : vector<16xf32>
      %parallel_loop3A_481 = arith.constant 65 : i32
      %parallel_loop3A_482 = arith.muli %parallel_loop3A_446, %parallel_loop3A_481 : i32
      %parallel_loop3A_483 = arith.constant 48 : i32
      %parallel_loop3A_484 = arith.addi %parallel_loop3A_482, %parallel_loop3A_483 : i32
      %parallel_loop3A_485 = arith.index_cast %parallel_loop3A_484 : i32 to index
      %parallel_loop3A_486 = tpu.vector_load %arg12[%parallel_loop3A_485] {strides = array<i32>} : memref<8320xf32, #tpu.memory_space<vmem>>, vector<16xf32>,
      tpu.vector_store %arg12[%parallel_loop3A_485], %parallel_loop3A_480 {strides = array<i32>} : memref<8320xf32, #tpu.memory_space<vmem>>, vector<16xf32>,
    } {sc.loop_unroll_factor = 2 : i64, sc.parallel_access}
    %parallel_loop3A_320 = arith.constant 0 : i32
    %parallel_loop3A_321 = arith.constant 64 : i32
    %parallel_loop3A_322 = arith.constant 1 : i32
    scf.for %parallel_loop3A_446 = %parallel_loop3A_320 to %parallel_loop3A_321 step %parallel_loop3A_322  : i32 {
      %parallel_loop3A_447 = arith.constant 3 : i32
      %parallel_loop3A_448 = arith.shrsi %parallel_loop3A_446, %parallel_loop3A_447 : i32
      %parallel_loop3A_449 = arith.constant 7 : i32
      %parallel_loop3A_450 = arith.andi %parallel_loop3A_446, %parallel_loop3A_449 : i32
      %parallel_loop3A_451 = arith.constant 128 : i32
      %parallel_loop3A_452 = arith.muli %parallel_loop3A_450, %parallel_loop3A_451 : i32
      %parallel_loop3A_453 = vector.broadcast %parallel_loop3A_446 : i32 to vector<16xi32>
      %parallel_loop3A_454 = arith.addi %mul3A_35, %parallel_loop3A_453 : vector<16xi32>
      %parallel_loop3A_455 = tpu.vector_load_idx %arg12[%parallel_loop3A_454] : memref<8320xf32, #tpu.memory_space<vmem>>[vector<16xi32>], vector<16xf32>,
      %parallel_loop3A_456 = vector.broadcast %parallel_loop3A_446 : i32 to vector<16xi32>
      %parallel_loop3A_457 = arith.addi %mul3A_41, %parallel_loop3A_456 : vector<16xi32>
      %parallel_loop3A_458 = tpu.vector_load_idx %arg12[%parallel_loop3A_457] : memref<8320xf32, #tpu.memory_space<vmem>>[vector<16xi32>], vector<16xf32>,
      %parallel_loop3A_459 = vector.broadcast %parallel_loop3A_446 : i32 to vector<16xi32>
      %parallel_loop3A_460 = arith.addi %mul3A_47, %parallel_loop3A_459 : vector<16xi32>
      %parallel_loop3A_461 = tpu.vector_load_idx %arg12[%parallel_loop3A_460] : memref<8320xf32, #tpu.memory_space<vmem>>[vector<16xi32>], vector<16xf32>,
      %parallel_loop3A_462 = vector.broadcast %parallel_loop3A_446 : i32 to vector<16xi32>
      %parallel_loop3A_463 = arith.addi %mul3A_53, %parallel_loop3A_462 : vector<16xi32>
      %parallel_loop3A_464 = tpu.vector_load_idx %arg12[%parallel_loop3A_463] : memref<8320xf32, #tpu.memory_space<vmem>>[vector<16xi32>], vector<16xf32>,
      %parallel_loop3A_465 = vector.broadcast %parallel_loop3A_446 : i32 to vector<16xi32>
      %parallel_loop3A_466 = arith.addi %mul3A_59, %parallel_loop3A_465 : vector<16xi32>
      %parallel_loop3A_467 = tpu.vector_load_idx %arg12[%parallel_loop3A_466] : memref<8320xf32, #tpu.memory_space<vmem>>[vector<16xi32>], vector<16xf32>,
      %parallel_loop3A_468 = vector.broadcast %parallel_loop3A_446 : i32 to vector<16xi32>
      %parallel_loop3A_469 = arith.addi %mul3A_65, %parallel_loop3A_468 : vector<16xi32>
      %parallel_loop3A_470 = tpu.vector_load_idx %arg12[%parallel_loop3A_469] : memref<8320xf32, #tpu.memory_space<vmem>>[vector<16xi32>], vector<16xf32>,
      %parallel_loop3A_471 = vector.broadcast %parallel_loop3A_446 : i32 to vector<16xi32>
      %parallel_loop3A_472 = arith.addi %mul3A_71, %parallel_loop3A_471 : vector<16xi32>
      %parallel_loop3A_473 = tpu.vector_load_idx %arg12[%parallel_loop3A_472] : memref<8320xf32, #tpu.memory_space<vmem>>[vector<16xi32>], vector<16xf32>,
      %parallel_loop3A_474 = vector.broadcast %parallel_loop3A_446 : i32 to vector<16xi32>
      %parallel_loop3A_475 = arith.addi %mul3A_77, %parallel_loop3A_474 : vector<16xi32>
      %parallel_loop3A_476 = tpu.vector_load_idx %arg12[%parallel_loop3A_475] : memref<8320xf32, #tpu.memory_space<vmem>>[vector<16xi32>], vector<16xf32>,
      %parallel_loop3A_477 = arith.constant 0 : i32
      %parallel_loop3A_478 = arith.addi %parallel_loop3A_452, %parallel_loop3A_477 : i32
      %parallel_loop3A_479 = arith.index_cast %parallel_loop3A_448 : i32 to index
      %parallel_loop3A_480 = arith.index_cast %parallel_loop3A_478 : i32 to index
      %parallel_loop3A_481 = tpu.vector_load %arg14[%parallel_loop3A_479, %parallel_loop3A_480] {strides = array<i32>} : memref<8x1024xf32, #tpu.memory_space<vmem>>, vector<16xf32>,
      tpu.vector_store %arg14[%parallel_loop3A_479, %parallel_loop3A_480], %parallel_loop3A_455 {strides = array<i32>} : memref<8x1024xf32, #tpu.memory_space<vmem>>, vector<16xf32>,
      %parallel_loop3A_482 = arith.constant 16 : i32
      %parallel_loop3A_483 = arith.addi %parallel_loop3A_452, %parallel_loop3A_482 : i32
      %parallel_loop3A_484 = arith.index_cast %parallel_loop3A_448 : i32 to index
      %parallel_loop3A_485 = arith.index_cast %parallel_loop3A_483 : i32 to index
      %parallel_loop3A_486 = tpu.vector_load %arg14[%parallel_loop3A_484, %parallel_loop3A_485] {strides = array<i32>} : memref<8x1024xf32, #tpu.memory_space<vmem>>, vector<16xf32>,
      tpu.vector_store %arg14[%parallel_loop3A_484, %parallel_loop3A_485], %parallel_loop3A_458 {strides = array<i32>} : memref<8x1024xf32, #tpu.memory_space<vmem>>, vector<16xf32>,
      %parallel_loop3A_487 = arith.constant 32 : i32
      %parallel_loop3A_488 = arith.addi %parallel_loop3A_452, %parallel_loop3A_487 : i32
      %parallel_loop3A_489 = arith.index_cast %parallel_loop3A_448 : i32 to index
      %parallel_loop3A_490 = arith.index_cast %parallel_loop3A_488 : i32 to index
      %parallel_loop3A_491 = tpu.vector_load %arg14[%parallel_loop3A_489, %parallel_loop3A_490] {strides = array<i32>} : memref<8x1024xf32, #tpu.memory_space<vmem>>, vector<16xf32>,
      tpu.vector_store %arg14[%parallel_loop3A_489, %parallel_loop3A_490], %parallel_loop3A_461 {strides = array<i32>} : memref<8x1024xf32, #tpu.memory_space<vmem>>, vector<16xf32>,
      %parallel_loop3A_492 = arith.constant 48 : i32
      %parallel_loop3A_493 = arith.addi %parallel_loop3A_452, %parallel_loop3A_492 : i32
      %parallel_loop3A_494 = arith.index_cast %parallel_loop3A_448 : i32 to index
      %parallel_loop3A_495 = arith.index_cast %parallel_loop3A_493 : i32 to index
      %parallel_loop3A_496 = tpu.vector_load %arg14[%parallel_loop3A_494, %parallel_loop3A_495] {strides = array<i32>} : memref<8x1024xf32, #tpu.memory_space<vmem>>, vector<16xf32>,
      tpu.vector_store %arg14[%parallel_loop3A_494, %parallel_loop3A_495], %parallel_loop3A_464 {strides = array<i32>} : memref<8x1024xf32, #tpu.memory_space<vmem>>, vector<16xf32>,
      %parallel_loop3A_497 = arith.constant 64 : i32
      %parallel_loop3A_498 = arith.addi %parallel_loop3A_452, %parallel_loop3A_497 : i32
      %parallel_loop3A_499 = arith.index_cast %parallel_loop3A_448 : i32 to index
      %parallel_loop3A_500 = arith.index_cast %parallel_loop3A_498 : i32 to index
      %parallel_loop3A_501 = tpu.vector_load %arg14[%parallel_loop3A_499, %parallel_loop3A_500] {strides = array<i32>} : memref<8x1024xf32, #tpu.memory_space<vmem>>, vector<16xf32>,
      tpu.vector_store %arg14[%parallel_loop3A_499, %parallel_loop3A_500], %parallel_loop3A_467 {strides = array<i32>} : memref<8x1024xf32, #tpu.memory_space<vmem>>, vector<16xf32>,
      %parallel_loop3A_502 = arith.constant 80 : i32
      %parallel_loop3A_503 = arith.addi %parallel_loop3A_452, %parallel_loop3A_502 : i32
      %parallel_loop3A_504 = arith.index_cast %parallel_loop3A_448 : i32 to index
      %parallel_loop3A_505 = arith.index_cast %parallel_loop3A_503 : i32 to index
      %parallel_loop3A_506 = tpu.vector_load %arg14[%parallel_loop3A_504, %parallel_loop3A_505] {strides = array<i32>} : memref<8x1024xf32, #tpu.memory_space<vmem>>, vector<16xf32>,
      tpu.vector_store %arg14[%parallel_loop3A_504, %parallel_loop3A_505], %parallel_loop3A_470 {strides = array<i32>} : memref<8x1024xf32, #tpu.memory_space<vmem>>, vector<16xf32>,
      %parallel_loop3A_507 = arith.constant 96 : i32
      %parallel_loop3A_508 = arith.addi %parallel_loop3A_452, %parallel_loop3A_507 : i32
      %parallel_loop3A_509 = arith.index_cast %parallel_loop3A_448 : i32 to index
      %parallel_loop3A_510 = arith.index_cast %parallel_loop3A_508 : i32 to index
      %parallel_loop3A_511 = tpu.vector_load %arg14[%parallel_loop3A_509, %parallel_loop3A_510] {strides = array<i32>} : memref<8x1024xf32, #tpu.memory_space<vmem>>, vector<16xf32>,
      tpu.vector_store %arg14[%parallel_loop3A_509, %parallel_loop3A_510], %parallel_loop3A_473 {strides = array<i32>} : memref<8x1024xf32, #tpu.memory_space<vmem>>, vector<16xf32>,
      %parallel_loop3A_512 = arith.constant 112 : i32
      %parallel_loop3A_513 = arith.addi %parallel_loop3A_452, %parallel_loop3A_512 : i32
      %parallel_loop3A_514 = arith.index_cast %parallel_loop3A_448 : i32 to index
      %parallel_loop3A_515 = arith.index_cast %parallel_loop3A_513 : i32 to index
      %parallel_loop3A_516 = tpu.vector_load %arg14[%parallel_loop3A_514, %parallel_loop3A_515] {strides = array<i32>} : memref<8x1024xf32, #tpu.memory_space<vmem>>, vector<16xf32>,
      tpu.vector_store %arg14[%parallel_loop3A_514, %parallel_loop3A_515], %parallel_loop3A_476 {strides = array<i32>} : memref<8x1024xf32, #tpu.memory_space<vmem>>, vector<16xf32>,
    } {sc.loop_unroll_factor = 2 : i64, sc.parallel_access}
    %dma_start3A_323 = arith.constant 197 : i32
    %dma_start3A_324 = arith.constant 0 : i32
    %dma_start3A_325 = arith.constant 0 : i32
    %dma_start3A_326 = tpu.memref_slice %arg5[%dma_start3A_323, %dma_start3A_324, %add3A, %dma_start3A_325] : memref<200x8x32x1024xf32, #tpu.memory_space<hbm>> -> memref<1x8x1x1024xf32, #tpu.memory_space<hbm>>
    %dma_start3A_327 = tpu.memref_squeeze %dma_start3A_326 : memref<1x8x1x1024xf32, #tpu.memory_space<hbm>> -> memref<8x1024xf32, #tpu.memory_space<hbm>>
    %dma_start3A_328 = arith.constant 0 : i32
    %dma_start3A_329 = arith.constant 0 : i32
    %dma_start3A_330 = tpu.memref_slice %arg5[%dma_start3A_323, %dma_start3A_328, %add3A, %dma_start3A_329] : memref<200x8x32x1024xf32, #tpu.memory_space<hbm>> -> memref<1x8x1x1024xf32, #tpu.memory_space<hbm>>
    %dma_start3A_331 = tpu.memref_squeeze %dma_start3A_330 : memref<1x8x1x1024xf32, #tpu.memory_space<hbm>> -> memref<8x1024xf32, #tpu.memory_space<hbm>>
    tpu.enqueue_dma source(%arg14 : memref<8x1024xf32, #tpu.memory_space<vmem>>) target(%dma_start3A_331 : memref<8x1024xf32, #tpu.memory_space<hbm>>) target_semaphore(%arg22 : memref<!tpu.dma_semaphore, #tpu.memory_space<semaphore_mem>>)
    %dma_wait3A_332 = arith.constant 198 : i32
    %dma_wait3A_333 = arith.constant 0 : i32
    %dma_wait3A_334 = tpu.memref_slice %arg6[%dma_wait3A_332, %dma_wait3A_333] : memref<200x128xi32, #tpu.memory_space<vmem>> -> memref<1x128xi32, #tpu.memory_space<vmem>>
    %dma_wait3A_335 = tpu.memref_squeeze %dma_wait3A_334 : memref<1x128xi32, #tpu.memory_space<vmem>> -> memref<128xi32, #tpu.memory_space<vmem>>
    %dma_wait3A_336 = arith.constant 0 : i32
    %dma_wait3A_337 = arith.constant 0 : i32
    %dma_wait3A_338 = tpu.memref_slice %arg2[%dma_wait3A_336, %dma_wait3A_337] : memref<2000000x64xf32, #tpu.memory_space<hbm>> -> memref<2000000x64xf32, #tpu.memory_space<hbm>>
    tpu.wait_indirect_dma semaphore(%arg19 : memref<!tpu.dma_semaphore, #tpu.memory_space<semaphore_mem>>) src(%dma_wait3A_338 : memref<2000000x64xf32, #tpu.memory_space<hbm>>) dst(%arg10 : memref<128x64xf32, #tpu.memory_space<vmem>>)
    %dma_wait3A_339 = arith.constant 194 : i32
    %dma_wait3A_340 = arith.constant 0 : i32
    %dma_wait3A_341 = arith.constant 0 : i32
    %dma_wait3A_342 = tpu.memref_slice %arg5[%dma_wait3A_339, %dma_wait3A_340, %add3A, %dma_wait3A_341] : memref<200x8x32x1024xf32, #tpu.memory_space<hbm>> -> memref<1x8x1x1024xf32, #tpu.memory_space<hbm>>
    %dma_wait3A_343 = tpu.memref_squeeze %dma_wait3A_342 : memref<1x8x1x1024xf32, #tpu.memory_space<hbm>> -> memref<8x1024xf32, #tpu.memory_space<hbm>>
    %dma_wait3A_344 = arith.constant 0 : i32
    %dma_wait3A_345 = arith.constant 0 : i32
    %dma_wait3A_346 = tpu.memref_slice %arg5[%dma_wait3A_339, %dma_wait3A_344, %add3A, %dma_wait3A_345] : memref<200x8x32x1024xf32, #tpu.memory_space<hbm>> -> memref<1x8x1x1024xf32, #tpu.memory_space<hbm>>
    %dma_wait3A_347 = tpu.memref_squeeze %dma_wait3A_346 : memref<1x8x1x1024xf32, #tpu.memory_space<hbm>> -> memref<8x1024xf32, #tpu.memory_space<hbm>>
    tpu.wait_dma2 semaphore(%arg23 : memref<!tpu.dma_semaphore, #tpu.memory_space<semaphore_mem>>) src(%arg15 : memref<8x1024xf32, #tpu.memory_space<vmem>>) dst(%dma_wait3A_347 : memref<8x1024xf32, #tpu.memory_space<hbm>>)
    %get3A_348 = arith.constant 12672 : index
    %get3A_349 = tpu.vector_load %arg7[%get3A_348] {strides = array<i32>} : memref<12800xf32, #tpu.memory_space<vmem>>, vector<16xf32>,
    %get3A_350 = arith.constant 12688 : index
    %get3A_351 = tpu.vector_load %arg7[%get3A_350] {strides = array<i32>} : memref<12800xf32, #tpu.memory_space<vmem>>, vector<16xf32>,
    %get3A_352 = arith.constant 12704 : index
    %get3A_353 = tpu.vector_load %arg7[%get3A_352] {strides = array<i32>} : memref<12800xf32, #tpu.memory_space<vmem>>, vector<16xf32>,
    %get3A_354 = arith.constant 12720 : index
    %get3A_355 = tpu.vector_load %arg7[%get3A_354] {strides = array<i32>} : memref<12800xf32, #tpu.memory_space<vmem>>, vector<16xf32>,
    %parallel_loop3A_356 = arith.constant 0 : i32
    %parallel_loop3A_357 = arith.constant 128 : i32
    %parallel_loop3A_358 = arith.constant 1 : i32
    scf.for %parallel_loop3A_446 = %parallel_loop3A_356 to %parallel_loop3A_357 step %parallel_loop3A_358  : i32 {
      %parallel_loop3A_447 = arith.index_cast %parallel_loop3A_446 : i32 to index
      %parallel_loop3A_448 = arith.constant 0 : index
      %parallel_loop3A_449 = tpu.vector_load %arg10[%parallel_loop3A_447, %parallel_loop3A_448] {strides = array<i32>} : memref<128x64xf32, #tpu.memory_space<vmem>>, vector<16xf32>,
      %parallel_loop3A_450 = arith.addf %parallel_loop3A_449, %get3A_349 : vector<16xf32>
      %parallel_loop3A_451 = arith.constant 65 : i32
      %parallel_loop3A_452 = arith.muli %parallel_loop3A_446, %parallel_loop3A_451 : i32
      %parallel_loop3A_453 = arith.constant 0 : i32
      %parallel_loop3A_454 = arith.addi %parallel_loop3A_452, %parallel_loop3A_453 : i32
      %parallel_loop3A_455 = arith.index_cast %parallel_loop3A_454 : i32 to index
      %parallel_loop3A_456 = tpu.vector_load %arg12[%parallel_loop3A_455] {strides = array<i32>} : memref<8320xf32, #tpu.memory_space<vmem>>, vector<16xf32>,
      tpu.vector_store %arg12[%parallel_loop3A_455], %parallel_loop3A_450 {strides = array<i32>} : memref<8320xf32, #tpu.memory_space<vmem>>, vector<16xf32>,
      %parallel_loop3A_457 = arith.index_cast %parallel_loop3A_446 : i32 to index
      %parallel_loop3A_458 = arith.constant 16 : index
      %parallel_loop3A_459 = tpu.vector_load %arg10[%parallel_loop3A_457, %parallel_loop3A_458] {strides = array<i32>} : memref<128x64xf32, #tpu.memory_space<vmem>>, vector<16xf32>,
      %parallel_loop3A_460 = arith.addf %parallel_loop3A_459, %get3A_351 : vector<16xf32>
      %parallel_loop3A_461 = arith.constant 65 : i32
      %parallel_loop3A_462 = arith.muli %parallel_loop3A_446, %parallel_loop3A_461 : i32
      %parallel_loop3A_463 = arith.constant 16 : i32
      %parallel_loop3A_464 = arith.addi %parallel_loop3A_462, %parallel_loop3A_463 : i32
      %parallel_loop3A_465 = arith.index_cast %parallel_loop3A_464 : i32 to index
      %parallel_loop3A_466 = tpu.vector_load %arg12[%parallel_loop3A_465] {strides = array<i32>} : memref<8320xf32, #tpu.memory_space<vmem>>, vector<16xf32>,
      tpu.vector_store %arg12[%parallel_loop3A_465], %parallel_loop3A_460 {strides = array<i32>} : memref<8320xf32, #tpu.memory_space<vmem>>, vector<16xf32>,
      %parallel_loop3A_467 = arith.index_cast %parallel_loop3A_446 : i32 to index
      %parallel_loop3A_468 = arith.constant 32 : index
      %parallel_loop3A_469 = tpu.vector_load %arg10[%parallel_loop3A_467, %parallel_loop3A_468] {strides = array<i32>} : memref<128x64xf32, #tpu.memory_space<vmem>>, vector<16xf32>,
      %parallel_loop3A_470 = arith.addf %parallel_loop3A_469, %get3A_353 : vector<16xf32>
      %parallel_loop3A_471 = arith.constant 65 : i32
      %parallel_loop3A_472 = arith.muli %parallel_loop3A_446, %parallel_loop3A_471 : i32
      %parallel_loop3A_473 = arith.constant 32 : i32
      %parallel_loop3A_474 = arith.addi %parallel_loop3A_472, %parallel_loop3A_473 : i32
      %parallel_loop3A_475 = arith.index_cast %parallel_loop3A_474 : i32 to index
      %parallel_loop3A_476 = tpu.vector_load %arg12[%parallel_loop3A_475] {strides = array<i32>} : memref<8320xf32, #tpu.memory_space<vmem>>, vector<16xf32>,
      tpu.vector_store %arg12[%parallel_loop3A_475], %parallel_loop3A_470 {strides = array<i32>} : memref<8320xf32, #tpu.memory_space<vmem>>, vector<16xf32>,
      %parallel_loop3A_477 = arith.index_cast %parallel_loop3A_446 : i32 to index
      %parallel_loop3A_478 = arith.constant 48 : index
      %parallel_loop3A_479 = tpu.vector_load %arg10[%parallel_loop3A_477, %parallel_loop3A_478] {strides = array<i32>} : memref<128x64xf32, #tpu.memory_space<vmem>>, vector<16xf32>,
      %parallel_loop3A_480 = arith.addf %parallel_loop3A_479, %get3A_355 : vector<16xf32>
      %parallel_loop3A_481 = arith.constant 65 : i32
      %parallel_loop3A_482 = arith.muli %parallel_loop3A_446, %parallel_loop3A_481 : i32
      %parallel_loop3A_483 = arith.constant 48 : i32
      %parallel_loop3A_484 = arith.addi %parallel_loop3A_482, %parallel_loop3A_483 : i32
      %parallel_loop3A_485 = arith.index_cast %parallel_loop3A_484 : i32 to index
      %parallel_loop3A_486 = tpu.vector_load %arg12[%parallel_loop3A_485] {strides = array<i32>} : memref<8320xf32, #tpu.memory_space<vmem>>, vector<16xf32>,
      tpu.vector_store %arg12[%parallel_loop3A_485], %parallel_loop3A_480 {strides = array<i32>} : memref<8320xf32, #tpu.memory_space<vmem>>, vector<16xf32>,
    } {sc.loop_unroll_factor = 2 : i64, sc.parallel_access}
    %parallel_loop3A_359 = arith.constant 0 : i32
    %parallel_loop3A_360 = arith.constant 64 : i32
    %parallel_loop3A_361 = arith.constant 1 : i32
    scf.for %parallel_loop3A_446 = %parallel_loop3A_359 to %parallel_loop3A_360 step %parallel_loop3A_361  : i32 {
      %parallel_loop3A_447 = arith.constant 3 : i32
      %parallel_loop3A_448 = arith.shrsi %parallel_loop3A_446, %parallel_loop3A_447 : i32
      %parallel_loop3A_449 = arith.constant 7 : i32
      %parallel_loop3A_450 = arith.andi %parallel_loop3A_446, %parallel_loop3A_449 : i32
      %parallel_loop3A_451 = arith.constant 128 : i32
      %parallel_loop3A_452 = arith.muli %parallel_loop3A_450, %parallel_loop3A_451 : i32
      %parallel_loop3A_453 = vector.broadcast %parallel_loop3A_446 : i32 to vector<16xi32>
      %parallel_loop3A_454 = arith.addi %mul3A_35, %parallel_loop3A_453 : vector<16xi32>
      %parallel_loop3A_455 = tpu.vector_load_idx %arg12[%parallel_loop3A_454] : memref<8320xf32, #tpu.memory_space<vmem>>[vector<16xi32>], vector<16xf32>,
      %parallel_loop3A_456 = vector.broadcast %parallel_loop3A_446 : i32 to vector<16xi32>
      %parallel_loop3A_457 = arith.addi %mul3A_41, %parallel_loop3A_456 : vector<16xi32>
      %parallel_loop3A_458 = tpu.vector_load_idx %arg12[%parallel_loop3A_457] : memref<8320xf32, #tpu.memory_space<vmem>>[vector<16xi32>], vector<16xf32>,
      %parallel_loop3A_459 = vector.broadcast %parallel_loop3A_446 : i32 to vector<16xi32>
      %parallel_loop3A_460 = arith.addi %mul3A_47, %parallel_loop3A_459 : vector<16xi32>
      %parallel_loop3A_461 = tpu.vector_load_idx %arg12[%parallel_loop3A_460] : memref<8320xf32, #tpu.memory_space<vmem>>[vector<16xi32>], vector<16xf32>,
      %parallel_loop3A_462 = vector.broadcast %parallel_loop3A_446 : i32 to vector<16xi32>
      %parallel_loop3A_463 = arith.addi %mul3A_53, %parallel_loop3A_462 : vector<16xi32>
      %parallel_loop3A_464 = tpu.vector_load_idx %arg12[%parallel_loop3A_463] : memref<8320xf32, #tpu.memory_space<vmem>>[vector<16xi32>], vector<16xf32>,
      %parallel_loop3A_465 = vector.broadcast %parallel_loop3A_446 : i32 to vector<16xi32>
      %parallel_loop3A_466 = arith.addi %mul3A_59, %parallel_loop3A_465 : vector<16xi32>
      %parallel_loop3A_467 = tpu.vector_load_idx %arg12[%parallel_loop3A_466] : memref<8320xf32, #tpu.memory_space<vmem>>[vector<16xi32>], vector<16xf32>,
      %parallel_loop3A_468 = vector.broadcast %parallel_loop3A_446 : i32 to vector<16xi32>
      %parallel_loop3A_469 = arith.addi %mul3A_65, %parallel_loop3A_468 : vector<16xi32>
      %parallel_loop3A_470 = tpu.vector_load_idx %arg12[%parallel_loop3A_469] : memref<8320xf32, #tpu.memory_space<vmem>>[vector<16xi32>], vector<16xf32>,
      %parallel_loop3A_471 = vector.broadcast %parallel_loop3A_446 : i32 to vector<16xi32>
      %parallel_loop3A_472 = arith.addi %mul3A_71, %parallel_loop3A_471 : vector<16xi32>
      %parallel_loop3A_473 = tpu.vector_load_idx %arg12[%parallel_loop3A_472] : memref<8320xf32, #tpu.memory_space<vmem>>[vector<16xi32>], vector<16xf32>,
      %parallel_loop3A_474 = vector.broadcast %parallel_loop3A_446 : i32 to vector<16xi32>
      %parallel_loop3A_475 = arith.addi %mul3A_77, %parallel_loop3A_474 : vector<16xi32>
      %parallel_loop3A_476 = tpu.vector_load_idx %arg12[%parallel_loop3A_475] : memref<8320xf32, #tpu.memory_space<vmem>>[vector<16xi32>], vector<16xf32>,
      %parallel_loop3A_477 = arith.constant 0 : i32
      %parallel_loop3A_478 = arith.addi %parallel_loop3A_452, %parallel_loop3A_477 : i32
      %parallel_loop3A_479 = arith.index_cast %parallel_loop3A_448 : i32 to index
      %parallel_loop3A_480 = arith.index_cast %parallel_loop3A_478 : i32 to index
      %parallel_loop3A_481 = tpu.vector_load %arg15[%parallel_loop3A_479, %parallel_loop3A_480] {strides = array<i32>} : memref<8x1024xf32, #tpu.memory_space<vmem>>, vector<16xf32>,
      tpu.vector_store %arg15[%parallel_loop3A_479, %parallel_loop3A_480], %parallel_loop3A_455 {strides = array<i32>} : memref<8x1024xf32, #tpu.memory_space<vmem>>, vector<16xf32>,
      %parallel_loop3A_482 = arith.constant 16 : i32
      %parallel_loop3A_483 = arith.addi %parallel_loop3A_452, %parallel_loop3A_482 : i32
      %parallel_loop3A_484 = arith.index_cast %parallel_loop3A_448 : i32 to index
      %parallel_loop3A_485 = arith.index_cast %parallel_loop3A_483 : i32 to index
      %parallel_loop3A_486 = tpu.vector_load %arg15[%parallel_loop3A_484, %parallel_loop3A_485] {strides = array<i32>} : memref<8x1024xf32, #tpu.memory_space<vmem>>, vector<16xf32>,
      tpu.vector_store %arg15[%parallel_loop3A_484, %parallel_loop3A_485], %parallel_loop3A_458 {strides = array<i32>} : memref<8x1024xf32, #tpu.memory_space<vmem>>, vector<16xf32>,
      %parallel_loop3A_487 = arith.constant 32 : i32
      %parallel_loop3A_488 = arith.addi %parallel_loop3A_452, %parallel_loop3A_487 : i32
      %parallel_loop3A_489 = arith.index_cast %parallel_loop3A_448 : i32 to index
      %parallel_loop3A_490 = arith.index_cast %parallel_loop3A_488 : i32 to index
      %parallel_loop3A_491 = tpu.vector_load %arg15[%parallel_loop3A_489, %parallel_loop3A_490] {strides = array<i32>} : memref<8x1024xf32, #tpu.memory_space<vmem>>, vector<16xf32>,
      tpu.vector_store %arg15[%parallel_loop3A_489, %parallel_loop3A_490], %parallel_loop3A_461 {strides = array<i32>} : memref<8x1024xf32, #tpu.memory_space<vmem>>, vector<16xf32>,
      %parallel_loop3A_492 = arith.constant 48 : i32
      %parallel_loop3A_493 = arith.addi %parallel_loop3A_452, %parallel_loop3A_492 : i32
      %parallel_loop3A_494 = arith.index_cast %parallel_loop3A_448 : i32 to index
      %parallel_loop3A_495 = arith.index_cast %parallel_loop3A_493 : i32 to index
      %parallel_loop3A_496 = tpu.vector_load %arg15[%parallel_loop3A_494, %parallel_loop3A_495] {strides = array<i32>} : memref<8x1024xf32, #tpu.memory_space<vmem>>, vector<16xf32>,
      tpu.vector_store %arg15[%parallel_loop3A_494, %parallel_loop3A_495], %parallel_loop3A_464 {strides = array<i32>} : memref<8x1024xf32, #tpu.memory_space<vmem>>, vector<16xf32>,
      %parallel_loop3A_497 = arith.constant 64 : i32
      %parallel_loop3A_498 = arith.addi %parallel_loop3A_452, %parallel_loop3A_497 : i32
      %parallel_loop3A_499 = arith.index_cast %parallel_loop3A_448 : i32 to index
      %parallel_loop3A_500 = arith.index_cast %parallel_loop3A_498 : i32 to index
      %parallel_loop3A_501 = tpu.vector_load %arg15[%parallel_loop3A_499, %parallel_loop3A_500] {strides = array<i32>} : memref<8x1024xf32, #tpu.memory_space<vmem>>, vector<16xf32>,
      tpu.vector_store %arg15[%parallel_loop3A_499, %parallel_loop3A_500], %parallel_loop3A_467 {strides = array<i32>} : memref<8x1024xf32, #tpu.memory_space<vmem>>, vector<16xf32>,
      %parallel_loop3A_502 = arith.constant 80 : i32
      %parallel_loop3A_503 = arith.addi %parallel_loop3A_452, %parallel_loop3A_502 : i32
      %parallel_loop3A_504 = arith.index_cast %parallel_loop3A_448 : i32 to index
      %parallel_loop3A_505 = arith.index_cast %parallel_loop3A_503 : i32 to index
      %parallel_loop3A_506 = tpu.vector_load %arg15[%parallel_loop3A_504, %parallel_loop3A_505] {strides = array<i32>} : memref<8x1024xf32, #tpu.memory_space<vmem>>, vector<16xf32>,
      tpu.vector_store %arg15[%parallel_loop3A_504, %parallel_loop3A_505], %parallel_loop3A_470 {strides = array<i32>} : memref<8x1024xf32, #tpu.memory_space<vmem>>, vector<16xf32>,
      %parallel_loop3A_507 = arith.constant 96 : i32
      %parallel_loop3A_508 = arith.addi %parallel_loop3A_452, %parallel_loop3A_507 : i32
      %parallel_loop3A_509 = arith.index_cast %parallel_loop3A_448 : i32 to index
      %parallel_loop3A_510 = arith.index_cast %parallel_loop3A_508 : i32 to index
      %parallel_loop3A_511 = tpu.vector_load %arg15[%parallel_loop3A_509, %parallel_loop3A_510] {strides = array<i32>} : memref<8x1024xf32, #tpu.memory_space<vmem>>, vector<16xf32>,
      tpu.vector_store %arg15[%parallel_loop3A_509, %parallel_loop3A_510], %parallel_loop3A_473 {strides = array<i32>} : memref<8x1024xf32, #tpu.memory_space<vmem>>, vector<16xf32>,
      %parallel_loop3A_512 = arith.constant 112 : i32
      %parallel_loop3A_513 = arith.addi %parallel_loop3A_452, %parallel_loop3A_512 : i32
      %parallel_loop3A_514 = arith.index_cast %parallel_loop3A_448 : i32 to index
      %parallel_loop3A_515 = arith.index_cast %parallel_loop3A_513 : i32 to index
      %parallel_loop3A_516 = tpu.vector_load %arg15[%parallel_loop3A_514, %parallel_loop3A_515] {strides = array<i32>} : memref<8x1024xf32, #tpu.memory_space<vmem>>, vector<16xf32>,
      tpu.vector_store %arg15[%parallel_loop3A_514, %parallel_loop3A_515], %parallel_loop3A_476 {strides = array<i32>} : memref<8x1024xf32, #tpu.memory_space<vmem>>, vector<16xf32>,
    } {sc.loop_unroll_factor = 2 : i64, sc.parallel_access}
    %dma_start3A_362 = arith.constant 198 : i32
    %dma_start3A_363 = arith.constant 0 : i32
    %dma_start3A_364 = arith.constant 0 : i32
    %dma_start3A_365 = tpu.memref_slice %arg5[%dma_start3A_362, %dma_start3A_363, %add3A, %dma_start3A_364] : memref<200x8x32x1024xf32, #tpu.memory_space<hbm>> -> memref<1x8x1x1024xf32, #tpu.memory_space<hbm>>
    %dma_start3A_366 = tpu.memref_squeeze %dma_start3A_365 : memref<1x8x1x1024xf32, #tpu.memory_space<hbm>> -> memref<8x1024xf32, #tpu.memory_space<hbm>>
    %dma_start3A_367 = arith.constant 0 : i32
    %dma_start3A_368 = arith.constant 0 : i32
    %dma_start3A_369 = tpu.memref_slice %arg5[%dma_start3A_362, %dma_start3A_367, %add3A, %dma_start3A_368] : memref<200x8x32x1024xf32, #tpu.memory_space<hbm>> -> memref<1x8x1x1024xf32, #tpu.memory_space<hbm>>
    %dma_start3A_370 = tpu.memref_squeeze %dma_start3A_369 : memref<1x8x1x1024xf32, #tpu.memory_space<hbm>> -> memref<8x1024xf32, #tpu.memory_space<hbm>>
    tpu.enqueue_dma source(%arg15 : memref<8x1024xf32, #tpu.memory_space<vmem>>) target(%dma_start3A_370 : memref<8x1024xf32, #tpu.memory_space<hbm>>) target_semaphore(%arg23 : memref<!tpu.dma_semaphore, #tpu.memory_space<semaphore_mem>>)
    %dma_wait3A_371 = arith.constant 199 : i32
    %dma_wait3A_372 = arith.constant 0 : i32
    %dma_wait3A_373 = tpu.memref_slice %arg6[%dma_wait3A_371, %dma_wait3A_372] : memref<200x128xi32, #tpu.memory_space<vmem>> -> memref<1x128xi32, #tpu.memory_space<vmem>>
    %dma_wait3A_374 = tpu.memref_squeeze %dma_wait3A_373 : memref<1x128xi32, #tpu.memory_space<vmem>> -> memref<128xi32, #tpu.memory_space<vmem>>
    %dma_wait3A_375 = arith.constant 0 : i32
    %dma_wait3A_376 = arith.constant 0 : i32
    %dma_wait3A_377 = tpu.memref_slice %arg2[%dma_wait3A_375, %dma_wait3A_376] : memref<2000000x64xf32, #tpu.memory_space<hbm>> -> memref<2000000x64xf32, #tpu.memory_space<hbm>>
    tpu.wait_indirect_dma semaphore(%arg20 : memref<!tpu.dma_semaphore, #tpu.memory_space<semaphore_mem>>) src(%dma_wait3A_377 : memref<2000000x64xf32, #tpu.memory_space<hbm>>) dst(%arg11 : memref<128x64xf32, #tpu.memory_space<vmem>>)
    %dma_wait3A_378 = arith.constant 195 : i32
    %dma_wait3A_379 = arith.constant 0 : i32
    %dma_wait3A_380 = arith.constant 0 : i32
    %dma_wait3A_381 = tpu.memref_slice %arg5[%dma_wait3A_378, %dma_wait3A_379, %add3A, %dma_wait3A_380] : memref<200x8x32x1024xf32, #tpu.memory_space<hbm>> -> memref<1x8x1x1024xf32, #tpu.memory_space<hbm>>
    %dma_wait3A_382 = tpu.memref_squeeze %dma_wait3A_381 : memref<1x8x1x1024xf32, #tpu.memory_space<hbm>> -> memref<8x1024xf32, #tpu.memory_space<hbm>>
    %dma_wait3A_383 = arith.constant 0 : i32
    %dma_wait3A_384 = arith.constant 0 : i32
    %dma_wait3A_385 = tpu.memref_slice %arg5[%dma_wait3A_378, %dma_wait3A_383, %add3A, %dma_wait3A_384] : memref<200x8x32x1024xf32, #tpu.memory_space<hbm>> -> memref<1x8x1x1024xf32, #tpu.memory_space<hbm>>
    %dma_wait3A_386 = tpu.memref_squeeze %dma_wait3A_385 : memref<1x8x1x1024xf32, #tpu.memory_space<hbm>> -> memref<8x1024xf32, #tpu.memory_space<hbm>>
    tpu.wait_dma2 semaphore(%arg24 : memref<!tpu.dma_semaphore, #tpu.memory_space<semaphore_mem>>) src(%arg16 : memref<8x1024xf32, #tpu.memory_space<vmem>>) dst(%dma_wait3A_386 : memref<8x1024xf32, #tpu.memory_space<hbm>>)
    %get3A_387 = arith.constant 12736 : index
    %get3A_388 = tpu.vector_load %arg7[%get3A_387] {strides = array<i32>} : memref<12800xf32, #tpu.memory_space<vmem>>, vector<16xf32>,
    %get3A_389 = arith.constant 12752 : index
    %get3A_390 = tpu.vector_load %arg7[%get3A_389] {strides = array<i32>} : memref<12800xf32, #tpu.memory_space<vmem>>, vector<16xf32>,
    %get3A_391 = arith.constant 12768 : index
    %get3A_392 = tpu.vector_load %arg7[%get3A_391] {strides = array<i32>} : memref<12800xf32, #tpu.memory_space<vmem>>, vector<16xf32>,
    %get3A_393 = arith.constant 12784 : index
    %get3A_394 = tpu.vector_load %arg7[%get3A_393] {strides = array<i32>} : memref<12800xf32, #tpu.memory_space<vmem>>, vector<16xf32>,
    %parallel_loop3A_395 = arith.constant 0 : i32
    %parallel_loop3A_396 = arith.constant 128 : i32
    %parallel_loop3A_397 = arith.constant 1 : i32
    scf.for %parallel_loop3A_446 = %parallel_loop3A_395 to %parallel_loop3A_396 step %parallel_loop3A_397  : i32 {
      %parallel_loop3A_447 = arith.index_cast %parallel_loop3A_446 : i32 to index
      %parallel_loop3A_448 = arith.constant 0 : index
      %parallel_loop3A_449 = tpu.vector_load %arg11[%parallel_loop3A_447, %parallel_loop3A_448] {strides = array<i32>} : memref<128x64xf32, #tpu.memory_space<vmem>>, vector<16xf32>,
      %parallel_loop3A_450 = arith.addf %parallel_loop3A_449, %get3A_388 : vector<16xf32>
      %parallel_loop3A_451 = arith.constant 65 : i32
      %parallel_loop3A_452 = arith.muli %parallel_loop3A_446, %parallel_loop3A_451 : i32
      %parallel_loop3A_453 = arith.constant 0 : i32
      %parallel_loop3A_454 = arith.addi %parallel_loop3A_452, %parallel_loop3A_453 : i32
      %parallel_loop3A_455 = arith.index_cast %parallel_loop3A_454 : i32 to index
      %parallel_loop3A_456 = tpu.vector_load %arg12[%parallel_loop3A_455] {strides = array<i32>} : memref<8320xf32, #tpu.memory_space<vmem>>, vector<16xf32>,
      tpu.vector_store %arg12[%parallel_loop3A_455], %parallel_loop3A_450 {strides = array<i32>} : memref<8320xf32, #tpu.memory_space<vmem>>, vector<16xf32>,
      %parallel_loop3A_457 = arith.index_cast %parallel_loop3A_446 : i32 to index
      %parallel_loop3A_458 = arith.constant 16 : index
      %parallel_loop3A_459 = tpu.vector_load %arg11[%parallel_loop3A_457, %parallel_loop3A_458] {strides = array<i32>} : memref<128x64xf32, #tpu.memory_space<vmem>>, vector<16xf32>,
      %parallel_loop3A_460 = arith.addf %parallel_loop3A_459, %get3A_390 : vector<16xf32>
      %parallel_loop3A_461 = arith.constant 65 : i32
      %parallel_loop3A_462 = arith.muli %parallel_loop3A_446, %parallel_loop3A_461 : i32
      %parallel_loop3A_463 = arith.constant 16 : i32
      %parallel_loop3A_464 = arith.addi %parallel_loop3A_462, %parallel_loop3A_463 : i32
      %parallel_loop3A_465 = arith.index_cast %parallel_loop3A_464 : i32 to index
      %parallel_loop3A_466 = tpu.vector_load %arg12[%parallel_loop3A_465] {strides = array<i32>} : memref<8320xf32, #tpu.memory_space<vmem>>, vector<16xf32>,
      tpu.vector_store %arg12[%parallel_loop3A_465], %parallel_loop3A_460 {strides = array<i32>} : memref<8320xf32, #tpu.memory_space<vmem>>, vector<16xf32>,
      %parallel_loop3A_467 = arith.index_cast %parallel_loop3A_446 : i32 to index
      %parallel_loop3A_468 = arith.constant 32 : index
      %parallel_loop3A_469 = tpu.vector_load %arg11[%parallel_loop3A_467, %parallel_loop3A_468] {strides = array<i32>} : memref<128x64xf32, #tpu.memory_space<vmem>>, vector<16xf32>,
      %parallel_loop3A_470 = arith.addf %parallel_loop3A_469, %get3A_392 : vector<16xf32>
      %parallel_loop3A_471 = arith.constant 65 : i32
      %parallel_loop3A_472 = arith.muli %parallel_loop3A_446, %parallel_loop3A_471 : i32
      %parallel_loop3A_473 = arith.constant 32 : i32
      %parallel_loop3A_474 = arith.addi %parallel_loop3A_472, %parallel_loop3A_473 : i32
      %parallel_loop3A_475 = arith.index_cast %parallel_loop3A_474 : i32 to index
      %parallel_loop3A_476 = tpu.vector_load %arg12[%parallel_loop3A_475] {strides = array<i32>} : memref<8320xf32, #tpu.memory_space<vmem>>, vector<16xf32>,
      tpu.vector_store %arg12[%parallel_loop3A_475], %parallel_loop3A_470 {strides = array<i32>} : memref<8320xf32, #tpu.memory_space<vmem>>, vector<16xf32>,
      %parallel_loop3A_477 = arith.index_cast %parallel_loop3A_446 : i32 to index
      %parallel_loop3A_478 = arith.constant 48 : index
      %parallel_loop3A_479 = tpu.vector_load %arg11[%parallel_loop3A_477, %parallel_loop3A_478] {strides = array<i32>} : memref<128x64xf32, #tpu.memory_space<vmem>>, vector<16xf32>,
      %parallel_loop3A_480 = arith.addf %parallel_loop3A_479, %get3A_394 : vector<16xf32>
      %parallel_loop3A_481 = arith.constant 65 : i32
      %parallel_loop3A_482 = arith.muli %parallel_loop3A_446, %parallel_loop3A_481 : i32
      %parallel_loop3A_483 = arith.constant 48 : i32
      %parallel_loop3A_484 = arith.addi %parallel_loop3A_482, %parallel_loop3A_483 : i32
      %parallel_loop3A_485 = arith.index_cast %parallel_loop3A_484 : i32 to index
      %parallel_loop3A_486 = tpu.vector_load %arg12[%parallel_loop3A_485] {strides = array<i32>} : memref<8320xf32, #tpu.memory_space<vmem>>, vector<16xf32>,
      tpu.vector_store %arg12[%parallel_loop3A_485], %parallel_loop3A_480 {strides = array<i32>} : memref<8320xf32, #tpu.memory_space<vmem>>, vector<16xf32>,
    } {sc.loop_unroll_factor = 2 : i64, sc.parallel_access}
    %parallel_loop3A_398 = arith.constant 0 : i32
    %parallel_loop3A_399 = arith.constant 64 : i32
    %parallel_loop3A_400 = arith.constant 1 : i32
    scf.for %parallel_loop3A_446 = %parallel_loop3A_398 to %parallel_loop3A_399 step %parallel_loop3A_400  : i32 {
      %parallel_loop3A_447 = arith.constant 3 : i32
      %parallel_loop3A_448 = arith.shrsi %parallel_loop3A_446, %parallel_loop3A_447 : i32
      %parallel_loop3A_449 = arith.constant 7 : i32
      %parallel_loop3A_450 = arith.andi %parallel_loop3A_446, %parallel_loop3A_449 : i32
      %parallel_loop3A_451 = arith.constant 128 : i32
      %parallel_loop3A_452 = arith.muli %parallel_loop3A_450, %parallel_loop3A_451 : i32
      %parallel_loop3A_453 = vector.broadcast %parallel_loop3A_446 : i32 to vector<16xi32>
      %parallel_loop3A_454 = arith.addi %mul3A_35, %parallel_loop3A_453 : vector<16xi32>
      %parallel_loop3A_455 = tpu.vector_load_idx %arg12[%parallel_loop3A_454] : memref<8320xf32, #tpu.memory_space<vmem>>[vector<16xi32>], vector<16xf32>,
      %parallel_loop3A_456 = vector.broadcast %parallel_loop3A_446 : i32 to vector<16xi32>
      %parallel_loop3A_457 = arith.addi %mul3A_41, %parallel_loop3A_456 : vector<16xi32>
      %parallel_loop3A_458 = tpu.vector_load_idx %arg12[%parallel_loop3A_457] : memref<8320xf32, #tpu.memory_space<vmem>>[vector<16xi32>], vector<16xf32>,
      %parallel_loop3A_459 = vector.broadcast %parallel_loop3A_446 : i32 to vector<16xi32>
      %parallel_loop3A_460 = arith.addi %mul3A_47, %parallel_loop3A_459 : vector<16xi32>
      %parallel_loop3A_461 = tpu.vector_load_idx %arg12[%parallel_loop3A_460] : memref<8320xf32, #tpu.memory_space<vmem>>[vector<16xi32>], vector<16xf32>,
      %parallel_loop3A_462 = vector.broadcast %parallel_loop3A_446 : i32 to vector<16xi32>
      %parallel_loop3A_463 = arith.addi %mul3A_53, %parallel_loop3A_462 : vector<16xi32>
      %parallel_loop3A_464 = tpu.vector_load_idx %arg12[%parallel_loop3A_463] : memref<8320xf32, #tpu.memory_space<vmem>>[vector<16xi32>], vector<16xf32>,
      %parallel_loop3A_465 = vector.broadcast %parallel_loop3A_446 : i32 to vector<16xi32>
      %parallel_loop3A_466 = arith.addi %mul3A_59, %parallel_loop3A_465 : vector<16xi32>
      %parallel_loop3A_467 = tpu.vector_load_idx %arg12[%parallel_loop3A_466] : memref<8320xf32, #tpu.memory_space<vmem>>[vector<16xi32>], vector<16xf32>,
      %parallel_loop3A_468 = vector.broadcast %parallel_loop3A_446 : i32 to vector<16xi32>
      %parallel_loop3A_469 = arith.addi %mul3A_65, %parallel_loop3A_468 : vector<16xi32>
      %parallel_loop3A_470 = tpu.vector_load_idx %arg12[%parallel_loop3A_469] : memref<8320xf32, #tpu.memory_space<vmem>>[vector<16xi32>], vector<16xf32>,
      %parallel_loop3A_471 = vector.broadcast %parallel_loop3A_446 : i32 to vector<16xi32>
      %parallel_loop3A_472 = arith.addi %mul3A_71, %parallel_loop3A_471 : vector<16xi32>
      %parallel_loop3A_473 = tpu.vector_load_idx %arg12[%parallel_loop3A_472] : memref<8320xf32, #tpu.memory_space<vmem>>[vector<16xi32>], vector<16xf32>,
      %parallel_loop3A_474 = vector.broadcast %parallel_loop3A_446 : i32 to vector<16xi32>
      %parallel_loop3A_475 = arith.addi %mul3A_77, %parallel_loop3A_474 : vector<16xi32>
      %parallel_loop3A_476 = tpu.vector_load_idx %arg12[%parallel_loop3A_475] : memref<8320xf32, #tpu.memory_space<vmem>>[vector<16xi32>], vector<16xf32>,
      %parallel_loop3A_477 = arith.constant 0 : i32
      %parallel_loop3A_478 = arith.addi %parallel_loop3A_452, %parallel_loop3A_477 : i32
      %parallel_loop3A_479 = arith.index_cast %parallel_loop3A_448 : i32 to index
      %parallel_loop3A_480 = arith.index_cast %parallel_loop3A_478 : i32 to index
      %parallel_loop3A_481 = tpu.vector_load %arg16[%parallel_loop3A_479, %parallel_loop3A_480] {strides = array<i32>} : memref<8x1024xf32, #tpu.memory_space<vmem>>, vector<16xf32>,
      tpu.vector_store %arg16[%parallel_loop3A_479, %parallel_loop3A_480], %parallel_loop3A_455 {strides = array<i32>} : memref<8x1024xf32, #tpu.memory_space<vmem>>, vector<16xf32>,
      %parallel_loop3A_482 = arith.constant 16 : i32
      %parallel_loop3A_483 = arith.addi %parallel_loop3A_452, %parallel_loop3A_482 : i32
      %parallel_loop3A_484 = arith.index_cast %parallel_loop3A_448 : i32 to index
      %parallel_loop3A_485 = arith.index_cast %parallel_loop3A_483 : i32 to index
      %parallel_loop3A_486 = tpu.vector_load %arg16[%parallel_loop3A_484, %parallel_loop3A_485] {strides = array<i32>} : memref<8x1024xf32, #tpu.memory_space<vmem>>, vector<16xf32>,
      tpu.vector_store %arg16[%parallel_loop3A_484, %parallel_loop3A_485], %parallel_loop3A_458 {strides = array<i32>} : memref<8x1024xf32, #tpu.memory_space<vmem>>, vector<16xf32>,
      %parallel_loop3A_487 = arith.constant 32 : i32
      %parallel_loop3A_488 = arith.addi %parallel_loop3A_452, %parallel_loop3A_487 : i32
      %parallel_loop3A_489 = arith.index_cast %parallel_loop3A_448 : i32 to index
      %parallel_loop3A_490 = arith.index_cast %parallel_loop3A_488 : i32 to index
      %parallel_loop3A_491 = tpu.vector_load %arg16[%parallel_loop3A_489, %parallel_loop3A_490] {strides = array<i32>} : memref<8x1024xf32, #tpu.memory_space<vmem>>, vector<16xf32>,
      tpu.vector_store %arg16[%parallel_loop3A_489, %parallel_loop3A_490], %parallel_loop3A_461 {strides = array<i32>} : memref<8x1024xf32, #tpu.memory_space<vmem>>, vector<16xf32>,
      %parallel_loop3A_492 = arith.constant 48 : i32
      %parallel_loop3A_493 = arith.addi %parallel_loop3A_452, %parallel_loop3A_492 : i32
      %parallel_loop3A_494 = arith.index_cast %parallel_loop3A_448 : i32 to index
      %parallel_loop3A_495 = arith.index_cast %parallel_loop3A_493 : i32 to index
      %parallel_loop3A_496 = tpu.vector_load %arg16[%parallel_loop3A_494, %parallel_loop3A_495] {strides = array<i32>} : memref<8x1024xf32, #tpu.memory_space<vmem>>, vector<16xf32>,
      tpu.vector_store %arg16[%parallel_loop3A_494, %parallel_loop3A_495], %parallel_loop3A_464 {strides = array<i32>} : memref<8x1024xf32, #tpu.memory_space<vmem>>, vector<16xf32>,
      %parallel_loop3A_497 = arith.constant 64 : i32
      %parallel_loop3A_498 = arith.addi %parallel_loop3A_452, %parallel_loop3A_497 : i32
      %parallel_loop3A_499 = arith.index_cast %parallel_loop3A_448 : i32 to index
      %parallel_loop3A_500 = arith.index_cast %parallel_loop3A_498 : i32 to index
      %parallel_loop3A_501 = tpu.vector_load %arg16[%parallel_loop3A_499, %parallel_loop3A_500] {strides = array<i32>} : memref<8x1024xf32, #tpu.memory_space<vmem>>, vector<16xf32>,
      tpu.vector_store %arg16[%parallel_loop3A_499, %parallel_loop3A_500], %parallel_loop3A_467 {strides = array<i32>} : memref<8x1024xf32, #tpu.memory_space<vmem>>, vector<16xf32>,
      %parallel_loop3A_502 = arith.constant 80 : i32
      %parallel_loop3A_503 = arith.addi %parallel_loop3A_452, %parallel_loop3A_502 : i32
      %parallel_loop3A_504 = arith.index_cast %parallel_loop3A_448 : i32 to index
      %parallel_loop3A_505 = arith.index_cast %parallel_loop3A_503 : i32 to index
      %parallel_loop3A_506 = tpu.vector_load %arg16[%parallel_loop3A_504, %parallel_loop3A_505] {strides = array<i32>} : memref<8x1024xf32, #tpu.memory_space<vmem>>, vector<16xf32>,
      tpu.vector_store %arg16[%parallel_loop3A_504, %parallel_loop3A_505], %parallel_loop3A_470 {strides = array<i32>} : memref<8x1024xf32, #tpu.memory_space<vmem>>, vector<16xf32>,
      %parallel_loop3A_507 = arith.constant 96 : i32
      %parallel_loop3A_508 = arith.addi %parallel_loop3A_452, %parallel_loop3A_507 : i32
      %parallel_loop3A_509 = arith.index_cast %parallel_loop3A_448 : i32 to index
      %parallel_loop3A_510 = arith.index_cast %parallel_loop3A_508 : i32 to index
      %parallel_loop3A_511 = tpu.vector_load %arg16[%parallel_loop3A_509, %parallel_loop3A_510] {strides = array<i32>} : memref<8x1024xf32, #tpu.memory_space<vmem>>, vector<16xf32>,
      tpu.vector_store %arg16[%parallel_loop3A_509, %parallel_loop3A_510], %parallel_loop3A_473 {strides = array<i32>} : memref<8x1024xf32, #tpu.memory_space<vmem>>, vector<16xf32>,
      %parallel_loop3A_512 = arith.constant 112 : i32
      %parallel_loop3A_513 = arith.addi %parallel_loop3A_452, %parallel_loop3A_512 : i32
      %parallel_loop3A_514 = arith.index_cast %parallel_loop3A_448 : i32 to index
      %parallel_loop3A_515 = arith.index_cast %parallel_loop3A_513 : i32 to index
      %parallel_loop3A_516 = tpu.vector_load %arg16[%parallel_loop3A_514, %parallel_loop3A_515] {strides = array<i32>} : memref<8x1024xf32, #tpu.memory_space<vmem>>, vector<16xf32>,
      tpu.vector_store %arg16[%parallel_loop3A_514, %parallel_loop3A_515], %parallel_loop3A_476 {strides = array<i32>} : memref<8x1024xf32, #tpu.memory_space<vmem>>, vector<16xf32>,
    } {sc.loop_unroll_factor = 2 : i64, sc.parallel_access}
    %dma_start3A_401 = arith.constant 199 : i32
    %dma_start3A_402 = arith.constant 0 : i32
    %dma_start3A_403 = arith.constant 0 : i32
    %dma_start3A_404 = tpu.memref_slice %arg5[%dma_start3A_401, %dma_start3A_402, %add3A, %dma_start3A_403] : memref<200x8x32x1024xf32, #tpu.memory_space<hbm>> -> memref<1x8x1x1024xf32, #tpu.memory_space<hbm>>
    %dma_start3A_405 = tpu.memref_squeeze %dma_start3A_404 : memref<1x8x1x1024xf32, #tpu.memory_space<hbm>> -> memref<8x1024xf32, #tpu.memory_space<hbm>>
    %dma_start3A_406 = arith.constant 0 : i32
    %dma_start3A_407 = arith.constant 0 : i32
    %dma_start3A_408 = tpu.memref_slice %arg5[%dma_start3A_401, %dma_start3A_406, %add3A, %dma_start3A_407] : memref<200x8x32x1024xf32, #tpu.memory_space<hbm>> -> memref<1x8x1x1024xf32, #tpu.memory_space<hbm>>
    %dma_start3A_409 = tpu.memref_squeeze %dma_start3A_408 : memref<1x8x1x1024xf32, #tpu.memory_space<hbm>> -> memref<8x1024xf32, #tpu.memory_space<hbm>>
    tpu.enqueue_dma source(%arg16 : memref<8x1024xf32, #tpu.memory_space<vmem>>) target(%dma_start3A_409 : memref<8x1024xf32, #tpu.memory_space<hbm>>) target_semaphore(%arg24 : memref<!tpu.dma_semaphore, #tpu.memory_space<semaphore_mem>>)
    %dma_wait3A_410 = arith.constant 196 : i32
    %dma_wait3A_411 = arith.constant 0 : i32
    %dma_wait3A_412 = arith.constant 0 : i32
    %dma_wait3A_413 = tpu.memref_slice %arg5[%dma_wait3A_410, %dma_wait3A_411, %add3A, %dma_wait3A_412] : memref<200x8x32x1024xf32, #tpu.memory_space<hbm>> -> memref<1x8x1x1024xf32, #tpu.memory_space<hbm>>
    %dma_wait3A_414 = tpu.memref_squeeze %dma_wait3A_413 : memref<1x8x1x1024xf32, #tpu.memory_space<hbm>> -> memref<8x1024xf32, #tpu.memory_space<hbm>>
    %dma_wait3A_415 = arith.constant 0 : i32
    %dma_wait3A_416 = arith.constant 0 : i32
    %dma_wait3A_417 = tpu.memref_slice %arg5[%dma_wait3A_410, %dma_wait3A_415, %add3A, %dma_wait3A_416] : memref<200x8x32x1024xf32, #tpu.memory_space<hbm>> -> memref<1x8x1x1024xf32, #tpu.memory_space<hbm>>
    %dma_wait3A_418 = tpu.memref_squeeze %dma_wait3A_417 : memref<1x8x1x1024xf32, #tpu.memory_space<hbm>> -> memref<8x1024xf32, #tpu.memory_space<hbm>>
    tpu.wait_dma2 semaphore(%arg21 : memref<!tpu.dma_semaphore, #tpu.memory_space<semaphore_mem>>) src(%arg13 : memref<8x1024xf32, #tpu.memory_space<vmem>>) dst(%dma_wait3A_418 : memref<8x1024xf32, #tpu.memory_space<hbm>>)
    %dma_wait3A_419 = arith.constant 197 : i32
    %dma_wait3A_420 = arith.constant 0 : i32
    %dma_wait3A_421 = arith.constant 0 : i32
    %dma_wait3A_422 = tpu.memref_slice %arg5[%dma_wait3A_419, %dma_wait3A_420, %add3A, %dma_wait3A_421] : memref<200x8x32x1024xf32, #tpu.memory_space<hbm>> -> memref<1x8x1x1024xf32, #tpu.memory_space<hbm>>
    %dma_wait3A_423 = tpu.memref_squeeze %dma_wait3A_422 : memref<1x8x1x1024xf32, #tpu.memory_space<hbm>> -> memref<8x1024xf32, #tpu.memory_space<hbm>>
    %dma_wait3A_424 = arith.constant 0 : i32
    %dma_wait3A_425 = arith.constant 0 : i32
    %dma_wait3A_426 = tpu.memref_slice %arg5[%dma_wait3A_419, %dma_wait3A_424, %add3A, %dma_wait3A_425] : memref<200x8x32x1024xf32, #tpu.memory_space<hbm>> -> memref<1x8x1x1024xf32, #tpu.memory_space<hbm>>
    %dma_wait3A_427 = tpu.memref_squeeze %dma_wait3A_426 : memref<1x8x1x1024xf32, #tpu.memory_space<hbm>> -> memref<8x1024xf32, #tpu.memory_space<hbm>>
    tpu.wait_dma2 semaphore(%arg22 : memref<!tpu.dma_semaphore, #tpu.memory_space<semaphore_mem>>) src(%arg14 : memref<8x1024xf32, #tpu.memory_space<vmem>>) dst(%dma_wait3A_427 : memref<8x1024xf32, #tpu.memory_space<hbm>>)
    %dma_wait3A_428 = arith.constant 198 : i32
    %dma_wait3A_429 = arith.constant 0 : i32
    %dma_wait3A_430 = arith.constant 0 : i32
    %dma_wait3A_431 = tpu.memref_slice %arg5[%dma_wait3A_428, %dma_wait3A_429, %add3A, %dma_wait3A_430] : memref<200x8x32x1024xf32, #tpu.memory_space<hbm>> -> memref<1x8x1x1024xf32, #tpu.memory_space<hbm>>
    %dma_wait3A_432 = tpu.memref_squeeze %dma_wait3A_431 : memref<1x8x1x1024xf32, #tpu.memory_space<hbm>> -> memref<8x1024xf32, #tpu.memory_space<hbm>>
    %dma_wait3A_433 = arith.constant 0 : i32
    %dma_wait3A_434 = arith.constant 0 : i32
    %dma_wait3A_435 = tpu.memref_slice %arg5[%dma_wait3A_428, %dma_wait3A_433, %add3A, %dma_wait3A_434] : memref<200x8x32x1024xf32, #tpu.memory_space<hbm>> -> memref<1x8x1x1024xf32, #tpu.memory_space<hbm>>
    %dma_wait3A_436 = tpu.memref_squeeze %dma_wait3A_435 : memref<1x8x1x1024xf32, #tpu.memory_space<hbm>> -> memref<8x1024xf32, #tpu.memory_space<hbm>>
    tpu.wait_dma2 semaphore(%arg23 : memref<!tpu.dma_semaphore, #tpu.memory_space<semaphore_mem>>) src(%arg15 : memref<8x1024xf32, #tpu.memory_space<vmem>>) dst(%dma_wait3A_436 : memref<8x1024xf32, #tpu.memory_space<hbm>>)
    %dma_wait3A_437 = arith.constant 199 : i32
    %dma_wait3A_438 = arith.constant 0 : i32
    %dma_wait3A_439 = arith.constant 0 : i32
    %dma_wait3A_440 = tpu.memref_slice %arg5[%dma_wait3A_437, %dma_wait3A_438, %add3A, %dma_wait3A_439] : memref<200x8x32x1024xf32, #tpu.memory_space<hbm>> -> memref<1x8x1x1024xf32, #tpu.memory_space<hbm>>
    %dma_wait3A_441 = tpu.memref_squeeze %dma_wait3A_440 : memref<1x8x1x1024xf32, #tpu.memory_space<hbm>> -> memref<8x1024xf32, #tpu.memory_space<hbm>>
    %dma_wait3A_442 = arith.constant 0 : i32
    %dma_wait3A_443 = arith.constant 0 : i32
    %dma_wait3A_444 = tpu.memref_slice %arg5[%dma_wait3A_437, %dma_wait3A_442, %add3A, %dma_wait3A_443] : memref<200x8x32x1024xf32, #tpu.memory_space<hbm>> -> memref<1x8x1x1024xf32, #tpu.memory_space<hbm>>
    %dma_wait3A_445 = tpu.memref_squeeze %dma_wait3A_444 : memref<1x8x1x1024xf32, #tpu.memory_space<hbm>> -> memref<8x1024xf32, #tpu.memory_space<hbm>>
    tpu.wait_dma2 semaphore(%arg24 : memref<!tpu.dma_semaphore, #tpu.memory_space<semaphore_mem>>) src(%arg16 : memref<8x1024xf32, #tpu.memory_space<vmem>>) dst(%dma_wait3A_445 : memref<8x1024xf32, #tpu.memory_space<hbm>>)
    return
  }
}

module attributes {stable_mosaic.version = 14 : i64} {
  func.func @body(%arg0: i32, %arg1: memref<64x8192xf32, #tpu.memory_space<vmem>>, %arg2: memref<8192x128xf32, #tpu.memory_space<vmem>>) attributes {dimension_semantics = [#tpu.dimension_semantics<arbitrary>], iteration_bounds = array<i64: 123>, scalar_prefetch = 0 : i64, scratch_operands = 0 : i64, tpu.core_type = #tpu.core_type<tc>, window_params = [{transform_indices = @transform_0, window_bounds = array<i64: 64, 8192>}, {transform_indices = @transform_1, window_bounds = array<i64: 8192, 128>}]} {
    %get3A = arith.constant 0 : index
    %get3A_0 = arith.constant 0 : index
    %get3A_1 = vector.load %arg1[%get3A, %get3A_0] : memref<64x8192xf32, #tpu.memory_space<vmem>>, vector<64x8192xf32>
    %transpose3A = tpu.transpose %get3A_1, [1, 0] : vector<64x8192xf32> -> vector<8192x64xf32>
    %broadcast_in_dim3A = arith.constant 0.000000e+00 : f32
    %broadcast_in_dim3A_2 = vector.broadcast %broadcast_in_dim3A : f32 to vector<8192x64xf32>
    %concatenate3A = tpu.concatenate %transpose3A, %broadcast_in_dim3A_2 in 1 : vector<8192x64xf32>, vector<8192x64xf32> -> vector<8192x128xf32>
    %swap3A = arith.constant 0 : index
    %swap3A_3 = arith.constant 0 : index
    %swap3A_4 = vector.load %arg2[%swap3A, %swap3A_3] : memref<8192x128xf32, #tpu.memory_space<vmem>>, vector<8192x128xf32>
    tpu.vector_store %arg2[%swap3A, %swap3A_3], %concatenate3A {strides = array<i32>} : memref<8192x128xf32, #tpu.memory_space<vmem>>, vector<8192x128xf32>,
    return
  }
  func.func @transform_0(%arg0: i32) -> (i32, i32) {
    %c0_i32 = arith.constant 0 : i32
    %c0_i32_0 = arith.constant 0 : i32
    return %c0_i32, %arg0 : i32, i32
  }
  func.func @transform_1(%arg0: i32) -> (i32, i32) {
    %c0_i32 = arith.constant 0 : i32
    %c0_i32_0 = arith.constant 0 : i32
    return %arg0, %c0_i32 : i32, i32
  }
}

</mosaic_0001>

<sc_bundles>
// kernel: kernel.4.cloned.1.call-start
scs
__scs_entry_jumppad:
0x0: {  	(pc) =	sbr.rel $0x88, $3  }
0x1: {  	(tag) =	ssettag $0x0;
	lr =	simm.s32 $0x1  }
0x2: {  	[smem:$0x3F9F] =	sst lr;
	_ =	strace $0xD0000000  }
0x3: {  	_ = 	snop  }
0x4: {  	_ = 	snop  }
0x5: {  	_ = 	snop  }
0x6: {  	_ = 	snop  }
0x7: {  	_ = 	snop  }
__scs_overlays_trampoline_lowered:
0x8: {  	[smem:$0x3FAE] =	sst s0  }
0x9: {  	[smem:$0x3FAF] =	sst s1  }
0xa: {  	[smem:$0x3FB0] =	sst s2  }
0xb: {  	[smem:$0x3FB1] =	sst s3  }
0xc: {  	[smem:$0x3FB2] =	sst s4  }
0xd: {  	[smem:$0x3FB3] =	sst s5  }
0xe: {  	[smem:$0x3FB4] =	sst s6  }
0xf: {  	[smem:$0x3FB5] =	sst s7  }
0x10: {  	[smem:$0x3FB6] =	sst s8  }
0x11: {  	[smem:$0x3FB7] =	sst s9;
	s0 =	simm.s32 @!p0 $0x0  }
0x12: {  	s1 =	sld [smem:$0x3F9D];
	s0 =	simm.s32 @p0 $0x1  }
0x13: {  	[smem:$0x3FB8] =	sst s0;
	s0 =	simm.s32 @!p1 $0x0  }
0x14: {  	s2 =	sld [smem:$0x3F9C];
	s0 =	simm.s32 @p1 $0x1  }
0x15: {  	[smem:$0x3FB9] =	sst s0;
	s0 =	simm.s32 @!p2 $0x0  }
0x16: {  	s3 =	sld [smem:$0x3FDB];
	s0 =	simm.s32 @p2 $0x1  }
0x17: {  	s4 =	simm.s32 $0x1BF5;
	[smem:$0x3FBB] =	sst s0  }
0x18: {  	s0 =	sld [smem:$0x3F9E];
	_ =	swait.ge [sflag:s4], $0x0  }
0x19: {  	s7 =	sld [smem:$0x3F9F]  }
0x1a: {  	s8 =	sadd.s32 $0xFFFFE003, lr  }
0x1b: {  	s9 =	sadd.s32 $0xFFFFFEF7, lr;
	s5 =	simm.s32 $0xFFFFFFFF;
	p2 =	slt.u32 s8, $0xFFFFF086  }
0x1c: {  	p1 =	slt.u32 s9, $0xF7A;
	s5 =	simm.s32 @!p2 $0x0  }
0x1d: {  	s5 =	simm.s32 @p1 $0x1;
	p0 =	seq.s32 s7, s2  }
0x1e: {  	s7 =	smul.u32 @!p0 $0xF7A, s2;
	p2 =	seq.s32 @!p0 s5, $0x0  }
0x1f: {  	s9 =	smul.u32 $0xF7A, s1;
	s8 =	simm.s32 @!p0 $0x1BF5;
	p2 =	por !p2, p0  }
0x20: {  	[sflag:s8] =	ssyncset.s32 @!p0 $0xFFFFF086;
	s6 =	sadd.s32 @!p0 s3, s7;
	s7 =	simm.s32 @!p0 $0x108  }
0x21: {  	s3 =	sadd.s32 s3, s9;
	s6 =	sadd.s32 @!p0 $0x88, s6;
	s7 =	simm.s32 @p2 $0x1082  }
0x22: {  	[simem:s7], [sflag:s8] =	dma.local @!p0 [hbm:s6], $0xF7A  }
0x23: {  	s9 =	sor.u32 $0xD0000000, s2;
	s6 =	simm.s32 $0x108;
	_ =	swait.ge @!p0 [sflag:s8], $0x0  }
0x24: {  	s3 =	sadd.s32 $0x88, s3;
	s6 =	simm.s32 @!p1 $0x1082;
	[sflag:s4] =	ssyncset.s32 $0xFFFFF086  }
0x25: {  	[simem:s6], [sflag:s4] =	dma.local [hbm:s3], $0xF7A  }
0x26: {  	[smem:$0x3F9F] =	sst s1;
	(tag) =	ssettag s2;
	_ =	strace s9  }
0x27: {  	s1 =	sld [smem:$0x3FAF]  }
0x28: {  	s2 =	sld [smem:$0x3FB0]  }
0x29: {  	s4 =	sld [smem:$0x3FB2]  }
0x2a: {  	p0 =	seq.s32 s5, $0x0;
	s5 =	sld [smem:$0x3FB3]  }
0x2b: {  	s6 =	sld [smem:$0x3FB4]  }
0x2c: {  	s7 =	sld [smem:$0x3FB5]  }
0x2d: {  	s3 =	simm.s32 $0x108;
	s8 =	sld [smem:$0x3FB6]  }
0x2e: {  	s3 =	simm.s32 @!p0 $0x1082;
	s9 =	sld [smem:$0x3FB7]  }
0x2f: {  	lr =	sadd.s32 s0, s3;
	s0 =	sld [smem:$0x3FAE]  }
0x30: {  	s3 =	sld [smem:$0x3FB1]  }
0x31: {  	[smem:$0x3FBA] =	sst s10  }
0x32: {  	s10 =	sld [smem:$0x3FB8];
	_ =	sdelay $0x3  }
0x33: {  	p0 =	seq.s32 s10, $0x1;
	s10 =	sld [smem:$0x3FBA];
	_ =	sdelay $0x3  }
0x34: {  	[smem:$0x3FBA] =	sst s10  }
0x35: {  	s10 =	sld [smem:$0x3FB9];
	_ =	sdelay $0x3  }
0x36: {  	p1 =	seq.s32 s10, $0x1;
	s10 =	sld [smem:$0x3FBA];
	_ =	sdelay $0x3  }
0x37: {  	[smem:$0x3FBA] =	sst s10  }
0x38: {  	s10 =	sld [smem:$0x3FBB]  }
0x39: {  	_ = 	snop;
	(pc) =	sbr.ind lr, $3  }
0x3a: {  	_ = 	snop  }
0x3b: {  	_ = 	snop  }
0x3c: {  	p2 =	seq.s32 s10, $0x1;
	s10 =	sld [smem:$0x3FBA]  }
0x3d: {  	_ =	shalt  }
0x3e: {  	_ =	shalt  }
0x3f: {  	_ =	shalt  }
0x40: {  	_ =	shalt  }
0x41: {  	_ =	shalt  }
0x42: {  	_ =	shalt  }
0x43: {  	_ =	shalt  }
0x44: {  	_ =	shalt  }
0x45: {  	_ =	shalt  }
0x46: {  	_ =	shalt  }
0x47: {  	_ =	shalt  }
0x48: {  	_ =	shalt  }
0x49: {  	_ =	shalt  }
0x4a: {  	_ =	shalt  }
0x4b: {  	_ =	shalt  }
0x4c: {  	_ =	shalt  }
0x4d: {  	_ =	shalt  }
0x4e: {  	_ =	shalt  }
0x4f: {  	_ =	shalt  }
0x50: {  	_ =	shalt  }
0x51: {  	_ =	shalt  }
0x52: {  	_ =	shalt  }
0x53: {  	_ =	shalt  }
0x54: {  	_ =	shalt  }
0x55: {  	_ =	shalt  }
0x56: {  	_ =	shalt  }
0x57: {  	_ =	shalt  }
0x58: {  	_ =	shalt  }
0x59: {  	_ =	shalt  }
0x5a: {  	_ =	shalt  }
0x5b: {  	_ =	shalt  }
0x5c: {  	_ =	shalt  }
0x5d: {  	_ =	shalt  }
0x5e: {  	_ =	shalt  }
0x5f: {  	_ =	shalt  }
0x60: {  	_ =	shalt  }
0x61: {  	_ =	shalt  }
0x62: {  	_ =	shalt  }
0x63: {  	_ =	shalt  }
0x64: {  	_ =	shalt  }
0x65: {  	_ =	shalt  }
0x66: {  	_ =	shalt  }
0x67: {  	_ =	shalt  }
0x68: {  	_ =	shalt  }
0x69: {  	_ =	shalt  }
0x6a: {  	_ =	shalt  }
0x6b: {  	_ =	shalt  }
0x6c: {  	_ =	shalt  }
0x6d: {  	_ =	shalt  }
0x6e: {  	_ =	shalt  }
0x6f: {  	_ =	shalt  }
0x70: {  	_ =	shalt  }
0x71: {  	_ =	shalt  }
0x72: {  	_ =	shalt  }
0x73: {  	_ =	shalt  }
0x74: {  	_ =	shalt  }
0x75: {  	_ =	shalt  }
0x76: {  	_ =	shalt  }
0x77: {  	_ =	shalt  }
0x78: {  	_ =	shalt  }
0x79: {  	_ =	shalt  }
0x7a: {  	_ =	shalt  }
0x7b: {  	_ =	shalt  }
0x7c: {  	_ =	shalt  }
0x7d: {  	_ =	shalt  }
0x7e: {  	_ =	shalt  }
0x7f: {  	_ =	shalt  }
0x80: {  	_ =	shalt  }
0x81: {  	_ =	shalt  }
0x82: {  	_ =	shalt  }
0x83: {  	_ =	shalt  }
0x84: {  	_ =	shalt  }
0x85: {  	_ =	shalt  }
0x86: {  	_ =	shalt  }
0x87: {  	_ =	shalt  }
.Lfunc_end0:
.L_simem_size_0:
called_computation_lowered:
.L_overlay_start_0:
0x88: {  	s2 =	sld [smem:$0x3FD9]  }
0x89: {  	s3 =	sld [smem:$0x3FFE];
	_ =	sdelay $0x1  }
0x8a: {  	s1 =	srdreg.scid  }
0x8b: {  	s0 =	sand.u32 $0x1, s1  }
0x8c: {  	s17 =	sshll.u32 s0, $0xA;
	s2 =	sadd.s32 s3, s2  }
0x8d: {  	s2 =	sadd.s32 s2, s17  }
0x8e: {  	[smem:$0x3FC6] =	sst s2  }
0x8f: {  	_ = 	snop  }
0x90: {  	s2 =	sld [smem:$0x3FD0];
	(tm) =	ssettm $0x1  }
0x91: {  	s18 =	sld [smem:$0x3FFB];
	_ =	sdelay $0x3  }
0x92: {  	_ =	strace s18  }
0x93: {  	s3 =	sld [smem:$0x3FFC];
	_ =	sdelay $0x3  }
0x94: {  	_ =	strace s3  }
0x95: {  	s3 =	sld [smem:$0x3FFD];
	_ =	sdelay $0x3  }
0x96: {  	_ =	strace s3  }
0x97: {  	_ =	strace $0x8FFFFFFF  }
0x98: {  	s19 =	sld [smem:$0x3FDB];
	_ =	sdelay $0x1  }
0x99: {  	s4 =	simm.s32 $_scs_section_size  }
0x9a: {  	s5 =	simm.s32 $_size__tile_overlayer_lowered;
	s6 =	simm.s32 $_tile_overlayer_lowered  }
0x9b: {  	s22 =	simm.s32 $0x1BFF;
	s21 =	sshll.u32 s6, $0x1;
	s3 =	sadd.s32 s4, s19  }
0x9c: {  	s7 =	simm.s32 $0x0;
	s20 =	sshll.u32 s5, $0x1;
	s5 =	sadd.s32 s21, s3  }
0x9d: {  	[timem:s7], [sflag:s22] =	dma.local [hbm:s5], s20  }
0x9e: {  	_ =	swait.ge [sflag:s22], s20  }
0x9f: {  	s4 =	ssub.s32 $0x0, s20;
	[sflag:s22] =	ssyncset.done $0x0  }
0xa0: {  	[sflag:s22] =	ssyncadd.s32 s4;
	_ =	sdelay $0x1  }
0xa1: {  	s23 =	simm.s32 $0x1B8B  }
0xa2: {  	_ =	swait.ge [sflag:s23], $0x1  }
0xa3: {  	[sflag:s23] =	ssyncset.done $0x0  }
0xa4: {  	s25 =	simm.s32 $0x1B8E;
	s24 =	sld [smem:$0x3FFE];
	[sflag:s23] =	ssyncadd.s32 $0xFFFFFFFF  }
0xa5: {  	s26 =	simm.s32 $execute0_lowered;
	[smem:$0x3FD2] =	sst s25  }
0xa6: {  	s5 =	sshll.u32 s26, $0x1;
	_ =	strace $0x80000046;
	[dreg:$0x1] =	wrdreg $0xFFFFFFFF  }
0xa7: {  	s28 =	simm.s32 $_size_execute0_lowered;
	s3 =	sadd.s32 s3, s5;
	[dreg:$0x0] =	wrdreg $0x0  }
0xa8: {  	s5 =	sshll.u32 s28, $0x1;
	[dreg:$0x2] =	wrdreg s3  }
0xa9: {  	[dreg:$0x3] =	wrdreg s5  }
0xaa: {  	[dreg:$0x4] =	wrdreg $0xC0  }
0xab: {  	_ =	task [dreg:s7], $0x5FFFF  }
0xac: {  	[dreg:$0x1] =	wrdreg $0xFFFFFFFF  }
0xad: {  	[dreg:$0x0] =	wrdreg $0x60  }
0xae: {  	[dreg:$0x2] =	wrdreg s24  }
0xaf: {  	[dreg:$0x3] =	wrdreg s2  }
0xb0: {  	[dreg:$0x4] =	wrdreg $0x9  }
0xb1: {  	_ =	task.clear_ibuf [dreg:s7], $0x5FFFF;
	_ =	strace $0x90000046  }
0xb2: {  	s29 =	simm.s32 $0x9;
	_ =	strace $0x80000048  }
0xb3: {  	_ =	swait.ge [sflag:s29], $0x1  }
0xb4: {  	[sflag:s29] =	ssyncadd.s32 $0xFFFFFFFF  }
0xb5: {  	_ =	strace $0x90000048  }
0xb6: {  	_ =	sfence  }
0xb7: {  	s30 =	sld [smem:$0x0];
	_ =	sdelay $0x2  }
0xb8: {  	s31 =	sshll.u32 s1, $0xD;
	s1 =	sshrl.u32 s1, $0x2  }
0xb9: {  	s3 =	sand.u32 $0x4000, s31;
	s1 =	sadd.s32 s1, s30  }
0xba: {  	s0 =	sor.u32 s3, s0;
	s1 =	sshll.u32 s1, $0x11  }
0xbb: {  	s0 =	sor.u32 s1, s0  }
0xbc: {  	s0 =	sadd.s32 $0x8F2B, s0  }
0xbd: {  	[sflag:s0] =	ssyncadd.remote.s32 $0x1  }
0xbe: {  	_ =	sfence.sel $0xFFFF  }
0xbf: {  	[dreg:$0x0] =	wrdreg $0xFFFFFFFF;
	(pc) =	sbr.abs _section_cstart, $3  }
0xc0: {  	[dreg:$0x1] =	wrdreg $0xFFFFFFFF  }
0xc1: {  	_ =	task.clear_ibuf [dreg:s7], $0x2FFFF;
	_ =	strace $0x9FFFFFFF  }
0xc2: {  	(tm) =	ssettm $0x7FFFFFFF  }
0xc3: {  	_ =	shalt  }
tec
execute0_lowered:
.L_overlay_start_1:
0x0: {  	(tag) =	ssettag $0x1  }
0x1: {  	s0 =	rddreg [dreg:$0x0]  }
0x2: {  	s2 =	rddreg [dreg:$0x1]  }
0x3: {  	s1 =	srdreg.scid;
	s3 =	stileid.u32  }
0x4: {  	s4 =	simm.s32 $0x0;
	s1 =	sand.u32 $0x1, s1;
	s3 =	sshll.u32 s3, $0x1  }
0x5: {  	s17 =	simm.s32 $0x80;
	s29 =	simm.s32 $0x11600;
	s3 =	sor.u32 s1, s3  }
0x6: {  	[smem:$0x7FF] =	sst s4;
	s4 =	sadd.s32 $0x19600, s0;
	s5 =	sshll.u32 s3, $0x4  }
0x7: {  	s6 =	sshll.u32 s3, $0x7;
	s5 =	sadd.s32 s5, s0;
	s0 =	sadd.s32 $0xF5BA00, s0  }
0x8: {  	_ =	strace $0x80000047;
	s22 =	sadd.s32 s2, s6;
	[dreg:$0x3] =	wrdreg s0  }
0x9: {  	s31 =	simm.s32 $0x400;
	s21 =	sadd.s32 $0x600, s5;
	[dreg:$0x5] =	wrdreg s22  }
0xa: {  	s9 =	simm.s32 $0x6;
	s23 =	sadd.s32 $0x8000, s22;
	[dreg:$0x4] =	wrdreg s21  }
0xb: {  	s10 =	simm.s32 $0x7;
	s24 =	sadd.s32 $0x10000, s22;
	[dreg:$0x6] =	wrdreg s23  }
0xc: {  	s11 =	simm.s32 $0x8;
	s25 =	sadd.s32 $0x18000, s22;
	[dreg:$0x7] =	wrdreg s24  }
0xd: {  	v0 =	vlaneseq.u32;
	s1 =	ssub.s32 $0x2, s1;
	s26 =	sadd.s32 $0x620000, s22;
	[dreg:$0x8] =	wrdreg s25  }
0xe: {  	v0 =	vmul.u32 $0x41, v0;
	s20 =	sshrl.u32 s1, $0x1;
	s28 =	sadd.s32 $0x628000, s22;
	[dreg:$0x9] =	wrdreg s26  }
0xf: {  	s8 =	sshll.u32 s3, $0xA;
	s30 =	sadd.s32 $0x630000, s22;
	[dreg:$0xa] =	wrdreg s28  }
0x10: {  	v1 =	vadd.s32 $0x410, v0;
	s0 =	ssub.s32 s1, s20;
	s1 =	sadd.s32 $0x638000, s22;
	[dreg:$0xb] =	wrdreg s30  }
0x11: {  	v2 =	vadd.s32 $0x820, v0;
	v3 =	vadd.s32 $0xC30, v0;
	v4 =	vadd.s32 $0x1040, v0;
	s3 =	simm.s32 $0x0;
	[dreg:$0xc] =	wrdreg s1;
	s0 =	smax.u32 s0, $0x1  }
0x12: {  	v5 =	vadd.s32 $0x1450, v0;
	v6 =	vadd.s32 $0x1860, v0;
	v7 =	vadd.s32 $0x1C70, v0;
	s6 =	simm.s32 $0x5;
	[dreg:$0xd] =	wrdreg s0;
	s0 =	simm.s32 $0x8000  }
.LBB2_1:
0x13: {  	[dreg:$0xe] =	wrdreg s3;
	s13 =	simm.s32 $0x0  }
0x14: {  	s1 =	rddreg [dreg:$0x4];
	s5 =	simm.s32 $0x1000;
	s7 =	simm.s32 $0x9  }
0x15: {  	[tilespmem:s13], [sflag:$0x9] =	stream.strided.gather [hbm4b:s1+s17], $0x6400, s5, s17, $0x38;
	[tilespmem:$0x1B680] =	vst v63  }
0x16: {  	_ =	swait.ge [sflag:s7], $0x6400  }
0x17: {  	[sflag:s7] =	ssyncset.done $0x0  }
0x18: {  	s5 =	simm.s32 $0x6400;
	s12 =	rddreg [dreg:$0x3];
	[sflag:s7] =	ssyncadd.s32 $0xFFFF9C00  }
0x19: {  	[tilespmem:s5], [sflag:$0x9] =	stream.linear.gather [hbm4b:s12+s13], $0x3200, $0x38;
	[tilespmem:$0x1B680] =	vst v63  }
0x1a: {  	_ =	swait.ge [sflag:s7], $0x3200  }
0x1b: {  	[sflag:s7] =	ssyncset.done $0x0  }
0x1c: {  	s14 =	simm.s32 $0x9600;
	[sflag:s7] =	ssyncadd.s32 $0xFFFFCE00  }
0x1d: {  	[tilespmem:s14], [sflag:$0x1] =	stream.indirect.gather [hbm4b:s4+s17], $0x40, s13, s17, $0xb8;
	[tilespmem:$0x1B680] =	vst v63  }
0x1e: {  	s15 =	simm.s32 $0xB600  }
0x1f: {  	[tilespmem:s15], [sflag:$0x2] =	stream.indirect.gather [hbm4b:s4+s17], $0x40, s17, s17, $0xb8;
	[tilespmem:$0x1B680] =	vst v63  }
0x20: {  	s16 =	simm.s32 $0x100;
	s18 =	simm.s32 $0xD600  }
0x21: {  	[tilespmem:s18], [sflag:$0x3] =	stream.indirect.gather [hbm4b:s4+s17], $0x40, s16, s17, $0xb8;
	[tilespmem:$0x1B680] =	vst v63  }
0x22: {  	s19 =	simm.s32 $0x180;
	s20 =	simm.s32 $0xF600;
	s21 =	simm.s32 $0x1  }
0x23: {  	[tilespmem:s20], [sflag:$0x4] =	stream.indirect.gather [hbm4b:s4+s17], $0x40, s19, s17, $0xb8;
	[tilespmem:$0x1B680] =	vst v63  }
0x24: {  	_ =	swait.ge [sflag:s21], $0x2000  }
0x25: {  	[sflag:s21] =	ssyncset.done $0x0  }
0x26: {  	[sflag:s21] =	ssyncadd.s32 $0xFFFFE000  }
0x27: {  	s22 =	simm.s32 $0x9640;
	v11 =	vld [tilespmem:$0x6400]  }
0x28: {  	v8 =	vld [tilespmem:s22+$0x0];
	_ =	sdelay $0x2  }
0x29: {  	v10 =	vld [tilespmem:$0x6410]  }
0x2a: {  	v12 =	vld [tilespmem:s22+$0xFFFFFFC0]  }
0x2b: {  	v9 =	vld [tilespmem:$0x6420];
	v13 =	vadd.f32 v8, v11  }
0x2c: {  	s23 =	simm.s32 $0x11641;
	s7 =	simm.s32 $0x96C0;
	v8 =	vld [tilespmem:$0x6430]  }
0x2d: {  	[tilespmem:s23+$0x0] =	vst v13;
	v13 =	vld [tilespmem:s7+$0x0]  }
0x2e: {  	v14 =	vld [tilespmem:s22+$0x10]  }
0x2f: {  	v12 =	vadd.f32 v12, v11;
	_ =	sdelay $0x1  }
0x30: {  	[tilespmem:s23+$0xFFFFFFBF] =	vst v12;
	v12 =	vld [tilespmem:s7+$0xFFFFFFC0]  }
0x31: {  	v15 =	vld [tilespmem:s22+$0xFFFFFFD0];
	v13 =	vadd.f32 v13, v11  }
0x32: {  	s24 =	simm.s32 $0x41;
	s25 =	simm.s32 $0x116C3;
	s12 =	simm.s32 $0x9740;
	v14 =	vadd.f32 v14, v10  }
0x33: {  	s3 =	sand.u32 $0x3FFF, s24;
	[tilespmem:s25+$0x0] =	vst v13;
	v13 =	vld [tilespmem:s12+$0x0]  }
0x34: {  	[tilespmem:s3+$0x11610] =	vst v14;
	v14 =	vld [tilespmem:s7+$0x10]  }
0x35: {  	v12 =	vadd.f32 v12, v11  }
0x36: {  	v15 =	vadd.f32 v15, v10;
	v16 =	vld [tilespmem:s22+$0x20]  }
0x37: {  	s13 =	sand.u32 $0x1FFE, s13;
	[tilespmem:s25+$0xFFFFFFBF] =	vst v12;
	v12 =	vld [tilespmem:s12+$0xFFFFFFC0]  }
0x38: {  	[tilespmem:s13+$0x11610] =	vst v15;
	v15 =	vld [tilespmem:s7+$0xFFFFFFD0];
	v13 =	vadd.f32 v13, v11  }
0x39: {  	s26 =	simm.s32 $0xC3;
	s14 =	simm.s32 $0x97C0;
	s18 =	simm.s32 $0x11745;
	v17 =	vld [tilespmem:s22+$0xFFFFFFE0];
	v14 =	vadd.f32 v14, v10  }
0x3a: {  	s15 =	sand.u32 $0x3FFF, s26;
	v18 =	vld [tilespmem:s14+$0x0];
	[tilespmem:s18+$0x0] =	vst v13  }
0x3b: {  	v13 =	vadd.f32 v16, v9;
	[tilespmem:s15+$0x11610] =	vst v14;
	v19 =	vld [tilespmem:s12+$0x10]  }
0x3c: {  	v14 =	vadd.f32 v12, v11;
	v20 =	vld [tilespmem:s7+$0x20]  }
0x3d: {  	s28 =	simm.s32 $0x82;
	v16 =	vld [tilespmem:s14+$0xFFFFFFC0];
	[tilespmem:s3+$0x11620] =	vst v13;
	v13 =	vadd.f32 v15, v10  }
0x3e: {  	s16 =	sand.u32 $0x1FFE, s28;
	v12 =	vld [tilespmem:s22+$0x30];
	[tilespmem:s18+$0xFFFFFFBF] =	vst v14;
	v14 =	vadd.f32 v17, v9  }
0x3f: {  	s30 =	simm.s32 $0x145;
	[tilespmem:s16+$0x11610] =	vst v13;
	v13 =	vadd.f32 v18, v11;
	v15 =	vld [tilespmem:s12+$0xFFFFFFD0]  }
0x40: {  	s1 =	sand.u32 $0x3FFF, s30;
	s20 =	simm.s32 $0x104;
	s21 =	simm.s32 $0x117C7;
	[tilespmem:s13+$0x11620] =	vst v14;
	v14 =	vld [tilespmem:s7+$0xFFFFFFE0]  }
0x41: {  	s5 =	simm.s32 $0x6;
	s19 =	sand.u32 $0x1FFE, s20;
	v18 =	vadd.f32 v19, v10;
	[tilespmem:s21+$0x0] =	vst v13;
	v13 =	vld [tilespmem:s22+$0xFFFFFFF0];
	s22 =	simm.s32 $0x9840;
	v17 =	vadd.f32 v20, v9  }
.LBB2_2:
0x42: {  	s18 =	smov.u32 s16  }
0x43: {  	v19 =	vld [tilespmem:s22+$0x0];
	[tilespmem:s1+$0x11610] =	vst v18;
	v12 =	vadd.f32 v12, v8;
	s16 =	smov.u32 s19;
	s23 =	smov.u32 s7;
	s7 =	smov.u32 s12  }
0x44: {  	s12 =	smov.u32 s14;
	s5 =	sadd.s32 $0x2, s5;
	v16 =	vadd.f32 v16, v11;
	v18 =	vld [tilespmem:s14+$0x10];
	[tilespmem:s15+$0x11620] =	vst v17;
	s14 =	smov.u32 s22  }
0x45: {  	p0 =	slt.u32 s5, $0x7E;
	v15 =	vadd.f32 v15, v10;
	v17 =	vld [tilespmem:s7+$0x20];
	[tilespmem:s3+$0x11630] =	vst v12;
	s3 =	smov.u32 s15  }
.Ltmp0:
0x46: {  	s15 =	smov.u32 s1;
	[tilespmem:s21+$0xFFFFFFBF] =	vst v16;
	v14 =	vadd.f32 v14, v9;
	v12 =	vld [tilespmem:s23+$0x30];
	(pc) =	sbr.rel @p0 .LBB2_2-.Ltmp0, $4  }
0x47: {  	v16 =	vld [tilespmem:s22+$0xFFFFFFC0];
	[tilespmem:s16+$0x11610] =	vst v15;
	v13 =	vadd.f32 v13, v8  }
0x48: {  	s20 =	sadd.s32 $0x82, s20;
	v19 =	vadd.f32 v19, v11;
	v15 =	vld [tilespmem:s12+$0xFFFFFFD0];
	[tilespmem:s18+$0x11620] =	vst v14  }
0x49: {  	s19 =	sand.u32 $0x1FFE, s20;
	s1 =	sadd.s32 $0x41, s20;
	s21 =	sadd.s32 $0x82, s21;
	v18 =	vadd.f32 v18, v10;
	v14 =	vld [tilespmem:s7+$0xFFFFFFE0];
	[tilespmem:s13+$0x11630] =	vst v13  }
0x4a: {  	s1 =	sand.u32 $0x3FFF, s1;
	s22 =	sadd.s32 $0x80, s22;
	s13 =	smov.u32 s18;
	[tilespmem:s21+$0x0] =	vst v19;
	v17 =	vadd.f32 v17, v9;
	v13 =	vld [tilespmem:s23+$0xFFFFFFF0]  }
0x4b: {  	_ = 	snop  }
0x4c: {  	v11 =	vadd.f32 v16, v11;
	_ =	sdelay $0x1  }
0x4d: {  	v16 =	vld [tilespmem:s14+$0x10];
	[tilespmem:s21+$0xFFFFFFBF] =	vst v11  }
0x4e: {  	v11 =	vld [tilespmem:s14+$0xFFFFFFD0];
	_ =	sdelay $0x2  }
0x4f: {  	s5 =	sadd.s32 $0x82, s20;
	v15 =	vadd.f32 v15, v10  }
0x50: {  	[tilespmem:s1+$0x11610] =	vst v18;
	s18 =	sadd.s32 $0x41, s5;
	v16 =	vadd.f32 v16, v10  }
0x51: {  	v18 =	vld [tilespmem:s12+$0x20];
	s18 =	sand.u32 $0x3FFF, s18;
	[tilespmem:s19+$0x11610] =	vst v15;
	v10 =	vadd.f32 v11, v10  }
0x52: {  	s5 =	sand.u32 $0x1FFE, s5;
	[tilespmem:s18+$0x11610] =	vst v16;
	v11 =	vld [tilespmem:s12+$0xFFFFFFE0]  }
0x53: {  	v15 =	vld [tilespmem:s14+$0x20];
	[tilespmem:s5+$0x11610] =	vst v10  }
0x54: {  	v10 =	vld [tilespmem:s14+$0xFFFFFFE0]  }
0x55: {  	v14 =	vadd.f32 v14, v9  }
0x56: {  	[tilespmem:s15+$0x11620] =	vst v17;
	v16 =	vadd.f32 v18, v9  }
0x57: {  	v17 =	vld [tilespmem:s7+$0x30];
	[tilespmem:s16+$0x11620] =	vst v14;
	v11 =	vadd.f32 v11, v9  }
0x58: {  	v14 =	vld [tilespmem:s7+$0xFFFFFFF0];
	[tilespmem:s1+$0x11620] =	vst v16;
	v15 =	vadd.f32 v15, v9  }
0x59: {  	v16 =	vld [tilespmem:s12+$0x30];
	[tilespmem:s19+$0x11620] =	vst v11;
	v9 =	vadd.f32 v10, v9  }
0x5a: {  	[tilespmem:s18+$0x11620] =	vst v15;
	v10 =	vadd.f32 v12, v8;
	v11 =	vld [tilespmem:s12+$0xFFFFFFF0]  }
0x5b: {  	v12 =	vadd.f32 v13, v8;
	v13 =	vld [tilespmem:s14+$0x30];
	[tilespmem:s5+$0x11620] =	vst v9  }
0x5c: {  	[tilespmem:s3+$0x11630] =	vst v10;
	v9 =	vadd.f32 v17, v8;
	v10 =	vld [tilespmem:s14+$0xFFFFFFF0]  }
0x5d: {  	[tilespmem:s13+$0x11630] =	vst v12;
	v12 =	vadd.f32 v14, v8  }
0x5e: {  	s23 =	simm.s32 $0x1;
	[tilespmem:s15+$0x11630] =	vst v9;
	v9 =	vadd.f32 v16, v8  }
0x5f: {  	[tilespmem:s16+$0x11630] =	vst v12;
	v12 =	vadd.s32 s23, v0;
	v11 =	vadd.f32 v11, v8  }
0x60: {  	[tilespmem:s1+$0x11630] =	vst v9;
	v9 =	vadd.f32 v13, v8;
	v13 =	vadd.s32 s23, v7  }
0x61: {  	[tilespmem:s19+$0x11630] =	vst v11;
	v8 =	vadd.f32 v10, v8;
	v10 =	vadd.s32 s23, v1  }
0x62: {  	[tilespmem:s18+$0x11630] =	vst v9;
	v9 =	vadd.s32 s23, v2  }
0x63: {  	[tilespmem:s5+$0x11630] =	vst v8;
	v8 =	vadd.s32 s23, v3  }
0x64: {  	v11 =	vadd.s32 s23, v4;
	v14 =	vld.idx.msk [tilespmem:v12+s29+$0x0], $0xffff  }
0x65: {  	v12 =	vadd.s32 s23, v5;
	v13 =	vld.idx.msk [tilespmem:v13+s29+$0x0], $0xffff  }
0x66: {  	s24 =	simm.s32 $0x0;
	v16 =	vadd.s32 s23, v6;
	v15 =	vld.idx.msk [tilespmem:v10+s29+$0x0], $0xffff  }
0x67: {  	s25 =	simm.s32 $0x0;
	v19 =	vadd.s32 s24, v2;
	v17 =	vld.idx.msk [tilespmem:v9+s29+$0x0], $0xffff  }
0x68: {  	s26 =	sand.u32 $0x1C00, s25;
	v21 =	vadd.s32 s24, v3;
	s7 =	simm.s32 $0x80;
	v20 =	vld.idx.msk [tilespmem:v8+s29+$0x0], $0xffff  }
0x69: {  	s28 =	sand.u32 $0x380, s7;
	s5 =	sadd.s32 $0x13680, s26;
	v9 =	vadd.s32 s24, v0;
	v8 =	vld.idx.msk [tilespmem:v11+s29+$0x0], $0xffff  }
0x6a: {  	v18 =	vadd.s32 s24, v1;
	s14 =	sadd.s32 s28, s5;
	v10 =	vld.idx.msk [tilespmem:v12+s29+$0x0], $0xffff  }
0x6b: {  	v12 =	vld.idx.msk [tilespmem:v16+s29+$0x0], $0xffff;
	[tilespmem:s14+$0x70] =	vst v13;
	v16 =	vadd.s32 s24, v4  }
0x6c: {  	v13 =	vld.idx.msk [tilespmem:v19+s29+$0x0], $0xffff;
	[tilespmem:s14+$0x10] =	vst v15;
	v15 =	vadd.s32 s24, v5  }
0x6d: {  	[tilespmem:s14+$0x0] =	vst v14;
	v19 =	vadd.s32 s24, v6;
	v14 =	vld.idx.msk [tilespmem:v21+s29+$0x0], $0xffff  }
0x6e: {  	s30 =	sand.u32 $0x300, s25;
	s13 =	simm.s32 $0x3;
	v11 =	vld.idx.msk [tilespmem:v9+s29+$0x0], $0xffff;
	[tilespmem:s14+$0x20] =	vst v17;
	v17 =	vadd.s32 s24, v7  }
0x6f: {  	s3 =	simm.s32 $0x2;
	s1 =	simm.s32 $0x4;
	s12 =	sadd.s32 s30, s5;
	v9 =	vld.idx.msk [tilespmem:v18+s29+$0x0], $0xffff;
	v18 =	vadd.s32 s13, v0;
	[tilespmem:s14+$0x30] =	vst v20  }
.LBB2_4:
0x70: {  	p0 =	slt.u32 s1, $0x3E;
	v20 =	vadd.s32 s13, v7;
	v16 =	vld.idx.msk [tilespmem:v16+s29+$0x0], $0xffff;
	[tilespmem:s14+$0x40] =	vst v8  }
0x71: {  	v8 =	vadd.s32 s13, v1;
	v15 =	vld.idx.msk [tilespmem:v15+s29+$0x0], $0xffff;
	[tilespmem:s14+$0x50] =	vst v10  }
0x72: {  	v10 =	vadd.s32 s13, v2;
	v19 =	vld.idx.msk [tilespmem:v19+s29+$0x0], $0xffff;
	[tilespmem:s14+$0x60] =	vst v12  }
0x73: {  	v12 =	vadd.s32 s13, v3;
	v17 =	vld.idx.msk [tilespmem:v17+s29+$0x0], $0xffff;
	[tilespmem:s12+$0x0] =	vst v11  }
0x74: {  	v11 =	vadd.s32 s13, v4;
	v18 =	vld.idx.msk [tilespmem:v18+s29+$0x0], $0xffff;
	[tilespmem:s12+$0x10] =	vst v9  }
0x75: {  	v9 =	vadd.s32 s13, v5;
	v20 =	vld.idx.msk [tilespmem:v20+s29+$0x0], $0xffff;
	[tilespmem:s12+$0x20] =	vst v13  }
0x76: {  	v21 =	vadd.s32 s13, v6;
	s7 =	sadd.s32 $0x100, s7;
	v13 =	vld.idx.msk [tilespmem:v8+s29+$0x0], $0xffff;
	[tilespmem:s12+$0x30] =	vst v14  }
0x77: {  	s5 =	sadd.s32 $0xFFFFFF80, s7;
	v14 =	vadd.s32 s3, v0;
	v22 =	vld.idx.msk [tilespmem:v10+s29+$0x0], $0xffff;
	[tilespmem:s12+$0x40] =	vst v16  }
0x78: {  	v23 =	vadd.s32 s3, v1;
	s13 =	sand.u32 $0x300, s5;
	s5 =	sand.u32 $0x1C00, s5;
	v24 =	vld.idx.msk [tilespmem:v12+s29+$0x0], $0xffff;
	[tilespmem:s12+$0x50] =	vst v15  }
0x79: {  	v25 =	vadd.s32 s3, v2;
	s14 =	sand.u32 $0x380, s7;
	s5 =	sadd.s32 $0x13680, s5;
	v8 =	vld.idx.msk [tilespmem:v11+s29+$0x0], $0xffff;
	[tilespmem:s12+$0x60] =	vst v19  }
0x7a: {  	v26 =	vadd.s32 s3, v3;
	s14 =	sadd.s32 s14, s5;
	v10 =	vld.idx.msk [tilespmem:v9+s29+$0x0], $0xffff;
	[tilespmem:s12+$0x70] =	vst v17;
	s12 =	sadd.s32 s13, s5  }
.Ltmp1:
0x7b: {  	v16 =	vadd.s32 s3, v4;
	v12 =	vld.idx.msk [tilespmem:v21+s29+$0x0], $0xffff;
	[tilespmem:s14+$0x70] =	vst v20;
	(pc) =	sbr.rel @p0 .LBB2_4-.Ltmp1, $4  }
0x7c: {  	v15 =	vadd.s32 s3, v5;
	v11 =	vld.idx.msk [tilespmem:v14+s29+$0x0], $0xffff;
	[tilespmem:s14+$0x0] =	vst v18  }
0x7d: {  	v19 =	vadd.s32 s3, v6;
	v9 =	vld.idx.msk [tilespmem:v23+s29+$0x0], $0xffff;
	[tilespmem:s14+$0x10] =	vst v13  }
0x7e: {  	s13 =	sadd.s32 $0x1, s1;
	v17 =	vadd.s32 s3, v7;
	s3 =	smov.u32 s1;
	v13 =	vld.idx.msk [tilespmem:v25+s29+$0x0], $0xffff;
	[tilespmem:s14+$0x20] =	vst v22  }
0x7f: {  	s1 =	sadd.s32 $0x2, s1;
	v18 =	vadd.s32 s13, v0;
	v14 =	vld.idx.msk [tilespmem:v26+s29+$0x0], $0xffff;
	[tilespmem:s14+$0x30] =	vst v24  }
0x80: {  	_ =	sdelay $0x3  }
0x81: {  	v20 =	vadd.s32 s13, v7;
	v16 =	vld.idx.msk [tilespmem:v16+s29+$0x0], $0xffff;
	[tilespmem:s14+$0x40] =	vst v8  }
0x82: {  	v8 =	vadd.s32 s13, v1;
	v15 =	vld.idx.msk [tilespmem:v15+s29+$0x0], $0xffff;
	[tilespmem:s14+$0x50] =	vst v10  }
0x83: {  	v10 =	vadd.s32 s13, v2;
	v19 =	vld.idx.msk [tilespmem:v19+s29+$0x0], $0xffff;
	[tilespmem:s14+$0x60] =	vst v12  }
0x84: {  	v12 =	vadd.s32 s13, v3;
	v17 =	vld.idx.msk [tilespmem:v17+s29+$0x0], $0xffff;
	[tilespmem:s12+$0x0] =	vst v11  }
0x85: {  	v11 =	vld.idx.msk [tilespmem:v18+s29+$0x0], $0xffff;
	v18 =	vadd.s32 s13, v4;
	[tilespmem:s12+$0x10] =	vst v9  }
0x86: {  	v9 =	vadd.s32 s13, v5;
	[tilespmem:s12+$0x20] =	vst v13;
	v20 =	vld.idx.msk [tilespmem:v20+s29+$0x0], $0xffff  }
0x87: {  	s1 =	sadd.s32 $0x100, s7;
	v13 =	vadd.s32 s13, v6;
	[tilespmem:s12+$0x30] =	vst v14;
	v8 =	vld.idx.msk [tilespmem:v8+s29+$0x0], $0xffff  }
0x88: {  	s5 =	sadd.s32 $0xFFFFFF80, s1;
	v14 =	vadd.s32 s3, v0;
	v10 =	vld.idx.msk [tilespmem:v10+s29+$0x0], $0xffff;
	[tilespmem:s12+$0x40] =	vst v16  }
0x89: {  	s15 =	sand.u32 $0x1C00, s5;
	v16 =	vadd.s32 s3, v1;
	v12 =	vld.idx.msk [tilespmem:v12+s29+$0x0], $0xffff;
	[tilespmem:s12+$0x50] =	vst v15  }
0x8a: {  	s1 =	sand.u32 $0x380, s1;
	s7 =	sadd.s32 $0x13680, s15;
	v15 =	vadd.s32 s3, v2;
	[tilespmem:s12+$0x60] =	vst v19;
	v18 =	vld.idx.msk [tilespmem:v18+s29+$0x0], $0xffff  }
0x8b: {  	s1 =	sadd.s32 s1, s7;
	v19 =	vadd.s32 s3, v3;
	[tilespmem:s12+$0x70] =	vst v17;
	v9 =	vld.idx.msk [tilespmem:v9+s29+$0x0], $0xffff  }
0x8c: {  	v17 =	vadd.s32 s3, v4;
	v13 =	vld.idx.msk [tilespmem:v13+s29+$0x0], $0xffff;
	[tilespmem:s1+$0x0] =	vst v11  }
0x8d: {  	v14 =	vld.idx.msk [tilespmem:v14+s29+$0x0], $0xffff;
	[tilespmem:s1+$0x70] =	vst v20;
	v20 =	vadd.s32 s3, v5  }
0x8e: {  	v11 =	vld.idx.msk [tilespmem:v16+s29+$0x0], $0xffff;
	v16 =	vadd.s32 s3, v6;
	[tilespmem:s1+$0x10] =	vst v8  }
0x8f: {  	v8 =	vld.idx.msk [tilespmem:v15+s29+$0x0], $0xffff;
	v15 =	vadd.s32 s3, v7;
	[tilespmem:s1+$0x20] =	vst v10  }
0x90: {  	v10 =	vld.idx.msk [tilespmem:v19+s29+$0x0], $0xffff;
	[tilespmem:s1+$0x30] =	vst v12  }
0x91: {  	v12 =	vld.idx.msk [tilespmem:v17+s29+$0x0], $0xffff;
	[tilespmem:s1+$0x40] =	vst v18  }
0x92: {  	s16 =	sand.u32 $0x300, s5;
	[tilespmem:s1+$0x50] =	vst v9;
	v17 =	vld.idx.msk [tilespmem:v20+s29+$0x0], $0xffff  }
0x93: {  	s3 =	sadd.s32 s16, s7;
	[tilespmem:s1+$0x60] =	vst v13;
	v9 =	vld.idx.msk [tilespmem:v16+s29+$0x0], $0xffff  }
0x94: {  	v13 =	vld.idx.msk [tilespmem:v15+s29+$0x0], $0xffff;
	[tilespmem:s3+$0x0] =	vst v14  }
0x95: {  	[tilespmem:s3+$0x10] =	vst v11  }
0x96: {  	[tilespmem:s3+$0x20] =	vst v8  }
0x97: {  	[tilespmem:s3+$0x30] =	vst v10  }
0x98: {  	[tilespmem:s3+$0x40] =	vst v12  }
0x99: {  	[tilespmem:s3+$0x50] =	vst v17  }
0x9a: {  	[tilespmem:s3+$0x60] =	vst v9  }
0x9b: {  	s18 =	simm.s32 $0x9600;
	s19 =	simm.s32 $0x200;
	[tilespmem:s3+$0x70] =	vst v13  }
0x9c: {  	[tilespmem:s18], [sflag:$0x1] =	stream.indirect.gather [hbm4b:s4+s17], $0x40, s19, s17, $0xb8;
	[tilespmem:$0x1B680] =	vst v63  }
0x9d: {  	s21 =	simm.s32 $0x13680;
	s22 =	simm.s32 $0x2;
	s20 =	rddreg [dreg:$0x5]  }
0x9e: {  	[hbm4b:s20+s31] =	stream.strided.scatter [tilespmem:s21], [sflag:$0x5], $0x2000, s0, s31, $0x38;
	[tilespmem:$0x1B680] =	vst v63  }
0x9f: {  	_ =	swait.ge [sflag:s22], $0x2000  }
0xa0: {  	[sflag:s22] =	ssyncset.done $0x0  }
0xa1: {  	[sflag:s22] =	ssyncadd.s32 $0xFFFFE000  }
0xa2: {  	s20 =	simm.s32 $0xB640;
	v11 =	vld [tilespmem:$0x6440]  }
0xa3: {  	v8 =	vld [tilespmem:s20+$0x0];
	_ =	sdelay $0x2  }
0xa4: {  	v10 =	vld [tilespmem:$0x6450]  }
0xa5: {  	v12 =	vld [tilespmem:s20+$0xFFFFFFC0]  }
0xa6: {  	v9 =	vld [tilespmem:$0x6460];
	v13 =	vadd.f32 v8, v11  }
0xa7: {  	s23 =	simm.s32 $0x11641;
	s13 =	simm.s32 $0xB6C0;
	v8 =	vld [tilespmem:$0x6470]  }
0xa8: {  	[tilespmem:s23+$0x0] =	vst v13;
	v13 =	vld [tilespmem:s13+$0x0]  }
0xa9: {  	v14 =	vld [tilespmem:s20+$0x10]  }
0xaa: {  	v12 =	vadd.f32 v12, v11;
	_ =	sdelay $0x1  }
0xab: {  	[tilespmem:s23+$0xFFFFFFBF] =	vst v12;
	v12 =	vld [tilespmem:s13+$0xFFFFFFC0]  }
0xac: {  	v15 =	vld [tilespmem:s20+$0xFFFFFFD0];
	v13 =	vadd.f32 v13, v11  }
0xad: {  	s24 =	simm.s32 $0x41;
	s25 =	simm.s32 $0x116C3;
	s12 =	simm.s32 $0xB740;
	v14 =	vadd.f32 v14, v10  }
0xae: {  	s3 =	sand.u32 $0x3FFF, s24;
	[tilespmem:s25+$0x0] =	vst v13;
	v13 =	vld [tilespmem:s12+$0x0]  }
0xaf: {  	[tilespmem:s3+$0x11610] =	vst v14;
	v14 =	vld [tilespmem:s13+$0x10]  }
0xb0: {  	v12 =	vadd.f32 v12, v11;
	v16 =	vld [tilespmem:s20+$0x20]  }
0xb1: {  	s7 =	simm.s32 $0x0;
	v15 =	vadd.f32 v15, v10  }
0xb2: {  	s14 =	sand.u32 $0x1FFE, s7;
	[tilespmem:s25+$0xFFFFFFBF] =	vst v12;
	v12 =	vld [tilespmem:s12+$0xFFFFFFC0]  }
0xb3: {  	[tilespmem:s14+$0x11610] =	vst v15;
	v15 =	vld [tilespmem:s13+$0xFFFFFFD0];
	v13 =	vadd.f32 v13, v11  }
0xb4: {  	s26 =	simm.s32 $0xC3;
	s28 =	simm.s32 $0x11745;
	s16 =	simm.s32 $0xB7C0;
	v17 =	vld [tilespmem:s20+$0xFFFFFFE0];
	v14 =	vadd.f32 v14, v10  }
0xb5: {  	s15 =	sand.u32 $0x3FFF, s26;
	v18 =	vld [tilespmem:s16+$0x0];
	[tilespmem:s28+$0x0] =	vst v13;
	v13 =	vadd.f32 v16, v9  }
0xb6: {  	[tilespmem:s15+$0x11610] =	vst v14;
	v19 =	vld [tilespmem:s12+$0x10]  }
0xb7: {  	v14 =	vadd.f32 v12, v11;
	[tilespmem:s3+$0x11620] =	vst v13;
	v13 =	vld [tilespmem:s13+$0x20]  }
0xb8: {  	s30 =	simm.s32 $0x82;
	v15 =	vadd.f32 v15, v10;
	v16 =	vld [tilespmem:s16+$0xFFFFFFC0]  }
0xb9: {  	s19 =	sand.u32 $0x1FFE, s30;
	v12 =	vld [tilespmem:s20+$0x30];
	[tilespmem:s28+$0xFFFFFFBF] =	vst v14;
	v14 =	vadd.f32 v17, v9  }
0xba: {  	s5 =	simm.s32 $0x6;
	[tilespmem:s19+$0x11610] =	vst v15;
	v17 =	vadd.f32 v18, v11;
	v15 =	vld [tilespmem:s12+$0xFFFFFFD0]  }
0xbb: {  	s18 =	simm.s32 $0x145;
	s22 =	simm.s32 $0x104;
	s23 =	simm.s32 $0x117C7;
	[tilespmem:s14+$0x11620] =	vst v14;
	v14 =	vld [tilespmem:s13+$0xFFFFFFE0]  }
0xbc: {  	s24 =	simm.s32 $0xB840;
	s21 =	sand.u32 $0x3FFF, s18;
	s1 =	sand.u32 $0x1FFE, s22;
	[tilespmem:s23+$0x0] =	vst v17;
	v18 =	vadd.f32 v19, v10;
	v17 =	vadd.f32 v13, v9;
	v13 =	vld [tilespmem:s20+$0xFFFFFFF0]  }
.LBB2_6:
0xbd: {  	s18 =	smov.u32 s19  }
0xbe: {  	v19 =	vld [tilespmem:s24+$0x0];
	[tilespmem:s21+$0x11610] =	vst v18;
	v12 =	vadd.f32 v12, v8;
	s19 =	smov.u32 s1;
	s20 =	smov.u32 s13;
	s13 =	smov.u32 s12  }
0xbf: {  	s12 =	smov.u32 s16;
	s5 =	sadd.s32 $0x2, s5;
	v16 =	vadd.f32 v16, v11;
	v18 =	vld [tilespmem:s16+$0x10];
	[tilespmem:s15+$0x11620] =	vst v17;
	s16 =	smov.u32 s24  }
0xc0: {  	p0 =	slt.u32 s5, $0x7E;
	v15 =	vadd.f32 v15, v10;
	v17 =	vld [tilespmem:s13+$0x20];
	[tilespmem:s3+$0x11630] =	vst v12;
	s3 =	smov.u32 s15;
	s15 =	smov.u32 s21  }
.Ltmp2:
0xc1: {  	[tilespmem:s23+$0xFFFFFFBF] =	vst v16;
	v14 =	vadd.f32 v14, v9;
	v12 =	vld [tilespmem:s20+$0x30];
	(pc) =	sbr.rel @p0 .LBB2_6-.Ltmp2, $4  }
0xc2: {  	v16 =	vld [tilespmem:s24+$0xFFFFFFC0];
	[tilespmem:s19+$0x11610] =	vst v15;
	v13 =	vadd.f32 v13, v8  }
0xc3: {  	s22 =	sadd.s32 $0x82, s22;
	v19 =	vadd.f32 v19, v11;
	v15 =	vld [tilespmem:s12+$0xFFFFFFD0];
	[tilespmem:s18+$0x11620] =	vst v14  }
0xc4: {  	s1 =	sand.u32 $0x1FFE, s22;
	s21 =	sadd.s32 $0x41, s22;
	s23 =	sadd.s32 $0x82, s23;
	v18 =	vadd.f32 v18, v10;
	v14 =	vld [tilespmem:s13+$0xFFFFFFE0];
	[tilespmem:s14+$0x11630] =	vst v13  }
0xc5: {  	s21 =	sand.u32 $0x3FFF, s21;
	s24 =	sadd.s32 $0x80, s24;
	s14 =	smov.u32 s18;
	[tilespmem:s23+$0x0] =	vst v19;
	v17 =	vadd.f32 v17, v9;
	v13 =	vld [tilespmem:s20+$0xFFFFFFF0]  }
0xc6: {  	_ = 	snop  }
0xc7: {  	v11 =	vadd.f32 v16, v11;
	_ =	sdelay $0x1  }
0xc8: {  	v16 =	vld [tilespmem:s16+$0x10];
	[tilespmem:s23+$0xFFFFFFBF] =	vst v11  }
0xc9: {  	v11 =	vld [tilespmem:s16+$0xFFFFFFD0];
	_ =	sdelay $0x2  }
0xca: {  	s5 =	sadd.s32 $0x82, s22;
	v15 =	vadd.f32 v15, v10  }
0xcb: {  	[tilespmem:s21+$0x11610] =	vst v18;
	s18 =	sadd.s32 $0x41, s5;
	v16 =	vadd.f32 v16, v10  }
0xcc: {  	v18 =	vld [tilespmem:s12+$0x20];
	s18 =	sand.u32 $0x3FFF, s18;
	[tilespmem:s1+$0x11610] =	vst v15;
	v10 =	vadd.f32 v11, v10  }
0xcd: {  	s5 =	sand.u32 $0x1FFE, s5;
	[tilespmem:s18+$0x11610] =	vst v16;
	v11 =	vld [tilespmem:s12+$0xFFFFFFE0]  }
0xce: {  	v15 =	vld [tilespmem:s16+$0x20];
	[tilespmem:s5+$0x11610] =	vst v10  }
0xcf: {  	v10 =	vld [tilespmem:s16+$0xFFFFFFE0]  }
0xd0: {  	v14 =	vadd.f32 v14, v9  }
0xd1: {  	[tilespmem:s15+$0x11620] =	vst v17;
	v16 =	vadd.f32 v18, v9  }
0xd2: {  	v17 =	vld [tilespmem:s13+$0x30];
	[tilespmem:s19+$0x11620] =	vst v14;
	v11 =	vadd.f32 v11, v9  }
0xd3: {  	v14 =	vld [tilespmem:s13+$0xFFFFFFF0];
	[tilespmem:s21+$0x11620] =	vst v16;
	v15 =	vadd.f32 v15, v9  }
0xd4: {  	v16 =	vld [tilespmem:s12+$0x30];
	[tilespmem:s1+$0x11620] =	vst v11;
	v9 =	vadd.f32 v10, v9  }
0xd5: {  	[tilespmem:s18+$0x11620] =	vst v15;
	v10 =	vadd.f32 v12, v8;
	v11 =	vld [tilespmem:s12+$0xFFFFFFF0]  }
0xd6: {  	v12 =	vadd.f32 v13, v8;
	v13 =	vld [tilespmem:s16+$0x30];
	[tilespmem:s5+$0x11620] =	vst v9  }
0xd7: {  	[tilespmem:s3+$0x11630] =	vst v10;
	v9 =	vadd.f32 v17, v8;
	v10 =	vld [tilespmem:s16+$0xFFFFFFF0]  }
0xd8: {  	[tilespmem:s14+$0x11630] =	vst v12;
	v12 =	vadd.f32 v14, v8  }
0xd9: {  	s24 =	simm.s32 $0x1;
	[tilespmem:s15+$0x11630] =	vst v9;
	v9 =	vadd.f32 v16, v8  }
0xda: {  	[tilespmem:s19+$0x11630] =	vst v12;
	v12 =	vadd.s32 s24, v0;
	v11 =	vadd.f32 v11, v8  }
0xdb: {  	[tilespmem:s21+$0x11630] =	vst v9;
	v9 =	vadd.f32 v13, v8;
	v13 =	vadd.s32 s24, v7  }
0xdc: {  	[tilespmem:s1+$0x11630] =	vst v11;
	v8 =	vadd.f32 v10, v8;
	v10 =	vadd.s32 s24, v1  }
0xdd: {  	[tilespmem:s18+$0x11630] =	vst v9;
	v9 =	vadd.s32 s24, v2  }
0xde: {  	[tilespmem:s5+$0x11630] =	vst v8;
	v8 =	vadd.s32 s24, v3  }
0xdf: {  	v11 =	vadd.s32 s24, v4;
	v14 =	vld.idx.msk [tilespmem:v12+s29+$0x0], $0xffff  }
0xe0: {  	v12 =	vadd.s32 s24, v5;
	v13 =	vld.idx.msk [tilespmem:v13+s29+$0x0], $0xffff  }
0xe1: {  	v16 =	vadd.s32 s24, v6;
	v15 =	vld.idx.msk [tilespmem:v10+s29+$0x0], $0xffff  }
0xe2: {  	s25 =	simm.s32 $0x0;
	v19 =	vadd.s32 s7, v2;
	v17 =	vld.idx.msk [tilespmem:v9+s29+$0x0], $0xffff  }
0xe3: {  	v21 =	vadd.s32 s7, v3;
	s26 =	sand.u32 $0x1C00, s25;
	s12 =	simm.s32 $0x80;
	v20 =	vld.idx.msk [tilespmem:v8+s29+$0x0], $0xffff  }
0xe4: {  	s28 =	sadd.s32 $0x15680, s26;
	s30 =	sand.u32 $0x380, s12;
	v9 =	vadd.s32 s7, v0;
	v8 =	vld.idx.msk [tilespmem:v11+s29+$0x0], $0xffff  }
0xe5: {  	v18 =	vadd.s32 s7, v1;
	s15 =	sadd.s32 s30, s28;
	v10 =	vld.idx.msk [tilespmem:v12+s29+$0x0], $0xffff  }
0xe6: {  	v12 =	vld.idx.msk [tilespmem:v16+s29+$0x0], $0xffff;
	[tilespmem:s15+$0x70] =	vst v13;
	v16 =	vadd.s32 s7, v4  }
0xe7: {  	v13 =	vld.idx.msk [tilespmem:v19+s29+$0x0], $0xffff;
	[tilespmem:s15+$0x10] =	vst v15;
	v15 =	vadd.s32 s7, v5  }
0xe8: {  	[tilespmem:s15+$0x0] =	vst v14;
	v19 =	vadd.s32 s7, v6;
	v14 =	vld.idx.msk [tilespmem:v21+s29+$0x0], $0xffff  }
0xe9: {  	s14 =	simm.s32 $0x3;
	s1 =	sand.u32 $0x300, s25;
	v11 =	vld.idx.msk [tilespmem:v9+s29+$0x0], $0xffff;
	[tilespmem:s15+$0x20] =	vst v17;
	v17 =	vadd.s32 s7, v7  }
0xea: {  	s3 =	simm.s32 $0x2;
	s13 =	sadd.s32 s1, s28;
	s1 =	simm.s32 $0x4;
	v9 =	vld.idx.msk [tilespmem:v18+s29+$0x0], $0xffff;
	v18 =	vadd.s32 s14, v0;
	[tilespmem:s15+$0x30] =	vst v20  }
.LBB2_8:
0xeb: {  	p0 =	slt.u32 s1, $0x3E;
	v20 =	vadd.s32 s14, v7;
	v16 =	vld.idx.msk [tilespmem:v16+s29+$0x0], $0xffff;
	[tilespmem:s15+$0x40] =	vst v8  }
0xec: {  	v8 =	vadd.s32 s14, v1;
	v15 =	vld.idx.msk [tilespmem:v15+s29+$0x0], $0xffff;
	[tilespmem:s15+$0x50] =	vst v10  }
0xed: {  	v10 =	vadd.s32 s14, v2;
	v19 =	vld.idx.msk [tilespmem:v19+s29+$0x0], $0xffff;
	[tilespmem:s15+$0x60] =	vst v12  }
0xee: {  	v12 =	vadd.s32 s14, v3;
	v17 =	vld.idx.msk [tilespmem:v17+s29+$0x0], $0xffff;
	[tilespmem:s13+$0x0] =	vst v11  }
0xef: {  	v11 =	vadd.s32 s14, v4;
	v18 =	vld.idx.msk [tilespmem:v18+s29+$0x0], $0xffff;
	[tilespmem:s13+$0x10] =	vst v9  }
0xf0: {  	v9 =	vadd.s32 s14, v5;
	v20 =	vld.idx.msk [tilespmem:v20+s29+$0x0], $0xffff;
	[tilespmem:s13+$0x20] =	vst v13  }
0xf1: {  	v21 =	vadd.s32 s14, v6;
	s12 =	sadd.s32 $0x100, s12;
	v13 =	vld.idx.msk [tilespmem:v8+s29+$0x0], $0xffff;
	[tilespmem:s13+$0x30] =	vst v14  }
0xf2: {  	s5 =	sadd.s32 $0xFFFFFF80, s12;
	v14 =	vadd.s32 s3, v0;
	v22 =	vld.idx.msk [tilespmem:v10+s29+$0x0], $0xffff;
	[tilespmem:s13+$0x40] =	vst v16  }
0xf3: {  	v23 =	vadd.s32 s3, v1;
	s7 =	sand.u32 $0x300, s5;
	s5 =	sand.u32 $0x1C00, s5;
	v24 =	vld.idx.msk [tilespmem:v12+s29+$0x0], $0xffff;
	[tilespmem:s13+$0x50] =	vst v15  }
0xf4: {  	v25 =	vadd.s32 s3, v2;
	s5 =	sadd.s32 $0x15680, s5;
	s14 =	sand.u32 $0x380, s12;
	v8 =	vld.idx.msk [tilespmem:v11+s29+$0x0], $0xffff;
	[tilespmem:s13+$0x60] =	vst v19  }
0xf5: {  	v26 =	vadd.s32 s3, v3;
	s15 =	sadd.s32 s14, s5;
	v10 =	vld.idx.msk [tilespmem:v9+s29+$0x0], $0xffff;
	[tilespmem:s13+$0x70] =	vst v17;
	s13 =	sadd.s32 s7, s5  }
.Ltmp3:
0xf6: {  	v16 =	vadd.s32 s3, v4;
	v12 =	vld.idx.msk [tilespmem:v21+s29+$0x0], $0xffff;
	[tilespmem:s15+$0x70] =	vst v20;
	(pc) =	sbr.rel @p0 .LBB2_8-.Ltmp3, $4  }
0xf7: {  	v15 =	vadd.s32 s3, v5;
	v11 =	vld.idx.msk [tilespmem:v14+s29+$0x0], $0xffff;
	[tilespmem:s15+$0x0] =	vst v18  }
0xf8: {  	v19 =	vadd.s32 s3, v6;
	v9 =	vld.idx.msk [tilespmem:v23+s29+$0x0], $0xffff;
	[tilespmem:s15+$0x10] =	vst v13  }
0xf9: {  	s14 =	sadd.s32 $0x1, s1;
	v17 =	vadd.s32 s3, v7;
	s3 =	smov.u32 s1;
	v13 =	vld.idx.msk [tilespmem:v25+s29+$0x0], $0xffff;
	[tilespmem:s15+$0x20] =	vst v22  }
0xfa: {  	s1 =	sadd.s32 $0x2, s1;
	v18 =	vadd.s32 s14, v0;
	v14 =	vld.idx.msk [tilespmem:v26+s29+$0x0], $0xffff;
	[tilespmem:s15+$0x30] =	vst v24  }
0xfb: {  	_ =	sdelay $0x3  }
0xfc: {  	v20 =	vadd.s32 s14, v7;
	v16 =	vld.idx.msk [tilespmem:v16+s29+$0x0], $0xffff;
	[tilespmem:s15+$0x40] =	vst v8  }
0xfd: {  	v8 =	vadd.s32 s14, v1;
	v15 =	vld.idx.msk [tilespmem:v15+s29+$0x0], $0xffff;
	[tilespmem:s15+$0x50] =	vst v10  }
0xfe: {  	v10 =	vadd.s32 s14, v2;
	v19 =	vld.idx.msk [tilespmem:v19+s29+$0x0], $0xffff;
	[tilespmem:s15+$0x60] =	vst v12  }
0xff: {  	v12 =	vadd.s32 s14, v3;
	v17 =	vld.idx.msk [tilespmem:v17+s29+$0x0], $0xffff;
	[tilespmem:s13+$0x0] =	vst v11  }
0x100: {  	v11 =	vld.idx.msk [tilespmem:v18+s29+$0x0], $0xffff;
	v18 =	vadd.s32 s14, v4;
	[tilespmem:s13+$0x10] =	vst v9  }
0x101: {  	v9 =	vadd.s32 s14, v5;
	[tilespmem:s13+$0x20] =	vst v13;
	v20 =	vld.idx.msk [tilespmem:v20+s29+$0x0], $0xffff  }
0x102: {  	s1 =	sadd.s32 $0x100, s12;
	v13 =	vadd.s32 s14, v6;
	[tilespmem:s13+$0x30] =	vst v14;
	v8 =	vld.idx.msk [tilespmem:v8+s29+$0x0], $0xffff  }
0x103: {  	s5 =	sadd.s32 $0xFFFFFF80, s1;
	v14 =	vadd.s32 s3, v0;
	v10 =	vld.idx.msk [tilespmem:v10+s29+$0x0], $0xffff;
	[tilespmem:s13+$0x40] =	vst v16  }
0x104: {  	s7 =	sand.u32 $0x1C00, s5;
	v16 =	vadd.s32 s3, v1;
	v12 =	vld.idx.msk [tilespmem:v12+s29+$0x0], $0xffff;
	[tilespmem:s13+$0x50] =	vst v15  }
0x105: {  	s1 =	sand.u32 $0x380, s1;
	s7 =	sadd.s32 $0x15680, s7;
	v15 =	vadd.s32 s3, v2;
	[tilespmem:s13+$0x60] =	vst v19;
	v18 =	vld.idx.msk [tilespmem:v18+s29+$0x0], $0xffff  }
0x106: {  	s1 =	sadd.s32 s1, s7;
	v19 =	vadd.s32 s3, v3;
	[tilespmem:s13+$0x70] =	vst v17;
	v9 =	vld.idx.msk [tilespmem:v9+s29+$0x0], $0xffff  }
0x107: {  	v17 =	vadd.s32 s3, v4;
	v13 =	vld.idx.msk [tilespmem:v13+s29+$0x0], $0xffff;
	[tilespmem:s1+$0x0] =	vst v11  }
0x108: {  	v14 =	vld.idx.msk [tilespmem:v14+s29+$0x0], $0xffff;
	[tilespmem:s1+$0x70] =	vst v20;
	v20 =	vadd.s32 s3, v5  }
0x109: {  	v11 =	vld.idx.msk [tilespmem:v16+s29+$0x0], $0xffff;
	v16 =	vadd.s32 s3, v6;
	[tilespmem:s1+$0x10] =	vst v8  }
0x10a: {  	v8 =	vld.idx.msk [tilespmem:v15+s29+$0x0], $0xffff;
	v15 =	vadd.s32 s3, v7;
	[tilespmem:s1+$0x20] =	vst v10  }
0x10b: {  	v10 =	vld.idx.msk [tilespmem:v19+s29+$0x0], $0xffff;
	[tilespmem:s1+$0x30] =	vst v12  }
0x10c: {  	v12 =	vld.idx.msk [tilespmem:v17+s29+$0x0], $0xffff;
	[tilespmem:s1+$0x40] =	vst v18  }
0x10d: {  	s16 =	sand.u32 $0x300, s5;
	[tilespmem:s1+$0x50] =	vst v9;
	v17 =	vld.idx.msk [tilespmem:v20+s29+$0x0], $0xffff  }
0x10e: {  	s3 =	sadd.s32 s16, s7;
	[tilespmem:s1+$0x60] =	vst v13;
	v9 =	vld.idx.msk [tilespmem:v16+s29+$0x0], $0xffff  }
0x10f: {  	v13 =	vld.idx.msk [tilespmem:v15+s29+$0x0], $0xffff;
	[tilespmem:s3+$0x0] =	vst v14  }
0x110: {  	[tilespmem:s3+$0x10] =	vst v11  }
0x111: {  	[tilespmem:s3+$0x20] =	vst v8  }
0x112: {  	[tilespmem:s3+$0x30] =	vst v10  }
0x113: {  	[tilespmem:s3+$0x40] =	vst v12  }
0x114: {  	[tilespmem:s3+$0x50] =	vst v17  }
0x115: {  	[tilespmem:s3+$0x60] =	vst v9  }
0x116: {  	s18 =	simm.s32 $0xB600;
	s19 =	simm.s32 $0x280;
	[tilespmem:s3+$0x70] =	vst v13  }
0x117: {  	[tilespmem:s18], [sflag:$0x2] =	stream.indirect.gather [hbm4b:s4+s17], $0x40, s19, s17, $0xb8;
	[tilespmem:$0x1B680] =	vst v63  }
0x118: {  	s21 =	simm.s32 $0x15680;
	s22 =	simm.s32 $0x3;
	s20 =	rddreg [dreg:$0x6]  }
0x119: {  	[hbm4b:s20+s31] =	stream.strided.scatter [tilespmem:s21], [sflag:$0x6], $0x2000, s0, s31, $0x38;
	[tilespmem:$0x1B680] =	vst v63  }
0x11a: {  	_ =	swait.ge [sflag:s22], $0x2000  }
0x11b: {  	[sflag:s22] =	ssyncset.done $0x0  }
0x11c: {  	[sflag:s22] =	ssyncadd.s32 $0xFFFFE000  }
0x11d: {  	s20 =	simm.s32 $0xD640;
	v11 =	vld [tilespmem:$0x6480]  }
0x11e: {  	v8 =	vld [tilespmem:s20+$0x0];
	_ =	sdelay $0x2  }
0x11f: {  	v10 =	vld [tilespmem:$0x6490]  }
0x120: {  	v12 =	vld [tilespmem:s20+$0xFFFFFFC0]  }
0x121: {  	v9 =	vld [tilespmem:$0x64A0];
	v13 =	vadd.f32 v8, v11  }
0x122: {  	s23 =	simm.s32 $0x11641;
	s13 =	simm.s32 $0xD6C0;
	v8 =	vld [tilespmem:$0x64B0]  }
0x123: {  	[tilespmem:s23+$0x0] =	vst v13;
	v13 =	vld [tilespmem:s13+$0x0]  }
0x124: {  	v14 =	vld [tilespmem:s20+$0x10]  }
0x125: {  	v12 =	vadd.f32 v12, v11;
	_ =	sdelay $0x1  }
0x126: {  	[tilespmem:s23+$0xFFFFFFBF] =	vst v12;
	v12 =	vld [tilespmem:s13+$0xFFFFFFC0]  }
0x127: {  	v15 =	vld [tilespmem:s20+$0xFFFFFFD0];
	v13 =	vadd.f32 v13, v11  }
0x128: {  	s24 =	simm.s32 $0x41;
	s25 =	simm.s32 $0x116C3;
	s12 =	simm.s32 $0xD740;
	v14 =	vadd.f32 v14, v10  }
0x129: {  	s3 =	sand.u32 $0x3FFF, s24;
	[tilespmem:s25+$0x0] =	vst v13;
	v13 =	vld [tilespmem:s12+$0x0]  }
0x12a: {  	[tilespmem:s3+$0x11610] =	vst v14;
	v14 =	vld [tilespmem:s13+$0x10]  }
0x12b: {  	v12 =	vadd.f32 v12, v11;
	v16 =	vld [tilespmem:s20+$0x20]  }
0x12c: {  	s7 =	simm.s32 $0x0;
	v15 =	vadd.f32 v15, v10  }
0x12d: {  	s14 =	sand.u32 $0x1FFE, s7;
	[tilespmem:s25+$0xFFFFFFBF] =	vst v12;
	v12 =	vld [tilespmem:s12+$0xFFFFFFC0]  }
0x12e: {  	[tilespmem:s14+$0x11610] =	vst v15;
	v15 =	vld [tilespmem:s13+$0xFFFFFFD0];
	v13 =	vadd.f32 v13, v11  }
0x12f: {  	s26 =	simm.s32 $0xC3;
	s28 =	simm.s32 $0x11745;
	s16 =	simm.s32 $0xD7C0;
	v17 =	vld [tilespmem:s20+$0xFFFFFFE0];
	v14 =	vadd.f32 v14, v10  }
0x130: {  	s15 =	sand.u32 $0x3FFF, s26;
	v18 =	vld [tilespmem:s16+$0x0];
	[tilespmem:s28+$0x0] =	vst v13;
	v13 =	vadd.f32 v16, v9  }
0x131: {  	[tilespmem:s15+$0x11610] =	vst v14;
	v19 =	vld [tilespmem:s12+$0x10]  }
0x132: {  	v14 =	vadd.f32 v12, v11;
	[tilespmem:s3+$0x11620] =	vst v13;
	v13 =	vld [tilespmem:s13+$0x20]  }
0x133: {  	s30 =	simm.s32 $0x82;
	v15 =	vadd.f32 v15, v10;
	v16 =	vld [tilespmem:s16+$0xFFFFFFC0]  }
0x134: {  	s19 =	sand.u32 $0x1FFE, s30;
	v12 =	vld [tilespmem:s20+$0x30];
	[tilespmem:s28+$0xFFFFFFBF] =	vst v14;
	v14 =	vadd.f32 v17, v9  }
0x135: {  	s5 =	simm.s32 $0x6;
	[tilespmem:s19+$0x11610] =	vst v15;
	v17 =	vadd.f32 v18, v11;
	v15 =	vld [tilespmem:s12+$0xFFFFFFD0]  }
0x136: {  	s18 =	simm.s32 $0x145;
	s22 =	simm.s32 $0x104;
	s23 =	simm.s32 $0x117C7;
	[tilespmem:s14+$0x11620] =	vst v14;
	v14 =	vld [tilespmem:s13+$0xFFFFFFE0]  }
0x137: {  	s24 =	simm.s32 $0xD840;
	s21 =	sand.u32 $0x3FFF, s18;
	s1 =	sand.u32 $0x1FFE, s22;
	[tilespmem:s23+$0x0] =	vst v17;
	v18 =	vadd.f32 v19, v10;
	v17 =	vadd.f32 v13, v9;
	v13 =	vld [tilespmem:s20+$0xFFFFFFF0]  }
.LBB2_10:
0x138: {  	s18 =	smov.u32 s19  }
0x139: {  	v19 =	vld [tilespmem:s24+$0x0];
	[tilespmem:s21+$0x11610] =	vst v18;
	v12 =	vadd.f32 v12, v8;
	s19 =	smov.u32 s1;
	s20 =	smov.u32 s13;
	s13 =	smov.u32 s12  }
0x13a: {  	s12 =	smov.u32 s16;
	s5 =	sadd.s32 $0x2, s5;
	v16 =	vadd.f32 v16, v11;
	v18 =	vld [tilespmem:s16+$0x10];
	[tilespmem:s15+$0x11620] =	vst v17;
	s16 =	smov.u32 s24  }
0x13b: {  	p0 =	slt.u32 s5, $0x7E;
	v15 =	vadd.f32 v15, v10;
	v17 =	vld [tilespmem:s13+$0x20];
	[tilespmem:s3+$0x11630] =	vst v12;
	s3 =	smov.u32 s15;
	s15 =	smov.u32 s21  }
.Ltmp4:
0x13c: {  	[tilespmem:s23+$0xFFFFFFBF] =	vst v16;
	v14 =	vadd.f32 v14, v9;
	v12 =	vld [tilespmem:s20+$0x30];
	(pc) =	sbr.rel @p0 .LBB2_10-.Ltmp4, $4  }
0x13d: {  	v16 =	vld [tilespmem:s24+$0xFFFFFFC0];
	[tilespmem:s19+$0x11610] =	vst v15;
	v13 =	vadd.f32 v13, v8  }
0x13e: {  	s22 =	sadd.s32 $0x82, s22;
	v19 =	vadd.f32 v19, v11;
	v15 =	vld [tilespmem:s12+$0xFFFFFFD0];
	[tilespmem:s18+$0x11620] =	vst v14  }
0x13f: {  	s1 =	sand.u32 $0x1FFE, s22;
	s21 =	sadd.s32 $0x41, s22;
	s23 =	sadd.s32 $0x82, s23;
	v18 =	vadd.f32 v18, v10;
	v14 =	vld [tilespmem:s13+$0xFFFFFFE0];
	[tilespmem:s14+$0x11630] =	vst v13  }
0x140: {  	s21 =	sand.u32 $0x3FFF, s21;
	s24 =	sadd.s32 $0x80, s24;
	s14 =	smov.u32 s18;
	[tilespmem:s23+$0x0] =	vst v19;
	v17 =	vadd.f32 v17, v9;
	v13 =	vld [tilespmem:s20+$0xFFFFFFF0]  }
0x141: {  	_ = 	snop  }
0x142: {  	v11 =	vadd.f32 v16, v11;
	_ =	sdelay $0x1  }
0x143: {  	v16 =	vld [tilespmem:s16+$0x10];
	[tilespmem:s23+$0xFFFFFFBF] =	vst v11  }
0x144: {  	v11 =	vld [tilespmem:s16+$0xFFFFFFD0];
	_ =	sdelay $0x2  }
0x145: {  	s5 =	sadd.s32 $0x82, s22;
	v15 =	vadd.f32 v15, v10  }
0x146: {  	[tilespmem:s21+$0x11610] =	vst v18;
	s18 =	sadd.s32 $0x41, s5;
	v16 =	vadd.f32 v16, v10  }
0x147: {  	v18 =	vld [tilespmem:s12+$0x20];
	s18 =	sand.u32 $0x3FFF, s18;
	[tilespmem:s1+$0x11610] =	vst v15;
	v10 =	vadd.f32 v11, v10  }
0x148: {  	s5 =	sand.u32 $0x1FFE, s5;
	[tilespmem:s18+$0x11610] =	vst v16;
	v11 =	vld [tilespmem:s12+$0xFFFFFFE0]  }
0x149: {  	v15 =	vld [tilespmem:s16+$0x20];
	[tilespmem:s5+$0x11610] =	vst v10  }
0x14a: {  	v10 =	vld [tilespmem:s16+$0xFFFFFFE0]  }
0x14b: {  	v14 =	vadd.f32 v14, v9  }
0x14c: {  	[tilespmem:s15+$0x11620] =	vst v17;
	v16 =	vadd.f32 v18, v9  }
0x14d: {  	v17 =	vld [tilespmem:s13+$0x30];
	[tilespmem:s19+$0x11620] =	vst v14;
	v11 =	vadd.f32 v11, v9  }
0x14e: {  	v14 =	vld [tilespmem:s13+$0xFFFFFFF0];
	[tilespmem:s21+$0x11620] =	vst v16;
	v15 =	vadd.f32 v15, v9  }
0x14f: {  	v16 =	vld [tilespmem:s12+$0x30];
	[tilespmem:s1+$0x11620] =	vst v11;
	v9 =	vadd.f32 v10, v9  }
0x150: {  	[tilespmem:s18+$0x11620] =	vst v15;
	v10 =	vadd.f32 v12, v8;
	v11 =	vld [tilespmem:s12+$0xFFFFFFF0]  }
0x151: {  	v12 =	vadd.f32 v13, v8;
	v13 =	vld [tilespmem:s16+$0x30];
	[tilespmem:s5+$0x11620] =	vst v9  }
0x152: {  	[tilespmem:s3+$0x11630] =	vst v10;
	v9 =	vadd.f32 v17, v8;
	v10 =	vld [tilespmem:s16+$0xFFFFFFF0]  }
0x153: {  	[tilespmem:s14+$0x11630] =	vst v12;
	v12 =	vadd.f32 v14, v8  }
0x154: {  	s24 =	simm.s32 $0x1;
	[tilespmem:s15+$0x11630] =	vst v9;
	v9 =	vadd.f32 v16, v8  }
0x155: {  	[tilespmem:s19+$0x11630] =	vst v12;
	v12 =	vadd.s32 s24, v0;
	v11 =	vadd.f32 v11, v8  }
0x156: {  	[tilespmem:s21+$0x11630] =	vst v9;
	v9 =	vadd.f32 v13, v8;
	v13 =	vadd.s32 s24, v7  }
0x157: {  	[tilespmem:s1+$0x11630] =	vst v11;
	v8 =	vadd.f32 v10, v8;
	v10 =	vadd.s32 s24, v1  }
0x158: {  	[tilespmem:s18+$0x11630] =	vst v9;
	v9 =	vadd.s32 s24, v2  }
0x159: {  	[tilespmem:s5+$0x11630] =	vst v8;
	v8 =	vadd.s32 s24, v3  }
0x15a: {  	v11 =	vadd.s32 s24, v4;
	v14 =	vld.idx.msk [tilespmem:v12+s29+$0x0], $0xffff  }
0x15b: {  	v12 =	vadd.s32 s24, v5;
	v13 =	vld.idx.msk [tilespmem:v13+s29+$0x0], $0xffff  }
0x15c: {  	v16 =	vadd.s32 s24, v6;
	v15 =	vld.idx.msk [tilespmem:v10+s29+$0x0], $0xffff  }
0x15d: {  	s25 =	simm.s32 $0x0;
	v19 =	vadd.s32 s7, v2;
	v17 =	vld.idx.msk [tilespmem:v9+s29+$0x0], $0xffff  }
0x15e: {  	v21 =	vadd.s32 s7, v3;
	s26 =	sand.u32 $0x1C00, s25;
	s12 =	simm.s32 $0x80;
	v20 =	vld.idx.msk [tilespmem:v8+s29+$0x0], $0xffff  }
0x15f: {  	s28 =	sadd.s32 $0x17680, s26;
	s30 =	sand.u32 $0x380, s12;
	v9 =	vadd.s32 s7, v0;
	v8 =	vld.idx.msk [tilespmem:v11+s29+$0x0], $0xffff  }
0x160: {  	v18 =	vadd.s32 s7, v1;
	s15 =	sadd.s32 s30, s28;
	v10 =	vld.idx.msk [tilespmem:v12+s29+$0x0], $0xffff  }
0x161: {  	v12 =	vld.idx.msk [tilespmem:v16+s29+$0x0], $0xffff;
	[tilespmem:s15+$0x70] =	vst v13;
	v16 =	vadd.s32 s7, v4  }
0x162: {  	v13 =	vld.idx.msk [tilespmem:v19+s29+$0x0], $0xffff;
	[tilespmem:s15+$0x10] =	vst v15;
	v15 =	vadd.s32 s7, v5  }
0x163: {  	[tilespmem:s15+$0x0] =	vst v14;
	v19 =	vadd.s32 s7, v6;
	v14 =	vld.idx.msk [tilespmem:v21+s29+$0x0], $0xffff  }
0x164: {  	s14 =	simm.s32 $0x3;
	s1 =	sand.u32 $0x300, s25;
	v11 =	vld.idx.msk [tilespmem:v9+s29+$0x0], $0xffff;
	[tilespmem:s15+$0x20] =	vst v17;
	v17 =	vadd.s32 s7, v7  }
0x165: {  	s3 =	simm.s32 $0x2;
	s13 =	sadd.s32 s1, s28;
	s1 =	simm.s32 $0x4;
	v9 =	vld.idx.msk [tilespmem:v18+s29+$0x0], $0xffff;
	v18 =	vadd.s32 s14, v0;
	[tilespmem:s15+$0x30] =	vst v20  }
.LBB2_12:
0x166: {  	p0 =	slt.u32 s1, $0x3E;
	v20 =	vadd.s32 s14, v7;
	v16 =	vld.idx.msk [tilespmem:v16+s29+$0x0], $0xffff;
	[tilespmem:s15+$0x40] =	vst v8  }
0x167: {  	v8 =	vadd.s32 s14, v1;
	v15 =	vld.idx.msk [tilespmem:v15+s29+$0x0], $0xffff;
	[tilespmem:s15+$0x50] =	vst v10  }
0x168: {  	v10 =	vadd.s32 s14, v2;
	v19 =	vld.idx.msk [tilespmem:v19+s29+$0x0], $0xffff;
	[tilespmem:s15+$0x60] =	vst v12  }
0x169: {  	v12 =	vadd.s32 s14, v3;
	v17 =	vld.idx.msk [tilespmem:v17+s29+$0x0], $0xffff;
	[tilespmem:s13+$0x0] =	vst v11  }
0x16a: {  	v11 =	vadd.s32 s14, v4;
	v18 =	vld.idx.msk [tilespmem:v18+s29+$0x0], $0xffff;
	[tilespmem:s13+$0x10] =	vst v9  }
0x16b: {  	v9 =	vadd.s32 s14, v5;
	v20 =	vld.idx.msk [tilespmem:v20+s29+$0x0], $0xffff;
	[tilespmem:s13+$0x20] =	vst v13  }
0x16c: {  	v21 =	vadd.s32 s14, v6;
	s12 =	sadd.s32 $0x100, s12;
	v13 =	vld.idx.msk [tilespmem:v8+s29+$0x0], $0xffff;
	[tilespmem:s13+$0x30] =	vst v14  }
0x16d: {  	s5 =	sadd.s32 $0xFFFFFF80, s12;
	v14 =	vadd.s32 s3, v0;
	v22 =	vld.idx.msk [tilespmem:v10+s29+$0x0], $0xffff;
	[tilespmem:s13+$0x40] =	vst v16  }
0x16e: {  	v23 =	vadd.s32 s3, v1;
	s7 =	sand.u32 $0x300, s5;
	s5 =	sand.u32 $0x1C00, s5;
	v24 =	vld.idx.msk [tilespmem:v12+s29+$0x0], $0xffff;
	[tilespmem:s13+$0x50] =	vst v15  }
0x16f: {  	v25 =	vadd.s32 s3, v2;
	s5 =	sadd.s32 $0x17680, s5;
	s14 =	sand.u32 $0x380, s12;
	v8 =	vld.idx.msk [tilespmem:v11+s29+$0x0], $0xffff;
	[tilespmem:s13+$0x60] =	vst v19  }
0x170: {  	v26 =	vadd.s32 s3, v3;
	s15 =	sadd.s32 s14, s5;
	v10 =	vld.idx.msk [tilespmem:v9+s29+$0x0], $0xffff;
	[tilespmem:s13+$0x70] =	vst v17;
	s13 =	sadd.s32 s7, s5  }
.Ltmp5:
0x171: {  	v16 =	vadd.s32 s3, v4;
	v12 =	vld.idx.msk [tilespmem:v21+s29+$0x0], $0xffff;
	[tilespmem:s15+$0x70] =	vst v20;
	(pc) =	sbr.rel @p0 .LBB2_12-.Ltmp5, $4  }
0x172: {  	v15 =	vadd.s32 s3, v5;
	v11 =	vld.idx.msk [tilespmem:v14+s29+$0x0], $0xffff;
	[tilespmem:s15+$0x0] =	vst v18  }
0x173: {  	v19 =	vadd.s32 s3, v6;
	v9 =	vld.idx.msk [tilespmem:v23+s29+$0x0], $0xffff;
	[tilespmem:s15+$0x10] =	vst v13  }
0x174: {  	s14 =	sadd.s32 $0x1, s1;
	v17 =	vadd.s32 s3, v7;
	s3 =	smov.u32 s1;
	v13 =	vld.idx.msk [tilespmem:v25+s29+$0x0], $0xffff;
	[tilespmem:s15+$0x20] =	vst v22  }
0x175: {  	s1 =	sadd.s32 $0x2, s1;
	v18 =	vadd.s32 s14, v0;
	v14 =	vld.idx.msk [tilespmem:v26+s29+$0x0], $0xffff;
	[tilespmem:s15+$0x30] =	vst v24  }
0x176: {  	_ =	sdelay $0x3  }
0x177: {  	v20 =	vadd.s32 s14, v7;
	v16 =	vld.idx.msk [tilespmem:v16+s29+$0x0], $0xffff;
	[tilespmem:s15+$0x40] =	vst v8  }
0x178: {  	v8 =	vadd.s32 s14, v1;
	v15 =	vld.idx.msk [tilespmem:v15+s29+$0x0], $0xffff;
	[tilespmem:s15+$0x50] =	vst v10  }
0x179: {  	v10 =	vadd.s32 s14, v2;
	v19 =	vld.idx.msk [tilespmem:v19+s29+$0x0], $0xffff;
	[tilespmem:s15+$0x60] =	vst v12  }
0x17a: {  	v12 =	vadd.s32 s14, v3;
	v17 =	vld.idx.msk [tilespmem:v17+s29+$0x0], $0xffff;
	[tilespmem:s13+$0x0] =	vst v11  }
0x17b: {  	v11 =	vld.idx.msk [tilespmem:v18+s29+$0x0], $0xffff;
	v18 =	vadd.s32 s14, v4;
	[tilespmem:s13+$0x10] =	vst v9  }
0x17c: {  	v9 =	vadd.s32 s14, v5;
	[tilespmem:s13+$0x20] =	vst v13;
	v20 =	vld.idx.msk [tilespmem:v20+s29+$0x0], $0xffff  }
0x17d: {  	s1 =	sadd.s32 $0x100, s12;
	v13 =	vadd.s32 s14, v6;
	[tilespmem:s13+$0x30] =	vst v14;
	v8 =	vld.idx.msk [tilespmem:v8+s29+$0x0], $0xffff  }
0x17e: {  	s5 =	sadd.s32 $0xFFFFFF80, s1;
	v14 =	vadd.s32 s3, v0;
	v10 =	vld.idx.msk [tilespmem:v10+s29+$0x0], $0xffff;
	[tilespmem:s13+$0x40] =	vst v16  }
0x17f: {  	s7 =	sand.u32 $0x1C00, s5;
	v16 =	vadd.s32 s3, v1;
	v12 =	vld.idx.msk [tilespmem:v12+s29+$0x0], $0xffff;
	[tilespmem:s13+$0x50] =	vst v15  }
0x180: {  	s1 =	sand.u32 $0x380, s1;
	s7 =	sadd.s32 $0x17680, s7;
	v15 =	vadd.s32 s3, v2;
	[tilespmem:s13+$0x60] =	vst v19;
	v18 =	vld.idx.msk [tilespmem:v18+s29+$0x0], $0xffff  }
0x181: {  	s1 =	sadd.s32 s1, s7;
	v19 =	vadd.s32 s3, v3;
	[tilespmem:s13+$0x70] =	vst v17;
	v9 =	vld.idx.msk [tilespmem:v9+s29+$0x0], $0xffff  }
0x182: {  	v17 =	vadd.s32 s3, v4;
	v13 =	vld.idx.msk [tilespmem:v13+s29+$0x0], $0xffff;
	[tilespmem:s1+$0x0] =	vst v11  }
0x183: {  	v14 =	vld.idx.msk [tilespmem:v14+s29+$0x0], $0xffff;
	[tilespmem:s1+$0x70] =	vst v20;
	v20 =	vadd.s32 s3, v5  }
0x184: {  	v11 =	vld.idx.msk [tilespmem:v16+s29+$0x0], $0xffff;
	v16 =	vadd.s32 s3, v6;
	[tilespmem:s1+$0x10] =	vst v8  }
0x185: {  	v8 =	vld.idx.msk [tilespmem:v15+s29+$0x0], $0xffff;
	v15 =	vadd.s32 s3, v7;
	[tilespmem:s1+$0x20] =	vst v10  }
0x186: {  	v10 =	vld.idx.msk [tilespmem:v19+s29+$0x0], $0xffff;
	[tilespmem:s1+$0x30] =	vst v12  }
0x187: {  	v12 =	vld.idx.msk [tilespmem:v17+s29+$0x0], $0xffff;
	[tilespmem:s1+$0x40] =	vst v18  }
0x188: {  	s16 =	sand.u32 $0x300, s5;
	[tilespmem:s1+$0x50] =	vst v9;
	v17 =	vld.idx.msk [tilespmem:v20+s29+$0x0], $0xffff  }
0x189: {  	s3 =	sadd.s32 s16, s7;
	[tilespmem:s1+$0x60] =	vst v13;
	v9 =	vld.idx.msk [tilespmem:v16+s29+$0x0], $0xffff  }
0x18a: {  	v13 =	vld.idx.msk [tilespmem:v15+s29+$0x0], $0xffff;
	[tilespmem:s3+$0x0] =	vst v14  }
0x18b: {  	[tilespmem:s3+$0x10] =	vst v11  }
0x18c: {  	[tilespmem:s3+$0x20] =	vst v8  }
0x18d: {  	[tilespmem:s3+$0x30] =	vst v10  }
0x18e: {  	[tilespmem:s3+$0x40] =	vst v12  }
0x18f: {  	[tilespmem:s3+$0x50] =	vst v17  }
0x190: {  	[tilespmem:s3+$0x60] =	vst v9  }
0x191: {  	s18 =	simm.s32 $0xD600;
	s19 =	simm.s32 $0x300;
	[tilespmem:s3+$0x70] =	vst v13  }
0x192: {  	[tilespmem:s18], [sflag:$0x3] =	stream.indirect.gather [hbm4b:s4+s17], $0x40, s19, s17, $0xb8;
	[tilespmem:$0x1B680] =	vst v63  }
0x193: {  	s21 =	simm.s32 $0x17680;
	s22 =	simm.s32 $0x4;
	s20 =	rddreg [dreg:$0x7]  }
0x194: {  	[hbm4b:s20+s31] =	stream.strided.scatter [tilespmem:s21], [sflag:$0x7], $0x2000, s0, s31, $0x38;
	[tilespmem:$0x1B680] =	vst v63  }
0x195: {  	_ =	swait.ge [sflag:s22], $0x2000  }
0x196: {  	[sflag:s22] =	ssyncset.done $0x0  }
0x197: {  	[sflag:s22] =	ssyncadd.s32 $0xFFFFE000  }
0x198: {  	s20 =	simm.s32 $0xF640;
	v11 =	vld [tilespmem:$0x64C0]  }
0x199: {  	v8 =	vld [tilespmem:s20+$0x0];
	_ =	sdelay $0x2  }
0x19a: {  	v10 =	vld [tilespmem:$0x64D0]  }
0x19b: {  	v12 =	vld [tilespmem:s20+$0xFFFFFFC0]  }
0x19c: {  	v9 =	vld [tilespmem:$0x64E0];
	v13 =	vadd.f32 v8, v11  }
0x19d: {  	s23 =	simm.s32 $0x11641;
	s13 =	simm.s32 $0xF6C0;
	v8 =	vld [tilespmem:$0x64F0]  }
0x19e: {  	[tilespmem:s23+$0x0] =	vst v13;
	v13 =	vld [tilespmem:s13+$0x0]  }
0x19f: {  	v14 =	vld [tilespmem:s20+$0x10]  }
0x1a0: {  	v12 =	vadd.f32 v12, v11;
	_ =	sdelay $0x1  }
0x1a1: {  	[tilespmem:s23+$0xFFFFFFBF] =	vst v12;
	v12 =	vld [tilespmem:s13+$0xFFFFFFC0]  }
0x1a2: {  	v15 =	vld [tilespmem:s20+$0xFFFFFFD0];
	v13 =	vadd.f32 v13, v11  }
0x1a3: {  	s24 =	simm.s32 $0x41;
	s25 =	simm.s32 $0x116C3;
	s12 =	simm.s32 $0xF740;
	v14 =	vadd.f32 v14, v10  }
0x1a4: {  	s3 =	sand.u32 $0x3FFF, s24;
	[tilespmem:s25+$0x0] =	vst v13;
	v13 =	vld [tilespmem:s12+$0x0]  }
0x1a5: {  	[tilespmem:s3+$0x11610] =	vst v14;
	v14 =	vld [tilespmem:s13+$0x10]  }
0x1a6: {  	v12 =	vadd.f32 v12, v11;
	v16 =	vld [tilespmem:s20+$0x20]  }
0x1a7: {  	s7 =	simm.s32 $0x0;
	v15 =	vadd.f32 v15, v10  }
0x1a8: {  	s14 =	sand.u32 $0x1FFE, s7;
	[tilespmem:s25+$0xFFFFFFBF] =	vst v12;
	v12 =	vld [tilespmem:s12+$0xFFFFFFC0]  }
0x1a9: {  	[tilespmem:s14+$0x11610] =	vst v15;
	v15 =	vld [tilespmem:s13+$0xFFFFFFD0];
	v13 =	vadd.f32 v13, v11  }
0x1aa: {  	s26 =	simm.s32 $0xC3;
	s28 =	simm.s32 $0x11745;
	s16 =	simm.s32 $0xF7C0;
	v17 =	vld [tilespmem:s20+$0xFFFFFFE0];
	v14 =	vadd.f32 v14, v10  }
0x1ab: {  	s15 =	sand.u32 $0x3FFF, s26;
	v18 =	vld [tilespmem:s16+$0x0];
	[tilespmem:s28+$0x0] =	vst v13;
	v13 =	vadd.f32 v16, v9  }
0x1ac: {  	[tilespmem:s15+$0x11610] =	vst v14;
	v19 =	vld [tilespmem:s12+$0x10]  }
0x1ad: {  	v14 =	vadd.f32 v12, v11;
	[tilespmem:s3+$0x11620] =	vst v13;
	v13 =	vld [tilespmem:s13+$0x20]  }
0x1ae: {  	s30 =	simm.s32 $0x82;
	v15 =	vadd.f32 v15, v10;
	v16 =	vld [tilespmem:s16+$0xFFFFFFC0]  }
0x1af: {  	s19 =	sand.u32 $0x1FFE, s30;
	v12 =	vld [tilespmem:s20+$0x30];
	[tilespmem:s28+$0xFFFFFFBF] =	vst v14;
	v14 =	vadd.f32 v17, v9  }
0x1b0: {  	s5 =	simm.s32 $0x6;
	[tilespmem:s19+$0x11610] =	vst v15;
	v17 =	vadd.f32 v18, v11;
	v15 =	vld [tilespmem:s12+$0xFFFFFFD0]  }
0x1b1: {  	s18 =	simm.s32 $0x145;
	s22 =	simm.s32 $0x104;
	s23 =	simm.s32 $0x117C7;
	[tilespmem:s14+$0x11620] =	vst v14;
	v14 =	vld [tilespmem:s13+$0xFFFFFFE0]  }
0x1b2: {  	s24 =	simm.s32 $0xF840;
	s21 =	sand.u32 $0x3FFF, s18;
	s1 =	sand.u32 $0x1FFE, s22;
	[tilespmem:s23+$0x0] =	vst v17;
	v18 =	vadd.f32 v19, v10;
	v17 =	vadd.f32 v13, v9;
	v13 =	vld [tilespmem:s20+$0xFFFFFFF0]  }
.LBB2_14:
0x1b3: {  	s18 =	smov.u32 s19  }
0x1b4: {  	v19 =	vld [tilespmem:s24+$0x0];
	[tilespmem:s21+$0x11610] =	vst v18;
	v12 =	vadd.f32 v12, v8;
	s19 =	smov.u32 s1;
	s20 =	smov.u32 s13;
	s13 =	smov.u32 s12  }
0x1b5: {  	s12 =	smov.u32 s16;
	s5 =	sadd.s32 $0x2, s5;
	v16 =	vadd.f32 v16, v11;
	v18 =	vld [tilespmem:s16+$0x10];
	[tilespmem:s15+$0x11620] =	vst v17;
	s16 =	smov.u32 s24  }
0x1b6: {  	p0 =	slt.u32 s5, $0x7E;
	v15 =	vadd.f32 v15, v10;
	v17 =	vld [tilespmem:s13+$0x20];
	[tilespmem:s3+$0x11630] =	vst v12;
	s3 =	smov.u32 s15;
	s15 =	smov.u32 s21  }
.Ltmp6:
0x1b7: {  	[tilespmem:s23+$0xFFFFFFBF] =	vst v16;
	v14 =	vadd.f32 v14, v9;
	v12 =	vld [tilespmem:s20+$0x30];
	(pc) =	sbr.rel @p0 .LBB2_14-.Ltmp6, $4  }
0x1b8: {  	v16 =	vld [tilespmem:s24+$0xFFFFFFC0];
	[tilespmem:s19+$0x11610] =	vst v15;
	v13 =	vadd.f32 v13, v8  }
0x1b9: {  	s22 =	sadd.s32 $0x82, s22;
	v19 =	vadd.f32 v19, v11;
	v15 =	vld [tilespmem:s12+$0xFFFFFFD0];
	[tilespmem:s18+$0x11620] =	vst v14  }
0x1ba: {  	s1 =	sand.u32 $0x1FFE, s22;
	s21 =	sadd.s32 $0x41, s22;
	s23 =	sadd.s32 $0x82, s23;
	v18 =	vadd.f32 v18, v10;
	v14 =	vld [tilespmem:s13+$0xFFFFFFE0];
	[tilespmem:s14+$0x11630] =	vst v13  }
0x1bb: {  	s21 =	sand.u32 $0x3FFF, s21;
	s24 =	sadd.s32 $0x80, s24;
	s14 =	smov.u32 s18;
	[tilespmem:s23+$0x0] =	vst v19;
	v17 =	vadd.f32 v17, v9;
	v13 =	vld [tilespmem:s20+$0xFFFFFFF0]  }
0x1bc: {  	_ = 	snop  }
0x1bd: {  	v11 =	vadd.f32 v16, v11;
	_ =	sdelay $0x1  }
0x1be: {  	v16 =	vld [tilespmem:s16+$0x10];
	[tilespmem:s23+$0xFFFFFFBF] =	vst v11  }
0x1bf: {  	v11 =	vld [tilespmem:s16+$0xFFFFFFD0];
	_ =	sdelay $0x2  }
0x1c0: {  	s5 =	sadd.s32 $0x82, s22;
	v15 =	vadd.f32 v15, v10  }
0x1c1: {  	[tilespmem:s21+$0x11610] =	vst v18;
	s18 =	sadd.s32 $0x41, s5;
	v16 =	vadd.f32 v16, v10  }
0x1c2: {  	v18 =	vld [tilespmem:s12+$0x20];
	s18 =	sand.u32 $0x3FFF, s18;
	[tilespmem:s1+$0x11610] =	vst v15;
	v10 =	vadd.f32 v11, v10  }
0x1c3: {  	s5 =	sand.u32 $0x1FFE, s5;
	[tilespmem:s18+$0x11610] =	vst v16;
	v11 =	vld [tilespmem:s12+$0xFFFFFFE0]  }
0x1c4: {  	v15 =	vld [tilespmem:s16+$0x20];
	[tilespmem:s5+$0x11610] =	vst v10  }
0x1c5: {  	v10 =	vld [tilespmem:s16+$0xFFFFFFE0]  }
0x1c6: {  	v14 =	vadd.f32 v14, v9  }
0x1c7: {  	[tilespmem:s15+$0x11620] =	vst v17;
	v16 =	vadd.f32 v18, v9  }
0x1c8: {  	v17 =	vld [tilespmem:s13+$0x30];
	[tilespmem:s19+$0x11620] =	vst v14;
	v11 =	vadd.f32 v11, v9  }
0x1c9: {  	v14 =	vld [tilespmem:s13+$0xFFFFFFF0];
	[tilespmem:s21+$0x11620] =	vst v16;
	v15 =	vadd.f32 v15, v9  }
0x1ca: {  	v16 =	vld [tilespmem:s12+$0x30];
	[tilespmem:s1+$0x11620] =	vst v11;
	v9 =	vadd.f32 v10, v9  }
0x1cb: {  	[tilespmem:s18+$0x11620] =	vst v15;
	v10 =	vadd.f32 v12, v8;
	v11 =	vld [tilespmem:s12+$0xFFFFFFF0]  }
0x1cc: {  	v12 =	vadd.f32 v13, v8;
	v13 =	vld [tilespmem:s16+$0x30];
	[tilespmem:s5+$0x11620] =	vst v9  }
0x1cd: {  	[tilespmem:s3+$0x11630] =	vst v10;
	v9 =	vadd.f32 v17, v8;
	v10 =	vld [tilespmem:s16+$0xFFFFFFF0]  }
0x1ce: {  	[tilespmem:s14+$0x11630] =	vst v12;
	v12 =	vadd.f32 v14, v8  }
0x1cf: {  	s24 =	simm.s32 $0x1;
	[tilespmem:s15+$0x11630] =	vst v9;
	v9 =	vadd.f32 v16, v8  }
0x1d0: {  	[tilespmem:s19+$0x11630] =	vst v12;
	v12 =	vadd.s32 s24, v0;
	v11 =	vadd.f32 v11, v8  }
0x1d1: {  	[tilespmem:s21+$0x11630] =	vst v9;
	v9 =	vadd.f32 v13, v8;
	v13 =	vadd.s32 s24, v7  }
0x1d2: {  	[tilespmem:s1+$0x11630] =	vst v11;
	v8 =	vadd.f32 v10, v8;
	v10 =	vadd.s32 s24, v1  }
0x1d3: {  	[tilespmem:s18+$0x11630] =	vst v9;
	v9 =	vadd.s32 s24, v2  }
0x1d4: {  	[tilespmem:s5+$0x11630] =	vst v8;
	v8 =	vadd.s32 s24, v3  }
0x1d5: {  	v11 =	vadd.s32 s24, v4;
	v14 =	vld.idx.msk [tilespmem:v12+s29+$0x0], $0xffff  }
0x1d6: {  	v12 =	vadd.s32 s24, v5;
	v13 =	vld.idx.msk [tilespmem:v13+s29+$0x0], $0xffff  }
0x1d7: {  	v16 =	vadd.s32 s24, v6;
	v15 =	vld.idx.msk [tilespmem:v10+s29+$0x0], $0xffff  }
0x1d8: {  	s25 =	simm.s32 $0x0;
	v19 =	vadd.s32 s7, v2;
	v17 =	vld.idx.msk [tilespmem:v9+s29+$0x0], $0xffff  }
0x1d9: {  	v21 =	vadd.s32 s7, v3;
	s26 =	sand.u32 $0x1C00, s25;
	s12 =	simm.s32 $0x80;
	v20 =	vld.idx.msk [tilespmem:v8+s29+$0x0], $0xffff  }
0x1da: {  	s28 =	sadd.s32 $0x19680, s26;
	s30 =	sand.u32 $0x380, s12;
	v9 =	vadd.s32 s7, v0;
	v8 =	vld.idx.msk [tilespmem:v11+s29+$0x0], $0xffff  }
0x1db: {  	v18 =	vadd.s32 s7, v1;
	s15 =	sadd.s32 s30, s28;
	v10 =	vld.idx.msk [tilespmem:v12+s29+$0x0], $0xffff  }
0x1dc: {  	v12 =	vld.idx.msk [tilespmem:v16+s29+$0x0], $0xffff;
	[tilespmem:s15+$0x70] =	vst v13;
	v16 =	vadd.s32 s7, v4  }
0x1dd: {  	v13 =	vld.idx.msk [tilespmem:v19+s29+$0x0], $0xffff;
	[tilespmem:s15+$0x10] =	vst v15;
	v15 =	vadd.s32 s7, v5  }
0x1de: {  	[tilespmem:s15+$0x0] =	vst v14;
	v19 =	vadd.s32 s7, v6;
	v14 =	vld.idx.msk [tilespmem:v21+s29+$0x0], $0xffff  }
0x1df: {  	s14 =	simm.s32 $0x3;
	s1 =	sand.u32 $0x300, s25;
	v11 =	vld.idx.msk [tilespmem:v9+s29+$0x0], $0xffff;
	[tilespmem:s15+$0x20] =	vst v17;
	v17 =	vadd.s32 s7, v7  }
0x1e0: {  	s3 =	simm.s32 $0x2;
	s13 =	sadd.s32 s1, s28;
	s1 =	simm.s32 $0x4;
	v9 =	vld.idx.msk [tilespmem:v18+s29+$0x0], $0xffff;
	v18 =	vadd.s32 s14, v0;
	[tilespmem:s15+$0x30] =	vst v20  }
.LBB2_16:
0x1e1: {  	p0 =	slt.u32 s1, $0x3E;
	v20 =	vadd.s32 s14, v7;
	v16 =	vld.idx.msk [tilespmem:v16+s29+$0x0], $0xffff;
	[tilespmem:s15+$0x40] =	vst v8  }
0x1e2: {  	v8 =	vadd.s32 s14, v1;
	v15 =	vld.idx.msk [tilespmem:v15+s29+$0x0], $0xffff;
	[tilespmem:s15+$0x50] =	vst v10  }
0x1e3: {  	v10 =	vadd.s32 s14, v2;
	v19 =	vld.idx.msk [tilespmem:v19+s29+$0x0], $0xffff;
	[tilespmem:s15+$0x60] =	vst v12  }
0x1e4: {  	v12 =	vadd.s32 s14, v3;
	v17 =	vld.idx.msk [tilespmem:v17+s29+$0x0], $0xffff;
	[tilespmem:s13+$0x0] =	vst v11  }
0x1e5: {  	v11 =	vadd.s32 s14, v4;
	v18 =	vld.idx.msk [tilespmem:v18+s29+$0x0], $0xffff;
	[tilespmem:s13+$0x10] =	vst v9  }
0x1e6: {  	v9 =	vadd.s32 s14, v5;
	v20 =	vld.idx.msk [tilespmem:v20+s29+$0x0], $0xffff;
	[tilespmem:s13+$0x20] =	vst v13  }
0x1e7: {  	v21 =	vadd.s32 s14, v6;
	s12 =	sadd.s32 $0x100, s12;
	v13 =	vld.idx.msk [tilespmem:v8+s29+$0x0], $0xffff;
	[tilespmem:s13+$0x30] =	vst v14  }
0x1e8: {  	s5 =	sadd.s32 $0xFFFFFF80, s12;
	v14 =	vadd.s32 s3, v0;
	v22 =	vld.idx.msk [tilespmem:v10+s29+$0x0], $0xffff;
	[tilespmem:s13+$0x40] =	vst v16  }
0x1e9: {  	v23 =	vadd.s32 s3, v1;
	s7 =	sand.u32 $0x300, s5;
	s5 =	sand.u32 $0x1C00, s5;
	v24 =	vld.idx.msk [tilespmem:v12+s29+$0x0], $0xffff;
	[tilespmem:s13+$0x50] =	vst v15  }
0x1ea: {  	v25 =	vadd.s32 s3, v2;
	s5 =	sadd.s32 $0x19680, s5;
	s14 =	sand.u32 $0x380, s12;
	v8 =	vld.idx.msk [tilespmem:v11+s29+$0x0], $0xffff;
	[tilespmem:s13+$0x60] =	vst v19  }
0x1eb: {  	v26 =	vadd.s32 s3, v3;
	s15 =	sadd.s32 s14, s5;
	v10 =	vld.idx.msk [tilespmem:v9+s29+$0x0], $0xffff;
	[tilespmem:s13+$0x70] =	vst v17;
	s13 =	sadd.s32 s7, s5  }
.Ltmp7:
0x1ec: {  	v16 =	vadd.s32 s3, v4;
	v12 =	vld.idx.msk [tilespmem:v21+s29+$0x0], $0xffff;
	[tilespmem:s15+$0x70] =	vst v20;
	(pc) =	sbr.rel @p0 .LBB2_16-.Ltmp7, $4  }
0x1ed: {  	v15 =	vadd.s32 s3, v5;
	v11 =	vld.idx.msk [tilespmem:v14+s29+$0x0], $0xffff;
	[tilespmem:s15+$0x0] =	vst v18  }
0x1ee: {  	v19 =	vadd.s32 s3, v6;
	v9 =	vld.idx.msk [tilespmem:v23+s29+$0x0], $0xffff;
	[tilespmem:s15+$0x10] =	vst v13  }
0x1ef: {  	s14 =	sadd.s32 $0x1, s1;
	v17 =	vadd.s32 s3, v7;
	s3 =	smov.u32 s1;
	v13 =	vld.idx.msk [tilespmem:v25+s29+$0x0], $0xffff;
	[tilespmem:s15+$0x20] =	vst v22  }
0x1f0: {  	s1 =	sadd.s32 $0x2, s1;
	v18 =	vadd.s32 s14, v0;
	v14 =	vld.idx.msk [tilespmem:v26+s29+$0x0], $0xffff;
	[tilespmem:s15+$0x30] =	vst v24  }
0x1f1: {  	_ =	sdelay $0x3  }
0x1f2: {  	v20 =	vadd.s32 s14, v7;
	v16 =	vld.idx.msk [tilespmem:v16+s29+$0x0], $0xffff;
	[tilespmem:s15+$0x40] =	vst v8  }
0x1f3: {  	v8 =	vadd.s32 s14, v1;
	v15 =	vld.idx.msk [tilespmem:v15+s29+$0x0], $0xffff;
	[tilespmem:s15+$0x50] =	vst v10  }
0x1f4: {  	v44 =	vadd.s32 s14, v2;
	v19 =	vld.idx.msk [tilespmem:v19+s29+$0x0], $0xffff;
	[tilespmem:s15+$0x60] =	vst v12  }
0x1f5: {  	v45 =	vadd.s32 s14, v3;
	v17 =	vld.idx.msk [tilespmem:v17+s29+$0x0], $0xffff;
	[tilespmem:s13+$0x0] =	vst v11  }
0x1f6: {  	v46 =	vld.idx.msk [tilespmem:v18+s29+$0x0], $0xffff;
	v47 =	vadd.s32 s14, v4;
	[tilespmem:s13+$0x10] =	vst v9  }
0x1f7: {  	v48 =	vadd.s32 s14, v5;
	[tilespmem:s13+$0x20] =	vst v13;
	v20 =	vld.idx.msk [tilespmem:v20+s29+$0x0], $0xffff  }
0x1f8: {  	v49 =	vadd.s32 s14, v6;
	s1 =	sadd.s32 $0x100, s12;
	[tilespmem:s13+$0x30] =	vst v14;
	v8 =	vld.idx.msk [tilespmem:v8+s29+$0x0], $0xffff  }
0x1f9: {  	v50 =	vadd.s32 s3, v0;
	s5 =	sadd.s32 $0xFFFFFF80, s1;
	v10 =	vld.idx.msk [tilespmem:v44+s29+$0x0], $0xffff;
	[tilespmem:s13+$0x40] =	vst v16  }
0x1fa: {  	v51 =	vadd.s32 s3, v1;
	s7 =	sand.u32 $0x1C00, s5;
	v12 =	vld.idx.msk [tilespmem:v45+s29+$0x0], $0xffff;
	[tilespmem:s13+$0x50] =	vst v15  }
0x1fb: {  	v53 =	vadd.s32 s3, v3;
	s1 =	sand.u32 $0x380, s1;
	s7 =	sadd.s32 $0x19680, s7;
	v18 =	vld.idx.msk [tilespmem:v47+s29+$0x0], $0xffff;
	[tilespmem:s13+$0x60] =	vst v19  }
0x1fc: {  	v54 =	vadd.s32 s3, v4;
	s1 =	sadd.s32 s1, s7;
	v9 =	vld.idx.msk [tilespmem:v48+s29+$0x0], $0xffff;
	[tilespmem:s13+$0x70] =	vst v17  }
0x1fd: {  	v55 =	vadd.s32 s3, v5;
	v13 =	vld.idx.msk [tilespmem:v49+s29+$0x0], $0xffff;
	[tilespmem:s1+$0x0] =	vst v46  }
0x1fe: {  	v57 =	vadd.s32 s3, v6;
	v14 =	vld.idx.msk [tilespmem:v50+s29+$0x0], $0xffff;
	[tilespmem:s1+$0x70] =	vst v20  }
0x1ff: {  	v58 =	vadd.s32 s3, v7;
	v56 =	vld.idx.msk [tilespmem:v51+s29+$0x0], $0xffff;
	[tilespmem:s1+$0x10] =	vst v8  }
0x200: {  	v52 =	vadd.s32 s3, v2;
	v59 =	vld.idx.msk [tilespmem:v53+s29+$0x0], $0xffff;
	[tilespmem:s1+$0x20] =	vst v10  }
0x201: {  	v60 =	vld.idx.msk [tilespmem:v54+s29+$0x0], $0xffff;
	[tilespmem:s1+$0x30] =	vst v12  }
0x202: {  	v61 =	vld.idx.msk [tilespmem:v55+s29+$0x0], $0xffff;
	[tilespmem:s1+$0x40] =	vst v18  }
0x203: {  	s24 =	sand.u32 $0x300, s5;
	v62 =	vld.idx.msk [tilespmem:v57+s29+$0x0], $0xffff;
	[tilespmem:s1+$0x50] =	vst v9  }
0x204: {  	s3 =	sadd.s32 s24, s7;
	v63 =	vld.idx.msk [tilespmem:v58+s29+$0x0], $0xffff;
	[tilespmem:s1+$0x60] =	vst v13  }
0x205: {  	v8 =	vld.idx.msk [tilespmem:v52+s29+$0x0], $0xffff;
	[tilespmem:s3+$0x0] =	vst v14  }
0x206: {  	[tilespmem:s3+$0x10] =	vst v56  }
0x207: {  	[tilespmem:s3+$0x30] =	vst v59  }
0x208: {  	[tilespmem:s3+$0x40] =	vst v60  }
0x209: {  	[tilespmem:s3+$0x50] =	vst v61  }
0x20a: {  	[tilespmem:s3+$0x60] =	vst v62  }
0x20b: {  	[tilespmem:s3+$0x70] =	vst v63  }
0x20c: {  	s25 =	simm.s32 $0xF600;
	s26 =	simm.s32 $0x380;
	[tilespmem:s3+$0x20] =	vst v8  }
0x20d: {  	[tilespmem:s25], [sflag:$0x4] =	stream.indirect.gather [hbm4b:s4+s17], $0x40, s26, s17, $0xb8;
	[tilespmem:$0x1B680] =	vst v63  }
0x20e: {  	s30 =	simm.s32 $0x19680;
	s14 =	simm.s32 $0x0;
	s28 =	rddreg [dreg:$0x8]  }
0x20f: {  	[hbm4b:s28+s31] =	stream.strided.scatter [tilespmem:s30], [sflag:$0x8], $0x2000, s0, s31, $0x38;
	[tilespmem:$0x1B680] =	vst v63  }
.LBB2_18:
0x210: {  	s1 =	simm.s32 $0x1  }
0x211: {  	_ =	swait.ge [sflag:s1], $0x2000  }
0x212: {  	[sflag:s1] =	ssyncset.done $0x0  }
0x213: {  	s15 =	sshll.u32 s14, $0x2;
	[sflag:s1] =	ssyncadd.s32 $0xFFFFE000  }
0x214: {  	s7 =	sadd.s32 $0x4, s15;
	_ =	swait.ge [sflag:s6], $0x2000  }
0x215: {  	s20 =	sshll.u32 s7, $0x6;
	[sflag:s6] =	ssyncset.done $0x0  }
0x216: {  	s1 =	sand.u32 $0x3FFFFF00, s20;
	[sflag:s6] =	ssyncadd.s32 $0xFFFFE000  }
0x217: {  	s20 =	simm.s32 $0x9640;
	v11 =	vld [tilespmem:s1+$0x6400]  }
0x218: {  	v8 =	vld [tilespmem:s20+$0x0];
	_ =	sdelay $0x2  }
0x219: {  	v10 =	vld [tilespmem:s1+$0x6410]  }
0x21a: {  	v12 =	vld [tilespmem:s20+$0xFFFFFFC0]  }
0x21b: {  	v9 =	vld [tilespmem:s1+$0x6420];
	v13 =	vadd.f32 v8, v11  }
0x21c: {  	s21 =	simm.s32 $0x11641;
	s12 =	simm.s32 $0x96C0;
	v8 =	vld [tilespmem:s1+$0x6430]  }
0x21d: {  	[tilespmem:s21+$0x0] =	vst v13;
	v13 =	vld [tilespmem:s12+$0x0]  }
0x21e: {  	v14 =	vld [tilespmem:s20+$0x10]  }
0x21f: {  	v12 =	vadd.f32 v12, v11;
	_ =	sdelay $0x1  }
0x220: {  	[tilespmem:s21+$0xFFFFFFBF] =	vst v12;
	v12 =	vld [tilespmem:s12+$0xFFFFFFC0]  }
0x221: {  	v15 =	vld [tilespmem:s20+$0xFFFFFFD0];
	v13 =	vadd.f32 v13, v11  }
0x222: {  	s22 =	simm.s32 $0x41;
	s5 =	simm.s32 $0x116C3;
	s16 =	simm.s32 $0x9740;
	v14 =	vadd.f32 v14, v10  }
0x223: {  	s3 =	sand.u32 $0x3FFF, s22;
	[tilespmem:s5+$0x0] =	vst v13;
	v13 =	vld [tilespmem:s16+$0x0]  }
0x224: {  	[tilespmem:s3+$0x11610] =	vst v14;
	v14 =	vld [tilespmem:s12+$0x10]  }
0x225: {  	v12 =	vadd.f32 v12, v11;
	v16 =	vld [tilespmem:s20+$0x20]  }
0x226: {  	s23 =	simm.s32 $0x0;
	v15 =	vadd.f32 v15, v10  }
0x227: {  	s19 =	sand.u32 $0x1FFE, s23;
	[tilespmem:s5+$0xFFFFFFBF] =	vst v12;
	v12 =	vld [tilespmem:s16+$0xFFFFFFC0]  }
0x228: {  	[tilespmem:s19+$0x11610] =	vst v15;
	v15 =	vld [tilespmem:s12+$0xFFFFFFD0];
	v13 =	vadd.f32 v13, v11  }
0x229: {  	s24 =	simm.s32 $0xC3;
	s25 =	simm.s32 $0x11745;
	s21 =	simm.s32 $0x97C0;
	v17 =	vld [tilespmem:s20+$0xFFFFFFE0];
	v14 =	vadd.f32 v14, v10  }
0x22a: {  	s22 =	sand.u32 $0x3FFF, s24;
	v18 =	vld [tilespmem:s21+$0x0];
	[tilespmem:s25+$0x0] =	vst v13;
	v13 =	vadd.f32 v16, v9  }
0x22b: {  	[tilespmem:s22+$0x11610] =	vst v14;
	v19 =	vld [tilespmem:s16+$0x10]  }
0x22c: {  	v14 =	vadd.f32 v12, v11;
	[tilespmem:s3+$0x11620] =	vst v13;
	v13 =	vld [tilespmem:s12+$0x20]  }
0x22d: {  	s26 =	simm.s32 $0x82;
	v15 =	vadd.f32 v15, v10;
	v16 =	vld [tilespmem:s21+$0xFFFFFFC0]  }
0x22e: {  	s24 =	sand.u32 $0x1FFE, s26;
	v12 =	vld [tilespmem:s20+$0x30];
	[tilespmem:s25+$0xFFFFFFBF] =	vst v14;
	v14 =	vadd.f32 v17, v9  }
0x22f: {  	s30 =	simm.s32 $0x145;
	[tilespmem:s24+$0x11610] =	vst v15;
	v17 =	vadd.f32 v18, v11;
	v15 =	vld [tilespmem:s16+$0xFFFFFFD0]  }
0x230: {  	s13 =	simm.s32 $0x117C7;
	s28 =	simm.s32 $0x9840;
	s23 =	simm.s32 $0x104;
	[tilespmem:s19+$0x11620] =	vst v14;
	v14 =	vld [tilespmem:s12+$0xFFFFFFE0]  }
0x231: {  	s26 =	sand.u32 $0x1FFE, s23;
	s1 =	sand.u32 $0x3FFF, s30;
	s5 =	simm.s32 $0x6;
	[tilespmem:s13+$0x0] =	vst v17;
	v18 =	vadd.f32 v19, v10;
	v17 =	vadd.f32 v13, v9;
	v13 =	vld [tilespmem:s20+$0xFFFFFFF0]  }
.LBB2_19:
0x232: {  	s18 =	smov.u32 s24  }
0x233: {  	v19 =	vld [tilespmem:s28+$0x0];
	[tilespmem:s1+$0x11610] =	vst v18;
	v12 =	vadd.f32 v12, v8;
	s24 =	smov.u32 s26;
	s20 =	smov.u32 s12;
	s12 =	smov.u32 s16  }
0x234: {  	s16 =	smov.u32 s21;
	s5 =	sadd.s32 $0x2, s5;
	v16 =	vadd.f32 v16, v11;
	v18 =	vld [tilespmem:s21+$0x10];
	[tilespmem:s22+$0x11620] =	vst v17;
	s21 =	smov.u32 s28  }
0x235: {  	p0 =	slt.u32 s5, $0x7E;
	v15 =	vadd.f32 v15, v10;
	v17 =	vld [tilespmem:s12+$0x20];
	[tilespmem:s3+$0x11630] =	vst v12;
	s3 =	smov.u32 s22  }
.Ltmp8:
0x236: {  	s22 =	smov.u32 s1;
	[tilespmem:s13+$0xFFFFFFBF] =	vst v16;
	v14 =	vadd.f32 v14, v9;
	v12 =	vld [tilespmem:s20+$0x30];
	(pc) =	sbr.rel @p0 .LBB2_19-.Ltmp8, $4  }
0x237: {  	v16 =	vld [tilespmem:s28+$0xFFFFFFC0];
	[tilespmem:s24+$0x11610] =	vst v15;
	v13 =	vadd.f32 v13, v8  }
0x238: {  	s23 =	sadd.s32 $0x82, s23;
	v19 =	vadd.f32 v19, v11;
	v15 =	vld [tilespmem:s16+$0xFFFFFFD0];
	[tilespmem:s18+$0x11620] =	vst v14  }
0x239: {  	s26 =	sand.u32 $0x1FFE, s23;
	s1 =	sadd.s32 $0x41, s23;
	s13 =	sadd.s32 $0x82, s13;
	v18 =	vadd.f32 v18, v10;
	v14 =	vld [tilespmem:s12+$0xFFFFFFE0];
	[tilespmem:s19+$0x11630] =	vst v13  }
0x23a: {  	s1 =	sand.u32 $0x3FFF, s1;
	s28 =	sadd.s32 $0x80, s28;
	s19 =	smov.u32 s18;
	[tilespmem:s13+$0x0] =	vst v19;
	v17 =	vadd.f32 v17, v9;
	v13 =	vld [tilespmem:s20+$0xFFFFFFF0]  }
0x23b: {  	_ = 	snop  }
0x23c: {  	v11 =	vadd.f32 v16, v11;
	_ =	sdelay $0x1  }
0x23d: {  	v16 =	vld [tilespmem:s21+$0x10];
	[tilespmem:s13+$0xFFFFFFBF] =	vst v11  }
0x23e: {  	v11 =	vld [tilespmem:s21+$0xFFFFFFD0];
	_ =	sdelay $0x2  }
0x23f: {  	s5 =	sadd.s32 $0x82, s23;
	v15 =	vadd.f32 v15, v10  }
0x240: {  	[tilespmem:s1+$0x11610] =	vst v18;
	s20 =	sadd.s32 $0x41, s5;
	v16 =	vadd.f32 v16, v10  }
0x241: {  	v18 =	vld [tilespmem:s16+$0x20];
	s13 =	sand.u32 $0x3FFF, s20;
	[tilespmem:s26+$0x11610] =	vst v15;
	v10 =	vadd.f32 v11, v10  }
0x242: {  	s5 =	sand.u32 $0x1FFE, s5;
	[tilespmem:s13+$0x11610] =	vst v16;
	v11 =	vld [tilespmem:s16+$0xFFFFFFE0]  }
0x243: {  	v15 =	vld [tilespmem:s21+$0x20];
	[tilespmem:s5+$0x11610] =	vst v10  }
0x244: {  	v10 =	vld [tilespmem:s21+$0xFFFFFFE0]  }
0x245: {  	v14 =	vadd.f32 v14, v9  }
0x246: {  	[tilespmem:s22+$0x11620] =	vst v17;
	v16 =	vadd.f32 v18, v9  }
0x247: {  	v17 =	vld [tilespmem:s12+$0x30];
	[tilespmem:s24+$0x11620] =	vst v14;
	v11 =	vadd.f32 v11, v9  }
0x248: {  	v14 =	vld [tilespmem:s12+$0xFFFFFFF0];
	[tilespmem:s1+$0x11620] =	vst v16;
	v15 =	vadd.f32 v15, v9  }
0x249: {  	v16 =	vld [tilespmem:s16+$0x30];
	[tilespmem:s26+$0x11620] =	vst v11;
	v9 =	vadd.f32 v10, v9  }
0x24a: {  	[tilespmem:s13+$0x11620] =	vst v15;
	v10 =	vadd.f32 v12, v8;
	v11 =	vld [tilespmem:s16+$0xFFFFFFF0]  }
0x24b: {  	v12 =	vadd.f32 v13, v8;
	v13 =	vld [tilespmem:s21+$0x30];
	[tilespmem:s5+$0x11620] =	vst v9  }
0x24c: {  	[tilespmem:s3+$0x11630] =	vst v10;
	v9 =	vadd.f32 v17, v8;
	v10 =	vld [tilespmem:s21+$0xFFFFFFF0]  }
0x24d: {  	[tilespmem:s19+$0x11630] =	vst v12;
	v12 =	vadd.f32 v14, v8  }
0x24e: {  	s23 =	simm.s32 $0x1;
	[tilespmem:s22+$0x11630] =	vst v9;
	v9 =	vadd.f32 v16, v8  }
0x24f: {  	[tilespmem:s24+$0x11630] =	vst v12;
	v12 =	vadd.s32 s23, v0;
	v11 =	vadd.f32 v11, v8  }
0x250: {  	[tilespmem:s1+$0x11630] =	vst v9;
	v9 =	vadd.f32 v13, v8;
	v13 =	vadd.s32 s23, v7  }
0x251: {  	[tilespmem:s26+$0x11630] =	vst v11;
	v8 =	vadd.f32 v10, v8;
	v10 =	vadd.s32 s23, v1  }
0x252: {  	[tilespmem:s13+$0x11630] =	vst v9;
	v9 =	vadd.s32 s23, v2  }
0x253: {  	[tilespmem:s5+$0x11630] =	vst v8;
	v8 =	vadd.s32 s23, v3  }
0x254: {  	v11 =	vadd.s32 s23, v4;
	v14 =	vld.idx.msk [tilespmem:v12+s29+$0x0], $0xffff  }
0x255: {  	v12 =	vadd.s32 s23, v5;
	v13 =	vld.idx.msk [tilespmem:v13+s29+$0x0], $0xffff  }
0x256: {  	v16 =	vadd.s32 s23, v6;
	s24 =	simm.s32 $0x0;
	v15 =	vld.idx.msk [tilespmem:v10+s29+$0x0], $0xffff  }
0x257: {  	s25 =	simm.s32 $0x0;
	v19 =	vadd.s32 s24, v2;
	v17 =	vld.idx.msk [tilespmem:v9+s29+$0x0], $0xffff  }
0x258: {  	s12 =	simm.s32 $0x80;
	v21 =	vadd.s32 s24, v3;
	s26 =	sand.u32 $0x1C00, s25;
	v20 =	vld.idx.msk [tilespmem:v8+s29+$0x0], $0xffff  }
0x259: {  	s28 =	sand.u32 $0x380, s12;
	s5 =	sadd.s32 $0x13680, s26;
	v9 =	vadd.s32 s24, v0;
	v8 =	vld.idx.msk [tilespmem:v11+s29+$0x0], $0xffff  }
0x25a: {  	v18 =	vadd.s32 s24, v1;
	s20 =	sadd.s32 s28, s5;
	v10 =	vld.idx.msk [tilespmem:v12+s29+$0x0], $0xffff  }
0x25b: {  	v12 =	vld.idx.msk [tilespmem:v16+s29+$0x0], $0xffff;
	[tilespmem:s20+$0x70] =	vst v13;
	v16 =	vadd.s32 s24, v4  }
0x25c: {  	v13 =	vld.idx.msk [tilespmem:v19+s29+$0x0], $0xffff;
	[tilespmem:s20+$0x10] =	vst v15;
	v15 =	vadd.s32 s24, v5  }
0x25d: {  	[tilespmem:s20+$0x0] =	vst v14;
	v19 =	vadd.s32 s24, v6;
	v14 =	vld.idx.msk [tilespmem:v21+s29+$0x0], $0xffff  }
0x25e: {  	s30 =	sand.u32 $0x300, s25;
	s19 =	simm.s32 $0x3;
	v11 =	vld.idx.msk [tilespmem:v9+s29+$0x0], $0xffff;
	[tilespmem:s20+$0x20] =	vst v17;
	v17 =	vadd.s32 s24, v7  }
0x25f: {  	s3 =	simm.s32 $0x2;
	s1 =	simm.s32 $0x4;
	s16 =	sadd.s32 s30, s5;
	v9 =	vld.idx.msk [tilespmem:v18+s29+$0x0], $0xffff;
	v18 =	vadd.s32 s19, v0;
	[tilespmem:s20+$0x30] =	vst v20  }
.LBB2_21:
0x260: {  	p0 =	slt.u32 s1, $0x3E;
	v20 =	vadd.s32 s19, v7;
	v16 =	vld.idx.msk [tilespmem:v16+s29+$0x0], $0xffff;
	[tilespmem:s20+$0x40] =	vst v8  }
0x261: {  	v8 =	vadd.s32 s19, v1;
	v15 =	vld.idx.msk [tilespmem:v15+s29+$0x0], $0xffff;
	[tilespmem:s20+$0x50] =	vst v10  }
0x262: {  	v10 =	vadd.s32 s19, v2;
	v19 =	vld.idx.msk [tilespmem:v19+s29+$0x0], $0xffff;
	[tilespmem:s20+$0x60] =	vst v12  }
0x263: {  	v12 =	vadd.s32 s19, v3;
	v17 =	vld.idx.msk [tilespmem:v17+s29+$0x0], $0xffff;
	[tilespmem:s16+$0x0] =	vst v11  }
0x264: {  	v11 =	vadd.s32 s19, v4;
	v18 =	vld.idx.msk [tilespmem:v18+s29+$0x0], $0xffff;
	[tilespmem:s16+$0x10] =	vst v9  }
0x265: {  	v9 =	vadd.s32 s19, v5;
	v20 =	vld.idx.msk [tilespmem:v20+s29+$0x0], $0xffff;
	[tilespmem:s16+$0x20] =	vst v13  }
0x266: {  	v21 =	vadd.s32 s19, v6;
	s12 =	sadd.s32 $0x100, s12;
	v13 =	vld.idx.msk [tilespmem:v8+s29+$0x0], $0xffff;
	[tilespmem:s16+$0x30] =	vst v14  }
0x267: {  	s5 =	sadd.s32 $0xFFFFFF80, s12;
	v14 =	vadd.s32 s3, v0;
	v22 =	vld.idx.msk [tilespmem:v10+s29+$0x0], $0xffff;
	[tilespmem:s16+$0x40] =	vst v16  }
0x268: {  	v23 =	vadd.s32 s3, v1;
	s13 =	sand.u32 $0x300, s5;
	s5 =	sand.u32 $0x1C00, s5;
	v24 =	vld.idx.msk [tilespmem:v12+s29+$0x0], $0xffff;
	[tilespmem:s16+$0x50] =	vst v15  }
0x269: {  	v25 =	vadd.s32 s3, v2;
	s18 =	sand.u32 $0x380, s12;
	s5 =	sadd.s32 $0x13680, s5;
	v8 =	vld.idx.msk [tilespmem:v11+s29+$0x0], $0xffff;
	[tilespmem:s16+$0x60] =	vst v19  }
0x26a: {  	v26 =	vadd.s32 s3, v3;
	s20 =	sadd.s32 s18, s5;
	v10 =	vld.idx.msk [tilespmem:v9+s29+$0x0], $0xffff;
	[tilespmem:s16+$0x70] =	vst v17;
	s16 =	sadd.s32 s13, s5  }
.Ltmp9:
0x26b: {  	v16 =	vadd.s32 s3, v4;
	v12 =	vld.idx.msk [tilespmem:v21+s29+$0x0], $0xffff;
	[tilespmem:s20+$0x70] =	vst v20;
	(pc) =	sbr.rel @p0 .LBB2_21-.Ltmp9, $4  }
0x26c: {  	v15 =	vadd.s32 s3, v5;
	v11 =	vld.idx.msk [tilespmem:v14+s29+$0x0], $0xffff;
	[tilespmem:s20+$0x0] =	vst v18  }
0x26d: {  	v19 =	vadd.s32 s3, v6;
	v9 =	vld.idx.msk [tilespmem:v23+s29+$0x0], $0xffff;
	[tilespmem:s20+$0x10] =	vst v13  }
0x26e: {  	s19 =	sadd.s32 $0x1, s1;
	v17 =	vadd.s32 s3, v7;
	s3 =	smov.u32 s1;
	v13 =	vld.idx.msk [tilespmem:v25+s29+$0x0], $0xffff;
	[tilespmem:s20+$0x20] =	vst v22  }
0x26f: {  	s1 =	sadd.s32 $0x2, s1;
	v18 =	vadd.s32 s19, v0;
	v14 =	vld.idx.msk [tilespmem:v26+s29+$0x0], $0xffff;
	[tilespmem:s20+$0x30] =	vst v24  }
0x270: {  	_ =	sdelay $0x3  }
0x271: {  	v20 =	vadd.s32 s19, v7;
	v16 =	vld.idx.msk [tilespmem:v16+s29+$0x0], $0xffff;
	[tilespmem:s20+$0x40] =	vst v8  }
0x272: {  	v8 =	vadd.s32 s19, v1;
	v15 =	vld.idx.msk [tilespmem:v15+s29+$0x0], $0xffff;
	[tilespmem:s20+$0x50] =	vst v10  }
0x273: {  	v10 =	vadd.s32 s19, v2;
	v19 =	vld.idx.msk [tilespmem:v19+s29+$0x0], $0xffff;
	[tilespmem:s20+$0x60] =	vst v12  }
0x274: {  	v12 =	vadd.s32 s19, v3;
	v17 =	vld.idx.msk [tilespmem:v17+s29+$0x0], $0xffff;
	[tilespmem:s16+$0x0] =	vst v11  }
0x275: {  	v11 =	vld.idx.msk [tilespmem:v18+s29+$0x0], $0xffff;
	v18 =	vadd.s32 s19, v4;
	[tilespmem:s16+$0x10] =	vst v9  }
0x276: {  	v9 =	vadd.s32 s19, v5;
	[tilespmem:s16+$0x20] =	vst v13;
	v20 =	vld.idx.msk [tilespmem:v20+s29+$0x0], $0xffff  }
0x277: {  	s1 =	sadd.s32 $0x100, s12;
	v13 =	vadd.s32 s19, v6;
	[tilespmem:s16+$0x30] =	vst v14;
	v8 =	vld.idx.msk [tilespmem:v8+s29+$0x0], $0xffff  }
0x278: {  	s5 =	sadd.s32 $0xFFFFFF80, s1;
	v14 =	vadd.s32 s3, v0;
	v10 =	vld.idx.msk [tilespmem:v10+s29+$0x0], $0xffff;
	[tilespmem:s16+$0x40] =	vst v16  }
0x279: {  	s24 =	sand.u32 $0x1C00, s5;
	v16 =	vadd.s32 s3, v1;
	v12 =	vld.idx.msk [tilespmem:v12+s29+$0x0], $0xffff;
	[tilespmem:s16+$0x50] =	vst v15  }
0x27a: {  	s1 =	sand.u32 $0x380, s1;
	s12 =	sadd.s32 $0x13680, s24;
	v15 =	vadd.s32 s3, v2;
	[tilespmem:s16+$0x60] =	vst v19;
	v18 =	vld.idx.msk [tilespmem:v18+s29+$0x0], $0xffff  }
0x27b: {  	s1 =	sadd.s32 s1, s12;
	v19 =	vadd.s32 s3, v3;
	[tilespmem:s16+$0x70] =	vst v17;
	v9 =	vld.idx.msk [tilespmem:v9+s29+$0x0], $0xffff  }
0x27c: {  	v17 =	vadd.s32 s3, v4;
	v13 =	vld.idx.msk [tilespmem:v13+s29+$0x0], $0xffff;
	[tilespmem:s1+$0x0] =	vst v11  }
0x27d: {  	v14 =	vld.idx.msk [tilespmem:v14+s29+$0x0], $0xffff;
	[tilespmem:s1+$0x70] =	vst v20;
	v20 =	vadd.s32 s3, v5  }
0x27e: {  	v11 =	vld.idx.msk [tilespmem:v16+s29+$0x0], $0xffff;
	v16 =	vadd.s32 s3, v6;
	[tilespmem:s1+$0x10] =	vst v8  }
0x27f: {  	v8 =	vld.idx.msk [tilespmem:v15+s29+$0x0], $0xffff;
	v15 =	vadd.s32 s3, v7;
	[tilespmem:s1+$0x20] =	vst v10  }
0x280: {  	v10 =	vld.idx.msk [tilespmem:v19+s29+$0x0], $0xffff;
	[tilespmem:s1+$0x30] =	vst v12  }
0x281: {  	v12 =	vld.idx.msk [tilespmem:v17+s29+$0x0], $0xffff;
	[tilespmem:s1+$0x40] =	vst v18  }
0x282: {  	s25 =	sand.u32 $0x300, s5;
	[tilespmem:s1+$0x50] =	vst v9;
	v17 =	vld.idx.msk [tilespmem:v20+s29+$0x0], $0xffff  }
0x283: {  	s3 =	sadd.s32 s25, s12;
	[tilespmem:s1+$0x60] =	vst v13;
	v9 =	vld.idx.msk [tilespmem:v16+s29+$0x0], $0xffff  }
0x284: {  	v13 =	vld.idx.msk [tilespmem:v15+s29+$0x0], $0xffff;
	[tilespmem:s3+$0x0] =	vst v14  }
0x285: {  	[tilespmem:s3+$0x10] =	vst v11  }
0x286: {  	[tilespmem:s3+$0x20] =	vst v8  }
0x287: {  	[tilespmem:s3+$0x30] =	vst v10  }
0x288: {  	[tilespmem:s3+$0x40] =	vst v12  }
0x289: {  	s26 =	sshll.u32 s14, $0x9;
	[tilespmem:s3+$0x50] =	vst v17  }
0x28a: {  	s16 =	sand.u32 $0x3FFFFE00, s26;
	[tilespmem:s3+$0x60] =	vst v9  }
0x28b: {  	s30 =	simm.s32 $0x9600;
	s5 =	sshll.u32 s7, $0x12;
	s1 =	sadd.s32 $0x400, s16;
	[tilespmem:s3+$0x70] =	vst v13  }
0x28c: {  	[tilespmem:s30], [sflag:$0x1] =	stream.indirect.gather [hbm4b:s4+s17], $0x40, s1, s17, $0xb8;
	[tilespmem:$0x1B680] =	vst v63  }
0x28d: {  	s1 =	sor.u32 s8, s5  }
0x28e: {  	s1 =	sshrl.u32 s1, $0x3  }
0x28f: {  	s7 =	simm.s32 $0x13680;
	s12 =	simm.s32 $0x2;
	s1 =	sadd.s32 s2, s1  }
0x290: {  	[hbm4b:s1+s31] =	stream.strided.scatter [tilespmem:s7], [sflag:$0x5], $0x2000, s0, s31, $0x38;
	[tilespmem:$0x1B680] =	vst v63  }
0x291: {  	_ =	swait.ge [sflag:s12], $0x2000  }
0x292: {  	[sflag:s12] =	ssyncset.done $0x0  }
0x293: {  	[sflag:s12] =	ssyncadd.s32 $0xFFFFE000  }
0x294: {  	s7 =	sadd.s32 $0x5, s15;
	_ =	swait.ge [sflag:s9], $0x2000  }
0x295: {  	s13 =	sshll.u32 s7, $0x6;
	[sflag:s9] =	ssyncset.done $0x0  }
0x296: {  	s1 =	sand.u32 $0x3FFFFFC0, s13;
	[sflag:s9] =	ssyncadd.s32 $0xFFFFE000  }
0x297: {  	s18 =	simm.s32 $0xB640;
	v11 =	vld [tilespmem:s1+$0x6400]  }
0x298: {  	v8 =	vld [tilespmem:s18+$0x0];
	_ =	sdelay $0x2  }
0x299: {  	v10 =	vld [tilespmem:s1+$0x6410]  }
0x29a: {  	v12 =	vld [tilespmem:s18+$0xFFFFFFC0]  }
0x29b: {  	v9 =	vld [tilespmem:s1+$0x6420];
	v13 =	vadd.f32 v8, v11  }
0x29c: {  	s21 =	simm.s32 $0x11641;
	s12 =	simm.s32 $0xB6C0;
	v8 =	vld [tilespmem:s1+$0x6430]  }
0x29d: {  	[tilespmem:s21+$0x0] =	vst v13;
	v13 =	vld [tilespmem:s12+$0x0]  }
0x29e: {  	v14 =	vld [tilespmem:s18+$0x10]  }
0x29f: {  	v12 =	vadd.f32 v12, v11;
	_ =	sdelay $0x1  }
0x2a0: {  	[tilespmem:s21+$0xFFFFFFBF] =	vst v12;
	v12 =	vld [tilespmem:s12+$0xFFFFFFC0]  }
0x2a1: {  	v15 =	vld [tilespmem:s18+$0xFFFFFFD0];
	v13 =	vadd.f32 v13, v11  }
0x2a2: {  	s22 =	simm.s32 $0x41;
	s23 =	simm.s32 $0x116C3;
	s21 =	simm.s32 $0xB740;
	v14 =	vadd.f32 v14, v10  }
0x2a3: {  	s19 =	sand.u32 $0x3FFF, s22;
	[tilespmem:s23+$0x0] =	vst v13;
	v13 =	vld [tilespmem:s21+$0x0]  }
0x2a4: {  	[tilespmem:s19+$0x11610] =	vst v14;
	v14 =	vld [tilespmem:s12+$0x10]  }
0x2a5: {  	v12 =	vadd.f32 v12, v11  }
0x2a6: {  	s3 =	simm.s32 $0x0;
	v15 =	vadd.f32 v15, v10;
	v16 =	vld [tilespmem:s18+$0x20]  }
0x2a7: {  	s22 =	sand.u32 $0x1FFE, s3;
	[tilespmem:s23+$0xFFFFFFBF] =	vst v12;
	v12 =	vld [tilespmem:s21+$0xFFFFFFC0]  }
0x2a8: {  	[tilespmem:s22+$0x11610] =	vst v15;
	v15 =	vld [tilespmem:s12+$0xFFFFFFD0];
	v13 =	vadd.f32 v13, v11  }
0x2a9: {  	s24 =	simm.s32 $0xC3;
	s26 =	simm.s32 $0xB7C0;
	s25 =	simm.s32 $0x11745;
	v17 =	vld [tilespmem:s18+$0xFFFFFFE0];
	v14 =	vadd.f32 v14, v10  }
0x2aa: {  	s24 =	sand.u32 $0x3FFF, s24;
	v18 =	vld [tilespmem:s26+$0x0];
	[tilespmem:s25+$0x0] =	vst v13  }
0x2ab: {  	v13 =	vadd.f32 v16, v9;
	[tilespmem:s24+$0x11610] =	vst v14;
	v19 =	vld [tilespmem:s21+$0x10]  }
0x2ac: {  	v14 =	vadd.f32 v12, v11;
	v20 =	vld [tilespmem:s12+$0x20]  }
0x2ad: {  	s30 =	simm.s32 $0x82;
	v16 =	vld [tilespmem:s26+$0xFFFFFFC0];
	[tilespmem:s19+$0x11620] =	vst v13;
	v13 =	vadd.f32 v15, v10  }
0x2ae: {  	s1 =	sand.u32 $0x1FFE, s30;
	v12 =	vld [tilespmem:s18+$0x30];
	[tilespmem:s25+$0xFFFFFFBF] =	vst v14;
	v14 =	vadd.f32 v17, v9  }
0x2af: {  	s28 =	simm.s32 $0x117C7;
	[tilespmem:s1+$0x11610] =	vst v13;
	v13 =	vadd.f32 v18, v11;
	v15 =	vld [tilespmem:s21+$0xFFFFFFD0]  }
0x2b0: {  	s5 =	simm.s32 $0x104;
	s13 =	simm.s32 $0x6;
	s25 =	simm.s32 $0x145;
	[tilespmem:s22+$0x11620] =	vst v14;
	v14 =	vld [tilespmem:s12+$0xFFFFFFE0]  }
0x2b1: {  	s23 =	sand.u32 $0x1FFE, s5;
	s20 =	sand.u32 $0x3FFF, s25;
	v18 =	vadd.f32 v19, v10;
	[tilespmem:s28+$0x0] =	vst v13;
	v13 =	vld [tilespmem:s18+$0xFFFFFFF0];
	s18 =	simm.s32 $0xB840;
	v17 =	vadd.f32 v20, v9  }
.LBB2_23:
0x2b2: {  	s25 =	smov.u32 s1  }
0x2b3: {  	v19 =	vld [tilespmem:s18+$0x0];
	[tilespmem:s20+$0x11610] =	vst v18;
	v12 =	vadd.f32 v12, v8;
	s1 =	smov.u32 s23;
	s30 =	smov.u32 s12;
	s12 =	smov.u32 s21  }
0x2b4: {  	s21 =	smov.u32 s26;
	s13 =	sadd.s32 $0x2, s13;
	v16 =	vadd.f32 v16, v11;
	v18 =	vld [tilespmem:s26+$0x10];
	[tilespmem:s24+$0x11620] =	vst v17;
	s26 =	smov.u32 s18  }
0x2b5: {  	p0 =	slt.u32 s13, $0x7E;
	v15 =	vadd.f32 v15, v10;
	v17 =	vld [tilespmem:s12+$0x20];
	[tilespmem:s19+$0x11630] =	vst v12;
	s19 =	smov.u32 s24;
	s24 =	smov.u32 s20  }
.Ltmp10:
0x2b6: {  	[tilespmem:s28+$0xFFFFFFBF] =	vst v16;
	v14 =	vadd.f32 v14, v9;
	v12 =	vld [tilespmem:s30+$0x30];
	(pc) =	sbr.rel @p0 .LBB2_23-.Ltmp10, $4  }
0x2b7: {  	v16 =	vld [tilespmem:s18+$0xFFFFFFC0];
	[tilespmem:s1+$0x11610] =	vst v15;
	v13 =	vadd.f32 v13, v8  }
0x2b8: {  	s5 =	sadd.s32 $0x82, s5;
	v19 =	vadd.f32 v19, v11;
	v15 =	vld [tilespmem:s21+$0xFFFFFFD0];
	[tilespmem:s25+$0x11620] =	vst v14  }
0x2b9: {  	s23 =	sand.u32 $0x1FFE, s5;
	s20 =	sadd.s32 $0x41, s5;
	s28 =	sadd.s32 $0x82, s28;
	v18 =	vadd.f32 v18, v10;
	v14 =	vld [tilespmem:s12+$0xFFFFFFE0];
	[tilespmem:s22+$0x11630] =	vst v13  }
0x2ba: {  	s20 =	sand.u32 $0x3FFF, s20;
	s18 =	sadd.s32 $0x80, s18;
	s22 =	smov.u32 s25;
	[tilespmem:s28+$0x0] =	vst v19;
	v17 =	vadd.f32 v17, v9;
	v13 =	vld [tilespmem:s30+$0xFFFFFFF0]  }
0x2bb: {  	_ = 	snop  }
0x2bc: {  	v11 =	vadd.f32 v16, v11;
	_ =	sdelay $0x1  }
0x2bd: {  	v16 =	vld [tilespmem:s26+$0x10];
	[tilespmem:s28+$0xFFFFFFBF] =	vst v11  }
0x2be: {  	v11 =	vld [tilespmem:s26+$0xFFFFFFD0];
	_ =	sdelay $0x2  }
0x2bf: {  	s5 =	sadd.s32 $0x82, s5;
	v15 =	vadd.f32 v15, v10  }
0x2c0: {  	[tilespmem:s20+$0x11610] =	vst v18;
	s13 =	sadd.s32 $0x41, s5;
	v16 =	vadd.f32 v16, v10  }
0x2c1: {  	v18 =	vld [tilespmem:s21+$0x20];
	s13 =	sand.u32 $0x3FFF, s13;
	[tilespmem:s23+$0x11610] =	vst v15;
	v10 =	vadd.f32 v11, v10  }
0x2c2: {  	s5 =	sand.u32 $0x1FFE, s5;
	[tilespmem:s13+$0x11610] =	vst v16;
	v11 =	vld [tilespmem:s21+$0xFFFFFFE0]  }
0x2c3: {  	v15 =	vld [tilespmem:s26+$0x20];
	[tilespmem:s5+$0x11610] =	vst v10  }
0x2c4: {  	v10 =	vld [tilespmem:s26+$0xFFFFFFE0]  }
0x2c5: {  	v14 =	vadd.f32 v14, v9  }
0x2c6: {  	[tilespmem:s24+$0x11620] =	vst v17;
	v16 =	vadd.f32 v18, v9  }
0x2c7: {  	v17 =	vld [tilespmem:s12+$0x30];
	[tilespmem:s1+$0x11620] =	vst v14;
	v11 =	vadd.f32 v11, v9  }
0x2c8: {  	v14 =	vld [tilespmem:s12+$0xFFFFFFF0];
	[tilespmem:s20+$0x11620] =	vst v16;
	v15 =	vadd.f32 v15, v9  }
0x2c9: {  	v16 =	vld [tilespmem:s21+$0x30];
	[tilespmem:s23+$0x11620] =	vst v11;
	v9 =	vadd.f32 v10, v9  }
0x2ca: {  	[tilespmem:s13+$0x11620] =	vst v15;
	v10 =	vadd.f32 v12, v8;
	v11 =	vld [tilespmem:s21+$0xFFFFFFF0]  }
0x2cb: {  	v12 =	vadd.f32 v13, v8;
	v13 =	vld [tilespmem:s26+$0x30];
	[tilespmem:s5+$0x11620] =	vst v9  }
0x2cc: {  	[tilespmem:s19+$0x11630] =	vst v10;
	v9 =	vadd.f32 v17, v8;
	v10 =	vld [tilespmem:s26+$0xFFFFFFF0]  }
0x2cd: {  	[tilespmem:s22+$0x11630] =	vst v12;
	v12 =	vadd.f32 v14, v8  }
0x2ce: {  	s25 =	simm.s32 $0x1;
	[tilespmem:s24+$0x11630] =	vst v9;
	v9 =	vadd.f32 v16, v8  }
0x2cf: {  	[tilespmem:s1+$0x11630] =	vst v12;
	v12 =	vadd.s32 s25, v0;
	v11 =	vadd.f32 v11, v8  }
0x2d0: {  	[tilespmem:s20+$0x11630] =	vst v9;
	v9 =	vadd.f32 v13, v8;
	v13 =	vadd.s32 s25, v7  }
0x2d1: {  	[tilespmem:s23+$0x11630] =	vst v11;
	v8 =	vadd.f32 v10, v8;
	v10 =	vadd.s32 s25, v1  }
0x2d2: {  	[tilespmem:s13+$0x11630] =	vst v9;
	v9 =	vadd.s32 s25, v2  }
0x2d3: {  	[tilespmem:s5+$0x11630] =	vst v8;
	v8 =	vadd.s32 s25, v3  }
0x2d4: {  	v11 =	vadd.s32 s25, v4;
	v14 =	vld.idx.msk [tilespmem:v12+s29+$0x0], $0xffff  }
0x2d5: {  	v12 =	vadd.s32 s25, v5;
	v13 =	vld.idx.msk [tilespmem:v13+s29+$0x0], $0xffff  }
0x2d6: {  	v16 =	vadd.s32 s25, v6;
	v15 =	vld.idx.msk [tilespmem:v10+s29+$0x0], $0xffff  }
0x2d7: {  	v19 =	vadd.s32 s3, v2;
	s26 =	simm.s32 $0x0;
	v17 =	vld.idx.msk [tilespmem:v9+s29+$0x0], $0xffff  }
0x2d8: {  	v21 =	vadd.s32 s3, v3;
	s19 =	simm.s32 $0x80;
	s28 =	sand.u32 $0x1C00, s26;
	v20 =	vld.idx.msk [tilespmem:v8+s29+$0x0], $0xffff  }
0x2d9: {  	s30 =	sand.u32 $0x380, s19;
	s5 =	sadd.s32 $0x15680, s28;
	v9 =	vadd.s32 s3, v0;
	v8 =	vld.idx.msk [tilespmem:v11+s29+$0x0], $0xffff  }
0x2da: {  	v18 =	vadd.s32 s3, v1;
	s22 =	sadd.s32 s30, s5;
	v10 =	vld.idx.msk [tilespmem:v12+s29+$0x0], $0xffff  }
0x2db: {  	v12 =	vld.idx.msk [tilespmem:v16+s29+$0x0], $0xffff;
	[tilespmem:s22+$0x70] =	vst v13;
	v16 =	vadd.s32 s3, v4  }
0x2dc: {  	v13 =	vld.idx.msk [tilespmem:v19+s29+$0x0], $0xffff;
	[tilespmem:s22+$0x10] =	vst v15;
	v15 =	vadd.s32 s3, v5  }
0x2dd: {  	[tilespmem:s22+$0x0] =	vst v14;
	v19 =	vadd.s32 s3, v6;
	v14 =	vld.idx.msk [tilespmem:v21+s29+$0x0], $0xffff  }
0x2de: {  	s1 =	sand.u32 $0x300, s26;
	s20 =	simm.s32 $0x3;
	v11 =	vld.idx.msk [tilespmem:v9+s29+$0x0], $0xffff;
	[tilespmem:s22+$0x20] =	vst v17;
	v17 =	vadd.s32 s3, v7  }
0x2df: {  	s12 =	simm.s32 $0x2;
	s21 =	sadd.s32 s1, s5;
	s1 =	simm.s32 $0x4;
	v9 =	vld.idx.msk [tilespmem:v18+s29+$0x0], $0xffff;
	v18 =	vadd.s32 s20, v0;
	[tilespmem:s22+$0x30] =	vst v20  }
.LBB2_25:
0x2e0: {  	p0 =	slt.u32 s1, $0x3E;
	v20 =	vadd.s32 s20, v7;
	v16 =	vld.idx.msk [tilespmem:v16+s29+$0x0], $0xffff;
	[tilespmem:s22+$0x40] =	vst v8  }
0x2e1: {  	v8 =	vadd.s32 s20, v1;
	v15 =	vld.idx.msk [tilespmem:v15+s29+$0x0], $0xffff;
	[tilespmem:s22+$0x50] =	vst v10  }
0x2e2: {  	v10 =	vadd.s32 s20, v2;
	v19 =	vld.idx.msk [tilespmem:v19+s29+$0x0], $0xffff;
	[tilespmem:s22+$0x60] =	vst v12  }
0x2e3: {  	v12 =	vadd.s32 s20, v3;
	v17 =	vld.idx.msk [tilespmem:v17+s29+$0x0], $0xffff;
	[tilespmem:s21+$0x0] =	vst v11  }
0x2e4: {  	v11 =	vadd.s32 s20, v4;
	v18 =	vld.idx.msk [tilespmem:v18+s29+$0x0], $0xffff;
	[tilespmem:s21+$0x10] =	vst v9  }
0x2e5: {  	v9 =	vadd.s32 s20, v5;
	v20 =	vld.idx.msk [tilespmem:v20+s29+$0x0], $0xffff;
	[tilespmem:s21+$0x20] =	vst v13  }
0x2e6: {  	v21 =	vadd.s32 s20, v6;
	s19 =	sadd.s32 $0x100, s19;
	v13 =	vld.idx.msk [tilespmem:v8+s29+$0x0], $0xffff;
	[tilespmem:s21+$0x30] =	vst v14  }
0x2e7: {  	s3 =	sadd.s32 $0xFFFFFF80, s19;
	v14 =	vadd.s32 s12, v0;
	v22 =	vld.idx.msk [tilespmem:v10+s29+$0x0], $0xffff;
	[tilespmem:s21+$0x40] =	vst v16  }
0x2e8: {  	v23 =	vadd.s32 s12, v1;
	s5 =	sand.u32 $0x300, s3;
	s3 =	sand.u32 $0x1C00, s3;
	v24 =	vld.idx.msk [tilespmem:v12+s29+$0x0], $0xffff;
	[tilespmem:s21+$0x50] =	vst v15  }
0x2e9: {  	v25 =	vadd.s32 s12, v2;
	s13 =	sand.u32 $0x380, s19;
	s3 =	sadd.s32 $0x15680, s3;
	v8 =	vld.idx.msk [tilespmem:v11+s29+$0x0], $0xffff;
	[tilespmem:s21+$0x60] =	vst v19  }
0x2ea: {  	v26 =	vadd.s32 s12, v3;
	s22 =	sadd.s32 s13, s3;
	v10 =	vld.idx.msk [tilespmem:v9+s29+$0x0], $0xffff;
	[tilespmem:s21+$0x70] =	vst v17;
	s21 =	sadd.s32 s5, s3  }
.Ltmp11:
0x2eb: {  	v16 =	vadd.s32 s12, v4;
	v12 =	vld.idx.msk [tilespmem:v21+s29+$0x0], $0xffff;
	[tilespmem:s22+$0x70] =	vst v20;
	(pc) =	sbr.rel @p0 .LBB2_25-.Ltmp11, $4  }
0x2ec: {  	v15 =	vadd.s32 s12, v5;
	v11 =	vld.idx.msk [tilespmem:v14+s29+$0x0], $0xffff;
	[tilespmem:s22+$0x0] =	vst v18  }
0x2ed: {  	v19 =	vadd.s32 s12, v6;
	v9 =	vld.idx.msk [tilespmem:v23+s29+$0x0], $0xffff;
	[tilespmem:s22+$0x10] =	vst v13  }
0x2ee: {  	s20 =	sadd.s32 $0x1, s1;
	v17 =	vadd.s32 s12, v7;
	s12 =	smov.u32 s1;
	v13 =	vld.idx.msk [tilespmem:v25+s29+$0x0], $0xffff;
	[tilespmem:s22+$0x20] =	vst v22  }
0x2ef: {  	s1 =	sadd.s32 $0x2, s1;
	v18 =	vadd.s32 s20, v0;
	v14 =	vld.idx.msk [tilespmem:v26+s29+$0x0], $0xffff;
	[tilespmem:s22+$0x30] =	vst v24  }
0x2f0: {  	_ =	sdelay $0x3  }
0x2f1: {  	v20 =	vadd.s32 s20, v7;
	v16 =	vld.idx.msk [tilespmem:v16+s29+$0x0], $0xffff;
	[tilespmem:s22+$0x40] =	vst v8  }
0x2f2: {  	v8 =	vadd.s32 s20, v1;
	v15 =	vld.idx.msk [tilespmem:v15+s29+$0x0], $0xffff;
	[tilespmem:s22+$0x50] =	vst v10  }
0x2f3: {  	v10 =	vadd.s32 s20, v2;
	v19 =	vld.idx.msk [tilespmem:v19+s29+$0x0], $0xffff;
	[tilespmem:s22+$0x60] =	vst v12  }
0x2f4: {  	v12 =	vadd.s32 s20, v3;
	v17 =	vld.idx.msk [tilespmem:v17+s29+$0x0], $0xffff;
	[tilespmem:s21+$0x0] =	vst v11  }
0x2f5: {  	v11 =	vld.idx.msk [tilespmem:v18+s29+$0x0], $0xffff;
	v18 =	vadd.s32 s20, v4;
	[tilespmem:s21+$0x10] =	vst v9  }
0x2f6: {  	v9 =	vadd.s32 s20, v5;
	[tilespmem:s21+$0x20] =	vst v13;
	v20 =	vld.idx.msk [tilespmem:v20+s29+$0x0], $0xffff  }
0x2f7: {  	s1 =	sadd.s32 $0x100, s19;
	v13 =	vadd.s32 s20, v6;
	[tilespmem:s21+$0x30] =	vst v14;
	v8 =	vld.idx.msk [tilespmem:v8+s29+$0x0], $0xffff  }
0x2f8: {  	s3 =	sadd.s32 $0xFFFFFF80, s1;
	v14 =	vadd.s32 s12, v0;
	v10 =	vld.idx.msk [tilespmem:v10+s29+$0x0], $0xffff;
	[tilespmem:s21+$0x40] =	vst v16  }
0x2f9: {  	s5 =	sand.u32 $0x1C00, s3;
	v16 =	vadd.s32 s12, v1;
	v12 =	vld.idx.msk [tilespmem:v12+s29+$0x0], $0xffff;
	[tilespmem:s21+$0x50] =	vst v15  }
0x2fa: {  	s1 =	sand.u32 $0x380, s1;
	s5 =	sadd.s32 $0x15680, s5;
	v15 =	vadd.s32 s12, v2;
	[tilespmem:s21+$0x60] =	vst v19;
	v18 =	vld.idx.msk [tilespmem:v18+s29+$0x0], $0xffff  }
0x2fb: {  	s1 =	sadd.s32 s1, s5;
	v19 =	vadd.s32 s12, v3;
	[tilespmem:s21+$0x70] =	vst v17;
	v9 =	vld.idx.msk [tilespmem:v9+s29+$0x0], $0xffff  }
0x2fc: {  	v17 =	vadd.s32 s12, v4;
	v13 =	vld.idx.msk [tilespmem:v13+s29+$0x0], $0xffff;
	[tilespmem:s1+$0x0] =	vst v11  }
0x2fd: {  	v14 =	vld.idx.msk [tilespmem:v14+s29+$0x0], $0xffff;
	[tilespmem:s1+$0x70] =	vst v20;
	v20 =	vadd.s32 s12, v5  }
0x2fe: {  	v11 =	vld.idx.msk [tilespmem:v16+s29+$0x0], $0xffff;
	v16 =	vadd.s32 s12, v6;
	[tilespmem:s1+$0x10] =	vst v8  }
0x2ff: {  	v8 =	vld.idx.msk [tilespmem:v15+s29+$0x0], $0xffff;
	v15 =	vadd.s32 s12, v7;
	[tilespmem:s1+$0x20] =	vst v10  }
0x300: {  	v10 =	vld.idx.msk [tilespmem:v19+s29+$0x0], $0xffff;
	[tilespmem:s1+$0x30] =	vst v12  }
0x301: {  	v12 =	vld.idx.msk [tilespmem:v17+s29+$0x0], $0xffff;
	[tilespmem:s1+$0x40] =	vst v18  }
0x302: {  	s3 =	sand.u32 $0x300, s3;
	[tilespmem:s1+$0x50] =	vst v9;
	v17 =	vld.idx.msk [tilespmem:v20+s29+$0x0], $0xffff  }
0x303: {  	s3 =	sadd.s32 s3, s5;
	[tilespmem:s1+$0x60] =	vst v13;
	v9 =	vld.idx.msk [tilespmem:v16+s29+$0x0], $0xffff  }
0x304: {  	v13 =	vld.idx.msk [tilespmem:v15+s29+$0x0], $0xffff;
	[tilespmem:s3+$0x0] =	vst v14  }
0x305: {  	[tilespmem:s3+$0x10] =	vst v11  }
0x306: {  	[tilespmem:s3+$0x20] =	vst v8  }
0x307: {  	[tilespmem:s3+$0x30] =	vst v10  }
0x308: {  	[tilespmem:s3+$0x40] =	vst v12  }
0x309: {  	s5 =	sshll.u32 s7, $0x12;
	[tilespmem:s3+$0x50] =	vst v17  }
0x30a: {  	s1 =	sor.u32 s8, s5;
	[tilespmem:s3+$0x60] =	vst v9  }
0x30b: {  	s26 =	sadd.s32 $0x480, s16;
	s30 =	simm.s32 $0xB600;
	s1 =	sshrl.u32 s1, $0x3;
	[tilespmem:s3+$0x70] =	vst v13  }
0x30c: {  	[tilespmem:s30], [sflag:$0x2] =	stream.indirect.gather [hbm4b:s4+s17], $0x40, s26, s17, $0xb8;
	[tilespmem:$0x1B680] =	vst v63  }
0x30d: {  	s7 =	simm.s32 $0x15680;
	s12 =	simm.s32 $0x3;
	s1 =	sadd.s32 s2, s1  }
0x30e: {  	[hbm4b:s1+s31] =	stream.strided.scatter [tilespmem:s7], [sflag:$0x6], $0x2000, s0, s31, $0x38;
	[tilespmem:$0x1B680] =	vst v63  }
0x30f: {  	_ =	swait.ge [sflag:s12], $0x2000  }
0x310: {  	[sflag:s12] =	ssyncset.done $0x0  }
0x311: {  	[sflag:s12] =	ssyncadd.s32 $0xFFFFE000  }
0x312: {  	s7 =	sadd.s32 $0x6, s15;
	_ =	swait.ge [sflag:s10], $0x2000  }
0x313: {  	s13 =	sshll.u32 s7, $0x6;
	[sflag:s10] =	ssyncset.done $0x0  }
0x314: {  	s1 =	sand.u32 $0x3FFFFFC0, s13;
	[sflag:s10] =	ssyncadd.s32 $0xFFFFE000  }
0x315: {  	s18 =	simm.s32 $0xD640;
	v11 =	vld [tilespmem:s1+$0x6400]  }
0x316: {  	v8 =	vld [tilespmem:s18+$0x0];
	_ =	sdelay $0x2  }
0x317: {  	v10 =	vld [tilespmem:s1+$0x6410]  }
0x318: {  	v12 =	vld [tilespmem:s18+$0xFFFFFFC0]  }
0x319: {  	v9 =	vld [tilespmem:s1+$0x6420];
	v13 =	vadd.f32 v8, v11  }
0x31a: {  	s21 =	simm.s32 $0x11641;
	s12 =	simm.s32 $0xD6C0;
	v8 =	vld [tilespmem:s1+$0x6430]  }
0x31b: {  	[tilespmem:s21+$0x0] =	vst v13;
	v13 =	vld [tilespmem:s12+$0x0]  }
0x31c: {  	v14 =	vld [tilespmem:s18+$0x10]  }
0x31d: {  	v12 =	vadd.f32 v12, v11;
	_ =	sdelay $0x1  }
0x31e: {  	[tilespmem:s21+$0xFFFFFFBF] =	vst v12;
	v12 =	vld [tilespmem:s12+$0xFFFFFFC0]  }
0x31f: {  	v15 =	vld [tilespmem:s18+$0xFFFFFFD0];
	v13 =	vadd.f32 v13, v11  }
0x320: {  	s22 =	simm.s32 $0x41;
	s23 =	simm.s32 $0x116C3;
	s21 =	simm.s32 $0xD740;
	v14 =	vadd.f32 v14, v10  }
0x321: {  	s19 =	sand.u32 $0x3FFF, s22;
	[tilespmem:s23+$0x0] =	vst v13;
	v13 =	vld [tilespmem:s21+$0x0]  }
0x322: {  	[tilespmem:s19+$0x11610] =	vst v14;
	v14 =	vld [tilespmem:s12+$0x10]  }
0x323: {  	v12 =	vadd.f32 v12, v11  }
0x324: {  	s3 =	simm.s32 $0x0;
	v15 =	vadd.f32 v15, v10;
	v16 =	vld [tilespmem:s18+$0x20]  }
0x325: {  	s22 =	sand.u32 $0x1FFE, s3;
	[tilespmem:s23+$0xFFFFFFBF] =	vst v12;
	v12 =	vld [tilespmem:s21+$0xFFFFFFC0]  }
0x326: {  	[tilespmem:s22+$0x11610] =	vst v15;
	v15 =	vld [tilespmem:s12+$0xFFFFFFD0];
	v13 =	vadd.f32 v13, v11  }
0x327: {  	s24 =	simm.s32 $0xC3;
	s25 =	simm.s32 $0x11745;
	s26 =	simm.s32 $0xD7C0;
	v17 =	vld [tilespmem:s18+$0xFFFFFFE0];
	v14 =	vadd.f32 v14, v10  }
0x328: {  	s24 =	sand.u32 $0x3FFF, s24;
	v18 =	vld [tilespmem:s26+$0x0];
	[tilespmem:s25+$0x0] =	vst v13  }
0x329: {  	v13 =	vadd.f32 v16, v9;
	[tilespmem:s24+$0x11610] =	vst v14;
	v19 =	vld [tilespmem:s21+$0x10]  }
0x32a: {  	v14 =	vadd.f32 v12, v11;
	v20 =	vld [tilespmem:s12+$0x20]  }
0x32b: {  	s30 =	simm.s32 $0x82;
	v16 =	vld [tilespmem:s26+$0xFFFFFFC0];
	[tilespmem:s19+$0x11620] =	vst v13;
	v13 =	vadd.f32 v15, v10  }
0x32c: {  	s1 =	sand.u32 $0x1FFE, s30;
	v12 =	vld [tilespmem:s18+$0x30];
	[tilespmem:s25+$0xFFFFFFBF] =	vst v14;
	v14 =	vadd.f32 v17, v9  }
0x32d: {  	s28 =	simm.s32 $0x117C7;
	[tilespmem:s1+$0x11610] =	vst v13;
	v13 =	vadd.f32 v18, v11;
	v15 =	vld [tilespmem:s21+$0xFFFFFFD0]  }
0x32e: {  	s5 =	simm.s32 $0x104;
	s13 =	simm.s32 $0x6;
	s25 =	simm.s32 $0x145;
	[tilespmem:s22+$0x11620] =	vst v14;
	v14 =	vld [tilespmem:s12+$0xFFFFFFE0]  }
0x32f: {  	s23 =	sand.u32 $0x1FFE, s5;
	s20 =	sand.u32 $0x3FFF, s25;
	v18 =	vadd.f32 v19, v10;
	[tilespmem:s28+$0x0] =	vst v13;
	v13 =	vld [tilespmem:s18+$0xFFFFFFF0];
	s18 =	simm.s32 $0xD840;
	v17 =	vadd.f32 v20, v9  }
.LBB2_27:
0x330: {  	s25 =	smov.u32 s1  }
0x331: {  	v19 =	vld [tilespmem:s18+$0x0];
	[tilespmem:s20+$0x11610] =	vst v18;
	v12 =	vadd.f32 v12, v8;
	s1 =	smov.u32 s23;
	s30 =	smov.u32 s12;
	s12 =	smov.u32 s21  }
0x332: {  	s21 =	smov.u32 s26;
	s13 =	sadd.s32 $0x2, s13;
	v16 =	vadd.f32 v16, v11;
	v18 =	vld [tilespmem:s26+$0x10];
	[tilespmem:s24+$0x11620] =	vst v17;
	s26 =	smov.u32 s18  }
0x333: {  	p0 =	slt.u32 s13, $0x7E;
	v15 =	vadd.f32 v15, v10;
	v17 =	vld [tilespmem:s12+$0x20];
	[tilespmem:s19+$0x11630] =	vst v12;
	s19 =	smov.u32 s24;
	s24 =	smov.u32 s20  }
.Ltmp12:
0x334: {  	[tilespmem:s28+$0xFFFFFFBF] =	vst v16;
	v14 =	vadd.f32 v14, v9;
	v12 =	vld [tilespmem:s30+$0x30];
	(pc) =	sbr.rel @p0 .LBB2_27-.Ltmp12, $4  }
0x335: {  	v16 =	vld [tilespmem:s18+$0xFFFFFFC0];
	[tilespmem:s1+$0x11610] =	vst v15;
	v13 =	vadd.f32 v13, v8  }
0x336: {  	s5 =	sadd.s32 $0x82, s5;
	v19 =	vadd.f32 v19, v11;
	v15 =	vld [tilespmem:s21+$0xFFFFFFD0];
	[tilespmem:s25+$0x11620] =	vst v14  }
0x337: {  	s23 =	sand.u32 $0x1FFE, s5;
	s20 =	sadd.s32 $0x41, s5;
	s28 =	sadd.s32 $0x82, s28;
	v18 =	vadd.f32 v18, v10;
	v14 =	vld [tilespmem:s12+$0xFFFFFFE0];
	[tilespmem:s22+$0x11630] =	vst v13  }
0x338: {  	s20 =	sand.u32 $0x3FFF, s20;
	s18 =	sadd.s32 $0x80, s18;
	s22 =	smov.u32 s25;
	[tilespmem:s28+$0x0] =	vst v19;
	v17 =	vadd.f32 v17, v9;
	v13 =	vld [tilespmem:s30+$0xFFFFFFF0]  }
0x339: {  	_ = 	snop  }
0x33a: {  	v11 =	vadd.f32 v16, v11;
	_ =	sdelay $0x1  }
0x33b: {  	v16 =	vld [tilespmem:s26+$0x10];
	[tilespmem:s28+$0xFFFFFFBF] =	vst v11  }
0x33c: {  	v11 =	vld [tilespmem:s26+$0xFFFFFFD0];
	_ =	sdelay $0x2  }
0x33d: {  	s5 =	sadd.s32 $0x82, s5;
	v15 =	vadd.f32 v15, v10  }
0x33e: {  	[tilespmem:s20+$0x11610] =	vst v18;
	s13 =	sadd.s32 $0x41, s5;
	v16 =	vadd.f32 v16, v10  }
0x33f: {  	v18 =	vld [tilespmem:s21+$0x20];
	s13 =	sand.u32 $0x3FFF, s13;
	[tilespmem:s23+$0x11610] =	vst v15;
	v10 =	vadd.f32 v11, v10  }
0x340: {  	s5 =	sand.u32 $0x1FFE, s5;
	[tilespmem:s13+$0x11610] =	vst v16;
	v11 =	vld [tilespmem:s21+$0xFFFFFFE0]  }
0x341: {  	v15 =	vld [tilespmem:s26+$0x20];
	[tilespmem:s5+$0x11610] =	vst v10  }
0x342: {  	v10 =	vld [tilespmem:s26+$0xFFFFFFE0]  }
0x343: {  	v14 =	vadd.f32 v14, v9  }
0x344: {  	[tilespmem:s24+$0x11620] =	vst v17;
	v16 =	vadd.f32 v18, v9  }
0x345: {  	v17 =	vld [tilespmem:s12+$0x30];
	[tilespmem:s1+$0x11620] =	vst v14;
	v11 =	vadd.f32 v11, v9  }
0x346: {  	v14 =	vld [tilespmem:s12+$0xFFFFFFF0];
	[tilespmem:s20+$0x11620] =	vst v16;
	v15 =	vadd.f32 v15, v9  }
0x347: {  	v16 =	vld [tilespmem:s21+$0x30];
	[tilespmem:s23+$0x11620] =	vst v11;
	v9 =	vadd.f32 v10, v9  }
0x348: {  	[tilespmem:s13+$0x11620] =	vst v15;
	v10 =	vadd.f32 v12, v8;
	v11 =	vld [tilespmem:s21+$0xFFFFFFF0]  }
0x349: {  	v12 =	vadd.f32 v13, v8;
	v13 =	vld [tilespmem:s26+$0x30];
	[tilespmem:s5+$0x11620] =	vst v9  }
0x34a: {  	[tilespmem:s19+$0x11630] =	vst v10;
	v9 =	vadd.f32 v17, v8;
	v10 =	vld [tilespmem:s26+$0xFFFFFFF0]  }
0x34b: {  	[tilespmem:s22+$0x11630] =	vst v12;
	v12 =	vadd.f32 v14, v8  }
0x34c: {  	s25 =	simm.s32 $0x1;
	[tilespmem:s24+$0x11630] =	vst v9;
	v9 =	vadd.f32 v16, v8  }
0x34d: {  	[tilespmem:s1+$0x11630] =	vst v12;
	v12 =	vadd.s32 s25, v0;
	v11 =	vadd.f32 v11, v8  }
0x34e: {  	[tilespmem:s20+$0x11630] =	vst v9;
	v9 =	vadd.f32 v13, v8;
	v13 =	vadd.s32 s25, v7  }
0x34f: {  	[tilespmem:s23+$0x11630] =	vst v11;
	v8 =	vadd.f32 v10, v8;
	v10 =	vadd.s32 s25, v1  }
0x350: {  	[tilespmem:s13+$0x11630] =	vst v9;
	v9 =	vadd.s32 s25, v2  }
0x351: {  	[tilespmem:s5+$0x11630] =	vst v8;
	v8 =	vadd.s32 s25, v3  }
0x352: {  	v11 =	vadd.s32 s25, v4;
	v14 =	vld.idx.msk [tilespmem:v12+s29+$0x0], $0xffff  }
0x353: {  	v12 =	vadd.s32 s25, v5;
	v13 =	vld.idx.msk [tilespmem:v13+s29+$0x0], $0xffff  }
0x354: {  	v16 =	vadd.s32 s25, v6;
	v15 =	vld.idx.msk [tilespmem:v10+s29+$0x0], $0xffff  }
0x355: {  	v19 =	vadd.s32 s3, v2;
	s26 =	simm.s32 $0x0;
	v17 =	vld.idx.msk [tilespmem:v9+s29+$0x0], $0xffff  }
0x356: {  	v21 =	vadd.s32 s3, v3;
	s19 =	simm.s32 $0x80;
	s28 =	sand.u32 $0x1C00, s26;
	v20 =	vld.idx.msk [tilespmem:v8+s29+$0x0], $0xffff  }
0x357: {  	s30 =	sand.u32 $0x380, s19;
	s5 =	sadd.s32 $0x17680, s28;
	v9 =	vadd.s32 s3, v0;
	v8 =	vld.idx.msk [tilespmem:v11+s29+$0x0], $0xffff  }
0x358: {  	v18 =	vadd.s32 s3, v1;
	s22 =	sadd.s32 s30, s5;
	v10 =	vld.idx.msk [tilespmem:v12+s29+$0x0], $0xffff  }
0x359: {  	v12 =	vld.idx.msk [tilespmem:v16+s29+$0x0], $0xffff;
	[tilespmem:s22+$0x70] =	vst v13;
	v16 =	vadd.s32 s3, v4  }
0x35a: {  	v13 =	vld.idx.msk [tilespmem:v19+s29+$0x0], $0xffff;
	[tilespmem:s22+$0x10] =	vst v15;
	v15 =	vadd.s32 s3, v5  }
0x35b: {  	[tilespmem:s22+$0x0] =	vst v14;
	v19 =	vadd.s32 s3, v6;
	v14 =	vld.idx.msk [tilespmem:v21+s29+$0x0], $0xffff  }
0x35c: {  	s1 =	sand.u32 $0x300, s26;
	s20 =	simm.s32 $0x3;
	v11 =	vld.idx.msk [tilespmem:v9+s29+$0x0], $0xffff;
	[tilespmem:s22+$0x20] =	vst v17;
	v17 =	vadd.s32 s3, v7  }
0x35d: {  	s12 =	simm.s32 $0x2;
	s21 =	sadd.s32 s1, s5;
	s1 =	simm.s32 $0x4;
	v9 =	vld.idx.msk [tilespmem:v18+s29+$0x0], $0xffff;
	v18 =	vadd.s32 s20, v0;
	[tilespmem:s22+$0x30] =	vst v20  }
.LBB2_29:
0x35e: {  	p0 =	slt.u32 s1, $0x3E;
	v20 =	vadd.s32 s20, v7;
	v16 =	vld.idx.msk [tilespmem:v16+s29+$0x0], $0xffff;
	[tilespmem:s22+$0x40] =	vst v8  }
0x35f: {  	v8 =	vadd.s32 s20, v1;
	v15 =	vld.idx.msk [tilespmem:v15+s29+$0x0], $0xffff;
	[tilespmem:s22+$0x50] =	vst v10  }
0x360: {  	v10 =	vadd.s32 s20, v2;
	v19 =	vld.idx.msk [tilespmem:v19+s29+$0x0], $0xffff;
	[tilespmem:s22+$0x60] =	vst v12  }
0x361: {  	v12 =	vadd.s32 s20, v3;
	v17 =	vld.idx.msk [tilespmem:v17+s29+$0x0], $0xffff;
	[tilespmem:s21+$0x0] =	vst v11  }
0x362: {  	v11 =	vadd.s32 s20, v4;
	v18 =	vld.idx.msk [tilespmem:v18+s29+$0x0], $0xffff;
	[tilespmem:s21+$0x10] =	vst v9  }
0x363: {  	v9 =	vadd.s32 s20, v5;
	v20 =	vld.idx.msk [tilespmem:v20+s29+$0x0], $0xffff;
	[tilespmem:s21+$0x20] =	vst v13  }
0x364: {  	v21 =	vadd.s32 s20, v6;
	s19 =	sadd.s32 $0x100, s19;
	v13 =	vld.idx.msk [tilespmem:v8+s29+$0x0], $0xffff;
	[tilespmem:s21+$0x30] =	vst v14  }
0x365: {  	s3 =	sadd.s32 $0xFFFFFF80, s19;
	v14 =	vadd.s32 s12, v0;
	v22 =	vld.idx.msk [tilespmem:v10+s29+$0x0], $0xffff;
	[tilespmem:s21+$0x40] =	vst v16  }
0x366: {  	v23 =	vadd.s32 s12, v1;
	s5 =	sand.u32 $0x300, s3;
	s3 =	sand.u32 $0x1C00, s3;
	v24 =	vld.idx.msk [tilespmem:v12+s29+$0x0], $0xffff;
	[tilespmem:s21+$0x50] =	vst v15  }
0x367: {  	v25 =	vadd.s32 s12, v2;
	s13 =	sand.u32 $0x380, s19;
	s3 =	sadd.s32 $0x17680, s3;
	v8 =	vld.idx.msk [tilespmem:v11+s29+$0x0], $0xffff;
	[tilespmem:s21+$0x60] =	vst v19  }
0x368: {  	v26 =	vadd.s32 s12, v3;
	s22 =	sadd.s32 s13, s3;
	v10 =	vld.idx.msk [tilespmem:v9+s29+$0x0], $0xffff;
	[tilespmem:s21+$0x70] =	vst v17;
	s21 =	sadd.s32 s5, s3  }
.Ltmp13:
0x369: {  	v16 =	vadd.s32 s12, v4;
	v12 =	vld.idx.msk [tilespmem:v21+s29+$0x0], $0xffff;
	[tilespmem:s22+$0x70] =	vst v20;
	(pc) =	sbr.rel @p0 .LBB2_29-.Ltmp13, $4  }
0x36a: {  	v15 =	vadd.s32 s12, v5;
	v11 =	vld.idx.msk [tilespmem:v14+s29+$0x0], $0xffff;
	[tilespmem:s22+$0x0] =	vst v18  }
0x36b: {  	v19 =	vadd.s32 s12, v6;
	v9 =	vld.idx.msk [tilespmem:v23+s29+$0x0], $0xffff;
	[tilespmem:s22+$0x10] =	vst v13  }
0x36c: {  	s20 =	sadd.s32 $0x1, s1;
	v17 =	vadd.s32 s12, v7;
	s12 =	smov.u32 s1;
	v13 =	vld.idx.msk [tilespmem:v25+s29+$0x0], $0xffff;
	[tilespmem:s22+$0x20] =	vst v22  }
0x36d: {  	s1 =	sadd.s32 $0x2, s1;
	v18 =	vadd.s32 s20, v0;
	v14 =	vld.idx.msk [tilespmem:v26+s29+$0x0], $0xffff;
	[tilespmem:s22+$0x30] =	vst v24  }
0x36e: {  	_ =	sdelay $0x3  }
0x36f: {  	v20 =	vadd.s32 s20, v7;
	v16 =	vld.idx.msk [tilespmem:v16+s29+$0x0], $0xffff;
	[tilespmem:s22+$0x40] =	vst v8  }
0x370: {  	v8 =	vadd.s32 s20, v1;
	v15 =	vld.idx.msk [tilespmem:v15+s29+$0x0], $0xffff;
	[tilespmem:s22+$0x50] =	vst v10  }
0x371: {  	v10 =	vadd.s32 s20, v2;
	v19 =	vld.idx.msk [tilespmem:v19+s29+$0x0], $0xffff;
	[tilespmem:s22+$0x60] =	vst v12  }
0x372: {  	v12 =	vadd.s32 s20, v3;
	v17 =	vld.idx.msk [tilespmem:v17+s29+$0x0], $0xffff;
	[tilespmem:s21+$0x0] =	vst v11  }
0x373: {  	v11 =	vld.idx.msk [tilespmem:v18+s29+$0x0], $0xffff;
	v18 =	vadd.s32 s20, v4;
	[tilespmem:s21+$0x10] =	vst v9  }
0x374: {  	v9 =	vadd.s32 s20, v5;
	[tilespmem:s21+$0x20] =	vst v13;
	v20 =	vld.idx.msk [tilespmem:v20+s29+$0x0], $0xffff  }
0x375: {  	s1 =	sadd.s32 $0x100, s19;
	v13 =	vadd.s32 s20, v6;
	[tilespmem:s21+$0x30] =	vst v14;
	v8 =	vld.idx.msk [tilespmem:v8+s29+$0x0], $0xffff  }
0x376: {  	s3 =	sadd.s32 $0xFFFFFF80, s1;
	v14 =	vadd.s32 s12, v0;
	v10 =	vld.idx.msk [tilespmem:v10+s29+$0x0], $0xffff;
	[tilespmem:s21+$0x40] =	vst v16  }
0x377: {  	s5 =	sand.u32 $0x1C00, s3;
	v16 =	vadd.s32 s12, v1;
	v12 =	vld.idx.msk [tilespmem:v12+s29+$0x0], $0xffff;
	[tilespmem:s21+$0x50] =	vst v15  }
0x378: {  	s1 =	sand.u32 $0x380, s1;
	s5 =	sadd.s32 $0x17680, s5;
	v15 =	vadd.s32 s12, v2;
	[tilespmem:s21+$0x60] =	vst v19;
	v18 =	vld.idx.msk [tilespmem:v18+s29+$0x0], $0xffff  }
0x379: {  	s1 =	sadd.s32 s1, s5;
	v19 =	vadd.s32 s12, v3;
	[tilespmem:s21+$0x70] =	vst v17;
	v9 =	vld.idx.msk [tilespmem:v9+s29+$0x0], $0xffff  }
0x37a: {  	v17 =	vadd.s32 s12, v4;
	v13 =	vld.idx.msk [tilespmem:v13+s29+$0x0], $0xffff;
	[tilespmem:s1+$0x0] =	vst v11  }
0x37b: {  	v14 =	vld.idx.msk [tilespmem:v14+s29+$0x0], $0xffff;
	[tilespmem:s1+$0x70] =	vst v20;
	v20 =	vadd.s32 s12, v5  }
0x37c: {  	v11 =	vld.idx.msk [tilespmem:v16+s29+$0x0], $0xffff;
	v16 =	vadd.s32 s12, v6;
	[tilespmem:s1+$0x10] =	vst v8  }
0x37d: {  	v8 =	vld.idx.msk [tilespmem:v15+s29+$0x0], $0xffff;
	v15 =	vadd.s32 s12, v7;
	[tilespmem:s1+$0x20] =	vst v10  }
0x37e: {  	v10 =	vld.idx.msk [tilespmem:v19+s29+$0x0], $0xffff;
	[tilespmem:s1+$0x30] =	vst v12  }
0x37f: {  	v12 =	vld.idx.msk [tilespmem:v17+s29+$0x0], $0xffff;
	[tilespmem:s1+$0x40] =	vst v18  }
0x380: {  	s3 =	sand.u32 $0x300, s3;
	[tilespmem:s1+$0x50] =	vst v9;
	v17 =	vld.idx.msk [tilespmem:v20+s29+$0x0], $0xffff  }
0x381: {  	s3 =	sadd.s32 s3, s5;
	[tilespmem:s1+$0x60] =	vst v13;
	v9 =	vld.idx.msk [tilespmem:v16+s29+$0x0], $0xffff  }
0x382: {  	v13 =	vld.idx.msk [tilespmem:v15+s29+$0x0], $0xffff;
	[tilespmem:s3+$0x0] =	vst v14  }
0x383: {  	[tilespmem:s3+$0x10] =	vst v11  }
0x384: {  	[tilespmem:s3+$0x20] =	vst v8  }
0x385: {  	[tilespmem:s3+$0x30] =	vst v10  }
0x386: {  	[tilespmem:s3+$0x40] =	vst v12  }
0x387: {  	s7 =	sshll.u32 s7, $0x12;
	[tilespmem:s3+$0x50] =	vst v17  }
0x388: {  	s1 =	sor.u32 s8, s7;
	[tilespmem:s3+$0x60] =	vst v9  }
0x389: {  	s5 =	simm.s32 $0xD600;
	s1 =	sshrl.u32 s1, $0x3;
	[tilespmem:s3+$0x70] =	vst v13;
	s3 =	sadd.s32 $0x500, s16  }
0x38a: {  	[tilespmem:s5], [sflag:$0x3] =	stream.indirect.gather [hbm4b:s4+s17], $0x40, s3, s17, $0xb8;
	[tilespmem:$0x1B680] =	vst v63  }
0x38b: {  	s13 =	simm.s32 $0x4;
	s12 =	simm.s32 $0x17680;
	s1 =	sadd.s32 s2, s1  }
0x38c: {  	[hbm4b:s1+s31] =	stream.strided.scatter [tilespmem:s12], [sflag:$0x7], $0x2000, s0, s31, $0x38;
	[tilespmem:$0x1B680] =	vst v63  }
0x38d: {  	_ =	swait.ge [sflag:s13], $0x2000  }
0x38e: {  	[sflag:s13] =	ssyncset.done $0x0  }
0x38f: {  	[sflag:s13] =	ssyncadd.s32 $0xFFFFE000  }
0x390: {  	s7 =	sadd.s32 $0x7, s15;
	_ =	swait.ge [sflag:s11], $0x2000  }
0x391: {  	s15 =	sshll.u32 s7, $0x6;
	[sflag:s11] =	ssyncset.done $0x0  }
0x392: {  	s1 =	sand.u32 $0x3FFFFFC0, s15;
	[sflag:s11] =	ssyncadd.s32 $0xFFFFE000  }
0x393: {  	s18 =	simm.s32 $0xF640;
	v11 =	vld [tilespmem:s1+$0x6400]  }
0x394: {  	v8 =	vld [tilespmem:s18+$0x0];
	_ =	sdelay $0x2  }
0x395: {  	v10 =	vld [tilespmem:s1+$0x6410]  }
0x396: {  	v12 =	vld [tilespmem:s18+$0xFFFFFFC0]  }
0x397: {  	v9 =	vld [tilespmem:s1+$0x6420];
	v13 =	vadd.f32 v8, v11  }
0x398: {  	s23 =	simm.s32 $0x11641;
	s12 =	simm.s32 $0xF6C0;
	v8 =	vld [tilespmem:s1+$0x6430]  }
0x399: {  	[tilespmem:s23+$0x0] =	vst v13;
	v13 =	vld [tilespmem:s12+$0x0]  }
0x39a: {  	v14 =	vld [tilespmem:s18+$0x10]  }
0x39b: {  	v12 =	vadd.f32 v12, v11;
	_ =	sdelay $0x1  }
0x39c: {  	[tilespmem:s23+$0xFFFFFFBF] =	vst v12;
	v12 =	vld [tilespmem:s12+$0xFFFFFFC0]  }
0x39d: {  	v15 =	vld [tilespmem:s18+$0xFFFFFFD0];
	v13 =	vadd.f32 v13, v11  }
0x39e: {  	s24 =	simm.s32 $0x41;
	s25 =	simm.s32 $0x116C3;
	s19 =	simm.s32 $0xF740;
	v14 =	vadd.f32 v14, v10  }
0x39f: {  	s15 =	sand.u32 $0x3FFF, s24;
	[tilespmem:s25+$0x0] =	vst v13;
	v13 =	vld [tilespmem:s19+$0x0]  }
0x3a0: {  	[tilespmem:s15+$0x11610] =	vst v14;
	v14 =	vld [tilespmem:s12+$0x10]  }
0x3a1: {  	v12 =	vadd.f32 v12, v11  }
0x3a2: {  	s3 =	simm.s32 $0x0;
	v15 =	vadd.f32 v15, v10;
	v16 =	vld [tilespmem:s18+$0x20]  }
0x3a3: {  	s21 =	sand.u32 $0x1FFE, s3;
	[tilespmem:s25+$0xFFFFFFBF] =	vst v12;
	v12 =	vld [tilespmem:s19+$0xFFFFFFC0]  }
0x3a4: {  	[tilespmem:s21+$0x11610] =	vst v15;
	v15 =	vld [tilespmem:s12+$0xFFFFFFD0];
	v13 =	vadd.f32 v13, v11  }
0x3a5: {  	s26 =	simm.s32 $0xC3;
	s28 =	simm.s32 $0x11745;
	s24 =	simm.s32 $0xF7C0;
	v17 =	vld [tilespmem:s18+$0xFFFFFFE0];
	v14 =	vadd.f32 v14, v10  }
0x3a6: {  	s22 =	sand.u32 $0x3FFF, s26;
	v18 =	vld [tilespmem:s24+$0x0];
	[tilespmem:s28+$0x0] =	vst v13  }
0x3a7: {  	v13 =	vadd.f32 v16, v9;
	[tilespmem:s22+$0x11610] =	vst v14;
	v19 =	vld [tilespmem:s19+$0x10]  }
0x3a8: {  	v14 =	vadd.f32 v12, v11;
	v20 =	vld [tilespmem:s12+$0x20]  }
0x3a9: {  	s30 =	simm.s32 $0x82;
	v16 =	vld [tilespmem:s24+$0xFFFFFFC0];
	[tilespmem:s15+$0x11620] =	vst v13;
	v13 =	vadd.f32 v15, v10  }
0x3aa: {  	s1 =	sand.u32 $0x1FFE, s30;
	v12 =	vld [tilespmem:s18+$0x30];
	[tilespmem:s28+$0xFFFFFFBF] =	vst v14;
	v14 =	vadd.f32 v17, v9  }
0x3ab: {  	s26 =	simm.s32 $0x117C7;
	[tilespmem:s1+$0x11610] =	vst v13;
	v13 =	vadd.f32 v18, v11;
	v15 =	vld [tilespmem:s19+$0xFFFFFFD0]  }
0x3ac: {  	s5 =	simm.s32 $0x104;
	s13 =	simm.s32 $0x6;
	s25 =	simm.s32 $0x145;
	[tilespmem:s21+$0x11620] =	vst v14;
	v14 =	vld [tilespmem:s12+$0xFFFFFFE0]  }
0x3ad: {  	s23 =	sand.u32 $0x1FFE, s5;
	s20 =	sand.u32 $0x3FFF, s25;
	v18 =	vadd.f32 v19, v10;
	[tilespmem:s26+$0x0] =	vst v13;
	v13 =	vld [tilespmem:s18+$0xFFFFFFF0];
	s18 =	simm.s32 $0xF840;
	v17 =	vadd.f32 v20, v9  }
.LBB2_31:
0x3ae: {  	s25 =	smov.u32 s1  }
0x3af: {  	v19 =	vld [tilespmem:s18+$0x0];
	[tilespmem:s20+$0x11610] =	vst v18;
	v12 =	vadd.f32 v12, v8;
	s1 =	smov.u32 s23;
	s28 =	smov.u32 s12;
	s12 =	smov.u32 s19  }
0x3b0: {  	s19 =	smov.u32 s24;
	s13 =	sadd.s32 $0x2, s13;
	v16 =	vadd.f32 v16, v11;
	v18 =	vld [tilespmem:s24+$0x10];
	[tilespmem:s22+$0x11620] =	vst v17;
	s24 =	smov.u32 s18  }
0x3b1: {  	p0 =	slt.u32 s13, $0x7E;
	v15 =	vadd.f32 v15, v10;
	v17 =	vld [tilespmem:s12+$0x20];
	[tilespmem:s15+$0x11630] =	vst v12;
	s15 =	smov.u32 s22;
	s22 =	smov.u32 s20  }
.Ltmp14:
0x3b2: {  	[tilespmem:s26+$0xFFFFFFBF] =	vst v16;
	v14 =	vadd.f32 v14, v9;
	v12 =	vld [tilespmem:s28+$0x30];
	(pc) =	sbr.rel @p0 .LBB2_31-.Ltmp14, $4  }
0x3b3: {  	v16 =	vld [tilespmem:s18+$0xFFFFFFC0];
	[tilespmem:s1+$0x11610] =	vst v15;
	v13 =	vadd.f32 v13, v8  }
0x3b4: {  	s5 =	sadd.s32 $0x82, s5;
	v19 =	vadd.f32 v19, v11;
	v15 =	vld [tilespmem:s19+$0xFFFFFFD0];
	[tilespmem:s25+$0x11620] =	vst v14  }
0x3b5: {  	s23 =	sand.u32 $0x1FFE, s5;
	s20 =	sadd.s32 $0x41, s5;
	s26 =	sadd.s32 $0x82, s26;
	v18 =	vadd.f32 v18, v10;
	v14 =	vld [tilespmem:s12+$0xFFFFFFE0];
	[tilespmem:s21+$0x11630] =	vst v13  }
0x3b6: {  	s20 =	sand.u32 $0x3FFF, s20;
	s18 =	sadd.s32 $0x80, s18;
	s21 =	smov.u32 s25;
	[tilespmem:s26+$0x0] =	vst v19;
	v17 =	vadd.f32 v17, v9;
	v13 =	vld [tilespmem:s28+$0xFFFFFFF0]  }
0x3b7: {  	_ = 	snop  }
0x3b8: {  	v11 =	vadd.f32 v16, v11;
	_ =	sdelay $0x1  }
0x3b9: {  	v16 =	vld [tilespmem:s24+$0x10];
	[tilespmem:s26+$0xFFFFFFBF] =	vst v11  }
0x3ba: {  	v11 =	vld [tilespmem:s24+$0xFFFFFFD0];
	_ =	sdelay $0x2  }
0x3bb: {  	s5 =	sadd.s32 $0x82, s5;
	v15 =	vadd.f32 v15, v10  }
0x3bc: {  	[tilespmem:s20+$0x11610] =	vst v18;
	s13 =	sadd.s32 $0x41, s5;
	v16 =	vadd.f32 v16, v10  }
0x3bd: {  	v18 =	vld [tilespmem:s19+$0x20];
	s13 =	sand.u32 $0x3FFF, s13;
	[tilespmem:s23+$0x11610] =	vst v15;
	v10 =	vadd.f32 v11, v10  }
0x3be: {  	s5 =	sand.u32 $0x1FFE, s5;
	[tilespmem:s13+$0x11610] =	vst v16;
	v11 =	vld [tilespmem:s19+$0xFFFFFFE0]  }
0x3bf: {  	v15 =	vld [tilespmem:s24+$0x20];
	[tilespmem:s5+$0x11610] =	vst v10  }
0x3c0: {  	v10 =	vld [tilespmem:s24+$0xFFFFFFE0]  }
0x3c1: {  	v14 =	vadd.f32 v14, v9  }
0x3c2: {  	[tilespmem:s22+$0x11620] =	vst v17;
	v16 =	vadd.f32 v18, v9  }
0x3c3: {  	v17 =	vld [tilespmem:s12+$0x30];
	[tilespmem:s1+$0x11620] =	vst v14;
	v11 =	vadd.f32 v11, v9  }
0x3c4: {  	v14 =	vld [tilespmem:s12+$0xFFFFFFF0];
	[tilespmem:s20+$0x11620] =	vst v16;
	v15 =	vadd.f32 v15, v9  }
0x3c5: {  	v16 =	vld [tilespmem:s19+$0x30];
	[tilespmem:s23+$0x11620] =	vst v11;
	v9 =	vadd.f32 v10, v9  }
0x3c6: {  	[tilespmem:s13+$0x11620] =	vst v15;
	v10 =	vadd.f32 v12, v8;
	v11 =	vld [tilespmem:s19+$0xFFFFFFF0]  }
0x3c7: {  	v12 =	vadd.f32 v13, v8;
	v13 =	vld [tilespmem:s24+$0x30];
	[tilespmem:s5+$0x11620] =	vst v9  }
0x3c8: {  	[tilespmem:s15+$0x11630] =	vst v10;
	v9 =	vadd.f32 v17, v8;
	v10 =	vld [tilespmem:s24+$0xFFFFFFF0]  }
0x3c9: {  	[tilespmem:s21+$0x11630] =	vst v12;
	v12 =	vadd.f32 v14, v8  }
0x3ca: {  	s25 =	simm.s32 $0x1;
	[tilespmem:s22+$0x11630] =	vst v9;
	v9 =	vadd.f32 v16, v8  }
0x3cb: {  	[tilespmem:s1+$0x11630] =	vst v12;
	v12 =	vadd.s32 s25, v0;
	v11 =	vadd.f32 v11, v8  }
0x3cc: {  	[tilespmem:s20+$0x11630] =	vst v9;
	v9 =	vadd.f32 v13, v8;
	v13 =	vadd.s32 s25, v7  }
0x3cd: {  	[tilespmem:s23+$0x11630] =	vst v11;
	v8 =	vadd.f32 v10, v8;
	v10 =	vadd.s32 s25, v1  }
0x3ce: {  	[tilespmem:s13+$0x11630] =	vst v9;
	v9 =	vadd.s32 s25, v2  }
0x3cf: {  	[tilespmem:s5+$0x11630] =	vst v8;
	v8 =	vadd.s32 s25, v3  }
0x3d0: {  	v11 =	vadd.s32 s25, v4;
	v14 =	vld.idx.msk [tilespmem:v12+s29+$0x0], $0xffff  }
0x3d1: {  	v12 =	vadd.s32 s25, v5;
	v13 =	vld.idx.msk [tilespmem:v13+s29+$0x0], $0xffff  }
0x3d2: {  	v16 =	vadd.s32 s25, v6;
	v15 =	vld.idx.msk [tilespmem:v10+s29+$0x0], $0xffff  }
0x3d3: {  	v19 =	vadd.s32 s3, v2;
	s26 =	simm.s32 $0x0;
	v17 =	vld.idx.msk [tilespmem:v9+s29+$0x0], $0xffff  }
0x3d4: {  	v21 =	vadd.s32 s3, v3;
	s28 =	sand.u32 $0x1C00, s26;
	s15 =	simm.s32 $0x80;
	v20 =	vld.idx.msk [tilespmem:v8+s29+$0x0], $0xffff  }
0x3d5: {  	s30 =	sand.u32 $0x380, s15;
	s5 =	sadd.s32 $0x19680, s28;
	v9 =	vadd.s32 s3, v0;
	v8 =	vld.idx.msk [tilespmem:v11+s29+$0x0], $0xffff  }
0x3d6: {  	v18 =	vadd.s32 s3, v1;
	s21 =	sadd.s32 s30, s5;
	v10 =	vld.idx.msk [tilespmem:v12+s29+$0x0], $0xffff  }
0x3d7: {  	v12 =	vld.idx.msk [tilespmem:v16+s29+$0x0], $0xffff;
	[tilespmem:s21+$0x70] =	vst v13;
	v16 =	vadd.s32 s3, v4  }
0x3d8: {  	v13 =	vld.idx.msk [tilespmem:v19+s29+$0x0], $0xffff;
	[tilespmem:s21+$0x10] =	vst v15;
	v15 =	vadd.s32 s3, v5  }
0x3d9: {  	[tilespmem:s21+$0x0] =	vst v14;
	v19 =	vadd.s32 s3, v6;
	v14 =	vld.idx.msk [tilespmem:v21+s29+$0x0], $0xffff  }
0x3da: {  	s1 =	sand.u32 $0x300, s26;
	s20 =	simm.s32 $0x3;
	v11 =	vld.idx.msk [tilespmem:v9+s29+$0x0], $0xffff;
	[tilespmem:s21+$0x20] =	vst v17;
	v17 =	vadd.s32 s3, v7  }
0x3db: {  	s12 =	simm.s32 $0x2;
	s19 =	sadd.s32 s1, s5;
	s1 =	simm.s32 $0x4;
	v9 =	vld.idx.msk [tilespmem:v18+s29+$0x0], $0xffff;
	v18 =	vadd.s32 s20, v0;
	[tilespmem:s21+$0x30] =	vst v20  }
.LBB2_33:
0x3dc: {  	p0 =	slt.u32 s1, $0x3E;
	v20 =	vadd.s32 s20, v7;
	v16 =	vld.idx.msk [tilespmem:v16+s29+$0x0], $0xffff;
	[tilespmem:s21+$0x40] =	vst v8  }
0x3dd: {  	v8 =	vadd.s32 s20, v1;
	v15 =	vld.idx.msk [tilespmem:v15+s29+$0x0], $0xffff;
	[tilespmem:s21+$0x50] =	vst v10  }
0x3de: {  	v10 =	vadd.s32 s20, v2;
	v19 =	vld.idx.msk [tilespmem:v19+s29+$0x0], $0xffff;
	[tilespmem:s21+$0x60] =	vst v12  }
0x3df: {  	v12 =	vadd.s32 s20, v3;
	v17 =	vld.idx.msk [tilespmem:v17+s29+$0x0], $0xffff;
	[tilespmem:s19+$0x0] =	vst v11  }
0x3e0: {  	v11 =	vadd.s32 s20, v4;
	v18 =	vld.idx.msk [tilespmem:v18+s29+$0x0], $0xffff;
	[tilespmem:s19+$0x10] =	vst v9  }
0x3e1: {  	v9 =	vadd.s32 s20, v5;
	v20 =	vld.idx.msk [tilespmem:v20+s29+$0x0], $0xffff;
	[tilespmem:s19+$0x20] =	vst v13  }
0x3e2: {  	v21 =	vadd.s32 s20, v6;
	s15 =	sadd.s32 $0x100, s15;
	v13 =	vld.idx.msk [tilespmem:v8+s29+$0x0], $0xffff;
	[tilespmem:s19+$0x30] =	vst v14  }
0x3e3: {  	s3 =	sadd.s32 $0xFFFFFF80, s15;
	v14 =	vadd.s32 s12, v0;
	v22 =	vld.idx.msk [tilespmem:v10+s29+$0x0], $0xffff;
	[tilespmem:s19+$0x40] =	vst v16  }
0x3e4: {  	v23 =	vadd.s32 s12, v1;
	s5 =	sand.u32 $0x300, s3;
	s3 =	sand.u32 $0x1C00, s3;
	v24 =	vld.idx.msk [tilespmem:v12+s29+$0x0], $0xffff;
	[tilespmem:s19+$0x50] =	vst v15  }
0x3e5: {  	v25 =	vadd.s32 s12, v2;
	s13 =	sand.u32 $0x380, s15;
	s3 =	sadd.s32 $0x19680, s3;
	v8 =	vld.idx.msk [tilespmem:v11+s29+$0x0], $0xffff;
	[tilespmem:s19+$0x60] =	vst v19  }
0x3e6: {  	v26 =	vadd.s32 s12, v3;
	s21 =	sadd.s32 s13, s3;
	v10 =	vld.idx.msk [tilespmem:v9+s29+$0x0], $0xffff;
	[tilespmem:s19+$0x70] =	vst v17;
	s19 =	sadd.s32 s5, s3  }
.Ltmp15:
0x3e7: {  	v16 =	vadd.s32 s12, v4;
	v12 =	vld.idx.msk [tilespmem:v21+s29+$0x0], $0xffff;
	[tilespmem:s21+$0x70] =	vst v20;
	(pc) =	sbr.rel @p0 .LBB2_33-.Ltmp15, $4  }
0x3e8: {  	v15 =	vadd.s32 s12, v5;
	v11 =	vld.idx.msk [tilespmem:v14+s29+$0x0], $0xffff;
	[tilespmem:s21+$0x0] =	vst v18  }
0x3e9: {  	v19 =	vadd.s32 s12, v6;
	v9 =	vld.idx.msk [tilespmem:v23+s29+$0x0], $0xffff;
	[tilespmem:s21+$0x10] =	vst v13  }
0x3ea: {  	s20 =	sadd.s32 $0x1, s1;
	v17 =	vadd.s32 s12, v7;
	s12 =	smov.u32 s1;
	v13 =	vld.idx.msk [tilespmem:v25+s29+$0x0], $0xffff;
	[tilespmem:s21+$0x20] =	vst v22  }
0x3eb: {  	s1 =	sadd.s32 $0x2, s1;
	v18 =	vadd.s32 s20, v0;
	v14 =	vld.idx.msk [tilespmem:v26+s29+$0x0], $0xffff;
	[tilespmem:s21+$0x30] =	vst v24  }
0x3ec: {  	_ =	sdelay $0x3  }
0x3ed: {  	v20 =	vadd.s32 s20, v7;
	v16 =	vld.idx.msk [tilespmem:v16+s29+$0x0], $0xffff;
	[tilespmem:s21+$0x40] =	vst v8  }
0x3ee: {  	v8 =	vadd.s32 s20, v1;
	v15 =	vld.idx.msk [tilespmem:v15+s29+$0x0], $0xffff;
	[tilespmem:s21+$0x50] =	vst v10  }
0x3ef: {  	v44 =	vadd.s32 s20, v2;
	v19 =	vld.idx.msk [tilespmem:v19+s29+$0x0], $0xffff;
	[tilespmem:s21+$0x60] =	vst v12  }
0x3f0: {  	v45 =	vadd.s32 s20, v3;
	v17 =	vld.idx.msk [tilespmem:v17+s29+$0x0], $0xffff;
	[tilespmem:s19+$0x0] =	vst v11  }
0x3f1: {  	v46 =	vld.idx.msk [tilespmem:v18+s29+$0x0], $0xffff;
	v47 =	vadd.s32 s20, v4;
	[tilespmem:s19+$0x10] =	vst v9  }
0x3f2: {  	v48 =	vadd.s32 s20, v5;
	[tilespmem:s19+$0x20] =	vst v13;
	v20 =	vld.idx.msk [tilespmem:v20+s29+$0x0], $0xffff  }
0x3f3: {  	v49 =	vadd.s32 s20, v6;
	s1 =	sadd.s32 $0x100, s15;
	[tilespmem:s19+$0x30] =	vst v14;
	v8 =	vld.idx.msk [tilespmem:v8+s29+$0x0], $0xffff  }
0x3f4: {  	v50 =	vadd.s32 s12, v0;
	s3 =	sadd.s32 $0xFFFFFF80, s1;
	v10 =	vld.idx.msk [tilespmem:v44+s29+$0x0], $0xffff;
	[tilespmem:s19+$0x40] =	vst v16  }
0x3f5: {  	v51 =	vadd.s32 s12, v1;
	s5 =	sand.u32 $0x1C00, s3;
	v12 =	vld.idx.msk [tilespmem:v45+s29+$0x0], $0xffff;
	[tilespmem:s19+$0x50] =	vst v15  }
0x3f6: {  	v53 =	vadd.s32 s12, v3;
	s1 =	sand.u32 $0x380, s1;
	s5 =	sadd.s32 $0x19680, s5;
	v18 =	vld.idx.msk [tilespmem:v47+s29+$0x0], $0xffff;
	[tilespmem:s19+$0x60] =	vst v19  }
0x3f7: {  	v54 =	vadd.s32 s12, v4;
	s1 =	sadd.s32 s1, s5;
	v9 =	vld.idx.msk [tilespmem:v48+s29+$0x0], $0xffff;
	[tilespmem:s19+$0x70] =	vst v17  }
0x3f8: {  	v55 =	vadd.s32 s12, v5;
	v13 =	vld.idx.msk [tilespmem:v49+s29+$0x0], $0xffff;
	[tilespmem:s1+$0x0] =	vst v46  }
0x3f9: {  	v57 =	vadd.s32 s12, v6;
	v14 =	vld.idx.msk [tilespmem:v50+s29+$0x0], $0xffff;
	[tilespmem:s1+$0x70] =	vst v20  }
0x3fa: {  	v58 =	vadd.s32 s12, v7;
	v56 =	vld.idx.msk [tilespmem:v51+s29+$0x0], $0xffff;
	[tilespmem:s1+$0x10] =	vst v8  }
0x3fb: {  	v52 =	vadd.s32 s12, v2;
	v59 =	vld.idx.msk [tilespmem:v53+s29+$0x0], $0xffff;
	[tilespmem:s1+$0x20] =	vst v10  }
0x3fc: {  	v60 =	vld.idx.msk [tilespmem:v54+s29+$0x0], $0xffff;
	[tilespmem:s1+$0x30] =	vst v12  }
0x3fd: {  	v61 =	vld.idx.msk [tilespmem:v55+s29+$0x0], $0xffff;
	[tilespmem:s1+$0x40] =	vst v18  }
0x3fe: {  	s3 =	sand.u32 $0x300, s3;
	v62 =	vld.idx.msk [tilespmem:v57+s29+$0x0], $0xffff;
	[tilespmem:s1+$0x50] =	vst v9  }
0x3ff: {  	s3 =	sadd.s32 s3, s5;
	v63 =	vld.idx.msk [tilespmem:v58+s29+$0x0], $0xffff;
	[tilespmem:s1+$0x60] =	vst v13  }
0x400: {  	v8 =	vld.idx.msk [tilespmem:v52+s29+$0x0], $0xffff;
	[tilespmem:s3+$0x0] =	vst v14  }
0x401: {  	[tilespmem:s3+$0x10] =	vst v56  }
0x402: {  	[tilespmem:s3+$0x30] =	vst v59  }
0x403: {  	[tilespmem:s3+$0x40] =	vst v60  }
0x404: {  	s14 =	sadd.s32 $0x1, s14;
	[tilespmem:s3+$0x50] =	vst v61  }
0x405: {  	s28 =	sshll.u32 s7, $0x12;
	p0 =	sne.s32 s14, $0x30;
	[tilespmem:s3+$0x60] =	vst v62  }
.Ltmp16:
0x406: {  	[tilespmem:s3+$0x70] =	vst v63;
	s1 =	sor.u32 s8, s28;
	(pc) =	sbr.rel @p0 .LBB2_18-.Ltmp16, $4  }
0x407: {  	s25 =	sadd.s32 $0x580, s16;
	s26 =	simm.s32 $0xF600;
	s1 =	sshrl.u32 s1, $0x3;
	[tilespmem:s3+$0x20] =	vst v8  }
0x408: {  	[tilespmem:s26], [sflag:$0x4] =	stream.indirect.gather [hbm4b:s4+s17], $0x40, s25, s17, $0xb8;
	[tilespmem:$0x1B680] =	vst v63  }
0x409: {  	s30 =	simm.s32 $0x19680;
	s1 =	sadd.s32 s2, s1  }
0x40a: {  	[hbm4b:s1+s31] =	stream.strided.scatter [tilespmem:s30], [sflag:$0x8], $0x2000, s0, s31, $0x38;
	[tilespmem:$0x1B680] =	vst v63  }
0x40b: {  	s1 =	simm.s32 $0x1  }
0x40c: {  	_ =	swait.ge [sflag:s1], $0x2000  }
0x40d: {  	[sflag:s1] =	ssyncset.done $0x0  }
0x40e: {  	[sflag:s1] =	ssyncadd.s32 $0xFFFFE000  }
0x40f: {  	_ =	swait.ge [sflag:s6], $0x2000  }
0x410: {  	[sflag:s6] =	ssyncset.done $0x0  }
0x411: {  	[sflag:s6] =	ssyncadd.s32 $0xFFFFE000  }
0x412: {  	s20 =	simm.s32 $0x9640;
	v11 =	vld [tilespmem:$0x9500]  }
0x413: {  	v8 =	vld [tilespmem:s20+$0x0];
	_ =	sdelay $0x2  }
0x414: {  	v10 =	vld [tilespmem:$0x9510]  }
0x415: {  	v12 =	vld [tilespmem:s20+$0xFFFFFFC0]  }
0x416: {  	v9 =	vld [tilespmem:$0x9520];
	v13 =	vadd.f32 v8, v11  }
0x417: {  	s24 =	simm.s32 $0x11641;
	s12 =	simm.s32 $0x96C0;
	v8 =	vld [tilespmem:$0x9530]  }
0x418: {  	[tilespmem:s24+$0x0] =	vst v13;
	v13 =	vld [tilespmem:s12+$0x0]  }
0x419: {  	v14 =	vld [tilespmem:s20+$0x10]  }
0x41a: {  	v12 =	vadd.f32 v12, v11;
	_ =	sdelay $0x1  }
0x41b: {  	[tilespmem:s24+$0xFFFFFFBF] =	vst v12;
	v12 =	vld [tilespmem:s12+$0xFFFFFFC0]  }
0x41c: {  	v15 =	vld [tilespmem:s20+$0xFFFFFFD0];
	v13 =	vadd.f32 v13, v11  }
0x41d: {  	s25 =	simm.s32 $0x41;
	s5 =	simm.s32 $0x116C3;
	s13 =	simm.s32 $0x9740;
	v14 =	vadd.f32 v14, v10  }
0x41e: {  	s7 =	sand.u32 $0x3FFF, s25;
	[tilespmem:s5+$0x0] =	vst v13;
	v13 =	vld [tilespmem:s13+$0x0]  }
0x41f: {  	[tilespmem:s7+$0x11610] =	vst v14;
	v14 =	vld [tilespmem:s12+$0x10]  }
0x420: {  	v12 =	vadd.f32 v12, v11;
	v16 =	vld [tilespmem:s20+$0x20]  }
0x421: {  	s3 =	simm.s32 $0x0;
	v15 =	vadd.f32 v15, v10  }
0x422: {  	s14 =	sand.u32 $0x1FFE, s3;
	[tilespmem:s5+$0xFFFFFFBF] =	vst v12;
	v12 =	vld [tilespmem:s13+$0xFFFFFFC0]  }
0x423: {  	[tilespmem:s14+$0x11610] =	vst v15;
	v15 =	vld [tilespmem:s12+$0xFFFFFFD0];
	v13 =	vadd.f32 v13, v11  }
0x424: {  	s26 =	simm.s32 $0xC3;
	s28 =	simm.s32 $0x11745;
	s16 =	simm.s32 $0x97C0;
	v17 =	vld [tilespmem:s20+$0xFFFFFFE0];
	v14 =	vadd.f32 v14, v10  }
0x425: {  	s15 =	sand.u32 $0x3FFF, s26;
	v18 =	vld [tilespmem:s16+$0x0];
	[tilespmem:s28+$0x0] =	vst v13;
	v13 =	vadd.f32 v16, v9  }
0x426: {  	[tilespmem:s15+$0x11610] =	vst v14;
	v19 =	vld [tilespmem:s13+$0x10]  }
0x427: {  	v14 =	vadd.f32 v12, v11;
	[tilespmem:s7+$0x11620] =	vst v13;
	v13 =	vld [tilespmem:s12+$0x20]  }
0x428: {  	s30 =	simm.s32 $0x82;
	v15 =	vadd.f32 v15, v10;
	v16 =	vld [tilespmem:s16+$0xFFFFFFC0]  }
0x429: {  	s1 =	sand.u32 $0x1FFE, s30;
	v12 =	vld [tilespmem:s20+$0x30];
	[tilespmem:s28+$0xFFFFFFBF] =	vst v14;
	v14 =	vadd.f32 v17, v9  }
0x42a: {  	s22 =	simm.s32 $0x6;
	[tilespmem:s1+$0x11610] =	vst v15;
	v17 =	vadd.f32 v18, v11;
	v15 =	vld [tilespmem:s13+$0xFFFFFFD0]  }
0x42b: {  	s18 =	simm.s32 $0x145;
	s23 =	simm.s32 $0x117C7;
	s5 =	simm.s32 $0x104;
	[tilespmem:s14+$0x11620] =	vst v14;
	v14 =	vld [tilespmem:s12+$0xFFFFFFE0]  }
0x42c: {  	s21 =	sand.u32 $0x3FFF, s18;
	s24 =	simm.s32 $0x9840;
	s19 =	sand.u32 $0x1FFE, s5;
	[tilespmem:s23+$0x0] =	vst v17;
	v18 =	vadd.f32 v19, v10;
	v17 =	vadd.f32 v13, v9;
	v13 =	vld [tilespmem:s20+$0xFFFFFFF0]  }
.LBB2_36:
0x42d: {  	s18 =	smov.u32 s1  }
0x42e: {  	v19 =	vld [tilespmem:s24+$0x0];
	[tilespmem:s21+$0x11610] =	vst v18;
	v12 =	vadd.f32 v12, v8;
	s1 =	smov.u32 s19;
	s20 =	smov.u32 s12;
	s12 =	smov.u32 s13  }
0x42f: {  	s13 =	smov.u32 s16;
	s22 =	sadd.s32 $0x2, s22;
	v16 =	vadd.f32 v16, v11;
	v18 =	vld [tilespmem:s16+$0x10];
	[tilespmem:s15+$0x11620] =	vst v17;
	s16 =	smov.u32 s24  }
0x430: {  	p0 =	slt.u32 s22, $0x7E;
	v15 =	vadd.f32 v15, v10;
	v17 =	vld [tilespmem:s12+$0x20];
	[tilespmem:s7+$0x11630] =	vst v12;
	s7 =	smov.u32 s15;
	s15 =	smov.u32 s21  }
.Ltmp17:
0x431: {  	[tilespmem:s23+$0xFFFFFFBF] =	vst v16;
	v14 =	vadd.f32 v14, v9;
	v12 =	vld [tilespmem:s20+$0x30];
	(pc) =	sbr.rel @p0 .LBB2_36-.Ltmp17, $4  }
0x432: {  	v16 =	vld [tilespmem:s24+$0xFFFFFFC0];
	[tilespmem:s1+$0x11610] =	vst v15;
	v13 =	vadd.f32 v13, v8  }
0x433: {  	s5 =	sadd.s32 $0x82, s5;
	v19 =	vadd.f32 v19, v11;
	v15 =	vld [tilespmem:s13+$0xFFFFFFD0];
	[tilespmem:s18+$0x11620] =	vst v14  }
0x434: {  	s19 =	sand.u32 $0x1FFE, s5;
	s21 =	sadd.s32 $0x41, s5;
	s23 =	sadd.s32 $0x82, s23;
	v18 =	vadd.f32 v18, v10;
	v14 =	vld [tilespmem:s12+$0xFFFFFFE0];
	[tilespmem:s14+$0x11630] =	vst v13  }
0x435: {  	s21 =	sand.u32 $0x3FFF, s21;
	s24 =	sadd.s32 $0x80, s24;
	s14 =	smov.u32 s18;
	[tilespmem:s23+$0x0] =	vst v19;
	v17 =	vadd.f32 v17, v9;
	v13 =	vld [tilespmem:s20+$0xFFFFFFF0]  }
0x436: {  	_ = 	snop  }
0x437: {  	v11 =	vadd.f32 v16, v11;
	_ =	sdelay $0x1  }
0x438: {  	v16 =	vld [tilespmem:s16+$0x10];
	[tilespmem:s23+$0xFFFFFFBF] =	vst v11  }
0x439: {  	v11 =	vld [tilespmem:s16+$0xFFFFFFD0];
	_ =	sdelay $0x2  }
0x43a: {  	s5 =	sadd.s32 $0x82, s5;
	v15 =	vadd.f32 v15, v10  }
0x43b: {  	[tilespmem:s21+$0x11610] =	vst v18;
	s18 =	sadd.s32 $0x41, s5;
	v16 =	vadd.f32 v16, v10  }
0x43c: {  	v18 =	vld [tilespmem:s13+$0x20];
	s18 =	sand.u32 $0x3FFF, s18;
	[tilespmem:s19+$0x11610] =	vst v15;
	v10 =	vadd.f32 v11, v10  }
0x43d: {  	s5 =	sand.u32 $0x1FFE, s5;
	[tilespmem:s18+$0x11610] =	vst v16;
	v11 =	vld [tilespmem:s13+$0xFFFFFFE0]  }
0x43e: {  	v15 =	vld [tilespmem:s16+$0x20];
	[tilespmem:s5+$0x11610] =	vst v10  }
0x43f: {  	v10 =	vld [tilespmem:s16+$0xFFFFFFE0]  }
0x440: {  	v14 =	vadd.f32 v14, v9  }
0x441: {  	[tilespmem:s15+$0x11620] =	vst v17;
	v16 =	vadd.f32 v18, v9  }
0x442: {  	v17 =	vld [tilespmem:s12+$0x30];
	[tilespmem:s1+$0x11620] =	vst v14;
	v11 =	vadd.f32 v11, v9  }
0x443: {  	v14 =	vld [tilespmem:s12+$0xFFFFFFF0];
	[tilespmem:s21+$0x11620] =	vst v16;
	v15 =	vadd.f32 v15, v9  }
0x444: {  	v16 =	vld [tilespmem:s13+$0x30];
	[tilespmem:s19+$0x11620] =	vst v11;
	v9 =	vadd.f32 v10, v9  }
0x445: {  	[tilespmem:s18+$0x11620] =	vst v15;
	v10 =	vadd.f32 v12, v8;
	v11 =	vld [tilespmem:s13+$0xFFFFFFF0]  }
0x446: {  	v12 =	vadd.f32 v13, v8;
	v13 =	vld [tilespmem:s16+$0x30];
	[tilespmem:s5+$0x11620] =	vst v9  }
0x447: {  	[tilespmem:s7+$0x11630] =	vst v10;
	v9 =	vadd.f32 v17, v8;
	v10 =	vld [tilespmem:s16+$0xFFFFFFF0]  }
0x448: {  	[tilespmem:s14+$0x11630] =	vst v12;
	v12 =	vadd.f32 v14, v8  }
0x449: {  	s25 =	simm.s32 $0x1;
	[tilespmem:s15+$0x11630] =	vst v9;
	v9 =	vadd.f32 v16, v8  }
0x44a: {  	[tilespmem:s1+$0x11630] =	vst v12;
	v12 =	vadd.s32 s25, v0;
	v11 =	vadd.f32 v11, v8  }
0x44b: {  	[tilespmem:s21+$0x11630] =	vst v9;
	v9 =	vadd.f32 v13, v8;
	v13 =	vadd.s32 s25, v7  }
0x44c: {  	[tilespmem:s19+$0x11630] =	vst v11;
	v8 =	vadd.f32 v10, v8;
	v10 =	vadd.s32 s25, v1  }
0x44d: {  	[tilespmem:s18+$0x11630] =	vst v9;
	v9 =	vadd.s32 s25, v2  }
0x44e: {  	[tilespmem:s5+$0x11630] =	vst v8;
	v8 =	vadd.s32 s25, v3  }
0x44f: {  	v11 =	vadd.s32 s25, v4;
	v14 =	vld.idx.msk [tilespmem:v12+s29+$0x0], $0xffff  }
0x450: {  	v12 =	vadd.s32 s25, v5;
	v13 =	vld.idx.msk [tilespmem:v13+s29+$0x0], $0xffff  }
0x451: {  	v16 =	vadd.s32 s25, v6;
	v15 =	vld.idx.msk [tilespmem:v10+s29+$0x0], $0xffff  }
0x452: {  	s26 =	simm.s32 $0x0;
	v19 =	vadd.s32 s3, v2;
	v17 =	vld.idx.msk [tilespmem:v9+s29+$0x0], $0xffff  }
0x453: {  	v21 =	vadd.s32 s3, v3;
	s28 =	sand.u32 $0x1C00, s26;
	s12 =	simm.s32 $0x80;
	v20 =	vld.idx.msk [tilespmem:v8+s29+$0x0], $0xffff  }
0x454: {  	s30 =	sand.u32 $0x380, s12;
	s5 =	sadd.s32 $0x13680, s28;
	v9 =	vadd.s32 s3, v0;
	v8 =	vld.idx.msk [tilespmem:v11+s29+$0x0], $0xffff  }
0x455: {  	v18 =	vadd.s32 s3, v1;
	s15 =	sadd.s32 s30, s5;
	v10 =	vld.idx.msk [tilespmem:v12+s29+$0x0], $0xffff  }
0x456: {  	v12 =	vld.idx.msk [tilespmem:v16+s29+$0x0], $0xffff;
	[tilespmem:s15+$0x70] =	vst v13;
	v16 =	vadd.s32 s3, v4  }
0x457: {  	v13 =	vld.idx.msk [tilespmem:v19+s29+$0x0], $0xffff;
	[tilespmem:s15+$0x10] =	vst v15;
	v15 =	vadd.s32 s3, v5  }
0x458: {  	[tilespmem:s15+$0x0] =	vst v14;
	v19 =	vadd.s32 s3, v6;
	v14 =	vld.idx.msk [tilespmem:v21+s29+$0x0], $0xffff  }
0x459: {  	s14 =	simm.s32 $0x3;
	s1 =	sand.u32 $0x300, s26;
	v11 =	vld.idx.msk [tilespmem:v9+s29+$0x0], $0xffff;
	[tilespmem:s15+$0x20] =	vst v17;
	v17 =	vadd.s32 s3, v7  }
0x45a: {  	s7 =	simm.s32 $0x2;
	s13 =	sadd.s32 s1, s5;
	s1 =	simm.s32 $0x4;
	v9 =	vld.idx.msk [tilespmem:v18+s29+$0x0], $0xffff;
	v18 =	vadd.s32 s14, v0;
	[tilespmem:s15+$0x30] =	vst v20  }
.LBB2_38:
0x45b: {  	p0 =	slt.u32 s1, $0x3E;
	v20 =	vadd.s32 s14, v7;
	v16 =	vld.idx.msk [tilespmem:v16+s29+$0x0], $0xffff;
	[tilespmem:s15+$0x40] =	vst v8  }
0x45c: {  	v8 =	vadd.s32 s14, v1;
	v15 =	vld.idx.msk [tilespmem:v15+s29+$0x0], $0xffff;
	[tilespmem:s15+$0x50] =	vst v10  }
0x45d: {  	v10 =	vadd.s32 s14, v2;
	v19 =	vld.idx.msk [tilespmem:v19+s29+$0x0], $0xffff;
	[tilespmem:s15+$0x60] =	vst v12  }
0x45e: {  	v12 =	vadd.s32 s14, v3;
	v17 =	vld.idx.msk [tilespmem:v17+s29+$0x0], $0xffff;
	[tilespmem:s13+$0x0] =	vst v11  }
0x45f: {  	v11 =	vadd.s32 s14, v4;
	v18 =	vld.idx.msk [tilespmem:v18+s29+$0x0], $0xffff;
	[tilespmem:s13+$0x10] =	vst v9  }
0x460: {  	v9 =	vadd.s32 s14, v5;
	v20 =	vld.idx.msk [tilespmem:v20+s29+$0x0], $0xffff;
	[tilespmem:s13+$0x20] =	vst v13  }
0x461: {  	v21 =	vadd.s32 s14, v6;
	s12 =	sadd.s32 $0x100, s12;
	v13 =	vld.idx.msk [tilespmem:v8+s29+$0x0], $0xffff;
	[tilespmem:s13+$0x30] =	vst v14  }
0x462: {  	s3 =	sadd.s32 $0xFFFFFF80, s12;
	v14 =	vadd.s32 s7, v0;
	v22 =	vld.idx.msk [tilespmem:v10+s29+$0x0], $0xffff;
	[tilespmem:s13+$0x40] =	vst v16  }
0x463: {  	v23 =	vadd.s32 s7, v1;
	s5 =	sand.u32 $0x300, s3;
	s3 =	sand.u32 $0x1C00, s3;
	v24 =	vld.idx.msk [tilespmem:v12+s29+$0x0], $0xffff;
	[tilespmem:s13+$0x50] =	vst v15  }
0x464: {  	v25 =	vadd.s32 s7, v2;
	s3 =	sadd.s32 $0x13680, s3;
	s14 =	sand.u32 $0x380, s12;
	v8 =	vld.idx.msk [tilespmem:v11+s29+$0x0], $0xffff;
	[tilespmem:s13+$0x60] =	vst v19  }
0x465: {  	v26 =	vadd.s32 s7, v3;
	s15 =	sadd.s32 s14, s3;
	v10 =	vld.idx.msk [tilespmem:v9+s29+$0x0], $0xffff;
	[tilespmem:s13+$0x70] =	vst v17;
	s13 =	sadd.s32 s5, s3  }
.Ltmp18:
0x466: {  	v16 =	vadd.s32 s7, v4;
	v12 =	vld.idx.msk [tilespmem:v21+s29+$0x0], $0xffff;
	[tilespmem:s15+$0x70] =	vst v20;
	(pc) =	sbr.rel @p0 .LBB2_38-.Ltmp18, $4  }
0x467: {  	v15 =	vadd.s32 s7, v5;
	v11 =	vld.idx.msk [tilespmem:v14+s29+$0x0], $0xffff;
	[tilespmem:s15+$0x0] =	vst v18  }
0x468: {  	v19 =	vadd.s32 s7, v6;
	v9 =	vld.idx.msk [tilespmem:v23+s29+$0x0], $0xffff;
	[tilespmem:s15+$0x10] =	vst v13  }
0x469: {  	s14 =	sadd.s32 $0x1, s1;
	v17 =	vadd.s32 s7, v7;
	s7 =	smov.u32 s1;
	v13 =	vld.idx.msk [tilespmem:v25+s29+$0x0], $0xffff;
	[tilespmem:s15+$0x20] =	vst v22  }
0x46a: {  	s1 =	sadd.s32 $0x2, s1;
	v18 =	vadd.s32 s14, v0;
	v14 =	vld.idx.msk [tilespmem:v26+s29+$0x0], $0xffff;
	[tilespmem:s15+$0x30] =	vst v24  }
0x46b: {  	_ =	sdelay $0x3  }
0x46c: {  	v20 =	vadd.s32 s14, v7;
	v16 =	vld.idx.msk [tilespmem:v16+s29+$0x0], $0xffff;
	[tilespmem:s15+$0x40] =	vst v8  }
0x46d: {  	v8 =	vadd.s32 s14, v1;
	v15 =	vld.idx.msk [tilespmem:v15+s29+$0x0], $0xffff;
	[tilespmem:s15+$0x50] =	vst v10  }
0x46e: {  	v10 =	vadd.s32 s14, v2;
	v19 =	vld.idx.msk [tilespmem:v19+s29+$0x0], $0xffff;
	[tilespmem:s15+$0x60] =	vst v12  }
0x46f: {  	v12 =	vadd.s32 s14, v3;
	v17 =	vld.idx.msk [tilespmem:v17+s29+$0x0], $0xffff;
	[tilespmem:s13+$0x0] =	vst v11  }
0x470: {  	v11 =	vld.idx.msk [tilespmem:v18+s29+$0x0], $0xffff;
	v18 =	vadd.s32 s14, v4;
	[tilespmem:s13+$0x10] =	vst v9  }
0x471: {  	v9 =	vadd.s32 s14, v5;
	[tilespmem:s13+$0x20] =	vst v13;
	v20 =	vld.idx.msk [tilespmem:v20+s29+$0x0], $0xffff  }
0x472: {  	s1 =	sadd.s32 $0x100, s12;
	v13 =	vadd.s32 s14, v6;
	[tilespmem:s13+$0x30] =	vst v14;
	v8 =	vld.idx.msk [tilespmem:v8+s29+$0x0], $0xffff  }
0x473: {  	s3 =	sadd.s32 $0xFFFFFF80, s1;
	v14 =	vadd.s32 s7, v0;
	v10 =	vld.idx.msk [tilespmem:v10+s29+$0x0], $0xffff;
	[tilespmem:s13+$0x40] =	vst v16  }
0x474: {  	s5 =	sand.u32 $0x1C00, s3;
	v16 =	vadd.s32 s7, v1;
	v12 =	vld.idx.msk [tilespmem:v12+s29+$0x0], $0xffff;
	[tilespmem:s13+$0x50] =	vst v15  }
0x475: {  	s1 =	sand.u32 $0x380, s1;
	s5 =	sadd.s32 $0x13680, s5;
	v15 =	vadd.s32 s7, v2;
	[tilespmem:s13+$0x60] =	vst v19;
	v18 =	vld.idx.msk [tilespmem:v18+s29+$0x0], $0xffff  }
0x476: {  	s1 =	sadd.s32 s1, s5;
	v19 =	vadd.s32 s7, v3;
	[tilespmem:s13+$0x70] =	vst v17;
	v9 =	vld.idx.msk [tilespmem:v9+s29+$0x0], $0xffff  }
0x477: {  	v17 =	vadd.s32 s7, v4;
	v13 =	vld.idx.msk [tilespmem:v13+s29+$0x0], $0xffff;
	[tilespmem:s1+$0x0] =	vst v11  }
0x478: {  	v14 =	vld.idx.msk [tilespmem:v14+s29+$0x0], $0xffff;
	[tilespmem:s1+$0x70] =	vst v20;
	v20 =	vadd.s32 s7, v5  }
0x479: {  	v11 =	vld.idx.msk [tilespmem:v16+s29+$0x0], $0xffff;
	v16 =	vadd.s32 s7, v6;
	[tilespmem:s1+$0x10] =	vst v8  }
0x47a: {  	v8 =	vld.idx.msk [tilespmem:v15+s29+$0x0], $0xffff;
	v15 =	vadd.s32 s7, v7;
	[tilespmem:s1+$0x20] =	vst v10  }
0x47b: {  	v10 =	vld.idx.msk [tilespmem:v19+s29+$0x0], $0xffff;
	[tilespmem:s1+$0x30] =	vst v12  }
0x47c: {  	v12 =	vld.idx.msk [tilespmem:v17+s29+$0x0], $0xffff;
	[tilespmem:s1+$0x40] =	vst v18  }
0x47d: {  	s3 =	sand.u32 $0x300, s3;
	[tilespmem:s1+$0x50] =	vst v9;
	v17 =	vld.idx.msk [tilespmem:v20+s29+$0x0], $0xffff  }
0x47e: {  	s3 =	sadd.s32 s3, s5;
	[tilespmem:s1+$0x60] =	vst v13;
	v9 =	vld.idx.msk [tilespmem:v16+s29+$0x0], $0xffff  }
0x47f: {  	v13 =	vld.idx.msk [tilespmem:v15+s29+$0x0], $0xffff;
	[tilespmem:s3+$0x0] =	vst v14  }
0x480: {  	[tilespmem:s3+$0x10] =	vst v11  }
0x481: {  	[tilespmem:s3+$0x20] =	vst v8  }
0x482: {  	[tilespmem:s3+$0x30] =	vst v10  }
0x483: {  	[tilespmem:s3+$0x40] =	vst v12  }
0x484: {  	[tilespmem:s3+$0x50] =	vst v17  }
0x485: {  	[tilespmem:s3+$0x60] =	vst v9  }
0x486: {  	[tilespmem:s3+$0x70] =	vst v13  }
0x487: {  	s21 =	simm.s32 $0x13680;
	s22 =	simm.s32 $0x2;
	s1 =	rddreg [dreg:$0x9]  }
0x488: {  	[hbm4b:s1+s31] =	stream.strided.scatter [tilespmem:s21], [sflag:$0x5], $0x2000, s0, s31, $0x38;
	[tilespmem:$0x1B680] =	vst v63  }
0x489: {  	_ =	swait.ge [sflag:s22], $0x2000  }
0x48a: {  	[sflag:s22] =	ssyncset.done $0x0  }
0x48b: {  	[sflag:s22] =	ssyncadd.s32 $0xFFFFE000  }
0x48c: {  	_ =	swait.ge [sflag:s9], $0x2000  }
0x48d: {  	[sflag:s9] =	ssyncset.done $0x0  }
0x48e: {  	[sflag:s9] =	ssyncadd.s32 $0xFFFFE000  }
0x48f: {  	s20 =	simm.s32 $0xB640;
	v11 =	vld [tilespmem:$0x9540]  }
0x490: {  	v8 =	vld [tilespmem:s20+$0x0];
	_ =	sdelay $0x2  }
0x491: {  	v10 =	vld [tilespmem:$0x9550]  }
0x492: {  	v12 =	vld [tilespmem:s20+$0xFFFFFFC0]  }
0x493: {  	v9 =	vld [tilespmem:$0x9560];
	v13 =	vadd.f32 v8, v11  }
0x494: {  	s23 =	simm.s32 $0x11641;
	s12 =	simm.s32 $0xB6C0;
	v8 =	vld [tilespmem:$0x9570]  }
0x495: {  	[tilespmem:s23+$0x0] =	vst v13;
	v13 =	vld [tilespmem:s12+$0x0]  }
0x496: {  	v14 =	vld [tilespmem:s20+$0x10]  }
0x497: {  	v12 =	vadd.f32 v12, v11;
	_ =	sdelay $0x1  }
0x498: {  	[tilespmem:s23+$0xFFFFFFBF] =	vst v12;
	v12 =	vld [tilespmem:s12+$0xFFFFFFC0]  }
0x499: {  	v15 =	vld [tilespmem:s20+$0xFFFFFFD0];
	v13 =	vadd.f32 v13, v11  }
0x49a: {  	s24 =	simm.s32 $0x41;
	s25 =	simm.s32 $0x116C3;
	s13 =	simm.s32 $0xB740;
	v14 =	vadd.f32 v14, v10  }
0x49b: {  	s7 =	sand.u32 $0x3FFF, s24;
	[tilespmem:s25+$0x0] =	vst v13;
	v13 =	vld [tilespmem:s13+$0x0]  }
0x49c: {  	[tilespmem:s7+$0x11610] =	vst v14;
	v14 =	vld [tilespmem:s12+$0x10]  }
0x49d: {  	v12 =	vadd.f32 v12, v11;
	v16 =	vld [tilespmem:s20+$0x20]  }
0x49e: {  	s3 =	simm.s32 $0x0;
	v15 =	vadd.f32 v15, v10  }
0x49f: {  	s14 =	sand.u32 $0x1FFE, s3;
	[tilespmem:s25+$0xFFFFFFBF] =	vst v12;
	v12 =	vld [tilespmem:s13+$0xFFFFFFC0]  }
0x4a0: {  	[tilespmem:s14+$0x11610] =	vst v15;
	v15 =	vld [tilespmem:s12+$0xFFFFFFD0];
	v13 =	vadd.f32 v13, v11  }
0x4a1: {  	s26 =	simm.s32 $0xC3;
	s28 =	simm.s32 $0x11745;
	s16 =	simm.s32 $0xB7C0;
	v17 =	vld [tilespmem:s20+$0xFFFFFFE0];
	v14 =	vadd.f32 v14, v10  }
0x4a2: {  	s15 =	sand.u32 $0x3FFF, s26;
	v18 =	vld [tilespmem:s16+$0x0];
	[tilespmem:s28+$0x0] =	vst v13;
	v13 =	vadd.f32 v16, v9  }
0x4a3: {  	[tilespmem:s15+$0x11610] =	vst v14;
	v19 =	vld [tilespmem:s13+$0x10]  }
0x4a4: {  	v14 =	vadd.f32 v12, v11;
	[tilespmem:s7+$0x11620] =	vst v13;
	v13 =	vld [tilespmem:s12+$0x20]  }
0x4a5: {  	s30 =	simm.s32 $0x82;
	v15 =	vadd.f32 v15, v10;
	v16 =	vld [tilespmem:s16+$0xFFFFFFC0]  }
0x4a6: {  	s1 =	sand.u32 $0x1FFE, s30;
	v12 =	vld [tilespmem:s20+$0x30];
	[tilespmem:s28+$0xFFFFFFBF] =	vst v14;
	v14 =	vadd.f32 v17, v9  }
0x4a7: {  	s5 =	simm.s32 $0x104;
	[tilespmem:s1+$0x11610] =	vst v15;
	v17 =	vadd.f32 v18, v11;
	v15 =	vld [tilespmem:s13+$0xFFFFFFD0]  }
0x4a8: {  	s18 =	simm.s32 $0x145;
	s19 =	sand.u32 $0x1FFE, s5;
	s23 =	simm.s32 $0x117C7;
	[tilespmem:s14+$0x11620] =	vst v14;
	v14 =	vld [tilespmem:s12+$0xFFFFFFE0]  }
0x4a9: {  	s24 =	simm.s32 $0xB840;
	s21 =	sand.u32 $0x3FFF, s18;
	s22 =	simm.s32 $0x6;
	[tilespmem:s23+$0x0] =	vst v17;
	v18 =	vadd.f32 v19, v10;
	v17 =	vadd.f32 v13, v9;
	v13 =	vld [tilespmem:s20+$0xFFFFFFF0]  }
.LBB2_40:
0x4aa: {  	s18 =	smov.u32 s1  }
0x4ab: {  	v19 =	vld [tilespmem:s24+$0x0];
	[tilespmem:s21+$0x11610] =	vst v18;
	v12 =	vadd.f32 v12, v8;
	s1 =	smov.u32 s19;
	s20 =	smov.u32 s12;
	s12 =	smov.u32 s13  }
0x4ac: {  	s13 =	smov.u32 s16;
	s22 =	sadd.s32 $0x2, s22;
	v16 =	vadd.f32 v16, v11;
	v18 =	vld [tilespmem:s16+$0x10];
	[tilespmem:s15+$0x11620] =	vst v17;
	s16 =	smov.u32 s24  }
0x4ad: {  	p0 =	slt.u32 s22, $0x7E;
	v15 =	vadd.f32 v15, v10;
	v17 =	vld [tilespmem:s12+$0x20];
	[tilespmem:s7+$0x11630] =	vst v12;
	s7 =	smov.u32 s15;
	s15 =	smov.u32 s21  }
.Ltmp19:
0x4ae: {  	[tilespmem:s23+$0xFFFFFFBF] =	vst v16;
	v14 =	vadd.f32 v14, v9;
	v12 =	vld [tilespmem:s20+$0x30];
	(pc) =	sbr.rel @p0 .LBB2_40-.Ltmp19, $4  }
0x4af: {  	v16 =	vld [tilespmem:s24+$0xFFFFFFC0];
	[tilespmem:s1+$0x11610] =	vst v15;
	v13 =	vadd.f32 v13, v8  }
0x4b0: {  	s5 =	sadd.s32 $0x82, s5;
	v19 =	vadd.f32 v19, v11;
	v15 =	vld [tilespmem:s13+$0xFFFFFFD0];
	[tilespmem:s18+$0x11620] =	vst v14  }
0x4b1: {  	s19 =	sand.u32 $0x1FFE, s5;
	s21 =	sadd.s32 $0x41, s5;
	s23 =	sadd.s32 $0x82, s23;
	v18 =	vadd.f32 v18, v10;
	v14 =	vld [tilespmem:s12+$0xFFFFFFE0];
	[tilespmem:s14+$0x11630] =	vst v13  }
0x4b2: {  	s21 =	sand.u32 $0x3FFF, s21;
	s24 =	sadd.s32 $0x80, s24;
	s14 =	smov.u32 s18;
	[tilespmem:s23+$0x0] =	vst v19;
	v17 =	vadd.f32 v17, v9;
	v13 =	vld [tilespmem:s20+$0xFFFFFFF0]  }
0x4b3: {  	_ = 	snop  }
0x4b4: {  	v11 =	vadd.f32 v16, v11;
	_ =	sdelay $0x1  }
0x4b5: {  	v16 =	vld [tilespmem:s16+$0x10];
	[tilespmem:s23+$0xFFFFFFBF] =	vst v11  }
0x4b6: {  	v11 =	vld [tilespmem:s16+$0xFFFFFFD0];
	_ =	sdelay $0x2  }
0x4b7: {  	s5 =	sadd.s32 $0x82, s5;
	v15 =	vadd.f32 v15, v10  }
0x4b8: {  	[tilespmem:s21+$0x11610] =	vst v18;
	s18 =	sadd.s32 $0x41, s5;
	v16 =	vadd.f32 v16, v10  }
0x4b9: {  	v18 =	vld [tilespmem:s13+$0x20];
	s18 =	sand.u32 $0x3FFF, s18;
	[tilespmem:s19+$0x11610] =	vst v15;
	v10 =	vadd.f32 v11, v10  }
0x4ba: {  	s5 =	sand.u32 $0x1FFE, s5;
	[tilespmem:s18+$0x11610] =	vst v16;
	v11 =	vld [tilespmem:s13+$0xFFFFFFE0]  }
0x4bb: {  	v15 =	vld [tilespmem:s16+$0x20];
	[tilespmem:s5+$0x11610] =	vst v10  }
0x4bc: {  	v10 =	vld [tilespmem:s16+$0xFFFFFFE0]  }
0x4bd: {  	v14 =	vadd.f32 v14, v9  }
0x4be: {  	[tilespmem:s15+$0x11620] =	vst v17;
	v16 =	vadd.f32 v18, v9  }
0x4bf: {  	v17 =	vld [tilespmem:s12+$0x30];
	[tilespmem:s1+$0x11620] =	vst v14;
	v11 =	vadd.f32 v11, v9  }
0x4c0: {  	v14 =	vld [tilespmem:s12+$0xFFFFFFF0];
	[tilespmem:s21+$0x11620] =	vst v16;
	v15 =	vadd.f32 v15, v9  }
0x4c1: {  	v16 =	vld [tilespmem:s13+$0x30];
	[tilespmem:s19+$0x11620] =	vst v11;
	v9 =	vadd.f32 v10, v9  }
0x4c2: {  	[tilespmem:s18+$0x11620] =	vst v15;
	v10 =	vadd.f32 v12, v8;
	v11 =	vld [tilespmem:s13+$0xFFFFFFF0]  }
0x4c3: {  	v12 =	vadd.f32 v13, v8;
	v13 =	vld [tilespmem:s16+$0x30];
	[tilespmem:s5+$0x11620] =	vst v9  }
0x4c4: {  	[tilespmem:s7+$0x11630] =	vst v10;
	v9 =	vadd.f32 v17, v8;
	v10 =	vld [tilespmem:s16+$0xFFFFFFF0]  }
0x4c5: {  	[tilespmem:s14+$0x11630] =	vst v12;
	v12 =	vadd.f32 v14, v8  }
0x4c6: {  	s25 =	simm.s32 $0x1;
	[tilespmem:s15+$0x11630] =	vst v9;
	v9 =	vadd.f32 v16, v8  }
0x4c7: {  	[tilespmem:s1+$0x11630] =	vst v12;
	v12 =	vadd.s32 s25, v0;
	v11 =	vadd.f32 v11, v8  }
0x4c8: {  	[tilespmem:s21+$0x11630] =	vst v9;
	v9 =	vadd.f32 v13, v8;
	v13 =	vadd.s32 s25, v7  }
0x4c9: {  	[tilespmem:s19+$0x11630] =	vst v11;
	v8 =	vadd.f32 v10, v8;
	v10 =	vadd.s32 s25, v1  }
0x4ca: {  	[tilespmem:s18+$0x11630] =	vst v9;
	v9 =	vadd.s32 s25, v2  }
0x4cb: {  	[tilespmem:s5+$0x11630] =	vst v8;
	v8 =	vadd.s32 s25, v3  }
0x4cc: {  	v11 =	vadd.s32 s25, v4;
	v14 =	vld.idx.msk [tilespmem:v12+s29+$0x0], $0xffff  }
0x4cd: {  	v12 =	vadd.s32 s25, v5;
	v13 =	vld.idx.msk [tilespmem:v13+s29+$0x0], $0xffff  }
0x4ce: {  	v16 =	vadd.s32 s25, v6;
	v15 =	vld.idx.msk [tilespmem:v10+s29+$0x0], $0xffff  }
0x4cf: {  	s26 =	simm.s32 $0x0;
	v19 =	vadd.s32 s3, v2;
	v17 =	vld.idx.msk [tilespmem:v9+s29+$0x0], $0xffff  }
0x4d0: {  	v21 =	vadd.s32 s3, v3;
	s28 =	sand.u32 $0x1C00, s26;
	s12 =	simm.s32 $0x80;
	v20 =	vld.idx.msk [tilespmem:v8+s29+$0x0], $0xffff  }
0x4d1: {  	s30 =	sand.u32 $0x380, s12;
	s5 =	sadd.s32 $0x15680, s28;
	v9 =	vadd.s32 s3, v0;
	v8 =	vld.idx.msk [tilespmem:v11+s29+$0x0], $0xffff  }
0x4d2: {  	v18 =	vadd.s32 s3, v1;
	s15 =	sadd.s32 s30, s5;
	v10 =	vld.idx.msk [tilespmem:v12+s29+$0x0], $0xffff  }
0x4d3: {  	v12 =	vld.idx.msk [tilespmem:v16+s29+$0x0], $0xffff;
	[tilespmem:s15+$0x70] =	vst v13;
	v16 =	vadd.s32 s3, v4  }
0x4d4: {  	v13 =	vld.idx.msk [tilespmem:v19+s29+$0x0], $0xffff;
	[tilespmem:s15+$0x10] =	vst v15;
	v15 =	vadd.s32 s3, v5  }
0x4d5: {  	[tilespmem:s15+$0x0] =	vst v14;
	v19 =	vadd.s32 s3, v6;
	v14 =	vld.idx.msk [tilespmem:v21+s29+$0x0], $0xffff  }
0x4d6: {  	s14 =	simm.s32 $0x3;
	s1 =	sand.u32 $0x300, s26;
	v11 =	vld.idx.msk [tilespmem:v9+s29+$0x0], $0xffff;
	[tilespmem:s15+$0x20] =	vst v17;
	v17 =	vadd.s32 s3, v7  }
0x4d7: {  	s7 =	simm.s32 $0x2;
	s13 =	sadd.s32 s1, s5;
	s1 =	simm.s32 $0x4;
	v9 =	vld.idx.msk [tilespmem:v18+s29+$0x0], $0xffff;
	v18 =	vadd.s32 s14, v0;
	[tilespmem:s15+$0x30] =	vst v20  }
.LBB2_42:
0x4d8: {  	p0 =	slt.u32 s1, $0x3E;
	v20 =	vadd.s32 s14, v7;
	v16 =	vld.idx.msk [tilespmem:v16+s29+$0x0], $0xffff;
	[tilespmem:s15+$0x40] =	vst v8  }
0x4d9: {  	v8 =	vadd.s32 s14, v1;
	v15 =	vld.idx.msk [tilespmem:v15+s29+$0x0], $0xffff;
	[tilespmem:s15+$0x50] =	vst v10  }
0x4da: {  	v10 =	vadd.s32 s14, v2;
	v19 =	vld.idx.msk [tilespmem:v19+s29+$0x0], $0xffff;
	[tilespmem:s15+$0x60] =	vst v12  }
0x4db: {  	v12 =	vadd.s32 s14, v3;
	v17 =	vld.idx.msk [tilespmem:v17+s29+$0x0], $0xffff;
	[tilespmem:s13+$0x0] =	vst v11  }
0x4dc: {  	v11 =	vadd.s32 s14, v4;
	v18 =	vld.idx.msk [tilespmem:v18+s29+$0x0], $0xffff;
	[tilespmem:s13+$0x10] =	vst v9  }
0x4dd: {  	v9 =	vadd.s32 s14, v5;
	v20 =	vld.idx.msk [tilespmem:v20+s29+$0x0], $0xffff;
	[tilespmem:s13+$0x20] =	vst v13  }
0x4de: {  	v21 =	vadd.s32 s14, v6;
	s12 =	sadd.s32 $0x100, s12;
	v13 =	vld.idx.msk [tilespmem:v8+s29+$0x0], $0xffff;
	[tilespmem:s13+$0x30] =	vst v14  }
0x4df: {  	s3 =	sadd.s32 $0xFFFFFF80, s12;
	v14 =	vadd.s32 s7, v0;
	v22 =	vld.idx.msk [tilespmem:v10+s29+$0x0], $0xffff;
	[tilespmem:s13+$0x40] =	vst v16  }
0x4e0: {  	v23 =	vadd.s32 s7, v1;
	s5 =	sand.u32 $0x300, s3;
	s3 =	sand.u32 $0x1C00, s3;
	v24 =	vld.idx.msk [tilespmem:v12+s29+$0x0], $0xffff;
	[tilespmem:s13+$0x50] =	vst v15  }
0x4e1: {  	v25 =	vadd.s32 s7, v2;
	s3 =	sadd.s32 $0x15680, s3;
	s14 =	sand.u32 $0x380, s12;
	v8 =	vld.idx.msk [tilespmem:v11+s29+$0x0], $0xffff;
	[tilespmem:s13+$0x60] =	vst v19  }
0x4e2: {  	v26 =	vadd.s32 s7, v3;
	s15 =	sadd.s32 s14, s3;
	v10 =	vld.idx.msk [tilespmem:v9+s29+$0x0], $0xffff;
	[tilespmem:s13+$0x70] =	vst v17;
	s13 =	sadd.s32 s5, s3  }
.Ltmp20:
0x4e3: {  	v16 =	vadd.s32 s7, v4;
	v12 =	vld.idx.msk [tilespmem:v21+s29+$0x0], $0xffff;
	[tilespmem:s15+$0x70] =	vst v20;
	(pc) =	sbr.rel @p0 .LBB2_42-.Ltmp20, $4  }
0x4e4: {  	v15 =	vadd.s32 s7, v5;
	v11 =	vld.idx.msk [tilespmem:v14+s29+$0x0], $0xffff;
	[tilespmem:s15+$0x0] =	vst v18  }
0x4e5: {  	v19 =	vadd.s32 s7, v6;
	v9 =	vld.idx.msk [tilespmem:v23+s29+$0x0], $0xffff;
	[tilespmem:s15+$0x10] =	vst v13  }
0x4e6: {  	s14 =	sadd.s32 $0x1, s1;
	v17 =	vadd.s32 s7, v7;
	s7 =	smov.u32 s1;
	v13 =	vld.idx.msk [tilespmem:v25+s29+$0x0], $0xffff;
	[tilespmem:s15+$0x20] =	vst v22  }
0x4e7: {  	s1 =	sadd.s32 $0x2, s1;
	v18 =	vadd.s32 s14, v0;
	v14 =	vld.idx.msk [tilespmem:v26+s29+$0x0], $0xffff;
	[tilespmem:s15+$0x30] =	vst v24  }
0x4e8: {  	_ =	sdelay $0x3  }
0x4e9: {  	v20 =	vadd.s32 s14, v7;
	v16 =	vld.idx.msk [tilespmem:v16+s29+$0x0], $0xffff;
	[tilespmem:s15+$0x40] =	vst v8  }
0x4ea: {  	v8 =	vadd.s32 s14, v1;
	v15 =	vld.idx.msk [tilespmem:v15+s29+$0x0], $0xffff;
	[tilespmem:s15+$0x50] =	vst v10  }
0x4eb: {  	v10 =	vadd.s32 s14, v2;
	v19 =	vld.idx.msk [tilespmem:v19+s29+$0x0], $0xffff;
	[tilespmem:s15+$0x60] =	vst v12  }
0x4ec: {  	v12 =	vadd.s32 s14, v3;
	v17 =	vld.idx.msk [tilespmem:v17+s29+$0x0], $0xffff;
	[tilespmem:s13+$0x0] =	vst v11  }
0x4ed: {  	v11 =	vld.idx.msk [tilespmem:v18+s29+$0x0], $0xffff;
	v18 =	vadd.s32 s14, v4;
	[tilespmem:s13+$0x10] =	vst v9  }
0x4ee: {  	v9 =	vadd.s32 s14, v5;
	[tilespmem:s13+$0x20] =	vst v13;
	v20 =	vld.idx.msk [tilespmem:v20+s29+$0x0], $0xffff  }
0x4ef: {  	s1 =	sadd.s32 $0x100, s12;
	v13 =	vadd.s32 s14, v6;
	[tilespmem:s13+$0x30] =	vst v14;
	v8 =	vld.idx.msk [tilespmem:v8+s29+$0x0], $0xffff  }
0x4f0: {  	s3 =	sadd.s32 $0xFFFFFF80, s1;
	v14 =	vadd.s32 s7, v0;
	v10 =	vld.idx.msk [tilespmem:v10+s29+$0x0], $0xffff;
	[tilespmem:s13+$0x40] =	vst v16  }
0x4f1: {  	s5 =	sand.u32 $0x1C00, s3;
	v16 =	vadd.s32 s7, v1;
	v12 =	vld.idx.msk [tilespmem:v12+s29+$0x0], $0xffff;
	[tilespmem:s13+$0x50] =	vst v15  }
0x4f2: {  	s1 =	sand.u32 $0x380, s1;
	s5 =	sadd.s32 $0x15680, s5;
	v15 =	vadd.s32 s7, v2;
	[tilespmem:s13+$0x60] =	vst v19;
	v18 =	vld.idx.msk [tilespmem:v18+s29+$0x0], $0xffff  }
0x4f3: {  	s1 =	sadd.s32 s1, s5;
	v19 =	vadd.s32 s7, v3;
	[tilespmem:s13+$0x70] =	vst v17;
	v9 =	vld.idx.msk [tilespmem:v9+s29+$0x0], $0xffff  }
0x4f4: {  	v17 =	vadd.s32 s7, v4;
	v13 =	vld.idx.msk [tilespmem:v13+s29+$0x0], $0xffff;
	[tilespmem:s1+$0x0] =	vst v11  }
0x4f5: {  	v14 =	vld.idx.msk [tilespmem:v14+s29+$0x0], $0xffff;
	[tilespmem:s1+$0x70] =	vst v20;
	v20 =	vadd.s32 s7, v5  }
0x4f6: {  	v11 =	vld.idx.msk [tilespmem:v16+s29+$0x0], $0xffff;
	v16 =	vadd.s32 s7, v6;
	[tilespmem:s1+$0x10] =	vst v8  }
0x4f7: {  	v8 =	vld.idx.msk [tilespmem:v15+s29+$0x0], $0xffff;
	v15 =	vadd.s32 s7, v7;
	[tilespmem:s1+$0x20] =	vst v10  }
0x4f8: {  	v10 =	vld.idx.msk [tilespmem:v19+s29+$0x0], $0xffff;
	[tilespmem:s1+$0x30] =	vst v12  }
0x4f9: {  	v12 =	vld.idx.msk [tilespmem:v17+s29+$0x0], $0xffff;
	[tilespmem:s1+$0x40] =	vst v18  }
0x4fa: {  	s3 =	sand.u32 $0x300, s3;
	[tilespmem:s1+$0x50] =	vst v9;
	v17 =	vld.idx.msk [tilespmem:v20+s29+$0x0], $0xffff  }
0x4fb: {  	s3 =	sadd.s32 s3, s5;
	[tilespmem:s1+$0x60] =	vst v13;
	v9 =	vld.idx.msk [tilespmem:v16+s29+$0x0], $0xffff  }
0x4fc: {  	v13 =	vld.idx.msk [tilespmem:v15+s29+$0x0], $0xffff;
	[tilespmem:s3+$0x0] =	vst v14  }
0x4fd: {  	[tilespmem:s3+$0x10] =	vst v11  }
0x4fe: {  	[tilespmem:s3+$0x20] =	vst v8  }
0x4ff: {  	[tilespmem:s3+$0x30] =	vst v10  }
0x500: {  	[tilespmem:s3+$0x40] =	vst v12  }
0x501: {  	[tilespmem:s3+$0x50] =	vst v17  }
0x502: {  	[tilespmem:s3+$0x60] =	vst v9  }
0x503: {  	[tilespmem:s3+$0x70] =	vst v13  }
0x504: {  	s21 =	simm.s32 $0x15680;
	s22 =	simm.s32 $0x3;
	s1 =	rddreg [dreg:$0xa]  }
0x505: {  	[hbm4b:s1+s31] =	stream.strided.scatter [tilespmem:s21], [sflag:$0x6], $0x2000, s0, s31, $0x38;
	[tilespmem:$0x1B680] =	vst v63  }
0x506: {  	_ =	swait.ge [sflag:s22], $0x2000  }
0x507: {  	[sflag:s22] =	ssyncset.done $0x0  }
0x508: {  	[sflag:s22] =	ssyncadd.s32 $0xFFFFE000  }
0x509: {  	_ =	swait.ge [sflag:s10], $0x2000  }
0x50a: {  	[sflag:s10] =	ssyncset.done $0x0  }
0x50b: {  	[sflag:s10] =	ssyncadd.s32 $0xFFFFE000  }
0x50c: {  	s20 =	simm.s32 $0xD640;
	v11 =	vld [tilespmem:$0x9580]  }
0x50d: {  	v8 =	vld [tilespmem:s20+$0x0];
	_ =	sdelay $0x2  }
0x50e: {  	v10 =	vld [tilespmem:$0x9590]  }
0x50f: {  	v12 =	vld [tilespmem:s20+$0xFFFFFFC0]  }
0x510: {  	v9 =	vld [tilespmem:$0x95A0];
	v13 =	vadd.f32 v8, v11  }
0x511: {  	s23 =	simm.s32 $0x11641;
	s12 =	simm.s32 $0xD6C0;
	v8 =	vld [tilespmem:$0x95B0]  }
0x512: {  	[tilespmem:s23+$0x0] =	vst v13;
	v13 =	vld [tilespmem:s12+$0x0]  }
0x513: {  	v14 =	vld [tilespmem:s20+$0x10]  }
0x514: {  	v12 =	vadd.f32 v12, v11;
	_ =	sdelay $0x1  }
0x515: {  	[tilespmem:s23+$0xFFFFFFBF] =	vst v12;
	v12 =	vld [tilespmem:s12+$0xFFFFFFC0]  }
0x516: {  	v15 =	vld [tilespmem:s20+$0xFFFFFFD0];
	v13 =	vadd.f32 v13, v11  }
0x517: {  	s24 =	simm.s32 $0x41;
	s25 =	simm.s32 $0x116C3;
	s13 =	simm.s32 $0xD740;
	v14 =	vadd.f32 v14, v10  }
0x518: {  	s7 =	sand.u32 $0x3FFF, s24;
	[tilespmem:s25+$0x0] =	vst v13;
	v13 =	vld [tilespmem:s13+$0x0]  }
0x519: {  	[tilespmem:s7+$0x11610] =	vst v14;
	v14 =	vld [tilespmem:s12+$0x10]  }
0x51a: {  	v12 =	vadd.f32 v12, v11;
	v16 =	vld [tilespmem:s20+$0x20]  }
0x51b: {  	s3 =	simm.s32 $0x0;
	v15 =	vadd.f32 v15, v10  }
0x51c: {  	s14 =	sand.u32 $0x1FFE, s3;
	[tilespmem:s25+$0xFFFFFFBF] =	vst v12;
	v12 =	vld [tilespmem:s13+$0xFFFFFFC0]  }
0x51d: {  	[tilespmem:s14+$0x11610] =	vst v15;
	v15 =	vld [tilespmem:s12+$0xFFFFFFD0];
	v13 =	vadd.f32 v13, v11  }
0x51e: {  	s26 =	simm.s32 $0xC3;
	s28 =	simm.s32 $0x11745;
	s16 =	simm.s32 $0xD7C0;
	v17 =	vld [tilespmem:s20+$0xFFFFFFE0];
	v14 =	vadd.f32 v14, v10  }
0x51f: {  	s15 =	sand.u32 $0x3FFF, s26;
	v18 =	vld [tilespmem:s16+$0x0];
	[tilespmem:s28+$0x0] =	vst v13;
	v13 =	vadd.f32 v16, v9  }
0x520: {  	[tilespmem:s15+$0x11610] =	vst v14;
	v19 =	vld [tilespmem:s13+$0x10]  }
0x521: {  	v14 =	vadd.f32 v12, v11;
	[tilespmem:s7+$0x11620] =	vst v13;
	v13 =	vld [tilespmem:s12+$0x20]  }
0x522: {  	s30 =	simm.s32 $0x82;
	v15 =	vadd.f32 v15, v10;
	v16 =	vld [tilespmem:s16+$0xFFFFFFC0]  }
0x523: {  	s1 =	sand.u32 $0x1FFE, s30;
	v12 =	vld [tilespmem:s20+$0x30];
	[tilespmem:s28+$0xFFFFFFBF] =	vst v14;
	v14 =	vadd.f32 v17, v9  }
0x524: {  	s5 =	simm.s32 $0x104;
	[tilespmem:s1+$0x11610] =	vst v15;
	v17 =	vadd.f32 v18, v11;
	v15 =	vld [tilespmem:s13+$0xFFFFFFD0]  }
0x525: {  	s18 =	simm.s32 $0x145;
	s19 =	sand.u32 $0x1FFE, s5;
	s23 =	simm.s32 $0x117C7;
	[tilespmem:s14+$0x11620] =	vst v14;
	v14 =	vld [tilespmem:s12+$0xFFFFFFE0]  }
0x526: {  	s24 =	simm.s32 $0xD840;
	s21 =	sand.u32 $0x3FFF, s18;
	s22 =	simm.s32 $0x6;
	[tilespmem:s23+$0x0] =	vst v17;
	v18 =	vadd.f32 v19, v10;
	v17 =	vadd.f32 v13, v9;
	v13 =	vld [tilespmem:s20+$0xFFFFFFF0]  }
.LBB2_44:
0x527: {  	s18 =	smov.u32 s1  }
0x528: {  	v19 =	vld [tilespmem:s24+$0x0];
	[tilespmem:s21+$0x11610] =	vst v18;
	v12 =	vadd.f32 v12, v8;
	s1 =	smov.u32 s19;
	s20 =	smov.u32 s12;
	s12 =	smov.u32 s13  }
0x529: {  	s13 =	smov.u32 s16;
	s22 =	sadd.s32 $0x2, s22;
	v16 =	vadd.f32 v16, v11;
	v18 =	vld [tilespmem:s16+$0x10];
	[tilespmem:s15+$0x11620] =	vst v17;
	s16 =	smov.u32 s24  }
0x52a: {  	p0 =	slt.u32 s22, $0x7E;
	v15 =	vadd.f32 v15, v10;
	v17 =	vld [tilespmem:s12+$0x20];
	[tilespmem:s7+$0x11630] =	vst v12;
	s7 =	smov.u32 s15;
	s15 =	smov.u32 s21  }
.Ltmp21:
0x52b: {  	[tilespmem:s23+$0xFFFFFFBF] =	vst v16;
	v14 =	vadd.f32 v14, v9;
	v12 =	vld [tilespmem:s20+$0x30];
	(pc) =	sbr.rel @p0 .LBB2_44-.Ltmp21, $4  }
0x52c: {  	v16 =	vld [tilespmem:s24+$0xFFFFFFC0];
	[tilespmem:s1+$0x11610] =	vst v15;
	v13 =	vadd.f32 v13, v8  }
0x52d: {  	s5 =	sadd.s32 $0x82, s5;
	v19 =	vadd.f32 v19, v11;
	v15 =	vld [tilespmem:s13+$0xFFFFFFD0];
	[tilespmem:s18+$0x11620] =	vst v14  }
0x52e: {  	s19 =	sand.u32 $0x1FFE, s5;
	s21 =	sadd.s32 $0x41, s5;
	s23 =	sadd.s32 $0x82, s23;
	v18 =	vadd.f32 v18, v10;
	v14 =	vld [tilespmem:s12+$0xFFFFFFE0];
	[tilespmem:s14+$0x11630] =	vst v13  }
0x52f: {  	s21 =	sand.u32 $0x3FFF, s21;
	s24 =	sadd.s32 $0x80, s24;
	s14 =	smov.u32 s18;
	[tilespmem:s23+$0x0] =	vst v19;
	v17 =	vadd.f32 v17, v9;
	v13 =	vld [tilespmem:s20+$0xFFFFFFF0]  }
0x530: {  	_ = 	snop  }
0x531: {  	v11 =	vadd.f32 v16, v11;
	_ =	sdelay $0x1  }
0x532: {  	v16 =	vld [tilespmem:s16+$0x10];
	[tilespmem:s23+$0xFFFFFFBF] =	vst v11  }
0x533: {  	v11 =	vld [tilespmem:s16+$0xFFFFFFD0];
	_ =	sdelay $0x2  }
0x534: {  	s5 =	sadd.s32 $0x82, s5;
	v15 =	vadd.f32 v15, v10  }
0x535: {  	[tilespmem:s21+$0x11610] =	vst v18;
	s18 =	sadd.s32 $0x41, s5;
	v16 =	vadd.f32 v16, v10  }
0x536: {  	v18 =	vld [tilespmem:s13+$0x20];
	s18 =	sand.u32 $0x3FFF, s18;
	[tilespmem:s19+$0x11610] =	vst v15;
	v10 =	vadd.f32 v11, v10  }
0x537: {  	s5 =	sand.u32 $0x1FFE, s5;
	[tilespmem:s18+$0x11610] =	vst v16;
	v11 =	vld [tilespmem:s13+$0xFFFFFFE0]  }
0x538: {  	v15 =	vld [tilespmem:s16+$0x20];
	[tilespmem:s5+$0x11610] =	vst v10  }
0x539: {  	v10 =	vld [tilespmem:s16+$0xFFFFFFE0]  }
0x53a: {  	v14 =	vadd.f32 v14, v9  }
0x53b: {  	[tilespmem:s15+$0x11620] =	vst v17;
	v16 =	vadd.f32 v18, v9  }
0x53c: {  	v17 =	vld [tilespmem:s12+$0x30];
	[tilespmem:s1+$0x11620] =	vst v14;
	v11 =	vadd.f32 v11, v9  }
0x53d: {  	v14 =	vld [tilespmem:s12+$0xFFFFFFF0];
	[tilespmem:s21+$0x11620] =	vst v16;
	v15 =	vadd.f32 v15, v9  }
0x53e: {  	v16 =	vld [tilespmem:s13+$0x30];
	[tilespmem:s19+$0x11620] =	vst v11;
	v9 =	vadd.f32 v10, v9  }
0x53f: {  	[tilespmem:s18+$0x11620] =	vst v15;
	v10 =	vadd.f32 v12, v8;
	v11 =	vld [tilespmem:s13+$0xFFFFFFF0]  }
0x540: {  	v12 =	vadd.f32 v13, v8;
	v13 =	vld [tilespmem:s16+$0x30];
	[tilespmem:s5+$0x11620] =	vst v9  }
0x541: {  	[tilespmem:s7+$0x11630] =	vst v10;
	v9 =	vadd.f32 v17, v8;
	v10 =	vld [tilespmem:s16+$0xFFFFFFF0]  }
0x542: {  	[tilespmem:s14+$0x11630] =	vst v12;
	v12 =	vadd.f32 v14, v8  }
0x543: {  	s25 =	simm.s32 $0x1;
	[tilespmem:s15+$0x11630] =	vst v9;
	v9 =	vadd.f32 v16, v8  }
0x544: {  	[tilespmem:s1+$0x11630] =	vst v12;
	v12 =	vadd.s32 s25, v0;
	v11 =	vadd.f32 v11, v8  }
0x545: {  	[tilespmem:s21+$0x11630] =	vst v9;
	v9 =	vadd.f32 v13, v8;
	v13 =	vadd.s32 s25, v7  }
0x546: {  	[tilespmem:s19+$0x11630] =	vst v11;
	v8 =	vadd.f32 v10, v8;
	v10 =	vadd.s32 s25, v1  }
0x547: {  	[tilespmem:s18+$0x11630] =	vst v9;
	v9 =	vadd.s32 s25, v2  }
0x548: {  	[tilespmem:s5+$0x11630] =	vst v8;
	v8 =	vadd.s32 s25, v3  }
0x549: {  	v11 =	vadd.s32 s25, v4;
	v14 =	vld.idx.msk [tilespmem:v12+s29+$0x0], $0xffff  }
0x54a: {  	v12 =	vadd.s32 s25, v5;
	v13 =	vld.idx.msk [tilespmem:v13+s29+$0x0], $0xffff  }
0x54b: {  	v16 =	vadd.s32 s25, v6;
	v15 =	vld.idx.msk [tilespmem:v10+s29+$0x0], $0xffff  }
0x54c: {  	s26 =	simm.s32 $0x0;
	v19 =	vadd.s32 s3, v2;
	v17 =	vld.idx.msk [tilespmem:v9+s29+$0x0], $0xffff  }
0x54d: {  	v21 =	vadd.s32 s3, v3;
	s28 =	sand.u32 $0x1C00, s26;
	s12 =	simm.s32 $0x80;
	v20 =	vld.idx.msk [tilespmem:v8+s29+$0x0], $0xffff  }
0x54e: {  	s30 =	sand.u32 $0x380, s12;
	s5 =	sadd.s32 $0x17680, s28;
	v9 =	vadd.s32 s3, v0;
	v8 =	vld.idx.msk [tilespmem:v11+s29+$0x0], $0xffff  }
0x54f: {  	v18 =	vadd.s32 s3, v1;
	s15 =	sadd.s32 s30, s5;
	v10 =	vld.idx.msk [tilespmem:v12+s29+$0x0], $0xffff  }
0x550: {  	v12 =	vld.idx.msk [tilespmem:v16+s29+$0x0], $0xffff;
	[tilespmem:s15+$0x70] =	vst v13;
	v16 =	vadd.s32 s3, v4  }
0x551: {  	v13 =	vld.idx.msk [tilespmem:v19+s29+$0x0], $0xffff;
	[tilespmem:s15+$0x10] =	vst v15;
	v15 =	vadd.s32 s3, v5  }
0x552: {  	[tilespmem:s15+$0x0] =	vst v14;
	v19 =	vadd.s32 s3, v6;
	v14 =	vld.idx.msk [tilespmem:v21+s29+$0x0], $0xffff  }
0x553: {  	s14 =	simm.s32 $0x3;
	s1 =	sand.u32 $0x300, s26;
	v11 =	vld.idx.msk [tilespmem:v9+s29+$0x0], $0xffff;
	[tilespmem:s15+$0x20] =	vst v17;
	v17 =	vadd.s32 s3, v7  }
0x554: {  	s7 =	simm.s32 $0x2;
	s13 =	sadd.s32 s1, s5;
	s1 =	simm.s32 $0x4;
	v9 =	vld.idx.msk [tilespmem:v18+s29+$0x0], $0xffff;
	v18 =	vadd.s32 s14, v0;
	[tilespmem:s15+$0x30] =	vst v20  }
.LBB2_46:
0x555: {  	p0 =	slt.u32 s1, $0x3E;
	v20 =	vadd.s32 s14, v7;
	v16 =	vld.idx.msk [tilespmem:v16+s29+$0x0], $0xffff;
	[tilespmem:s15+$0x40] =	vst v8  }
0x556: {  	v8 =	vadd.s32 s14, v1;
	v15 =	vld.idx.msk [tilespmem:v15+s29+$0x0], $0xffff;
	[tilespmem:s15+$0x50] =	vst v10  }
0x557: {  	v10 =	vadd.s32 s14, v2;
	v19 =	vld.idx.msk [tilespmem:v19+s29+$0x0], $0xffff;
	[tilespmem:s15+$0x60] =	vst v12  }
0x558: {  	v12 =	vadd.s32 s14, v3;
	v17 =	vld.idx.msk [tilespmem:v17+s29+$0x0], $0xffff;
	[tilespmem:s13+$0x0] =	vst v11  }
0x559: {  	v11 =	vadd.s32 s14, v4;
	v18 =	vld.idx.msk [tilespmem:v18+s29+$0x0], $0xffff;
	[tilespmem:s13+$0x10] =	vst v9  }
0x55a: {  	v9 =	vadd.s32 s14, v5;
	v20 =	vld.idx.msk [tilespmem:v20+s29+$0x0], $0xffff;
	[tilespmem:s13+$0x20] =	vst v13  }
0x55b: {  	v21 =	vadd.s32 s14, v6;
	s12 =	sadd.s32 $0x100, s12;
	v13 =	vld.idx.msk [tilespmem:v8+s29+$0x0], $0xffff;
	[tilespmem:s13+$0x30] =	vst v14  }
0x55c: {  	s3 =	sadd.s32 $0xFFFFFF80, s12;
	v14 =	vadd.s32 s7, v0;
	v22 =	vld.idx.msk [tilespmem:v10+s29+$0x0], $0xffff;
	[tilespmem:s13+$0x40] =	vst v16  }
0x55d: {  	v23 =	vadd.s32 s7, v1;
	s5 =	sand.u32 $0x300, s3;
	s3 =	sand.u32 $0x1C00, s3;
	v24 =	vld.idx.msk [tilespmem:v12+s29+$0x0], $0xffff;
	[tilespmem:s13+$0x50] =	vst v15  }
0x55e: {  	v25 =	vadd.s32 s7, v2;
	s3 =	sadd.s32 $0x17680, s3;
	s14 =	sand.u32 $0x380, s12;
	v8 =	vld.idx.msk [tilespmem:v11+s29+$0x0], $0xffff;
	[tilespmem:s13+$0x60] =	vst v19  }
0x55f: {  	v26 =	vadd.s32 s7, v3;
	s15 =	sadd.s32 s14, s3;
	v10 =	vld.idx.msk [tilespmem:v9+s29+$0x0], $0xffff;
	[tilespmem:s13+$0x70] =	vst v17;
	s13 =	sadd.s32 s5, s3  }
.Ltmp22:
0x560: {  	v16 =	vadd.s32 s7, v4;
	v12 =	vld.idx.msk [tilespmem:v21+s29+$0x0], $0xffff;
	[tilespmem:s15+$0x70] =	vst v20;
	(pc) =	sbr.rel @p0 .LBB2_46-.Ltmp22, $4  }
0x561: {  	v15 =	vadd.s32 s7, v5;
	v11 =	vld.idx.msk [tilespmem:v14+s29+$0x0], $0xffff;
	[tilespmem:s15+$0x0] =	vst v18  }
0x562: {  	v19 =	vadd.s32 s7, v6;
	v9 =	vld.idx.msk [tilespmem:v23+s29+$0x0], $0xffff;
	[tilespmem:s15+$0x10] =	vst v13  }
0x563: {  	s14 =	sadd.s32 $0x1, s1;
	v17 =	vadd.s32 s7, v7;
	s7 =	smov.u32 s1;
	v13 =	vld.idx.msk [tilespmem:v25+s29+$0x0], $0xffff;
	[tilespmem:s15+$0x20] =	vst v22  }
0x564: {  	s1 =	sadd.s32 $0x2, s1;
	v18 =	vadd.s32 s14, v0;
	v14 =	vld.idx.msk [tilespmem:v26+s29+$0x0], $0xffff;
	[tilespmem:s15+$0x30] =	vst v24  }
0x565: {  	_ =	sdelay $0x3  }
0x566: {  	v20 =	vadd.s32 s14, v7;
	v16 =	vld.idx.msk [tilespmem:v16+s29+$0x0], $0xffff;
	[tilespmem:s15+$0x40] =	vst v8  }
0x567: {  	v8 =	vadd.s32 s14, v1;
	v15 =	vld.idx.msk [tilespmem:v15+s29+$0x0], $0xffff;
	[tilespmem:s15+$0x50] =	vst v10  }
0x568: {  	v10 =	vadd.s32 s14, v2;
	v19 =	vld.idx.msk [tilespmem:v19+s29+$0x0], $0xffff;
	[tilespmem:s15+$0x60] =	vst v12  }
0x569: {  	v12 =	vadd.s32 s14, v3;
	v17 =	vld.idx.msk [tilespmem:v17+s29+$0x0], $0xffff;
	[tilespmem:s13+$0x0] =	vst v11  }
0x56a: {  	v11 =	vld.idx.msk [tilespmem:v18+s29+$0x0], $0xffff;
	v18 =	vadd.s32 s14, v4;
	[tilespmem:s13+$0x10] =	vst v9  }
0x56b: {  	v9 =	vadd.s32 s14, v5;
	[tilespmem:s13+$0x20] =	vst v13;
	v20 =	vld.idx.msk [tilespmem:v20+s29+$0x0], $0xffff  }
0x56c: {  	s1 =	sadd.s32 $0x100, s12;
	v13 =	vadd.s32 s14, v6;
	[tilespmem:s13+$0x30] =	vst v14;
	v8 =	vld.idx.msk [tilespmem:v8+s29+$0x0], $0xffff  }
0x56d: {  	s3 =	sadd.s32 $0xFFFFFF80, s1;
	v14 =	vadd.s32 s7, v0;
	v10 =	vld.idx.msk [tilespmem:v10+s29+$0x0], $0xffff;
	[tilespmem:s13+$0x40] =	vst v16  }
0x56e: {  	s5 =	sand.u32 $0x1C00, s3;
	v16 =	vadd.s32 s7, v1;
	v12 =	vld.idx.msk [tilespmem:v12+s29+$0x0], $0xffff;
	[tilespmem:s13+$0x50] =	vst v15  }
0x56f: {  	s1 =	sand.u32 $0x380, s1;
	s5 =	sadd.s32 $0x17680, s5;
	v15 =	vadd.s32 s7, v2;
	[tilespmem:s13+$0x60] =	vst v19;
	v18 =	vld.idx.msk [tilespmem:v18+s29+$0x0], $0xffff  }
0x570: {  	s1 =	sadd.s32 s1, s5;
	v19 =	vadd.s32 s7, v3;
	[tilespmem:s13+$0x70] =	vst v17;
	v9 =	vld.idx.msk [tilespmem:v9+s29+$0x0], $0xffff  }
0x571: {  	v17 =	vadd.s32 s7, v4;
	v13 =	vld.idx.msk [tilespmem:v13+s29+$0x0], $0xffff;
	[tilespmem:s1+$0x0] =	vst v11  }
0x572: {  	v14 =	vld.idx.msk [tilespmem:v14+s29+$0x0], $0xffff;
	[tilespmem:s1+$0x70] =	vst v20;
	v20 =	vadd.s32 s7, v5  }
0x573: {  	v11 =	vld.idx.msk [tilespmem:v16+s29+$0x0], $0xffff;
	v16 =	vadd.s32 s7, v6;
	[tilespmem:s1+$0x10] =	vst v8  }
0x574: {  	v8 =	vld.idx.msk [tilespmem:v15+s29+$0x0], $0xffff;
	v15 =	vadd.s32 s7, v7;
	[tilespmem:s1+$0x20] =	vst v10  }
0x575: {  	v10 =	vld.idx.msk [tilespmem:v19+s29+$0x0], $0xffff;
	[tilespmem:s1+$0x30] =	vst v12  }
0x576: {  	v12 =	vld.idx.msk [tilespmem:v17+s29+$0x0], $0xffff;
	[tilespmem:s1+$0x40] =	vst v18  }
0x577: {  	s3 =	sand.u32 $0x300, s3;
	[tilespmem:s1+$0x50] =	vst v9;
	v17 =	vld.idx.msk [tilespmem:v20+s29+$0x0], $0xffff  }
0x578: {  	s3 =	sadd.s32 s3, s5;
	[tilespmem:s1+$0x60] =	vst v13;
	v9 =	vld.idx.msk [tilespmem:v16+s29+$0x0], $0xffff  }
0x579: {  	v13 =	vld.idx.msk [tilespmem:v15+s29+$0x0], $0xffff;
	[tilespmem:s3+$0x0] =	vst v14  }
0x57a: {  	[tilespmem:s3+$0x10] =	vst v11  }
0x57b: {  	[tilespmem:s3+$0x20] =	vst v8  }
0x57c: {  	[tilespmem:s3+$0x30] =	vst v10  }
0x57d: {  	[tilespmem:s3+$0x40] =	vst v12  }
0x57e: {  	[tilespmem:s3+$0x50] =	vst v17  }
0x57f: {  	[tilespmem:s3+$0x60] =	vst v9  }
0x580: {  	[tilespmem:s3+$0x70] =	vst v13  }
0x581: {  	s21 =	simm.s32 $0x17680;
	s22 =	simm.s32 $0x4;
	s1 =	rddreg [dreg:$0xb]  }
0x582: {  	[hbm4b:s1+s31] =	stream.strided.scatter [tilespmem:s21], [sflag:$0x7], $0x2000, s0, s31, $0x38;
	[tilespmem:$0x1B680] =	vst v63  }
0x583: {  	_ =	swait.ge [sflag:s22], $0x2000  }
0x584: {  	[sflag:s22] =	ssyncset.done $0x0  }
0x585: {  	[sflag:s22] =	ssyncadd.s32 $0xFFFFE000  }
0x586: {  	_ =	swait.ge [sflag:s11], $0x2000  }
0x587: {  	[sflag:s11] =	ssyncset.done $0x0  }
0x588: {  	[sflag:s11] =	ssyncadd.s32 $0xFFFFE000  }
0x589: {  	s20 =	simm.s32 $0xF640;
	v11 =	vld [tilespmem:$0x95C0]  }
0x58a: {  	v8 =	vld [tilespmem:s20+$0x0];
	_ =	sdelay $0x2  }
0x58b: {  	v10 =	vld [tilespmem:$0x95D0]  }
0x58c: {  	v12 =	vld [tilespmem:s20+$0xFFFFFFC0]  }
0x58d: {  	v9 =	vld [tilespmem:$0x95E0];
	v13 =	vadd.f32 v8, v11  }
0x58e: {  	s23 =	simm.s32 $0x11641;
	s12 =	simm.s32 $0xF6C0;
	v8 =	vld [tilespmem:$0x95F0]  }
0x58f: {  	[tilespmem:s23+$0x0] =	vst v13;
	v13 =	vld [tilespmem:s12+$0x0]  }
0x590: {  	v14 =	vld [tilespmem:s20+$0x10]  }
0x591: {  	v12 =	vadd.f32 v12, v11;
	_ =	sdelay $0x1  }
0x592: {  	[tilespmem:s23+$0xFFFFFFBF] =	vst v12;
	v12 =	vld [tilespmem:s12+$0xFFFFFFC0]  }
0x593: {  	v15 =	vld [tilespmem:s20+$0xFFFFFFD0];
	v13 =	vadd.f32 v13, v11  }
0x594: {  	s24 =	simm.s32 $0x41;
	s25 =	simm.s32 $0x116C3;
	s13 =	simm.s32 $0xF740;
	v14 =	vadd.f32 v14, v10  }
0x595: {  	s7 =	sand.u32 $0x3FFF, s24;
	[tilespmem:s25+$0x0] =	vst v13;
	v13 =	vld [tilespmem:s13+$0x0]  }
0x596: {  	[tilespmem:s7+$0x11610] =	vst v14;
	v14 =	vld [tilespmem:s12+$0x10]  }
0x597: {  	v12 =	vadd.f32 v12, v11;
	v16 =	vld [tilespmem:s20+$0x20]  }
0x598: {  	s3 =	simm.s32 $0x0;
	v15 =	vadd.f32 v15, v10  }
0x599: {  	s14 =	sand.u32 $0x1FFE, s3;
	[tilespmem:s25+$0xFFFFFFBF] =	vst v12;
	v12 =	vld [tilespmem:s13+$0xFFFFFFC0]  }
0x59a: {  	[tilespmem:s14+$0x11610] =	vst v15;
	v15 =	vld [tilespmem:s12+$0xFFFFFFD0];
	v13 =	vadd.f32 v13, v11  }
0x59b: {  	s26 =	simm.s32 $0xC3;
	s28 =	simm.s32 $0x11745;
	s16 =	simm.s32 $0xF7C0;
	v17 =	vld [tilespmem:s20+$0xFFFFFFE0];
	v14 =	vadd.f32 v14, v10  }
0x59c: {  	s15 =	sand.u32 $0x3FFF, s26;
	v18 =	vld [tilespmem:s16+$0x0];
	[tilespmem:s28+$0x0] =	vst v13;
	v13 =	vadd.f32 v16, v9  }
0x59d: {  	[tilespmem:s15+$0x11610] =	vst v14;
	v19 =	vld [tilespmem:s13+$0x10]  }
0x59e: {  	v14 =	vadd.f32 v12, v11;
	[tilespmem:s7+$0x11620] =	vst v13;
	v13 =	vld [tilespmem:s12+$0x20]  }
0x59f: {  	s30 =	simm.s32 $0x82;
	v15 =	vadd.f32 v15, v10;
	v16 =	vld [tilespmem:s16+$0xFFFFFFC0]  }
0x5a0: {  	s1 =	sand.u32 $0x1FFE, s30;
	v12 =	vld [tilespmem:s20+$0x30];
	[tilespmem:s28+$0xFFFFFFBF] =	vst v14;
	v14 =	vadd.f32 v17, v9  }
0x5a1: {  	s5 =	simm.s32 $0x104;
	[tilespmem:s1+$0x11610] =	vst v15;
	v17 =	vadd.f32 v18, v11;
	v15 =	vld [tilespmem:s13+$0xFFFFFFD0]  }
0x5a2: {  	s18 =	simm.s32 $0x145;
	s19 =	sand.u32 $0x1FFE, s5;
	s23 =	simm.s32 $0x117C7;
	[tilespmem:s14+$0x11620] =	vst v14;
	v14 =	vld [tilespmem:s12+$0xFFFFFFE0]  }
0x5a3: {  	s24 =	simm.s32 $0xF840;
	s21 =	sand.u32 $0x3FFF, s18;
	s22 =	simm.s32 $0x6;
	[tilespmem:s23+$0x0] =	vst v17;
	v18 =	vadd.f32 v19, v10;
	v17 =	vadd.f32 v13, v9;
	v13 =	vld [tilespmem:s20+$0xFFFFFFF0]  }
.LBB2_48:
0x5a4: {  	s18 =	smov.u32 s1  }
0x5a5: {  	v19 =	vld [tilespmem:s24+$0x0];
	[tilespmem:s21+$0x11610] =	vst v18;
	v12 =	vadd.f32 v12, v8;
	s1 =	smov.u32 s19;
	s20 =	smov.u32 s12;
	s12 =	smov.u32 s13  }
0x5a6: {  	s13 =	smov.u32 s16;
	s22 =	sadd.s32 $0x2, s22;
	v16 =	vadd.f32 v16, v11;
	v18 =	vld [tilespmem:s16+$0x10];
	[tilespmem:s15+$0x11620] =	vst v17;
	s16 =	smov.u32 s24  }
0x5a7: {  	p0 =	slt.u32 s22, $0x7E;
	v15 =	vadd.f32 v15, v10;
	v17 =	vld [tilespmem:s12+$0x20];
	[tilespmem:s7+$0x11630] =	vst v12;
	s7 =	smov.u32 s15;
	s15 =	smov.u32 s21  }
.Ltmp23:
0x5a8: {  	[tilespmem:s23+$0xFFFFFFBF] =	vst v16;
	v14 =	vadd.f32 v14, v9;
	v12 =	vld [tilespmem:s20+$0x30];
	(pc) =	sbr.rel @p0 .LBB2_48-.Ltmp23, $4  }
0x5a9: {  	v16 =	vld [tilespmem:s24+$0xFFFFFFC0];
	[tilespmem:s1+$0x11610] =	vst v15;
	v13 =	vadd.f32 v13, v8  }
0x5aa: {  	s5 =	sadd.s32 $0x82, s5;
	v19 =	vadd.f32 v19, v11;
	v15 =	vld [tilespmem:s13+$0xFFFFFFD0];
	[tilespmem:s18+$0x11620] =	vst v14  }
0x5ab: {  	s19 =	sand.u32 $0x1FFE, s5;
	s21 =	sadd.s32 $0x41, s5;
	s23 =	sadd.s32 $0x82, s23;
	v18 =	vadd.f32 v18, v10;
	v14 =	vld [tilespmem:s12+$0xFFFFFFE0];
	[tilespmem:s14+$0x11630] =	vst v13  }
0x5ac: {  	s21 =	sand.u32 $0x3FFF, s21;
	s24 =	sadd.s32 $0x80, s24;
	s14 =	smov.u32 s18;
	[tilespmem:s23+$0x0] =	vst v19;
	v17 =	vadd.f32 v17, v9;
	v13 =	vld [tilespmem:s20+$0xFFFFFFF0]  }
0x5ad: {  	_ = 	snop  }
0x5ae: {  	v11 =	vadd.f32 v16, v11;
	_ =	sdelay $0x1  }
0x5af: {  	v16 =	vld [tilespmem:s16+$0x10];
	[tilespmem:s23+$0xFFFFFFBF] =	vst v11  }
0x5b0: {  	v11 =	vld [tilespmem:s16+$0xFFFFFFD0];
	_ =	sdelay $0x2  }
0x5b1: {  	s5 =	sadd.s32 $0x82, s5;
	v15 =	vadd.f32 v15, v10  }
0x5b2: {  	[tilespmem:s21+$0x11610] =	vst v18;
	s18 =	sadd.s32 $0x41, s5;
	v16 =	vadd.f32 v16, v10  }
0x5b3: {  	v18 =	vld [tilespmem:s13+$0x20];
	s18 =	sand.u32 $0x3FFF, s18;
	[tilespmem:s19+$0x11610] =	vst v15;
	v10 =	vadd.f32 v11, v10  }
0x5b4: {  	s5 =	sand.u32 $0x1FFE, s5;
	[tilespmem:s18+$0x11610] =	vst v16;
	v11 =	vld [tilespmem:s13+$0xFFFFFFE0]  }
0x5b5: {  	v15 =	vld [tilespmem:s16+$0x20];
	[tilespmem:s5+$0x11610] =	vst v10  }
0x5b6: {  	v10 =	vld [tilespmem:s16+$0xFFFFFFE0]  }
0x5b7: {  	v14 =	vadd.f32 v14, v9  }
0x5b8: {  	[tilespmem:s15+$0x11620] =	vst v17;
	v16 =	vadd.f32 v18, v9  }
0x5b9: {  	v17 =	vld [tilespmem:s12+$0x30];
	[tilespmem:s1+$0x11620] =	vst v14;
	v11 =	vadd.f32 v11, v9  }
0x5ba: {  	v14 =	vld [tilespmem:s12+$0xFFFFFFF0];
	[tilespmem:s21+$0x11620] =	vst v16;
	v15 =	vadd.f32 v15, v9  }
0x5bb: {  	v16 =	vld [tilespmem:s13+$0x30];
	[tilespmem:s19+$0x11620] =	vst v11;
	v9 =	vadd.f32 v10, v9  }
0x5bc: {  	[tilespmem:s18+$0x11620] =	vst v15;
	v10 =	vadd.f32 v12, v8;
	v11 =	vld [tilespmem:s13+$0xFFFFFFF0]  }
0x5bd: {  	v12 =	vadd.f32 v13, v8;
	v13 =	vld [tilespmem:s16+$0x30];
	[tilespmem:s5+$0x11620] =	vst v9  }
0x5be: {  	[tilespmem:s7+$0x11630] =	vst v10;
	v9 =	vadd.f32 v17, v8;
	v10 =	vld [tilespmem:s16+$0xFFFFFFF0]  }
0x5bf: {  	[tilespmem:s14+$0x11630] =	vst v12;
	v12 =	vadd.f32 v14, v8  }
0x5c0: {  	s25 =	simm.s32 $0x1;
	[tilespmem:s15+$0x11630] =	vst v9;
	v9 =	vadd.f32 v16, v8  }
0x5c1: {  	[tilespmem:s1+$0x11630] =	vst v12;
	v12 =	vadd.s32 s25, v0;
	v11 =	vadd.f32 v11, v8  }
0x5c2: {  	[tilespmem:s21+$0x11630] =	vst v9;
	v9 =	vadd.f32 v13, v8;
	v13 =	vadd.s32 s25, v7  }
0x5c3: {  	[tilespmem:s19+$0x11630] =	vst v11;
	v8 =	vadd.f32 v10, v8;
	v10 =	vadd.s32 s25, v1  }
0x5c4: {  	[tilespmem:s18+$0x11630] =	vst v9;
	v9 =	vadd.s32 s25, v2  }
0x5c5: {  	[tilespmem:s5+$0x11630] =	vst v8;
	v8 =	vadd.s32 s25, v3  }
0x5c6: {  	v11 =	vadd.s32 s25, v4;
	v14 =	vld.idx.msk [tilespmem:v12+s29+$0x0], $0xffff  }
0x5c7: {  	v12 =	vadd.s32 s25, v5;
	v13 =	vld.idx.msk [tilespmem:v13+s29+$0x0], $0xffff  }
0x5c8: {  	v16 =	vadd.s32 s25, v6;
	v15 =	vld.idx.msk [tilespmem:v10+s29+$0x0], $0xffff  }
0x5c9: {  	s26 =	simm.s32 $0x0;
	v19 =	vadd.s32 s3, v2;
	v17 =	vld.idx.msk [tilespmem:v9+s29+$0x0], $0xffff  }
0x5ca: {  	v21 =	vadd.s32 s3, v3;
	s28 =	sand.u32 $0x1C00, s26;
	s12 =	simm.s32 $0x80;
	v20 =	vld.idx.msk [tilespmem:v8+s29+$0x0], $0xffff  }
0x5cb: {  	s30 =	sand.u32 $0x380, s12;
	s5 =	sadd.s32 $0x19680, s28;
	v9 =	vadd.s32 s3, v0;
	v8 =	vld.idx.msk [tilespmem:v11+s29+$0x0], $0xffff  }
0x5cc: {  	v18 =	vadd.s32 s3, v1;
	s15 =	sadd.s32 s30, s5;
	v10 =	vld.idx.msk [tilespmem:v12+s29+$0x0], $0xffff  }
0x5cd: {  	v12 =	vld.idx.msk [tilespmem:v16+s29+$0x0], $0xffff;
	[tilespmem:s15+$0x70] =	vst v13;
	v16 =	vadd.s32 s3, v4  }
0x5ce: {  	v13 =	vld.idx.msk [tilespmem:v19+s29+$0x0], $0xffff;
	[tilespmem:s15+$0x10] =	vst v15;
	v15 =	vadd.s32 s3, v5  }
0x5cf: {  	[tilespmem:s15+$0x0] =	vst v14;
	v19 =	vadd.s32 s3, v6;
	v14 =	vld.idx.msk [tilespmem:v21+s29+$0x0], $0xffff  }
0x5d0: {  	s14 =	simm.s32 $0x3;
	s1 =	sand.u32 $0x300, s26;
	v11 =	vld.idx.msk [tilespmem:v9+s29+$0x0], $0xffff;
	[tilespmem:s15+$0x20] =	vst v17;
	v17 =	vadd.s32 s3, v7  }
0x5d1: {  	s7 =	simm.s32 $0x2;
	s13 =	sadd.s32 s1, s5;
	s1 =	simm.s32 $0x4;
	v9 =	vld.idx.msk [tilespmem:v18+s29+$0x0], $0xffff;
	v18 =	vadd.s32 s14, v0;
	[tilespmem:s15+$0x30] =	vst v20  }
.LBB2_50:
0x5d2: {  	p0 =	slt.u32 s1, $0x3E;
	v20 =	vadd.s32 s14, v7;
	v16 =	vld.idx.msk [tilespmem:v16+s29+$0x0], $0xffff;
	[tilespmem:s15+$0x40] =	vst v8  }
0x5d3: {  	v8 =	vadd.s32 s14, v1;
	v15 =	vld.idx.msk [tilespmem:v15+s29+$0x0], $0xffff;
	[tilespmem:s15+$0x50] =	vst v10  }
0x5d4: {  	v10 =	vadd.s32 s14, v2;
	v19 =	vld.idx.msk [tilespmem:v19+s29+$0x0], $0xffff;
	[tilespmem:s15+$0x60] =	vst v12  }
0x5d5: {  	v12 =	vadd.s32 s14, v3;
	v17 =	vld.idx.msk [tilespmem:v17+s29+$0x0], $0xffff;
	[tilespmem:s13+$0x0] =	vst v11  }
0x5d6: {  	v11 =	vadd.s32 s14, v4;
	v18 =	vld.idx.msk [tilespmem:v18+s29+$0x0], $0xffff;
	[tilespmem:s13+$0x10] =	vst v9  }
0x5d7: {  	v9 =	vadd.s32 s14, v5;
	v20 =	vld.idx.msk [tilespmem:v20+s29+$0x0], $0xffff;
	[tilespmem:s13+$0x20] =	vst v13  }
0x5d8: {  	v21 =	vadd.s32 s14, v6;
	s12 =	sadd.s32 $0x100, s12;
	v13 =	vld.idx.msk [tilespmem:v8+s29+$0x0], $0xffff;
	[tilespmem:s13+$0x30] =	vst v14  }
0x5d9: {  	s3 =	sadd.s32 $0xFFFFFF80, s12;
	v14 =	vadd.s32 s7, v0;
	v22 =	vld.idx.msk [tilespmem:v10+s29+$0x0], $0xffff;
	[tilespmem:s13+$0x40] =	vst v16  }
0x5da: {  	v23 =	vadd.s32 s7, v1;
	s5 =	sand.u32 $0x300, s3;
	s3 =	sand.u32 $0x1C00, s3;
	v24 =	vld.idx.msk [tilespmem:v12+s29+$0x0], $0xffff;
	[tilespmem:s13+$0x50] =	vst v15  }
0x5db: {  	v25 =	vadd.s32 s7, v2;
	s3 =	sadd.s32 $0x19680, s3;
	s14 =	sand.u32 $0x380, s12;
	v8 =	vld.idx.msk [tilespmem:v11+s29+$0x0], $0xffff;
	[tilespmem:s13+$0x60] =	vst v19  }
0x5dc: {  	v26 =	vadd.s32 s7, v3;
	s15 =	sadd.s32 s14, s3;
	v10 =	vld.idx.msk [tilespmem:v9+s29+$0x0], $0xffff;
	[tilespmem:s13+$0x70] =	vst v17;
	s13 =	sadd.s32 s5, s3  }
.Ltmp24:
0x5dd: {  	v16 =	vadd.s32 s7, v4;
	v12 =	vld.idx.msk [tilespmem:v21+s29+$0x0], $0xffff;
	[tilespmem:s15+$0x70] =	vst v20;
	(pc) =	sbr.rel @p0 .LBB2_50-.Ltmp24, $4  }
0x5de: {  	v15 =	vadd.s32 s7, v5;
	v11 =	vld.idx.msk [tilespmem:v14+s29+$0x0], $0xffff;
	[tilespmem:s15+$0x0] =	vst v18  }
0x5df: {  	v19 =	vadd.s32 s7, v6;
	v9 =	vld.idx.msk [tilespmem:v23+s29+$0x0], $0xffff;
	[tilespmem:s15+$0x10] =	vst v13  }
0x5e0: {  	s14 =	sadd.s32 $0x1, s1;
	v17 =	vadd.s32 s7, v7;
	s7 =	smov.u32 s1;
	v13 =	vld.idx.msk [tilespmem:v25+s29+$0x0], $0xffff;
	[tilespmem:s15+$0x20] =	vst v22  }
0x5e1: {  	s1 =	sadd.s32 $0x2, s1;
	v18 =	vadd.s32 s14, v0;
	v14 =	vld.idx.msk [tilespmem:v26+s29+$0x0], $0xffff;
	[tilespmem:s15+$0x30] =	vst v24  }
0x5e2: {  	_ =	sdelay $0x3  }
0x5e3: {  	v20 =	vadd.s32 s14, v7;
	v16 =	vld.idx.msk [tilespmem:v16+s29+$0x0], $0xffff;
	[tilespmem:s15+$0x40] =	vst v8  }
0x5e4: {  	v8 =	vadd.s32 s14, v1;
	v15 =	vld.idx.msk [tilespmem:v15+s29+$0x0], $0xffff;
	[tilespmem:s15+$0x50] =	vst v10  }
0x5e5: {  	v44 =	vadd.s32 s14, v2;
	v19 =	vld.idx.msk [tilespmem:v19+s29+$0x0], $0xffff;
	[tilespmem:s15+$0x60] =	vst v12  }
0x5e6: {  	v45 =	vadd.s32 s14, v3;
	v17 =	vld.idx.msk [tilespmem:v17+s29+$0x0], $0xffff;
	[tilespmem:s13+$0x0] =	vst v11  }
0x5e7: {  	v46 =	vld.idx.msk [tilespmem:v18+s29+$0x0], $0xffff;
	v47 =	vadd.s32 s14, v4;
	[tilespmem:s13+$0x10] =	vst v9  }
0x5e8: {  	v48 =	vadd.s32 s14, v5;
	[tilespmem:s13+$0x20] =	vst v13;
	v20 =	vld.idx.msk [tilespmem:v20+s29+$0x0], $0xffff  }
0x5e9: {  	v49 =	vadd.s32 s14, v6;
	s1 =	sadd.s32 $0x100, s12;
	[tilespmem:s13+$0x30] =	vst v14;
	v8 =	vld.idx.msk [tilespmem:v8+s29+$0x0], $0xffff  }
0x5ea: {  	v50 =	vadd.s32 s7, v0;
	s3 =	sadd.s32 $0xFFFFFF80, s1;
	v10 =	vld.idx.msk [tilespmem:v44+s29+$0x0], $0xffff;
	[tilespmem:s13+$0x40] =	vst v16  }
0x5eb: {  	v51 =	vadd.s32 s7, v1;
	s5 =	sand.u32 $0x1C00, s3;
	v12 =	vld.idx.msk [tilespmem:v45+s29+$0x0], $0xffff;
	[tilespmem:s13+$0x50] =	vst v15  }
0x5ec: {  	v53 =	vadd.s32 s7, v3;
	s1 =	sand.u32 $0x380, s1;
	s5 =	sadd.s32 $0x19680, s5;
	v18 =	vld.idx.msk [tilespmem:v47+s29+$0x0], $0xffff;
	[tilespmem:s13+$0x60] =	vst v19  }
0x5ed: {  	v54 =	vadd.s32 s7, v4;
	s1 =	sadd.s32 s1, s5;
	v9 =	vld.idx.msk [tilespmem:v48+s29+$0x0], $0xffff;
	[tilespmem:s13+$0x70] =	vst v17  }
0x5ee: {  	v55 =	vadd.s32 s7, v5;
	v13 =	vld.idx.msk [tilespmem:v49+s29+$0x0], $0xffff;
	[tilespmem:s1+$0x0] =	vst v46  }
0x5ef: {  	v57 =	vadd.s32 s7, v6;
	v14 =	vld.idx.msk [tilespmem:v50+s29+$0x0], $0xffff;
	[tilespmem:s1+$0x70] =	vst v20  }
0x5f0: {  	v58 =	vadd.s32 s7, v7;
	v56 =	vld.idx.msk [tilespmem:v51+s29+$0x0], $0xffff;
	[tilespmem:s1+$0x10] =	vst v8  }
0x5f1: {  	v52 =	vadd.s32 s7, v2;
	v59 =	vld.idx.msk [tilespmem:v53+s29+$0x0], $0xffff;
	[tilespmem:s1+$0x20] =	vst v10  }
0x5f2: {  	v60 =	vld.idx.msk [tilespmem:v54+s29+$0x0], $0xffff;
	[tilespmem:s1+$0x30] =	vst v12  }
0x5f3: {  	v61 =	vld.idx.msk [tilespmem:v55+s29+$0x0], $0xffff;
	[tilespmem:s1+$0x40] =	vst v18  }
0x5f4: {  	s3 =	sand.u32 $0x300, s3;
	v62 =	vld.idx.msk [tilespmem:v57+s29+$0x0], $0xffff;
	[tilespmem:s1+$0x50] =	vst v9  }
0x5f5: {  	s3 =	sadd.s32 s3, s5;
	v63 =	vld.idx.msk [tilespmem:v58+s29+$0x0], $0xffff;
	[tilespmem:s1+$0x60] =	vst v13  }
0x5f6: {  	v8 =	vld.idx.msk [tilespmem:v52+s29+$0x0], $0xffff;
	[tilespmem:s3+$0x0] =	vst v14  }
0x5f7: {  	[tilespmem:s3+$0x10] =	vst v56  }
0x5f8: {  	[tilespmem:s3+$0x30] =	vst v59  }
0x5f9: {  	[tilespmem:s3+$0x40] =	vst v60  }
0x5fa: {  	[tilespmem:s3+$0x50] =	vst v61  }
0x5fb: {  	[tilespmem:s3+$0x60] =	vst v62  }
0x5fc: {  	[tilespmem:s3+$0x70] =	vst v63  }
0x5fd: {  	[tilespmem:s3+$0x20] =	vst v8  }
0x5fe: {  	s26 =	simm.s32 $0x19680;
	s1 =	rddreg [dreg:$0xc]  }
0x5ff: {  	[hbm4b:s1+s31] =	stream.strided.scatter [tilespmem:s26], [sflag:$0x8], $0x2000, s0, s31, $0x38;
	[tilespmem:$0x1B680] =	vst v63  }
0x600: {  	_ =	swait.ge [sflag:s6], $0x2000  }
0x601: {  	[sflag:s6] =	ssyncset.done $0x0  }
0x602: {  	[sflag:s6] =	ssyncadd.s32 $0xFFFFE000  }
0x603: {  	_ =	swait.ge [sflag:s9], $0x2000  }
0x604: {  	[sflag:s9] =	ssyncset.done $0x0  }
0x605: {  	[sflag:s9] =	ssyncadd.s32 $0xFFFFE000  }
0x606: {  	_ =	swait.ge [sflag:s10], $0x2000  }
0x607: {  	[sflag:s10] =	ssyncset.done $0x0  }
0x608: {  	[sflag:s10] =	ssyncadd.s32 $0xFFFFE000  }
0x609: {  	_ =	swait.ge [sflag:s11], $0x2000  }
0x60a: {  	s28 =	rddreg [dreg:$0xe]  }
0x60b: {  	s30 =	rddreg [dreg:$0xd];
	s3 =	sadd.s32 $0x1, s28  }
0x60c: {  	p0 =	sne.s32 s3, s30  }
.Ltmp25:
0x60d: {  	_ = 	snop;
	(pc) =	sbr.rel @p0 .LBB2_1-.Ltmp25, $3  }
0x60e: {  	_ =	sdelay $0x1  }
0x60f: {  	[sflag:s11] =	ssyncset.done $0x0  }
0x610: {  	[sflag:s11] =	ssyncadd.s32 $0xFFFFE000  }
0x611: {  	_ =	sfence.sel $0x180000  }
0x612: {  	[bflag:$0x0] =	sbarrier.arrive $0xFFFF  }
0x613: {  	_ =	strace $0x90000047  }
0x614: {  	s0 =	stileid.u32;
	[bflag:$0x2] =	sbarrier.arrive $0xFFFF  }
0x615: {  	p0 =	sne.s32 s0, $0x0;
	s0 =	rddreg [dreg:$0x2]  }
0x616: {  	s0 =	sadd.s32 @!p0 $0x100000, s0  }
0x617: {  	[sflag:s0] =	ssyncadd.tile.s32 @!p0 $0x1;
	_ =	shalt  }
.Lfunc_end2:
_tile_overlayer_lowered:
.L_overlay_start_2:
0x618: {  	(tag) =	ssettag $0x2  }
0x619: {  	s0 =	rddreg [dreg:$0x0];
	s2 =	stileid.u32  }
0x61a: {  	s1 =	rddreg [dreg:$0x1];
	p0 =	sne.s32 s2, $0x0  }
0x61b: {  	s3 =	rddreg [dreg:$0x2];
	[bflag:$0x3] =	sbarrier.arrive $0xFFFF;
	s2 =	simm.s32 @!p0 $0x1C09  }
0x61c: {  	[timem:s3], [sflag:s2] =	dma.local @!p0 [hbm:s0], s1  }
0x61d: {  	s0 =	simm.s32 @!p0 $0x9  }
0x61e: {  	_ =	swait.ge @!p0 [sflag:s0], s1  }
0x61f: {  	s1 =	ssub.s32 @!p0 $0x0, s1;
	[sflag:s0] =	ssyncset.done @!p0 $0x0  }
0x620: {  	[sflag:s0] =	ssyncadd.s32 @!p0 s1  }
0x621: {  	[bflag:$0x3] =	sbarrier.arrive $0xFFFF  }
0x622: {  	_ =	shalt  }

</sc_bundles>
